<compile_context>
chip_gen: v7x
topology: tpu7x:2x2x1
jax: 0.10.2.dev20260603
libtpu: 0.0.44.dev20260713+nightly
codegen_flags: <defaults>
</compile_context>

<pallas_src>
import jax
import jax.numpy as jnp
from jax import lax
from jax.experimental import pallas as pl
from jax.experimental.pallas import tpu as pltpu
from jax.experimental.pallas import tpu_sc as plsc

N = 10000
E = 160000
C = 256
P = 2

NC = 2
NS = 16
NW = NC * NS

K = 40
EPT = E // NW
NCH = EPT // K
EPS = E // NS
NCHS = EPS // K
NP2 = 10240
NPS = NP2 // NS
CH = C // 2


def _slots(p, fn):
    @pl.when(p == 0)
    def _():
        fn(0)

    @pl.when(p == 1)
    def _():
        fn(1)


def _gather_body(xa, xb, dst3, src3, ga, gb, idxd, idxs, rows_a, rows_b,
                 sga, sgb, ssa, ssb):
    cid = lax.axis_index("c")
    sid = lax.axis_index("s")
    wid = sid * NC + cid
    base = wid * EPT
    pltpu.sync_copy(dst3.at[wid], idxd)
    pltpu.sync_copy(src3.at[wid], idxs)
    pltpu.async_copy(xa.at[idxd.at[0]], rows_a.at[0], sga.at[0])
    pltpu.async_copy(xb.at[idxs.at[0]], rows_b.at[0], sgb.at[0])

    def body(ch, carry):
        p = lax.rem(ch, 2)

        @pl.when(ch + 1 < NCH)
        def _():
            q = lax.rem(ch + 1, 2)

            def start_next(qs):
                @pl.when(ch >= 1)
                def _():
                    pltpu.make_async_copy(
                        rows_a.at[qs], ga.at[pl.ds(0, K)], ssa.at[qs]).wait()
                    pltpu.make_async_copy(
                        rows_b.at[qs], gb.at[pl.ds(0, K)], ssb.at[qs]).wait()
                pltpu.async_copy(xa.at[idxd.at[ch + 1]], rows_a.at[qs], sga.at[qs])
                pltpu.async_copy(xb.at[idxs.at[ch + 1]], rows_b.at[qs], sgb.at[qs])

            _slots(q, start_next)

        def fin(ps):
            pltpu.make_async_copy(
                xa.at[idxd.at[ch]], rows_a.at[ps], sga.at[ps]).wait()
            pltpu.make_async_copy(
                xb.at[idxs.at[ch]], rows_b.at[ps], sgb.at[ps]).wait()
            pltpu.async_copy(rows_a.at[ps], ga.at[pl.ds(base + ch * K, K)], ssa.at[ps])
            pltpu.async_copy(rows_b.at[ps], gb.at[pl.ds(base + ch * K, K)], ssb.at[ps])

        _slots(p, fin)
        return carry

    lax.fori_loop(0, NCH, body, 0)
    for q in (0, 1):
        pltpu.make_async_copy(rows_a.at[q], ga.at[pl.ds(0, K)], ssa.at[q]).wait()
        pltpu.make_async_copy(rows_b.at[q], gb.at[pl.ds(0, K)], ssb.at[q]).wait()


def _gather_sc(xa, xb, dst3, src3):
    mesh = plsc.VectorSubcoreMesh(core_axis_name="c", subcore_axis_name="s")
    f = pl.kernel(
        _gather_body,
        out_type=[jax.ShapeDtypeStruct((E, C), jnp.float32),
                  jax.ShapeDtypeStruct((E, C), jnp.float32)],
        mesh=mesh,
        scratch_types=[
            pltpu.VMEM((NCH, K), jnp.int32),
            pltpu.VMEM((NCH, K), jnp.int32),
            pltpu.VMEM((2, K, C), jnp.float32),
            pltpu.VMEM((2, K, C), jnp.float32),
            pltpu.SemaphoreType.DMA((2,)),
            pltpu.SemaphoreType.DMA((2,)),
            pltpu.SemaphoreType.DMA((2,)),
            pltpu.SemaphoreType.DMA((2,)),
        ],
    )
    return f(xa, xb, dst3, src3)


def _scatter_body(ue, dst3s, zi, agg, idxb, rows, spmem, sld, ssc):
    cid = lax.axis_index("c")
    sid = lax.axis_index("s")
    base = sid * EPS
    slab = pl.ds(sid * NPS, NPS)

    pltpu.sync_copy(dst3s.at[sid], idxb)
    pltpu.sync_copy(zi.at[slab], spmem.at[slab])
    plsc.subcore_barrier()

    def run(cs):
        col = cs * CH
        pltpu.async_copy(
            ue.at[pl.ds(base, K), pl.ds(col, CH)], rows.at[0], sld.at[0])

        def body(ch, carry):
            p = lax.rem(ch, 2)

            @pl.when(ch + 1 < NCHS)
            def _():
                q = lax.rem(ch + 1, 2)

                def start_next(qs):
                    @pl.when(ch >= 1)
                    def _():
                        pltpu.make_async_copy(
                            rows.at[qs], spmem.at[idxb.at[0]], ssc.at[qs]).wait()
                    pltpu.async_copy(
                        ue.at[pl.ds(base + (ch + 1) * K, K), pl.ds(col, CH)],
                        rows.at[qs], sld.at[qs])

                _slots(q, start_next)

            def fin(ps):
                pltpu.make_async_copy(
                    ue.at[pl.ds(base, K), pl.ds(col, CH)],
                    rows.at[ps], sld.at[ps]).wait()
                pltpu.async_copy(
                    rows.at[ps], spmem.at[idxb.at[ch]], ssc.at[ps], add=True)

            _slots(p, fin)
            return carry

        lax.fori_loop(0, NCHS, body, 0)
        for q in (0, 1):
            pltpu.make_async_copy(
                rows.at[q], spmem.at[idxb.at[0]], ssc.at[q]).wait()
        plsc.subcore_barrier()
        pltpu.sync_copy(spmem.at[slab], agg.at[cs].at[slab])

    _slots(cid, run)


def _scatter_sc(ue, dst3s, zi):
    mesh = plsc.VectorSubcoreMesh(core_axis_name="c", subcore_axis_name="s")
    f = pl.kernel(
        _scatter_body,
        out_type=jax.ShapeDtypeStruct((NC, NP2, CH), jnp.float32),
        mesh=mesh,
        scratch_types=[
            pltpu.VMEM((NCHS, K), jnp.int32),
            pltpu.VMEM((2, K, CH), jnp.float32),
            pltpu.VMEM_SHARED((NP2, CH), jnp.float32),
            pltpu.SemaphoreType.DMA((2,)),
            pltpu.SemaphoreType.DMA((2,)),
        ],
    )
    return f(ue, dst3s, zi)


def _proj_tc(x_ref, wa, wb, xa_ref, xb_ref):
    xa_ref[...] = jnp.dot(x_ref[...], wa[...], preferred_element_type=jnp.float32)
    xb_ref[...] = jnp.dot(x_ref[...], wb[...], preferred_element_type=jnp.float32)


def _proj_call(x, wa, wb):
    BN = 1000
    return pl.pallas_call(
        _proj_tc,
        grid=(N // BN,),
        in_specs=[pl.BlockSpec((BN, C), lambda i: (i, 0)),
                  pl.BlockSpec((C, C), lambda i: (0, 0)),
                  pl.BlockSpec((C, C), lambda i: (0, 0))],
        out_specs=[pl.BlockSpec((BN, C), lambda i: (i, 0)),
                   pl.BlockSpec((BN, C), lambda i: (i, 0))],
        out_shape=[jax.ShapeDtypeStruct((N, C), jnp.float32),
                   jax.ShapeDtypeStruct((N, C), jnp.float32)],
    )(x, wa, wb)


def _ln_tail(u, g, beta):
    m = jnp.mean(u, axis=-1, keepdims=True)
    v = jnp.mean((u - m) ** 2, axis=-1, keepdims=True)
    return (u - m) * lax.rsqrt(v + 1e-5) * g + beta


def _edge_tc(ga_ref, gb_ref, ea_ref, hd_ref, w1c, w1d, b1, w2, b2, g, beta,
             out_ref):
    pre = (ga_ref[...] + gb_ref[...] + b1[...]
           + jnp.dot(ea_ref[...], w1c[...], preferred_element_type=jnp.float32)
           + jnp.dot(hd_ref[...], w1d[...], preferred_element_type=jnp.float32))
    h = jnp.maximum(pre, 0.0)
    u = jnp.dot(h, w2[...], preferred_element_type=jnp.float32) + b2[...]
    out_ref[...] = ea_ref[...] + _ln_tail(u, g[...], beta[...])


def _edge_call(ga, gb, ea, hd, w1c, w1d, b1, w2, b2, g, beta):
    BE = 1000
    dspec = pl.BlockSpec((BE, C), lambda i: (i, 0))
    wspec = pl.BlockSpec((C, C), lambda i: (0, 0))
    vspec = pl.BlockSpec((1, C), lambda i: (0, 0))
    return pl.pallas_call(
        _edge_tc,
        grid=(E // BE,),
        in_specs=[dspec, dspec, dspec, dspec, wspec, wspec, vspec, wspec,
                  vspec, vspec, vspec],
        out_specs=dspec,
        out_shape=jax.ShapeDtypeStruct((E, C), jnp.float32),
    )(ga, gb, ea, hd, w1c, w1d, b1, w2, b2, g, beta)


def _node_tc(x_ref, al_ref, ah_ref, w1a, w1bl, w1bh, b1, w2, b2, g, beta,
             out_ref):
    pre = (b1[...]
           + jnp.dot(x_ref[...], w1a[...], preferred_element_type=jnp.float32)
           + jnp.dot(al_ref[...], w1bl[...], preferred_element_type=jnp.float32)
           + jnp.dot(ah_ref[...], w1bh[...], preferred_element_type=jnp.float32))
    h = jnp.maximum(pre, 0.0)
    u = jnp.dot(h, w2[...], preferred_element_type=jnp.float32) + b2[...]
    out_ref[...] = x_ref[...] + _ln_tail(u, g[...], beta[...])


def _node_call(x, al, ah, w1a, w1bl, w1bh, b1, w2, b2, g, beta):
    BN = 1000
    dspec = pl.BlockSpec((BN, C), lambda i: (i, 0))
    hspec = pl.BlockSpec((BN, CH), lambda i: (i, 0))
    wspec = pl.BlockSpec((C, C), lambda i: (0, 0))
    w2spec = pl.BlockSpec((CH, C), lambda i: (0, 0))
    vspec = pl.BlockSpec((1, C), lambda i: (0, 0))
    return pl.pallas_call(
        _node_tc,
        grid=(N // BN,),
        in_specs=[dspec, hspec, hspec, wspec, w2spec, w2spec, vspec, wspec,
                  vspec, vspec, vspec],
        out_specs=dspec,
        out_shape=jax.ShapeDtypeStruct((N, C), jnp.float32),
    )(x, al, ah, w1a, w1bl, w1bh, b1, w2, b2, g, beta)


def kernel(x, edge_index, edge_attr, hidden, node_W1, node_b1, node_W2,
           node_b2, node_g, node_beta, edge_W1, edge_b1, edge_W2, edge_b2,
           edge_g, edge_beta):
    src = edge_index[0]
    dst = edge_index[1]
    dst3 = dst.reshape(NW, NCH, K)
    src3 = src.reshape(NW, NCH, K)
    dst3s = dst.reshape(NS, NCHS, K)
    zi = jnp.zeros((NP2, CH), jnp.float32)

    for i in range(P):
        ew1 = edge_W1[i]
        xa, xb = _proj_call(x, ew1[:C], ew1[C:2 * C])
        ga, gb = _gather_sc(xa, xb, dst3, src3)
        ue = _edge_call(
            ga, gb, edge_attr, hidden, ew1[2 * C:3 * C], ew1[3 * C:],
            edge_b1[i].reshape(1, C), edge_W2[i], edge_b2[i].reshape(1, C),
            edge_g[i].reshape(1, C), edge_beta[i].reshape(1, C))
        agg2 = _scatter_sc(ue, dst3s, zi)
        nw1 = node_W1[i]
        x = _node_call(
            x, agg2[0, :N], agg2[1, :N], nw1[:C], nw1[C:C + CH], nw1[C + CH:],
            node_b1[i].reshape(1, C), node_W2[i], node_b2[i].reshape(1, C),
            node_g[i].reshape(1, C), node_beta[i].reshape(1, C))
        edge_attr = ue
    return (x, edge_attr)

# --- scband reference (transcript-rebuilt; emitter-appended) ---
"""Pipeline reference for scband-recurrent-processor-cell-45423574122917 (READ-ONLY COPY).

The authoritative reference and input builder live on the scoring server;
editing this copy changes nothing except your own understanding.
"""

import jax, jax.numpy as jnp
import numpy as np

N = 10000
E = 160000
C = 256
P = 2


def _ln(x, g, b, eps=1e-5):
    m = jnp.mean(x, axis=-1, keepdims=True)
    v = jnp.var(x, axis=-1, keepdims=True)
    return (x - m) / jnp.sqrt(v + eps) * g + b


def _mlp(x, W1, b1, W2, b2, g, beta):
    h = jax.nn.relu(x @ W1 + b1)
    h = h @ W2 + b2
    return _ln(h, g, beta)


def setup_inputs(seed: int = 0):
    key = jax.random.key(seed)
    ks = jax.random.split(key, 18)
    inp = {}
    inp['x'] = jax.random.normal(ks[0], (N, C), dtype=jnp.float32)
    inp['edge_index'] = jax.random.randint(ks[1], (2, E), 0, N, dtype=jnp.int32)
    inp['edge_attr'] = jax.random.normal(ks[2], (E, C), dtype=jnp.float32)
    inp['hidden'] = jax.random.normal(ks[3], (E, C), dtype=jnp.float32)
    # stacked per-processor parameters (P processor layers)
    inp['node_W1'] = jax.random.normal(ks[4], (P, 2 * C, C), dtype=jnp.float32) * (1.0 / np.sqrt(2 * C))
    inp['node_b1'] = jnp.zeros((P, C), dtype=jnp.float32)
    inp['node_W2'] = jax.random.normal(ks[5], (P, C, C), dtype=jnp.float32) * (1.0 / np.sqrt(C))
    inp['node_b2'] = jnp.zeros((P, C), dtype=jnp.float32)
    inp['node_g'] = jnp.ones((P, C), dtype=jnp.float32)
    inp['node_beta'] = jnp.zeros((P, C), dtype=jnp.float32)
    inp['edge_W1'] = jax.random.normal(ks[6], (P, 4 * C, C), dtype=jnp.float32) * (1.0 / np.sqrt(4 * C))
    inp['edge_b1'] = jnp.zeros((P, C), dtype=jnp.float32)
    inp['edge_W2'] = jax.random.normal(ks[7], (P, C, C), dtype=jnp.float32) * (1.0 / np.sqrt(C))
    inp['edge_b2'] = jnp.zeros((P, C), dtype=jnp.float32)
    inp['edge_g'] = jnp.ones((P, C), dtype=jnp.float32)
    inp['edge_beta'] = jnp.zeros((P, C), dtype=jnp.float32)
    return inp


def reference(x, edge_index, edge_attr, hidden, node_W1, node_b1, node_W2, node_b2, node_g, node_beta, edge_W1, edge_b1, edge_W2, edge_b2, edge_g, edge_beta):
    src = edge_index[0]
    dst = edge_index[1]
    for i in range(P):
        # message: per-edge update (flow source_to_target: x_j = x[src], x_i = x[dst])
        x_i = jnp.take(x, dst, axis=0)
        x_j = jnp.take(x, src, axis=0)
        ue = jnp.concatenate([x_i, x_j, edge_attr, hidden], axis=1)
        ue = edge_attr + _mlp(ue, edge_W1[i], edge_b1[i], edge_W2[i], edge_b2[i], edge_g[i], edge_beta[i])
        # aggregate: scatter-sum edges into dst nodes (dim_size = N)
        agg = jax.ops.segment_sum(ue, dst, num_segments=N)
        # node update
        un = jnp.concatenate([x, agg], axis=1)
        x = x + _mlp(un, node_W1[i], node_b1[i], node_W2[i], node_b2[i], node_g[i], node_beta[i])
        edge_attr = ue
    return (x, edge_attr)

if __name__ == "__main__":
    import jax
    _d = setup_inputs()
    print(jax.jit(kernel)(*tuple(_d.values())))

</pallas_src>

<mosaic_0001>
#map = affine_map<(d0, d1) -> (0, 0)>
#map1 = affine_map<(d0, d1) -> (0, 0, 0)>
module attributes {stable_mosaic.version = 14 : i64} {
  func.func @_gather_body(%arg0: i32, %arg1: i32, %arg2: memref<10000x256xf32, #tpu.memory_space<hbm>>, %arg3: memref<10000x256xf32, #tpu.memory_space<hbm>>, %arg4: memref<32x125x40xi32, #tpu.memory_space<hbm>>, %arg5: memref<32x125x40xi32, #tpu.memory_space<hbm>>, %arg6: memref<160000x256xf32, #tpu.memory_space<hbm>>, %arg7: memref<160000x256xf32, #tpu.memory_space<hbm>>, %arg8: memref<125x40xi32, #tpu.memory_space<vmem>>, %arg9: memref<125x40xi32, #tpu.memory_space<vmem>>, %arg10: memref<2x40x256xf32, #tpu.memory_space<vmem>>, %arg11: memref<2x40x256xf32, #tpu.memory_space<vmem>>, %arg12: memref<2x!tpu.dma_semaphore, #tpu.memory_space<semaphore_mem>>, %arg13: memref<2x!tpu.dma_semaphore, #tpu.memory_space<semaphore_mem>>, %arg14: memref<2x!tpu.dma_semaphore, #tpu.memory_space<semaphore_mem>>, %arg15: memref<2x!tpu.dma_semaphore, #tpu.memory_space<semaphore_mem>>) attributes {dimension_semantics = [#tpu.dimension_semantics<core_parallel>, #tpu.dimension_semantics<subcore_parallel>], iteration_bounds = array<i64: 2, 16>, scalar_prefetch = 0 : i64, scratch_operands = 8 : i64, tpu.core_type = #tpu.core_type<sc_vector_subcore>, window_params = [{transform_indices = #map}, {transform_indices = #map}, {transform_indices = #map1}, {transform_indices = #map1}, {transform_indices = #map}, {transform_indices = #map}]} {
    %mul3A = arith.constant 2 : i32
    %mul3A_0 = arith.muli %arg1, %mul3A : i32
    %add3A = arith.addi %mul3A_0, %arg0 : i32
    %mul3A_1 = arith.constant 5000 : i32
    %mul3A_2 = arith.muli %add3A, %mul3A_1 : i32
    "tpu.region"() ({
      %run_scoped3A = tpu.sem_alloc : memref<!tpu.dma_semaphore, #tpu.memory_space<semaphore_mem>>
      %dma_start3A_108 = arith.constant 0 : i32
      %dma_start3A_109 = arith.constant 0 : i32
      %dma_start3A_110 = tpu.memref_slice %arg4[%add3A, %dma_start3A_108, %dma_start3A_109] : memref<32x125x40xi32, #tpu.memory_space<hbm>> -> memref<1x125x40xi32, #tpu.memory_space<hbm>>
      %dma_start3A_111 = tpu.memref_squeeze %dma_start3A_110 : memref<1x125x40xi32, #tpu.memory_space<hbm>> -> memref<125x40xi32, #tpu.memory_space<hbm>>
      %dma_start3A_112 = arith.constant 0 : i32
      %dma_start3A_113 = arith.constant 0 : i32
      %dma_start3A_114 = tpu.memref_slice %arg4[%add3A, %dma_start3A_112, %dma_start3A_113] : memref<32x125x40xi32, #tpu.memory_space<hbm>> -> memref<1x125x40xi32, #tpu.memory_space<hbm>>
      %dma_start3A_115 = tpu.memref_squeeze %dma_start3A_114 : memref<1x125x40xi32, #tpu.memory_space<hbm>> -> memref<125x40xi32, #tpu.memory_space<hbm>>
      tpu.enqueue_dma source(%dma_start3A_115 : memref<125x40xi32, #tpu.memory_space<hbm>>) target(%arg8 : memref<125x40xi32, #tpu.memory_space<vmem>>) target_semaphore(%run_scoped3A : memref<!tpu.dma_semaphore, #tpu.memory_space<semaphore_mem>>)
      %dma_wait3A_116 = arith.constant 0 : i32
      %dma_wait3A_117 = arith.constant 0 : i32
      %dma_wait3A_118 = tpu.memref_slice %arg4[%add3A, %dma_wait3A_116, %dma_wait3A_117] : memref<32x125x40xi32, #tpu.memory_space<hbm>> -> memref<1x125x40xi32, #tpu.memory_space<hbm>>
      %dma_wait3A_119 = tpu.memref_squeeze %dma_wait3A_118 : memref<1x125x40xi32, #tpu.memory_space<hbm>> -> memref<125x40xi32, #tpu.memory_space<hbm>>
      %dma_wait3A_120 = arith.constant 0 : i32
      %dma_wait3A_121 = arith.constant 0 : i32
      %dma_wait3A_122 = tpu.memref_slice %arg4[%add3A, %dma_wait3A_120, %dma_wait3A_121] : memref<32x125x40xi32, #tpu.memory_space<hbm>> -> memref<1x125x40xi32, #tpu.memory_space<hbm>>
      %dma_wait3A_123 = tpu.memref_squeeze %dma_wait3A_122 : memref<1x125x40xi32, #tpu.memory_space<hbm>> -> memref<125x40xi32, #tpu.memory_space<hbm>>
      tpu.wait_dma2 semaphore(%run_scoped3A : memref<!tpu.dma_semaphore, #tpu.memory_space<semaphore_mem>>) src(%dma_wait3A_123 : memref<125x40xi32, #tpu.memory_space<hbm>>) dst(%arg8 : memref<125x40xi32, #tpu.memory_space<vmem>>)
      tpu.yield
    }) : () -> ()
    "tpu.region"() ({
      %run_scoped3A = tpu.sem_alloc : memref<!tpu.dma_semaphore, #tpu.memory_space<semaphore_mem>>
      %dma_start3A_108 = arith.constant 0 : i32
      %dma_start3A_109 = arith.constant 0 : i32
      %dma_start3A_110 = tpu.memref_slice %arg5[%add3A, %dma_start3A_108, %dma_start3A_109] : memref<32x125x40xi32, #tpu.memory_space<hbm>> -> memref<1x125x40xi32, #tpu.memory_space<hbm>>
      %dma_start3A_111 = tpu.memref_squeeze %dma_start3A_110 : memref<1x125x40xi32, #tpu.memory_space<hbm>> -> memref<125x40xi32, #tpu.memory_space<hbm>>
      %dma_start3A_112 = arith.constant 0 : i32
      %dma_start3A_113 = arith.constant 0 : i32
      %dma_start3A_114 = tpu.memref_slice %arg5[%add3A, %dma_start3A_112, %dma_start3A_113] : memref<32x125x40xi32, #tpu.memory_space<hbm>> -> memref<1x125x40xi32, #tpu.memory_space<hbm>>
      %dma_start3A_115 = tpu.memref_squeeze %dma_start3A_114 : memref<1x125x40xi32, #tpu.memory_space<hbm>> -> memref<125x40xi32, #tpu.memory_space<hbm>>
      tpu.enqueue_dma source(%dma_start3A_115 : memref<125x40xi32, #tpu.memory_space<hbm>>) target(%arg9 : memref<125x40xi32, #tpu.memory_space<vmem>>) target_semaphore(%run_scoped3A : memref<!tpu.dma_semaphore, #tpu.memory_space<semaphore_mem>>)
      %dma_wait3A_116 = arith.constant 0 : i32
      %dma_wait3A_117 = arith.constant 0 : i32
      %dma_wait3A_118 = tpu.memref_slice %arg5[%add3A, %dma_wait3A_116, %dma_wait3A_117] : memref<32x125x40xi32, #tpu.memory_space<hbm>> -> memref<1x125x40xi32, #tpu.memory_space<hbm>>
      %dma_wait3A_119 = tpu.memref_squeeze %dma_wait3A_118 : memref<1x125x40xi32, #tpu.memory_space<hbm>> -> memref<125x40xi32, #tpu.memory_space<hbm>>
      %dma_wait3A_120 = arith.constant 0 : i32
      %dma_wait3A_121 = arith.constant 0 : i32
      %dma_wait3A_122 = tpu.memref_slice %arg5[%add3A, %dma_wait3A_120, %dma_wait3A_121] : memref<32x125x40xi32, #tpu.memory_space<hbm>> -> memref<1x125x40xi32, #tpu.memory_space<hbm>>
      %dma_wait3A_123 = tpu.memref_squeeze %dma_wait3A_122 : memref<1x125x40xi32, #tpu.memory_space<hbm>> -> memref<125x40xi32, #tpu.memory_space<hbm>>
      tpu.wait_dma2 semaphore(%run_scoped3A : memref<!tpu.dma_semaphore, #tpu.memory_space<semaphore_mem>>) src(%dma_wait3A_123 : memref<125x40xi32, #tpu.memory_space<hbm>>) dst(%arg9 : memref<125x40xi32, #tpu.memory_space<vmem>>)
      tpu.yield
    }) : () -> ()
    %dma_start3A = arith.constant 0 : i32
    %dma_start3A_3 = arith.constant 0 : i32
    %dma_start3A_4 = arith.constant 0 : i32
    %dma_start3A_5 = arith.constant 0 : i32
    %dma_start3A_6 = arith.constant 0 : i32
    %dma_start3A_7 = tpu.memref_slice %arg10[%dma_start3A_3, %dma_start3A_5, %dma_start3A_6] : memref<2x40x256xf32, #tpu.memory_space<vmem>> -> memref<1x40x256xf32, #tpu.memory_space<vmem>>
    %dma_start3A_8 = tpu.memref_squeeze %dma_start3A_7 : memref<1x40x256xf32, #tpu.memory_space<vmem>> -> memref<40x256xf32, #tpu.memory_space<vmem>>
    %dma_start3A_9 = arith.constant 0 : i32
    %dma_start3A_10 = tpu.memref_slice %arg8[%dma_start3A, %dma_start3A_9] : memref<125x40xi32, #tpu.memory_space<vmem>> -> memref<1x40xi32, #tpu.memory_space<vmem>>
    %dma_start3A_11 = tpu.memref_squeeze %dma_start3A_10 : memref<1x40xi32, #tpu.memory_space<vmem>> -> memref<40xi32, #tpu.memory_space<vmem>>
    %dma_start3A_12 = arith.constant 0 : i32
    %dma_start3A_13 = arith.constant 0 : i32
    %dma_start3A_14 = tpu.memref_slice %arg2[%dma_start3A_12, %dma_start3A_13] : memref<10000x256xf32, #tpu.memory_space<hbm>> -> memref<10000x256xf32, #tpu.memory_space<hbm>>
    %dma_start3A_15 = tpu.memref_slice %arg12[%dma_start3A_4] : memref<2x!tpu.dma_semaphore, #tpu.memory_space<semaphore_mem>> -> memref<1x!tpu.dma_semaphore, #tpu.memory_space<semaphore_mem>>
    %dma_start3A_16 = tpu.memref_squeeze %dma_start3A_15 : memref<1x!tpu.dma_semaphore, #tpu.memory_space<semaphore_mem>> -> memref<!tpu.dma_semaphore, #tpu.memory_space<semaphore_mem>>
    tpu.enqueue_indirect_dma source(%dma_start3A_14 : memref<10000x256xf32, #tpu.memory_space<hbm>>) target(%dma_start3A_8 : memref<40x256xf32, #tpu.memory_space<vmem>>) offsets(%dma_start3A_11 : memref<40xi32, #tpu.memory_space<vmem>>) semaphore(%dma_start3A_16 : memref<!tpu.dma_semaphore, #tpu.memory_space<semaphore_mem>>)
    %dma_start3A_17 = arith.constant 0 : i32
    %dma_start3A_18 = arith.constant 0 : i32
    %dma_start3A_19 = arith.constant 0 : i32
    %dma_start3A_20 = arith.constant 0 : i32
    %dma_start3A_21 = arith.constant 0 : i32
    %dma_start3A_22 = tpu.memref_slice %arg11[%dma_start3A_18, %dma_start3A_20, %dma_start3A_21] : memref<2x40x256xf32, #tpu.memory_space<vmem>> -> memref<1x40x256xf32, #tpu.memory_space<vmem>>
    %dma_start3A_23 = tpu.memref_squeeze %dma_start3A_22 : memref<1x40x256xf32, #tpu.memory_space<vmem>> -> memref<40x256xf32, #tpu.memory_space<vmem>>
    %dma_start3A_24 = arith.constant 0 : i32
    %dma_start3A_25 = tpu.memref_slice %arg9[%dma_start3A_17, %dma_start3A_24] : memref<125x40xi32, #tpu.memory_space<vmem>> -> memref<1x40xi32, #tpu.memory_space<vmem>>
    %dma_start3A_26 = tpu.memref_squeeze %dma_start3A_25 : memref<1x40xi32, #tpu.memory_space<vmem>> -> memref<40xi32, #tpu.memory_space<vmem>>
    %dma_start3A_27 = arith.constant 0 : i32
    %dma_start3A_28 = arith.constant 0 : i32
    %dma_start3A_29 = tpu.memref_slice %arg3[%dma_start3A_27, %dma_start3A_28] : memref<10000x256xf32, #tpu.memory_space<hbm>> -> memref<10000x256xf32, #tpu.memory_space<hbm>>
    %dma_start3A_30 = tpu.memref_slice %arg13[%dma_start3A_19] : memref<2x!tpu.dma_semaphore, #tpu.memory_space<semaphore_mem>> -> memref<1x!tpu.dma_semaphore, #tpu.memory_space<semaphore_mem>>
    %dma_start3A_31 = tpu.memref_squeeze %dma_start3A_30 : memref<1x!tpu.dma_semaphore, #tpu.memory_space<semaphore_mem>> -> memref<!tpu.dma_semaphore, #tpu.memory_space<semaphore_mem>>
    tpu.enqueue_indirect_dma source(%dma_start3A_29 : memref<10000x256xf32, #tpu.memory_space<hbm>>) target(%dma_start3A_23 : memref<40x256xf32, #tpu.memory_space<vmem>>) offsets(%dma_start3A_26 : memref<40xi32, #tpu.memory_space<vmem>>) semaphore(%dma_start3A_31 : memref<!tpu.dma_semaphore, #tpu.memory_space<semaphore_mem>>)
    %scan3A = arith.constant 0 : i32
    %scan3A_32 = arith.constant 0 : i32
    %scan3A_33 = arith.constant 125 : i32
    %scan3A_34 = arith.addi %scan3A_32, %scan3A_33 : i32
    %scan3A_35 = arith.constant 1 : i32
    scf.for %scan3A_108 = %scan3A_32 to %scan3A_34 step %scan3A_35  : i32 {
      %rem3A = arith.constant 2 : i32
      %rem3A_109 = arith.remsi %scan3A_108, %rem3A : i32
      %add3A_110 = arith.constant 1 : i32
      %add3A_111 = arith.addi %scan3A_108, %add3A_110 : i32
      %lt3A = arith.constant 125 : i32
      %lt3A_112 = arith.cmpi slt, %add3A_111, %lt3A : i32
      %convert_element_type3A = arith.extui %lt3A_112 : i1 to i32
      %cond3A = arith.constant 0 : i32
      %cond3A_113 = arith.cmpi ne, %convert_element_type3A, %cond3A : i32
      scf.if %cond3A_113 {
        %add3A_123 = arith.constant 1 : i32
        %add3A_124 = arith.addi %scan3A_108, %add3A_123 : i32
        %rem3A_125 = arith.constant 2 : i32
        %rem3A_126 = arith.remsi %add3A_124, %rem3A_125 : i32
        %eq3A_127 = arith.constant 0 : i32
        %eq3A_128 = arith.cmpi eq, %rem3A_126, %eq3A_127 : i32
        %convert_element_type3A_129 = arith.extui %eq3A_128 : i1 to i32
        %cond3A_130 = arith.constant 0 : i32
        %cond3A_131 = arith.cmpi ne, %convert_element_type3A_129, %cond3A_130 : i32
        scf.if %cond3A_131 {
          %ge3A = arith.constant 1 : i32
          %ge3A_137 = arith.cmpi sge, %scan3A_108, %ge3A : i32
          %convert_element_type3A_138 = arith.extui %ge3A_137 : i1 to i32
          %cond3A_139 = arith.constant 0 : i32
          %cond3A_140 = arith.cmpi ne, %convert_element_type3A_138, %cond3A_139 : i32
          scf.if %cond3A_140 {
            %dma_wait3A_173 = arith.constant 0 : i32
            %dma_wait3A_174 = arith.constant 0 : i32
            %dma_wait3A_175 = arith.constant 0 : i32
            %dma_wait3A_176 = arith.constant 0 : i32
            %dma_wait3A_177 = tpu.memref_slice %arg10[%dma_wait3A_173, %dma_wait3A_175, %dma_wait3A_176] : memref<2x40x256xf32, #tpu.memory_space<vmem>> -> memref<1x40x256xf32, #tpu.memory_space<vmem>>
            %dma_wait3A_178 = tpu.memref_squeeze %dma_wait3A_177 : memref<1x40x256xf32, #tpu.memory_space<vmem>> -> memref<40x256xf32, #tpu.memory_space<vmem>>
            %dma_wait3A_179 = arith.constant 0 : i32
            %dma_wait3A_180 = arith.constant 0 : i32
            %dma_wait3A_181 = tpu.memref_slice %arg6[%dma_wait3A_179, %dma_wait3A_180] : memref<160000x256xf32, #tpu.memory_space<hbm>> -> memref<40x256xf32, #tpu.memory_space<hbm>>
            %dma_wait3A_182 = tpu.memref_slice %arg14[%dma_wait3A_174] : memref<2x!tpu.dma_semaphore, #tpu.memory_space<semaphore_mem>> -> memref<1x!tpu.dma_semaphore, #tpu.memory_space<semaphore_mem>>
            %dma_wait3A_183 = tpu.memref_squeeze %dma_wait3A_182 : memref<1x!tpu.dma_semaphore, #tpu.memory_space<semaphore_mem>> -> memref<!tpu.dma_semaphore, #tpu.memory_space<semaphore_mem>>
            %dma_wait3A_184 = arith.constant 0 : i32
            %dma_wait3A_185 = arith.constant 0 : i32
            %dma_wait3A_186 = tpu.memref_slice %arg6[%dma_wait3A_184, %dma_wait3A_185] : memref<160000x256xf32, #tpu.memory_space<hbm>> -> memref<40x256xf32, #tpu.memory_space<hbm>>
            %dma_wait3A_187 = arith.constant 0 : i32
            %dma_wait3A_188 = arith.constant 0 : i32
            %dma_wait3A_189 = tpu.memref_slice %arg10[%dma_wait3A_173, %dma_wait3A_187, %dma_wait3A_188] : memref<2x40x256xf32, #tpu.memory_space<vmem>> -> memref<1x40x256xf32, #tpu.memory_space<vmem>>
            %dma_wait3A_190 = tpu.memref_squeeze %dma_wait3A_189 : memref<1x40x256xf32, #tpu.memory_space<vmem>> -> memref<40x256xf32, #tpu.memory_space<vmem>>
            tpu.wait_dma2 semaphore(%dma_wait3A_183 : memref<!tpu.dma_semaphore, #tpu.memory_space<semaphore_mem>>) src(%dma_wait3A_190 : memref<40x256xf32, #tpu.memory_space<vmem>>) dst(%dma_wait3A_186 : memref<40x256xf32, #tpu.memory_space<hbm>>)
            %dma_wait3A_191 = arith.constant 0 : i32
            %dma_wait3A_192 = arith.constant 0 : i32
            %dma_wait3A_193 = arith.constant 0 : i32
            %dma_wait3A_194 = arith.constant 0 : i32
            %dma_wait3A_195 = tpu.memref_slice %arg11[%dma_wait3A_191, %dma_wait3A_193, %dma_wait3A_194] : memref<2x40x256xf32, #tpu.memory_space<vmem>> -> memref<1x40x256xf32, #tpu.memory_space<vmem>>
            %dma_wait3A_196 = tpu.memref_squeeze %dma_wait3A_195 : memref<1x40x256xf32, #tpu.memory_space<vmem>> -> memref<40x256xf32, #tpu.memory_space<vmem>>
            %dma_wait3A_197 = arith.constant 0 : i32
            %dma_wait3A_198 = arith.constant 0 : i32
            %dma_wait3A_199 = tpu.memref_slice %arg7[%dma_wait3A_197, %dma_wait3A_198] : memref<160000x256xf32, #tpu.memory_space<hbm>> -> memref<40x256xf32, #tpu.memory_space<hbm>>
            %dma_wait3A_200 = tpu.memref_slice %arg15[%dma_wait3A_192] : memref<2x!tpu.dma_semaphore, #tpu.memory_space<semaphore_mem>> -> memref<1x!tpu.dma_semaphore, #tpu.memory_space<semaphore_mem>>
            %dma_wait3A_201 = tpu.memref_squeeze %dma_wait3A_200 : memref<1x!tpu.dma_semaphore, #tpu.memory_space<semaphore_mem>> -> memref<!tpu.dma_semaphore, #tpu.memory_space<semaphore_mem>>
            %dma_wait3A_202 = arith.constant 0 : i32
            %dma_wait3A_203 = arith.constant 0 : i32
            %dma_wait3A_204 = tpu.memref_slice %arg7[%dma_wait3A_202, %dma_wait3A_203] : memref<160000x256xf32, #tpu.memory_space<hbm>> -> memref<40x256xf32, #tpu.memory_space<hbm>>
            %dma_wait3A_205 = arith.constant 0 : i32
            %dma_wait3A_206 = arith.constant 0 : i32
            %dma_wait3A_207 = tpu.memref_slice %arg11[%dma_wait3A_191, %dma_wait3A_205, %dma_wait3A_206] : memref<2x40x256xf32, #tpu.memory_space<vmem>> -> memref<1x40x256xf32, #tpu.memory_space<vmem>>
            %dma_wait3A_208 = tpu.memref_squeeze %dma_wait3A_207 : memref<1x40x256xf32, #tpu.memory_space<vmem>> -> memref<40x256xf32, #tpu.memory_space<vmem>>
            tpu.wait_dma2 semaphore(%dma_wait3A_201 : memref<!tpu.dma_semaphore, #tpu.memory_space<semaphore_mem>>) src(%dma_wait3A_208 : memref<40x256xf32, #tpu.memory_space<vmem>>) dst(%dma_wait3A_204 : memref<40x256xf32, #tpu.memory_space<hbm>>)
          } else {
          }
          %add3A_141 = arith.constant 1 : i32
          %add3A_142 = arith.addi %scan3A_108, %add3A_141 : i32
          %dma_start3A_143 = arith.constant 0 : i32
          %dma_start3A_144 = arith.constant 0 : i32
          %dma_start3A_145 = arith.constant 0 : i32
          %dma_start3A_146 = arith.constant 0 : i32
          %dma_start3A_147 = tpu.memref_slice %arg10[%dma_start3A_143, %dma_start3A_145, %dma_start3A_146] : memref<2x40x256xf32, #tpu.memory_space<vmem>> -> memref<1x40x256xf32, #tpu.memory_space<vmem>>
          %dma_start3A_148 = tpu.memref_squeeze %dma_start3A_147 : memref<1x40x256xf32, #tpu.memory_space<vmem>> -> memref<40x256xf32, #tpu.memory_space<vmem>>
          %dma_start3A_149 = arith.constant 0 : i32
          %dma_start3A_150 = tpu.memref_slice %arg8[%add3A_142, %dma_start3A_149] : memref<125x40xi32, #tpu.memory_space<vmem>> -> memref<1x40xi32, #tpu.memory_space<vmem>>
          %dma_start3A_151 = tpu.memref_squeeze %dma_start3A_150 : memref<1x40xi32, #tpu.memory_space<vmem>> -> memref<40xi32, #tpu.memory_space<vmem>>
          %dma_start3A_152 = arith.constant 0 : i32
          %dma_start3A_153 = arith.constant 0 : i32
          %dma_start3A_154 = tpu.memref_slice %arg2[%dma_start3A_152, %dma_start3A_153] : memref<10000x256xf32, #tpu.memory_space<hbm>> -> memref<10000x256xf32, #tpu.memory_space<hbm>>
          %dma_start3A_155 = tpu.memref_slice %arg12[%dma_start3A_144] : memref<2x!tpu.dma_semaphore, #tpu.memory_space<semaphore_mem>> -> memref<1x!tpu.dma_semaphore, #tpu.memory_space<semaphore_mem>>
          %dma_start3A_156 = tpu.memref_squeeze %dma_start3A_155 : memref<1x!tpu.dma_semaphore, #tpu.memory_space<semaphore_mem>> -> memref<!tpu.dma_semaphore, #tpu.memory_space<semaphore_mem>>
          tpu.enqueue_indirect_dma source(%dma_start3A_154 : memref<10000x256xf32, #tpu.memory_space<hbm>>) target(%dma_start3A_148 : memref<40x256xf32, #tpu.memory_space<vmem>>) offsets(%dma_start3A_151 : memref<40xi32, #tpu.memory_space<vmem>>) semaphore(%dma_start3A_156 : memref<!tpu.dma_semaphore, #tpu.memory_space<semaphore_mem>>)
          %add3A_157 = arith.constant 1 : i32
          %add3A_158 = arith.addi %scan3A_108, %add3A_157 : i32
          %dma_start3A_159 = arith.constant 0 : i32
          %dma_start3A_160 = arith.constant 0 : i32
          %dma_start3A_161 = arith.constant 0 : i32
          %dma_start3A_162 = arith.constant 0 : i32
          %dma_start3A_163 = tpu.memref_slice %arg11[%dma_start3A_159, %dma_start3A_161, %dma_start3A_162] : memref<2x40x256xf32, #tpu.memory_space<vmem>> -> memref<1x40x256xf32, #tpu.memory_space<vmem>>
          %dma_start3A_164 = tpu.memref_squeeze %dma_start3A_163 : memref<1x40x256xf32, #tpu.memory_space<vmem>> -> memref<40x256xf32, #tpu.memory_space<vmem>>
          %dma_start3A_165 = arith.constant 0 : i32
          %dma_start3A_166 = tpu.memref_slice %arg9[%add3A_158, %dma_start3A_165] : memref<125x40xi32, #tpu.memory_space<vmem>> -> memref<1x40xi32, #tpu.memory_space<vmem>>
          %dma_start3A_167 = tpu.memref_squeeze %dma_start3A_166 : memref<1x40xi32, #tpu.memory_space<vmem>> -> memref<40xi32, #tpu.memory_space<vmem>>
          %dma_start3A_168 = arith.constant 0 : i32
          %dma_start3A_169 = arith.constant 0 : i32
          %dma_start3A_170 = tpu.memref_slice %arg3[%dma_start3A_168, %dma_start3A_169] : memref<10000x256xf32, #tpu.memory_space<hbm>> -> memref<10000x256xf32, #tpu.memory_space<hbm>>
          %dma_start3A_171 = tpu.memref_slice %arg13[%dma_start3A_160] : memref<2x!tpu.dma_semaphore, #tpu.memory_space<semaphore_mem>> -> memref<1x!tpu.dma_semaphore, #tpu.memory_space<semaphore_mem>>
          %dma_start3A_172 = tpu.memref_squeeze %dma_start3A_171 : memref<1x!tpu.dma_semaphore, #tpu.memory_space<semaphore_mem>> -> memref<!tpu.dma_semaphore, #tpu.memory_space<semaphore_mem>>
          tpu.enqueue_indirect_dma source(%dma_start3A_170 : memref<10000x256xf32, #tpu.memory_space<hbm>>) target(%dma_start3A_164 : memref<40x256xf32, #tpu.memory_space<vmem>>) offsets(%dma_start3A_167 : memref<40xi32, #tpu.memory_space<vmem>>) semaphore(%dma_start3A_172 : memref<!tpu.dma_semaphore, #tpu.memory_space<semaphore_mem>>)
        } else {
        }
        %eq3A_132 = arith.constant 1 : i32
        %eq3A_133 = arith.cmpi eq, %rem3A_126, %eq3A_132 : i32
        %convert_element_type3A_134 = arith.extui %eq3A_133 : i1 to i32
        %cond3A_135 = arith.constant 0 : i32
        %cond3A_136 = arith.cmpi ne, %convert_element_type3A_134, %cond3A_135 : i32
        scf.if %cond3A_136 {
          %ge3A = arith.constant 1 : i32
          %ge3A_137 = arith.cmpi sge, %scan3A_108, %ge3A : i32
          %convert_element_type3A_138 = arith.extui %ge3A_137 : i1 to i32
          %cond3A_139 = arith.constant 0 : i32
          %cond3A_140 = arith.cmpi ne, %convert_element_type3A_138, %cond3A_139 : i32
          scf.if %cond3A_140 {
            %dma_wait3A_173 = arith.constant 1 : i32
            %dma_wait3A_174 = arith.constant 1 : i32
            %dma_wait3A_175 = arith.constant 0 : i32
            %dma_wait3A_176 = arith.constant 0 : i32
            %dma_wait3A_177 = tpu.memref_slice %arg10[%dma_wait3A_173, %dma_wait3A_175, %dma_wait3A_176] : memref<2x40x256xf32, #tpu.memory_space<vmem>> -> memref<1x40x256xf32, #tpu.memory_space<vmem>>
            %dma_wait3A_178 = tpu.memref_squeeze %dma_wait3A_177 : memref<1x40x256xf32, #tpu.memory_space<vmem>> -> memref<40x256xf32, #tpu.memory_space<vmem>>
            %dma_wait3A_179 = arith.constant 0 : i32
            %dma_wait3A_180 = arith.constant 0 : i32
            %dma_wait3A_181 = tpu.memref_slice %arg6[%dma_wait3A_179, %dma_wait3A_180] : memref<160000x256xf32, #tpu.memory_space<hbm>> -> memref<40x256xf32, #tpu.memory_space<hbm>>
            %dma_wait3A_182 = tpu.memref_slice %arg14[%dma_wait3A_174] : memref<2x!tpu.dma_semaphore, #tpu.memory_space<semaphore_mem>> -> memref<1x!tpu.dma_semaphore, #tpu.memory_space<semaphore_mem>>
            %dma_wait3A_183 = tpu.memref_squeeze %dma_wait3A_182 : memref<1x!tpu.dma_semaphore, #tpu.memory_space<semaphore_mem>> -> memref<!tpu.dma_semaphore, #tpu.memory_space<semaphore_mem>>
            %dma_wait3A_184 = arith.constant 0 : i32
            %dma_wait3A_185 = arith.constant 0 : i32
            %dma_wait3A_186 = tpu.memref_slice %arg6[%dma_wait3A_184, %dma_wait3A_185] : memref<160000x256xf32, #tpu.memory_space<hbm>> -> memref<40x256xf32, #tpu.memory_space<hbm>>
            %dma_wait3A_187 = arith.constant 0 : i32
            %dma_wait3A_188 = arith.constant 0 : i32
            %dma_wait3A_189 = tpu.memref_slice %arg10[%dma_wait3A_173, %dma_wait3A_187, %dma_wait3A_188] : memref<2x40x256xf32, #tpu.memory_space<vmem>> -> memref<1x40x256xf32, #tpu.memory_space<vmem>>
            %dma_wait3A_190 = tpu.memref_squeeze %dma_wait3A_189 : memref<1x40x256xf32, #tpu.memory_space<vmem>> -> memref<40x256xf32, #tpu.memory_space<vmem>>
            tpu.wait_dma2 semaphore(%dma_wait3A_183 : memref<!tpu.dma_semaphore, #tpu.memory_space<semaphore_mem>>) src(%dma_wait3A_190 : memref<40x256xf32, #tpu.memory_space<vmem>>) dst(%dma_wait3A_186 : memref<40x256xf32, #tpu.memory_space<hbm>>)
            %dma_wait3A_191 = arith.constant 1 : i32
            %dma_wait3A_192 = arith.constant 1 : i32
            %dma_wait3A_193 = arith.constant 0 : i32
            %dma_wait3A_194 = arith.constant 0 : i32
            %dma_wait3A_195 = tpu.memref_slice %arg11[%dma_wait3A_191, %dma_wait3A_193, %dma_wait3A_194] : memref<2x40x256xf32, #tpu.memory_space<vmem>> -> memref<1x40x256xf32, #tpu.memory_space<vmem>>
            %dma_wait3A_196 = tpu.memref_squeeze %dma_wait3A_195 : memref<1x40x256xf32, #tpu.memory_space<vmem>> -> memref<40x256xf32, #tpu.memory_space<vmem>>
            %dma_wait3A_197 = arith.constant 0 : i32
            %dma_wait3A_198 = arith.constant 0 : i32
            %dma_wait3A_199 = tpu.memref_slice %arg7[%dma_wait3A_197, %dma_wait3A_198] : memref<160000x256xf32, #tpu.memory_space<hbm>> -> memref<40x256xf32, #tpu.memory_space<hbm>>
            %dma_wait3A_200 = tpu.memref_slice %arg15[%dma_wait3A_192] : memref<2x!tpu.dma_semaphore, #tpu.memory_space<semaphore_mem>> -> memref<1x!tpu.dma_semaphore, #tpu.memory_space<semaphore_mem>>
            %dma_wait3A_201 = tpu.memref_squeeze %dma_wait3A_200 : memref<1x!tpu.dma_semaphore, #tpu.memory_space<semaphore_mem>> -> memref<!tpu.dma_semaphore, #tpu.memory_space<semaphore_mem>>
            %dma_wait3A_202 = arith.constant 0 : i32
            %dma_wait3A_203 = arith.constant 0 : i32
            %dma_wait3A_204 = tpu.memref_slice %arg7[%dma_wait3A_202, %dma_wait3A_203] : memref<160000x256xf32, #tpu.memory_space<hbm>> -> memref<40x256xf32, #tpu.memory_space<hbm>>
            %dma_wait3A_205 = arith.constant 0 : i32
            %dma_wait3A_206 = arith.constant 0 : i32
            %dma_wait3A_207 = tpu.memref_slice %arg11[%dma_wait3A_191, %dma_wait3A_205, %dma_wait3A_206] : memref<2x40x256xf32, #tpu.memory_space<vmem>> -> memref<1x40x256xf32, #tpu.memory_space<vmem>>
            %dma_wait3A_208 = tpu.memref_squeeze %dma_wait3A_207 : memref<1x40x256xf32, #tpu.memory_space<vmem>> -> memref<40x256xf32, #tpu.memory_space<vmem>>
            tpu.wait_dma2 semaphore(%dma_wait3A_201 : memref<!tpu.dma_semaphore, #tpu.memory_space<semaphore_mem>>) src(%dma_wait3A_208 : memref<40x256xf32, #tpu.memory_space<vmem>>) dst(%dma_wait3A_204 : memref<40x256xf32, #tpu.memory_space<hbm>>)
          } else {
          }
          %add3A_141 = arith.constant 1 : i32
          %add3A_142 = arith.addi %scan3A_108, %add3A_141 : i32
          %dma_start3A_143 = arith.constant 1 : i32
          %dma_start3A_144 = arith.constant 1 : i32
          %dma_start3A_145 = arith.constant 0 : i32
          %dma_start3A_146 = arith.constant 0 : i32
          %dma_start3A_147 = tpu.memref_slice %arg10[%dma_start3A_143, %dma_start3A_145, %dma_start3A_146] : memref<2x40x256xf32, #tpu.memory_space<vmem>> -> memref<1x40x256xf32, #tpu.memory_space<vmem>>
          %dma_start3A_148 = tpu.memref_squeeze %dma_start3A_147 : memref<1x40x256xf32, #tpu.memory_space<vmem>> -> memref<40x256xf32, #tpu.memory_space<vmem>>
          %dma_start3A_149 = arith.constant 0 : i32
          %dma_start3A_150 = tpu.memref_slice %arg8[%add3A_142, %dma_start3A_149] : memref<125x40xi32, #tpu.memory_space<vmem>> -> memref<1x40xi32, #tpu.memory_space<vmem>>
          %dma_start3A_151 = tpu.memref_squeeze %dma_start3A_150 : memref<1x40xi32, #tpu.memory_space<vmem>> -> memref<40xi32, #tpu.memory_space<vmem>>
          %dma_start3A_152 = arith.constant 0 : i32
          %dma_start3A_153 = arith.constant 0 : i32
          %dma_start3A_154 = tpu.memref_slice %arg2[%dma_start3A_152, %dma_start3A_153] : memref<10000x256xf32, #tpu.memory_space<hbm>> -> memref<10000x256xf32, #tpu.memory_space<hbm>>
          %dma_start3A_155 = tpu.memref_slice %arg12[%dma_start3A_144] : memref<2x!tpu.dma_semaphore, #tpu.memory_space<semaphore_mem>> -> memref<1x!tpu.dma_semaphore, #tpu.memory_space<semaphore_mem>>
          %dma_start3A_156 = tpu.memref_squeeze %dma_start3A_155 : memref<1x!tpu.dma_semaphore, #tpu.memory_space<semaphore_mem>> -> memref<!tpu.dma_semaphore, #tpu.memory_space<semaphore_mem>>
          tpu.enqueue_indirect_dma source(%dma_start3A_154 : memref<10000x256xf32, #tpu.memory_space<hbm>>) target(%dma_start3A_148 : memref<40x256xf32, #tpu.memory_space<vmem>>) offsets(%dma_start3A_151 : memref<40xi32, #tpu.memory_space<vmem>>) semaphore(%dma_start3A_156 : memref<!tpu.dma_semaphore, #tpu.memory_space<semaphore_mem>>)
          %add3A_157 = arith.constant 1 : i32
          %add3A_158 = arith.addi %scan3A_108, %add3A_157 : i32
          %dma_start3A_159 = arith.constant 1 : i32
          %dma_start3A_160 = arith.constant 1 : i32
          %dma_start3A_161 = arith.constant 0 : i32
          %dma_start3A_162 = arith.constant 0 : i32
          %dma_start3A_163 = tpu.memref_slice %arg11[%dma_start3A_159, %dma_start3A_161, %dma_start3A_162] : memref<2x40x256xf32, #tpu.memory_space<vmem>> -> memref<1x40x256xf32, #tpu.memory_space<vmem>>
          %dma_start3A_164 = tpu.memref_squeeze %dma_start3A_163 : memref<1x40x256xf32, #tpu.memory_space<vmem>> -> memref<40x256xf32, #tpu.memory_space<vmem>>
          %dma_start3A_165 = arith.constant 0 : i32
          %dma_start3A_166 = tpu.memref_slice %arg9[%add3A_158, %dma_start3A_165] : memref<125x40xi32, #tpu.memory_space<vmem>> -> memref<1x40xi32, #tpu.memory_space<vmem>>
          %dma_start3A_167 = tpu.memref_squeeze %dma_start3A_166 : memref<1x40xi32, #tpu.memory_space<vmem>> -> memref<40xi32, #tpu.memory_space<vmem>>
          %dma_start3A_168 = arith.constant 0 : i32
          %dma_start3A_169 = arith.constant 0 : i32
          %dma_start3A_170 = tpu.memref_slice %arg3[%dma_start3A_168, %dma_start3A_169] : memref<10000x256xf32, #tpu.memory_space<hbm>> -> memref<10000x256xf32, #tpu.memory_space<hbm>>
          %dma_start3A_171 = tpu.memref_slice %arg13[%dma_start3A_160] : memref<2x!tpu.dma_semaphore, #tpu.memory_space<semaphore_mem>> -> memref<1x!tpu.dma_semaphore, #tpu.memory_space<semaphore_mem>>
          %dma_start3A_172 = tpu.memref_squeeze %dma_start3A_171 : memref<1x!tpu.dma_semaphore, #tpu.memory_space<semaphore_mem>> -> memref<!tpu.dma_semaphore, #tpu.memory_space<semaphore_mem>>
          tpu.enqueue_indirect_dma source(%dma_start3A_170 : memref<10000x256xf32, #tpu.memory_space<hbm>>) target(%dma_start3A_164 : memref<40x256xf32, #tpu.memory_space<vmem>>) offsets(%dma_start3A_167 : memref<40xi32, #tpu.memory_space<vmem>>) semaphore(%dma_start3A_172 : memref<!tpu.dma_semaphore, #tpu.memory_space<semaphore_mem>>)
        } else {
        }
      } else {
      }
      %eq3A = arith.constant 0 : i32
      %eq3A_114 = arith.cmpi eq, %rem3A_109, %eq3A : i32
      %convert_element_type3A_115 = arith.extui %eq3A_114 : i1 to i32
      %cond3A_116 = arith.constant 0 : i32
      %cond3A_117 = arith.cmpi ne, %convert_element_type3A_115, %cond3A_116 : i32
      scf.if %cond3A_117 {
        %dma_wait3A_123 = arith.constant 0 : i32
        %dma_wait3A_124 = arith.constant 0 : i32
        %dma_wait3A_125 = arith.constant 0 : i32
        %dma_wait3A_126 = arith.constant 0 : i32
        %dma_wait3A_127 = tpu.memref_slice %arg10[%dma_wait3A_123, %dma_wait3A_125, %dma_wait3A_126] : memref<2x40x256xf32, #tpu.memory_space<vmem>> -> memref<1x40x256xf32, #tpu.memory_space<vmem>>
        %dma_wait3A_128 = tpu.memref_squeeze %dma_wait3A_127 : memref<1x40x256xf32, #tpu.memory_space<vmem>> -> memref<40x256xf32, #tpu.memory_space<vmem>>
        %dma_wait3A_129 = arith.constant 0 : i32
        %dma_wait3A_130 = tpu.memref_slice %arg8[%scan3A_108, %dma_wait3A_129] : memref<125x40xi32, #tpu.memory_space<vmem>> -> memref<1x40xi32, #tpu.memory_space<vmem>>
        %dma_wait3A_131 = tpu.memref_squeeze %dma_wait3A_130 : memref<1x40xi32, #tpu.memory_space<vmem>> -> memref<40xi32, #tpu.memory_space<vmem>>
        %dma_wait3A_132 = arith.constant 0 : i32
        %dma_wait3A_133 = arith.constant 0 : i32
        %dma_wait3A_134 = tpu.memref_slice %arg2[%dma_wait3A_132, %dma_wait3A_133] : memref<10000x256xf32, #tpu.memory_space<hbm>> -> memref<10000x256xf32, #tpu.memory_space<hbm>>
        %dma_wait3A_135 = tpu.memref_slice %arg12[%dma_wait3A_124] : memref<2x!tpu.dma_semaphore, #tpu.memory_space<semaphore_mem>> -> memref<1x!tpu.dma_semaphore, #tpu.memory_space<semaphore_mem>>
        %dma_wait3A_136 = tpu.memref_squeeze %dma_wait3A_135 : memref<1x!tpu.dma_semaphore, #tpu.memory_space<semaphore_mem>> -> memref<!tpu.dma_semaphore, #tpu.memory_space<semaphore_mem>>
        tpu.wait_indirect_dma semaphore(%dma_wait3A_136 : memref<!tpu.dma_semaphore, #tpu.memory_space<semaphore_mem>>) src(%dma_wait3A_134 : memref<10000x256xf32, #tpu.memory_space<hbm>>) dst(%dma_wait3A_128 : memref<40x256xf32, #tpu.memory_space<vmem>>)
        %dma_wait3A_137 = arith.constant 0 : i32
        %dma_wait3A_138 = arith.constant 0 : i32
        %dma_wait3A_139 = arith.constant 0 : i32
        %dma_wait3A_140 = arith.constant 0 : i32
        %dma_wait3A_141 = tpu.memref_slice %arg11[%dma_wait3A_137, %dma_wait3A_139, %dma_wait3A_140] : memref<2x40x256xf32, #tpu.memory_space<vmem>> -> memref<1x40x256xf32, #tpu.memory_space<vmem>>
        %dma_wait3A_142 = tpu.memref_squeeze %dma_wait3A_141 : memref<1x40x256xf32, #tpu.memory_space<vmem>> -> memref<40x256xf32, #tpu.memory_space<vmem>>
        %dma_wait3A_143 = arith.constant 0 : i32
        %dma_wait3A_144 = tpu.memref_slice %arg9[%scan3A_108, %dma_wait3A_143] : memref<125x40xi32, #tpu.memory_space<vmem>> -> memref<1x40xi32, #tpu.memory_space<vmem>>
        %dma_wait3A_145 = tpu.memref_squeeze %dma_wait3A_144 : memref<1x40xi32, #tpu.memory_space<vmem>> -> memref<40xi32, #tpu.memory_space<vmem>>
        %dma_wait3A_146 = arith.constant 0 : i32
        %dma_wait3A_147 = arith.constant 0 : i32
        %dma_wait3A_148 = tpu.memref_slice %arg3[%dma_wait3A_146, %dma_wait3A_147] : memref<10000x256xf32, #tpu.memory_space<hbm>> -> memref<10000x256xf32, #tpu.memory_space<hbm>>
        %dma_wait3A_149 = tpu.memref_slice %arg13[%dma_wait3A_138] : memref<2x!tpu.dma_semaphore, #tpu.memory_space<semaphore_mem>> -> memref<1x!tpu.dma_semaphore, #tpu.memory_space<semaphore_mem>>
        %dma_wait3A_150 = tpu.memref_squeeze %dma_wait3A_149 : memref<1x!tpu.dma_semaphore, #tpu.memory_space<semaphore_mem>> -> memref<!tpu.dma_semaphore, #tpu.memory_space<semaphore_mem>>
        tpu.wait_indirect_dma semaphore(%dma_wait3A_150 : memref<!tpu.dma_semaphore, #tpu.memory_space<semaphore_mem>>) src(%dma_wait3A_148 : memref<10000x256xf32, #tpu.memory_space<hbm>>) dst(%dma_wait3A_142 : memref<40x256xf32, #tpu.memory_space<vmem>>)
        %mul3A_151 = arith.constant 40 : i32
        %mul3A_152 = arith.muli %scan3A_108, %mul3A_151 : i32
        %add3A_153 = arith.addi %mul3A_2, %mul3A_152 : i32
        %dma_start3A_154 = arith.constant 0 : i32
        %dma_start3A_155 = arith.constant 0 : i32
        %dma_start3A_156 = arith.constant 0 : i32
        %dma_start3A_157 = arith.constant 0 : i32
        %dma_start3A_158 = tpu.memref_slice %arg10[%dma_start3A_154, %dma_start3A_156, %dma_start3A_157] : memref<2x40x256xf32, #tpu.memory_space<vmem>> -> memref<1x40x256xf32, #tpu.memory_space<vmem>>
        %dma_start3A_159 = tpu.memref_squeeze %dma_start3A_158 : memref<1x40x256xf32, #tpu.memory_space<vmem>> -> memref<40x256xf32, #tpu.memory_space<vmem>>
        %dma_start3A_160 = arith.constant 0 : i32
        %dma_start3A_161 = tpu.memref_slice %arg6[%add3A_153, %dma_start3A_160] : memref<160000x256xf32, #tpu.memory_space<hbm>> -> memref<40x256xf32, #tpu.memory_space<hbm>>
        %dma_start3A_162 = tpu.memref_slice %arg14[%dma_start3A_155] : memref<2x!tpu.dma_semaphore, #tpu.memory_space<semaphore_mem>> -> memref<1x!tpu.dma_semaphore, #tpu.memory_space<semaphore_mem>>
        %dma_start3A_163 = tpu.memref_squeeze %dma_start3A_162 : memref<1x!tpu.dma_semaphore, #tpu.memory_space<semaphore_mem>> -> memref<!tpu.dma_semaphore, #tpu.memory_space<semaphore_mem>>
        %dma_start3A_164 = arith.constant 0 : i32
        %dma_start3A_165 = tpu.memref_slice %arg6[%add3A_153, %dma_start3A_164] : memref<160000x256xf32, #tpu.memory_space<hbm>> -> memref<40x256xf32, #tpu.memory_space<hbm>>
        %dma_start3A_166 = arith.constant 0 : i32
        %dma_start3A_167 = arith.constant 0 : i32
        %dma_start3A_168 = tpu.memref_slice %arg10[%dma_start3A_154, %dma_start3A_166, %dma_start3A_167] : memref<2x40x256xf32, #tpu.memory_space<vmem>> -> memref<1x40x256xf32, #tpu.memory_space<vmem>>
        %dma_start3A_169 = tpu.memref_squeeze %dma_start3A_168 : memref<1x40x256xf32, #tpu.memory_space<vmem>> -> memref<40x256xf32, #tpu.memory_space<vmem>>
        tpu.enqueue_dma source(%dma_start3A_169 : memref<40x256xf32, #tpu.memory_space<vmem>>) target(%dma_start3A_165 : memref<40x256xf32, #tpu.memory_space<hbm>>) target_semaphore(%dma_start3A_163 : memref<!tpu.dma_semaphore, #tpu.memory_space<semaphore_mem>>)
        %mul3A_170 = arith.constant 40 : i32
        %mul3A_171 = arith.muli %scan3A_108, %mul3A_170 : i32
        %add3A_172 = arith.addi %mul3A_2, %mul3A_171 : i32
        %dma_start3A_173 = arith.constant 0 : i32
        %dma_start3A_174 = arith.constant 0 : i32
        %dma_start3A_175 = arith.constant 0 : i32
        %dma_start3A_176 = arith.constant 0 : i32
        %dma_start3A_177 = tpu.memref_slice %arg11[%dma_start3A_173, %dma_start3A_175, %dma_start3A_176] : memref<2x40x256xf32, #tpu.memory_space<vmem>> -> memref<1x40x256xf32, #tpu.memory_space<vmem>>
        %dma_start3A_178 = tpu.memref_squeeze %dma_start3A_177 : memref<1x40x256xf32, #tpu.memory_space<vmem>> -> memref<40x256xf32, #tpu.memory_space<vmem>>
        %dma_start3A_179 = arith.constant 0 : i32
        %dma_start3A_180 = tpu.memref_slice %arg7[%add3A_172, %dma_start3A_179] : memref<160000x256xf32, #tpu.memory_space<hbm>> -> memref<40x256xf32, #tpu.memory_space<hbm>>
        %dma_start3A_181 = tpu.memref_slice %arg15[%dma_start3A_174] : memref<2x!tpu.dma_semaphore, #tpu.memory_space<semaphore_mem>> -> memref<1x!tpu.dma_semaphore, #tpu.memory_space<semaphore_mem>>
        %dma_start3A_182 = tpu.memref_squeeze %dma_start3A_181 : memref<1x!tpu.dma_semaphore, #tpu.memory_space<semaphore_mem>> -> memref<!tpu.dma_semaphore, #tpu.memory_space<semaphore_mem>>
        %dma_start3A_183 = arith.constant 0 : i32
        %dma_start3A_184 = tpu.memref_slice %arg7[%add3A_172, %dma_start3A_183] : memref<160000x256xf32, #tpu.memory_space<hbm>> -> memref<40x256xf32, #tpu.memory_space<hbm>>
        %dma_start3A_185 = arith.constant 0 : i32
        %dma_start3A_186 = arith.constant 0 : i32
        %dma_start3A_187 = tpu.memref_slice %arg11[%dma_start3A_173, %dma_start3A_185, %dma_start3A_186] : memref<2x40x256xf32, #tpu.memory_space<vmem>> -> memref<1x40x256xf32, #tpu.memory_space<vmem>>
        %dma_start3A_188 = tpu.memref_squeeze %dma_start3A_187 : memref<1x40x256xf32, #tpu.memory_space<vmem>> -> memref<40x256xf32, #tpu.memory_space<vmem>>
        tpu.enqueue_dma source(%dma_start3A_188 : memref<40x256xf32, #tpu.memory_space<vmem>>) target(%dma_start3A_184 : memref<40x256xf32, #tpu.memory_space<hbm>>) target_semaphore(%dma_start3A_182 : memref<!tpu.dma_semaphore, #tpu.memory_space<semaphore_mem>>)
      } else {
      }
      %eq3A_118 = arith.constant 1 : i32
      %eq3A_119 = arith.cmpi eq, %rem3A_109, %eq3A_118 : i32
      %convert_element_type3A_120 = arith.extui %eq3A_119 : i1 to i32
      %cond3A_121 = arith.constant 0 : i32
      %cond3A_122 = arith.cmpi ne, %convert_element_type3A_120, %cond3A_121 : i32
      scf.if %cond3A_122 {
        %dma_wait3A_123 = arith.constant 1 : i32
        %dma_wait3A_124 = arith.constant 1 : i32
        %dma_wait3A_125 = arith.constant 0 : i32
        %dma_wait3A_126 = arith.constant 0 : i32
        %dma_wait3A_127 = tpu.memref_slice %arg10[%dma_wait3A_123, %dma_wait3A_125, %dma_wait3A_126] : memref<2x40x256xf32, #tpu.memory_space<vmem>> -> memref<1x40x256xf32, #tpu.memory_space<vmem>>
        %dma_wait3A_128 = tpu.memref_squeeze %dma_wait3A_127 : memref<1x40x256xf32, #tpu.memory_space<vmem>> -> memref<40x256xf32, #tpu.memory_space<vmem>>
        %dma_wait3A_129 = arith.constant 0 : i32
        %dma_wait3A_130 = tpu.memref_slice %arg8[%scan3A_108, %dma_wait3A_129] : memref<125x40xi32, #tpu.memory_space<vmem>> -> memref<1x40xi32, #tpu.memory_space<vmem>>
        %dma_wait3A_131 = tpu.memref_squeeze %dma_wait3A_130 : memref<1x40xi32, #tpu.memory_space<vmem>> -> memref<40xi32, #tpu.memory_space<vmem>>
        %dma_wait3A_132 = arith.constant 0 : i32
        %dma_wait3A_133 = arith.constant 0 : i32
        %dma_wait3A_134 = tpu.memref_slice %arg2[%dma_wait3A_132, %dma_wait3A_133] : memref<10000x256xf32, #tpu.memory_space<hbm>> -> memref<10000x256xf32, #tpu.memory_space<hbm>>
        %dma_wait3A_135 = tpu.memref_slice %arg12[%dma_wait3A_124] : memref<2x!tpu.dma_semaphore, #tpu.memory_space<semaphore_mem>> -> memref<1x!tpu.dma_semaphore, #tpu.memory_space<semaphore_mem>>
        %dma_wait3A_136 = tpu.memref_squeeze %dma_wait3A_135 : memref<1x!tpu.dma_semaphore, #tpu.memory_space<semaphore_mem>> -> memref<!tpu.dma_semaphore, #tpu.memory_space<semaphore_mem>>
        tpu.wait_indirect_dma semaphore(%dma_wait3A_136 : memref<!tpu.dma_semaphore, #tpu.memory_space<semaphore_mem>>) src(%dma_wait3A_134 : memref<10000x256xf32, #tpu.memory_space<hbm>>) dst(%dma_wait3A_128 : memref<40x256xf32, #tpu.memory_space<vmem>>)
        %dma_wait3A_137 = arith.constant 1 : i32
        %dma_wait3A_138 = arith.constant 1 : i32
        %dma_wait3A_139 = arith.constant 0 : i32
        %dma_wait3A_140 = arith.constant 0 : i32
        %dma_wait3A_141 = tpu.memref_slice %arg11[%dma_wait3A_137, %dma_wait3A_139, %dma_wait3A_140] : memref<2x40x256xf32, #tpu.memory_space<vmem>> -> memref<1x40x256xf32, #tpu.memory_space<vmem>>
        %dma_wait3A_142 = tpu.memref_squeeze %dma_wait3A_141 : memref<1x40x256xf32, #tpu.memory_space<vmem>> -> memref<40x256xf32, #tpu.memory_space<vmem>>
        %dma_wait3A_143 = arith.constant 0 : i32
        %dma_wait3A_144 = tpu.memref_slice %arg9[%scan3A_108, %dma_wait3A_143] : memref<125x40xi32, #tpu.memory_space<vmem>> -> memref<1x40xi32, #tpu.memory_space<vmem>>
        %dma_wait3A_145 = tpu.memref_squeeze %dma_wait3A_144 : memref<1x40xi32, #tpu.memory_space<vmem>> -> memref<40xi32, #tpu.memory_space<vmem>>
        %dma_wait3A_146 = arith.constant 0 : i32
        %dma_wait3A_147 = arith.constant 0 : i32
        %dma_wait3A_148 = tpu.memref_slice %arg3[%dma_wait3A_146, %dma_wait3A_147] : memref<10000x256xf32, #tpu.memory_space<hbm>> -> memref<10000x256xf32, #tpu.memory_space<hbm>>
        %dma_wait3A_149 = tpu.memref_slice %arg13[%dma_wait3A_138] : memref<2x!tpu.dma_semaphore, #tpu.memory_space<semaphore_mem>> -> memref<1x!tpu.dma_semaphore, #tpu.memory_space<semaphore_mem>>
        %dma_wait3A_150 = tpu.memref_squeeze %dma_wait3A_149 : memref<1x!tpu.dma_semaphore, #tpu.memory_space<semaphore_mem>> -> memref<!tpu.dma_semaphore, #tpu.memory_space<semaphore_mem>>
        tpu.wait_indirect_dma semaphore(%dma_wait3A_150 : memref<!tpu.dma_semaphore, #tpu.memory_space<semaphore_mem>>) src(%dma_wait3A_148 : memref<10000x256xf32, #tpu.memory_space<hbm>>) dst(%dma_wait3A_142 : memref<40x256xf32, #tpu.memory_space<vmem>>)
        %mul3A_151 = arith.constant 40 : i32
        %mul3A_152 = arith.muli %scan3A_108, %mul3A_151 : i32
        %add3A_153 = arith.addi %mul3A_2, %mul3A_152 : i32
        %dma_start3A_154 = arith.constant 1 : i32
        %dma_start3A_155 = arith.constant 1 : i32
        %dma_start3A_156 = arith.constant 0 : i32
        %dma_start3A_157 = arith.constant 0 : i32
        %dma_start3A_158 = tpu.memref_slice %arg10[%dma_start3A_154, %dma_start3A_156, %dma_start3A_157] : memref<2x40x256xf32, #tpu.memory_space<vmem>> -> memref<1x40x256xf32, #tpu.memory_space<vmem>>
        %dma_start3A_159 = tpu.memref_squeeze %dma_start3A_158 : memref<1x40x256xf32, #tpu.memory_space<vmem>> -> memref<40x256xf32, #tpu.memory_space<vmem>>
        %dma_start3A_160 = arith.constant 0 : i32
        %dma_start3A_161 = tpu.memref_slice %arg6[%add3A_153, %dma_start3A_160] : memref<160000x256xf32, #tpu.memory_space<hbm>> -> memref<40x256xf32, #tpu.memory_space<hbm>>
        %dma_start3A_162 = tpu.memref_slice %arg14[%dma_start3A_155] : memref<2x!tpu.dma_semaphore, #tpu.memory_space<semaphore_mem>> -> memref<1x!tpu.dma_semaphore, #tpu.memory_space<semaphore_mem>>
        %dma_start3A_163 = tpu.memref_squeeze %dma_start3A_162 : memref<1x!tpu.dma_semaphore, #tpu.memory_space<semaphore_mem>> -> memref<!tpu.dma_semaphore, #tpu.memory_space<semaphore_mem>>
        %dma_start3A_164 = arith.constant 0 : i32
        %dma_start3A_165 = tpu.memref_slice %arg6[%add3A_153, %dma_start3A_164] : memref<160000x256xf32, #tpu.memory_space<hbm>> -> memref<40x256xf32, #tpu.memory_space<hbm>>
        %dma_start3A_166 = arith.constant 0 : i32
        %dma_start3A_167 = arith.constant 0 : i32
        %dma_start3A_168 = tpu.memref_slice %arg10[%dma_start3A_154, %dma_start3A_166, %dma_start3A_167] : memref<2x40x256xf32, #tpu.memory_space<vmem>> -> memref<1x40x256xf32, #tpu.memory_space<vmem>>
        %dma_start3A_169 = tpu.memref_squeeze %dma_start3A_168 : memref<1x40x256xf32, #tpu.memory_space<vmem>> -> memref<40x256xf32, #tpu.memory_space<vmem>>
        tpu.enqueue_dma source(%dma_start3A_169 : memref<40x256xf32, #tpu.memory_space<vmem>>) target(%dma_start3A_165 : memref<40x256xf32, #tpu.memory_space<hbm>>) target_semaphore(%dma_start3A_163 : memref<!tpu.dma_semaphore, #tpu.memory_space<semaphore_mem>>)
        %mul3A_170 = arith.constant 40 : i32
        %mul3A_171 = arith.muli %scan3A_108, %mul3A_170 : i32
        %add3A_172 = arith.addi %mul3A_2, %mul3A_171 : i32
        %dma_start3A_173 = arith.constant 1 : i32
        %dma_start3A_174 = arith.constant 1 : i32
        %dma_start3A_175 = arith.constant 0 : i32
        %dma_start3A_176 = arith.constant 0 : i32
        %dma_start3A_177 = tpu.memref_slice %arg11[%dma_start3A_173, %dma_start3A_175, %dma_start3A_176] : memref<2x40x256xf32, #tpu.memory_space<vmem>> -> memref<1x40x256xf32, #tpu.memory_space<vmem>>
        %dma_start3A_178 = tpu.memref_squeeze %dma_start3A_177 : memref<1x40x256xf32, #tpu.memory_space<vmem>> -> memref<40x256xf32, #tpu.memory_space<vmem>>
        %dma_start3A_179 = arith.constant 0 : i32
        %dma_start3A_180 = tpu.memref_slice %arg7[%add3A_172, %dma_start3A_179] : memref<160000x256xf32, #tpu.memory_space<hbm>> -> memref<40x256xf32, #tpu.memory_space<hbm>>
        %dma_start3A_181 = tpu.memref_slice %arg15[%dma_start3A_174] : memref<2x!tpu.dma_semaphore, #tpu.memory_space<semaphore_mem>> -> memref<1x!tpu.dma_semaphore, #tpu.memory_space<semaphore_mem>>
        %dma_start3A_182 = tpu.memref_squeeze %dma_start3A_181 : memref<1x!tpu.dma_semaphore, #tpu.memory_space<semaphore_mem>> -> memref<!tpu.dma_semaphore, #tpu.memory_space<semaphore_mem>>
        %dma_start3A_183 = arith.constant 0 : i32
        %dma_start3A_184 = tpu.memref_slice %arg7[%add3A_172, %dma_start3A_183] : memref<160000x256xf32, #tpu.memory_space<hbm>> -> memref<40x256xf32, #tpu.memory_space<hbm>>
        %dma_start3A_185 = arith.constant 0 : i32
        %dma_start3A_186 = arith.constant 0 : i32
        %dma_start3A_187 = tpu.memref_slice %arg11[%dma_start3A_173, %dma_start3A_185, %dma_start3A_186] : memref<2x40x256xf32, #tpu.memory_space<vmem>> -> memref<1x40x256xf32, #tpu.memory_space<vmem>>
        %dma_start3A_188 = tpu.memref_squeeze %dma_start3A_187 : memref<1x40x256xf32, #tpu.memory_space<vmem>> -> memref<40x256xf32, #tpu.memory_space<vmem>>
        tpu.enqueue_dma source(%dma_start3A_188 : memref<40x256xf32, #tpu.memory_space<vmem>>) target(%dma_start3A_184 : memref<40x256xf32, #tpu.memory_space<hbm>>) target_semaphore(%dma_start3A_182 : memref<!tpu.dma_semaphore, #tpu.memory_space<semaphore_mem>>)
      } else {
      }
    }
    %scan3A_36 = arith.constant 125 : i32
    %dma_wait3A = arith.constant 0 : i32
    %dma_wait3A_37 = arith.constant 0 : i32
    %dma_wait3A_38 = arith.constant 0 : i32
    %dma_wait3A_39 = arith.constant 0 : i32
    %dma_wait3A_40 = tpu.memref_slice %arg10[%dma_wait3A, %dma_wait3A_38, %dma_wait3A_39] : memref<2x40x256xf32, #tpu.memory_space<vmem>> -> memref<1x40x256xf32, #tpu.memory_space<vmem>>
    %dma_wait3A_41 = tpu.memref_squeeze %dma_wait3A_40 : memref<1x40x256xf32, #tpu.memory_space<vmem>> -> memref<40x256xf32, #tpu.memory_space<vmem>>
    %dma_wait3A_42 = arith.constant 0 : i32
    %dma_wait3A_43 = arith.constant 0 : i32
    %dma_wait3A_44 = tpu.memref_slice %arg6[%dma_wait3A_42, %dma_wait3A_43] : memref<160000x256xf32, #tpu.memory_space<hbm>> -> memref<40x256xf32, #tpu.memory_space<hbm>>
    %dma_wait3A_45 = tpu.memref_slice %arg14[%dma_wait3A_37] : memref<2x!tpu.dma_semaphore, #tpu.memory_space<semaphore_mem>> -> memref<1x!tpu.dma_semaphore, #tpu.memory_space<semaphore_mem>>
    %dma_wait3A_46 = tpu.memref_squeeze %dma_wait3A_45 : memref<1x!tpu.dma_semaphore, #tpu.memory_space<semaphore_mem>> -> memref<!tpu.dma_semaphore, #tpu.memory_space<semaphore_mem>>
    %dma_wait3A_47 = arith.constant 0 : i32
    %dma_wait3A_48 = arith.constant 0 : i32
    %dma_wait3A_49 = tpu.memref_slice %arg6[%dma_wait3A_47, %dma_wait3A_48] : memref<160000x256xf32, #tpu.memory_space<hbm>> -> memref<40x256xf32, #tpu.memory_space<hbm>>
    %dma_wait3A_50 = arith.constant 0 : i32
    %dma_wait3A_51 = arith.constant 0 : i32
    %dma_wait3A_52 = tpu.memref_slice %arg10[%dma_wait3A, %dma_wait3A_50, %dma_wait3A_51] : memref<2x40x256xf32, #tpu.memory_space<vmem>> -> memref<1x40x256xf32, #tpu.memory_space<vmem>>
    %dma_wait3A_53 = tpu.memref_squeeze %dma_wait3A_52 : memref<1x40x256xf32, #tpu.memory_space<vmem>> -> memref<40x256xf32, #tpu.memory_space<vmem>>
    tpu.wait_dma2 semaphore(%dma_wait3A_46 : memref<!tpu.dma_semaphore, #tpu.memory_space<semaphore_mem>>) src(%dma_wait3A_53 : memref<40x256xf32, #tpu.memory_space<vmem>>) dst(%dma_wait3A_49 : memref<40x256xf32, #tpu.memory_space<hbm>>)
    %dma_wait3A_54 = arith.constant 0 : i32
    %dma_wait3A_55 = arith.constant 0 : i32
    %dma_wait3A_56 = arith.constant 0 : i32
    %dma_wait3A_57 = arith.constant 0 : i32
    %dma_wait3A_58 = tpu.memref_slice %arg11[%dma_wait3A_54, %dma_wait3A_56, %dma_wait3A_57] : memref<2x40x256xf32, #tpu.memory_space<vmem>> -> memref<1x40x256xf32, #tpu.memory_space<vmem>>
    %dma_wait3A_59 = tpu.memref_squeeze %dma_wait3A_58 : memref<1x40x256xf32, #tpu.memory_space<vmem>> -> memref<40x256xf32, #tpu.memory_space<vmem>>
    %dma_wait3A_60 = arith.constant 0 : i32
    %dma_wait3A_61 = arith.constant 0 : i32
    %dma_wait3A_62 = tpu.memref_slice %arg7[%dma_wait3A_60, %dma_wait3A_61] : memref<160000x256xf32, #tpu.memory_space<hbm>> -> memref<40x256xf32, #tpu.memory_space<hbm>>
    %dma_wait3A_63 = tpu.memref_slice %arg15[%dma_wait3A_55] : memref<2x!tpu.dma_semaphore, #tpu.memory_space<semaphore_mem>> -> memref<1x!tpu.dma_semaphore, #tpu.memory_space<semaphore_mem>>
    %dma_wait3A_64 = tpu.memref_squeeze %dma_wait3A_63 : memref<1x!tpu.dma_semaphore, #tpu.memory_space<semaphore_mem>> -> memref<!tpu.dma_semaphore, #tpu.memory_space<semaphore_mem>>
    %dma_wait3A_65 = arith.constant 0 : i32
    %dma_wait3A_66 = arith.constant 0 : i32
    %dma_wait3A_67 = tpu.memref_slice %arg7[%dma_wait3A_65, %dma_wait3A_66] : memref<160000x256xf32, #tpu.memory_space<hbm>> -> memref<40x256xf32, #tpu.memory_space<hbm>>
    %dma_wait3A_68 = arith.constant 0 : i32
    %dma_wait3A_69 = arith.constant 0 : i32
    %dma_wait3A_70 = tpu.memref_slice %arg11[%dma_wait3A_54, %dma_wait3A_68, %dma_wait3A_69] : memref<2x40x256xf32, #tpu.memory_space<vmem>> -> memref<1x40x256xf32, #tpu.memory_space<vmem>>
    %dma_wait3A_71 = tpu.memref_squeeze %dma_wait3A_70 : memref<1x40x256xf32, #tpu.memory_space<vmem>> -> memref<40x256xf32, #tpu.memory_space<vmem>>
    tpu.wait_dma2 semaphore(%dma_wait3A_64 : memref<!tpu.dma_semaphore, #tpu.memory_space<semaphore_mem>>) src(%dma_wait3A_71 : memref<40x256xf32, #tpu.memory_space<vmem>>) dst(%dma_wait3A_67 : memref<40x256xf32, #tpu.memory_space<hbm>>)
    %dma_wait3A_72 = arith.constant 1 : i32
    %dma_wait3A_73 = arith.constant 1 : i32
    %dma_wait3A_74 = arith.constant 0 : i32
    %dma_wait3A_75 = arith.constant 0 : i32
    %dma_wait3A_76 = tpu.memref_slice %arg10[%dma_wait3A_72, %dma_wait3A_74, %dma_wait3A_75] : memref<2x40x256xf32, #tpu.memory_space<vmem>> -> memref<1x40x256xf32, #tpu.memory_space<vmem>>
    %dma_wait3A_77 = tpu.memref_squeeze %dma_wait3A_76 : memref<1x40x256xf32, #tpu.memory_space<vmem>> -> memref<40x256xf32, #tpu.memory_space<vmem>>
    %dma_wait3A_78 = arith.constant 0 : i32
    %dma_wait3A_79 = arith.constant 0 : i32
    %dma_wait3A_80 = tpu.memref_slice %arg6[%dma_wait3A_78, %dma_wait3A_79] : memref<160000x256xf32, #tpu.memory_space<hbm>> -> memref<40x256xf32, #tpu.memory_space<hbm>>
    %dma_wait3A_81 = tpu.memref_slice %arg14[%dma_wait3A_73] : memref<2x!tpu.dma_semaphore, #tpu.memory_space<semaphore_mem>> -> memref<1x!tpu.dma_semaphore, #tpu.memory_space<semaphore_mem>>
    %dma_wait3A_82 = tpu.memref_squeeze %dma_wait3A_81 : memref<1x!tpu.dma_semaphore, #tpu.memory_space<semaphore_mem>> -> memref<!tpu.dma_semaphore, #tpu.memory_space<semaphore_mem>>
    %dma_wait3A_83 = arith.constant 0 : i32
    %dma_wait3A_84 = arith.constant 0 : i32
    %dma_wait3A_85 = tpu.memref_slice %arg6[%dma_wait3A_83, %dma_wait3A_84] : memref<160000x256xf32, #tpu.memory_space<hbm>> -> memref<40x256xf32, #tpu.memory_space<hbm>>
    %dma_wait3A_86 = arith.constant 0 : i32
    %dma_wait3A_87 = arith.constant 0 : i32
    %dma_wait3A_88 = tpu.memref_slice %arg10[%dma_wait3A_72, %dma_wait3A_86, %dma_wait3A_87] : memref<2x40x256xf32, #tpu.memory_space<vmem>> -> memref<1x40x256xf32, #tpu.memory_space<vmem>>
    %dma_wait3A_89 = tpu.memref_squeeze %dma_wait3A_88 : memref<1x40x256xf32, #tpu.memory_space<vmem>> -> memref<40x256xf32, #tpu.memory_space<vmem>>
    tpu.wait_dma2 semaphore(%dma_wait3A_82 : memref<!tpu.dma_semaphore, #tpu.memory_space<semaphore_mem>>) src(%dma_wait3A_89 : memref<40x256xf32, #tpu.memory_space<vmem>>) dst(%dma_wait3A_85 : memref<40x256xf32, #tpu.memory_space<hbm>>)
    %dma_wait3A_90 = arith.constant 1 : i32
    %dma_wait3A_91 = arith.constant 1 : i32
    %dma_wait3A_92 = arith.constant 0 : i32
    %dma_wait3A_93 = arith.constant 0 : i32
    %dma_wait3A_94 = tpu.memref_slice %arg11[%dma_wait3A_90, %dma_wait3A_92, %dma_wait3A_93] : memref<2x40x256xf32, #tpu.memory_space<vmem>> -> memref<1x40x256xf32, #tpu.memory_space<vmem>>
    %dma_wait3A_95 = tpu.memref_squeeze %dma_wait3A_94 : memref<1x40x256xf32, #tpu.memory_space<vmem>> -> memref<40x256xf32, #tpu.memory_space<vmem>>
    %dma_wait3A_96 = arith.constant 0 : i32
    %dma_wait3A_97 = arith.constant 0 : i32
    %dma_wait3A_98 = tpu.memref_slice %arg7[%dma_wait3A_96, %dma_wait3A_97] : memref<160000x256xf32, #tpu.memory_space<hbm>> -> memref<40x256xf32, #tpu.memory_space<hbm>>
    %dma_wait3A_99 = tpu.memref_slice %arg15[%dma_wait3A_91] : memref<2x!tpu.dma_semaphore, #tpu.memory_space<semaphore_mem>> -> memref<1x!tpu.dma_semaphore, #tpu.memory_space<semaphore_mem>>
    %dma_wait3A_100 = tpu.memref_squeeze %dma_wait3A_99 : memref<1x!tpu.dma_semaphore, #tpu.memory_space<semaphore_mem>> -> memref<!tpu.dma_semaphore, #tpu.memory_space<semaphore_mem>>
    %dma_wait3A_101 = arith.constant 0 : i32
    %dma_wait3A_102 = arith.constant 0 : i32
    %dma_wait3A_103 = tpu.memref_slice %arg7[%dma_wait3A_101, %dma_wait3A_102] : memref<160000x256xf32, #tpu.memory_space<hbm>> -> memref<40x256xf32, #tpu.memory_space<hbm>>
    %dma_wait3A_104 = arith.constant 0 : i32
    %dma_wait3A_105 = arith.constant 0 : i32
    %dma_wait3A_106 = tpu.memref_slice %arg11[%dma_wait3A_90, %dma_wait3A_104, %dma_wait3A_105] : memref<2x40x256xf32, #tpu.memory_space<vmem>> -> memref<1x40x256xf32, #tpu.memory_space<vmem>>
    %dma_wait3A_107 = tpu.memref_squeeze %dma_wait3A_106 : memref<1x40x256xf32, #tpu.memory_space<vmem>> -> memref<40x256xf32, #tpu.memory_space<vmem>>
    tpu.wait_dma2 semaphore(%dma_wait3A_100 : memref<!tpu.dma_semaphore, #tpu.memory_space<semaphore_mem>>) src(%dma_wait3A_107 : memref<40x256xf32, #tpu.memory_space<vmem>>) dst(%dma_wait3A_103 : memref<40x256xf32, #tpu.memory_space<hbm>>)
    return
  }
}

#map = affine_map<(d0, d1) -> (0, 0)>
#map1 = affine_map<(d0, d1) -> (0, 0, 0)>
module attributes {stable_mosaic.version = 14 : i64} {
  func.func @_gather_body(%arg0: i32, %arg1: i32, %arg2: memref<10000x256xf32, #tpu.memory_space<hbm>>, %arg3: memref<10000x256xf32, #tpu.memory_space<hbm>>, %arg4: memref<32x125x40xi32, #tpu.memory_space<hbm>>, %arg5: memref<32x125x40xi32, #tpu.memory_space<hbm>>, %arg6: memref<160000x256xf32, #tpu.memory_space<hbm>>, %arg7: memref<160000x256xf32, #tpu.memory_space<hbm>>, %arg8: memref<125x40xi32, #tpu.memory_space<vmem>>, %arg9: memref<125x40xi32, #tpu.memory_space<vmem>>, %arg10: memref<2x40x256xf32, #tpu.memory_space<vmem>>, %arg11: memref<2x40x256xf32, #tpu.memory_space<vmem>>, %arg12: memref<2x!tpu.dma_semaphore, #tpu.memory_space<semaphore_mem>>, %arg13: memref<2x!tpu.dma_semaphore, #tpu.memory_space<semaphore_mem>>, %arg14: memref<2x!tpu.dma_semaphore, #tpu.memory_space<semaphore_mem>>, %arg15: memref<2x!tpu.dma_semaphore, #tpu.memory_space<semaphore_mem>>) attributes {dimension_semantics = [#tpu.dimension_semantics<core_parallel>, #tpu.dimension_semantics<subcore_parallel>], iteration_bounds = array<i64: 2, 16>, scalar_prefetch = 0 : i64, scratch_operands = 8 : i64, tpu.core_type = #tpu.core_type<sc_vector_subcore>, window_params = [{transform_indices = #map}, {transform_indices = #map}, {transform_indices = #map1}, {transform_indices = #map1}, {transform_indices = #map}, {transform_indices = #map}]} {
    %mul3A = arith.constant 2 : i32
    %mul3A_0 = arith.muli %arg1, %mul3A : i32
    %add3A = arith.addi %mul3A_0, %arg0 : i32
    %mul3A_1 = arith.constant 5000 : i32
    %mul3A_2 = arith.muli %add3A, %mul3A_1 : i32
    "tpu.region"() ({
      %run_scoped3A = tpu.sem_alloc : memref<!tpu.dma_semaphore, #tpu.memory_space<semaphore_mem>>
      %dma_start3A_108 = arith.constant 0 : i32
      %dma_start3A_109 = arith.constant 0 : i32
      %dma_start3A_110 = tpu.memref_slice %arg4[%add3A, %dma_start3A_108, %dma_start3A_109] : memref<32x125x40xi32, #tpu.memory_space<hbm>> -> memref<1x125x40xi32, #tpu.memory_space<hbm>>
      %dma_start3A_111 = tpu.memref_squeeze %dma_start3A_110 : memref<1x125x40xi32, #tpu.memory_space<hbm>> -> memref<125x40xi32, #tpu.memory_space<hbm>>
      %dma_start3A_112 = arith.constant 0 : i32
      %dma_start3A_113 = arith.constant 0 : i32
      %dma_start3A_114 = tpu.memref_slice %arg4[%add3A, %dma_start3A_112, %dma_start3A_113] : memref<32x125x40xi32, #tpu.memory_space<hbm>> -> memref<1x125x40xi32, #tpu.memory_space<hbm>>
      %dma_start3A_115 = tpu.memref_squeeze %dma_start3A_114 : memref<1x125x40xi32, #tpu.memory_space<hbm>> -> memref<125x40xi32, #tpu.memory_space<hbm>>
      tpu.enqueue_dma source(%dma_start3A_115 : memref<125x40xi32, #tpu.memory_space<hbm>>) target(%arg8 : memref<125x40xi32, #tpu.memory_space<vmem>>) target_semaphore(%run_scoped3A : memref<!tpu.dma_semaphore, #tpu.memory_space<semaphore_mem>>)
      %dma_wait3A_116 = arith.constant 0 : i32
      %dma_wait3A_117 = arith.constant 0 : i32
      %dma_wait3A_118 = tpu.memref_slice %arg4[%add3A, %dma_wait3A_116, %dma_wait3A_117] : memref<32x125x40xi32, #tpu.memory_space<hbm>> -> memref<1x125x40xi32, #tpu.memory_space<hbm>>
      %dma_wait3A_119 = tpu.memref_squeeze %dma_wait3A_118 : memref<1x125x40xi32, #tpu.memory_space<hbm>> -> memref<125x40xi32, #tpu.memory_space<hbm>>
      %dma_wait3A_120 = arith.constant 0 : i32
      %dma_wait3A_121 = arith.constant 0 : i32
      %dma_wait3A_122 = tpu.memref_slice %arg4[%add3A, %dma_wait3A_120, %dma_wait3A_121] : memref<32x125x40xi32, #tpu.memory_space<hbm>> -> memref<1x125x40xi32, #tpu.memory_space<hbm>>
      %dma_wait3A_123 = tpu.memref_squeeze %dma_wait3A_122 : memref<1x125x40xi32, #tpu.memory_space<hbm>> -> memref<125x40xi32, #tpu.memory_space<hbm>>
      tpu.wait_dma2 semaphore(%run_scoped3A : memref<!tpu.dma_semaphore, #tpu.memory_space<semaphore_mem>>) src(%dma_wait3A_123 : memref<125x40xi32, #tpu.memory_space<hbm>>) dst(%arg8 : memref<125x40xi32, #tpu.memory_space<vmem>>)
      tpu.yield
    }) : () -> ()
    "tpu.region"() ({
      %run_scoped3A = tpu.sem_alloc : memref<!tpu.dma_semaphore, #tpu.memory_space<semaphore_mem>>
      %dma_start3A_108 = arith.constant 0 : i32
      %dma_start3A_109 = arith.constant 0 : i32
      %dma_start3A_110 = tpu.memref_slice %arg5[%add3A, %dma_start3A_108, %dma_start3A_109] : memref<32x125x40xi32, #tpu.memory_space<hbm>> -> memref<1x125x40xi32, #tpu.memory_space<hbm>>
      %dma_start3A_111 = tpu.memref_squeeze %dma_start3A_110 : memref<1x125x40xi32, #tpu.memory_space<hbm>> -> memref<125x40xi32, #tpu.memory_space<hbm>>
      %dma_start3A_112 = arith.constant 0 : i32
      %dma_start3A_113 = arith.constant 0 : i32
      %dma_start3A_114 = tpu.memref_slice %arg5[%add3A, %dma_start3A_112, %dma_start3A_113] : memref<32x125x40xi32, #tpu.memory_space<hbm>> -> memref<1x125x40xi32, #tpu.memory_space<hbm>>
      %dma_start3A_115 = tpu.memref_squeeze %dma_start3A_114 : memref<1x125x40xi32, #tpu.memory_space<hbm>> -> memref<125x40xi32, #tpu.memory_space<hbm>>
      tpu.enqueue_dma source(%dma_start3A_115 : memref<125x40xi32, #tpu.memory_space<hbm>>) target(%arg9 : memref<125x40xi32, #tpu.memory_space<vmem>>) target_semaphore(%run_scoped3A : memref<!tpu.dma_semaphore, #tpu.memory_space<semaphore_mem>>)
      %dma_wait3A_116 = arith.constant 0 : i32
      %dma_wait3A_117 = arith.constant 0 : i32
      %dma_wait3A_118 = tpu.memref_slice %arg5[%add3A, %dma_wait3A_116, %dma_wait3A_117] : memref<32x125x40xi32, #tpu.memory_space<hbm>> -> memref<1x125x40xi32, #tpu.memory_space<hbm>>
      %dma_wait3A_119 = tpu.memref_squeeze %dma_wait3A_118 : memref<1x125x40xi32, #tpu.memory_space<hbm>> -> memref<125x40xi32, #tpu.memory_space<hbm>>
      %dma_wait3A_120 = arith.constant 0 : i32
      %dma_wait3A_121 = arith.constant 0 : i32
      %dma_wait3A_122 = tpu.memref_slice %arg5[%add3A, %dma_wait3A_120, %dma_wait3A_121] : memref<32x125x40xi32, #tpu.memory_space<hbm>> -> memref<1x125x40xi32, #tpu.memory_space<hbm>>
      %dma_wait3A_123 = tpu.memref_squeeze %dma_wait3A_122 : memref<1x125x40xi32, #tpu.memory_space<hbm>> -> memref<125x40xi32, #tpu.memory_space<hbm>>
      tpu.wait_dma2 semaphore(%run_scoped3A : memref<!tpu.dma_semaphore, #tpu.memory_space<semaphore_mem>>) src(%dma_wait3A_123 : memref<125x40xi32, #tpu.memory_space<hbm>>) dst(%arg9 : memref<125x40xi32, #tpu.memory_space<vmem>>)
      tpu.yield
    }) : () -> ()
    %dma_start3A = arith.constant 0 : i32
    %dma_start3A_3 = arith.constant 0 : i32
    %dma_start3A_4 = arith.constant 0 : i32
    %dma_start3A_5 = arith.constant 0 : i32
    %dma_start3A_6 = arith.constant 0 : i32
    %dma_start3A_7 = tpu.memref_slice %arg10[%dma_start3A_3, %dma_start3A_5, %dma_start3A_6] : memref<2x40x256xf32, #tpu.memory_space<vmem>> -> memref<1x40x256xf32, #tpu.memory_space<vmem>>
    %dma_start3A_8 = tpu.memref_squeeze %dma_start3A_7 : memref<1x40x256xf32, #tpu.memory_space<vmem>> -> memref<40x256xf32, #tpu.memory_space<vmem>>
    %dma_start3A_9 = arith.constant 0 : i32
    %dma_start3A_10 = tpu.memref_slice %arg8[%dma_start3A, %dma_start3A_9] : memref<125x40xi32, #tpu.memory_space<vmem>> -> memref<1x40xi32, #tpu.memory_space<vmem>>
    %dma_start3A_11 = tpu.memref_squeeze %dma_start3A_10 : memref<1x40xi32, #tpu.memory_space<vmem>> -> memref<40xi32, #tpu.memory_space<vmem>>
    %dma_start3A_12 = arith.constant 0 : i32
    %dma_start3A_13 = arith.constant 0 : i32
    %dma_start3A_14 = tpu.memref_slice %arg2[%dma_start3A_12, %dma_start3A_13] : memref<10000x256xf32, #tpu.memory_space<hbm>> -> memref<10000x256xf32, #tpu.memory_space<hbm>>
    %dma_start3A_15 = tpu.memref_slice %arg12[%dma_start3A_4] : memref<2x!tpu.dma_semaphore, #tpu.memory_space<semaphore_mem>> -> memref<1x!tpu.dma_semaphore, #tpu.memory_space<semaphore_mem>>
    %dma_start3A_16 = tpu.memref_squeeze %dma_start3A_15 : memref<1x!tpu.dma_semaphore, #tpu.memory_space<semaphore_mem>> -> memref<!tpu.dma_semaphore, #tpu.memory_space<semaphore_mem>>
    tpu.enqueue_indirect_dma source(%dma_start3A_14 : memref<10000x256xf32, #tpu.memory_space<hbm>>) target(%dma_start3A_8 : memref<40x256xf32, #tpu.memory_space<vmem>>) offsets(%dma_start3A_11 : memref<40xi32, #tpu.memory_space<vmem>>) semaphore(%dma_start3A_16 : memref<!tpu.dma_semaphore, #tpu.memory_space<semaphore_mem>>)
    %dma_start3A_17 = arith.constant 0 : i32
    %dma_start3A_18 = arith.constant 0 : i32
    %dma_start3A_19 = arith.constant 0 : i32
    %dma_start3A_20 = arith.constant 0 : i32
    %dma_start3A_21 = arith.constant 0 : i32
    %dma_start3A_22 = tpu.memref_slice %arg11[%dma_start3A_18, %dma_start3A_20, %dma_start3A_21] : memref<2x40x256xf32, #tpu.memory_space<vmem>> -> memref<1x40x256xf32, #tpu.memory_space<vmem>>
    %dma_start3A_23 = tpu.memref_squeeze %dma_start3A_22 : memref<1x40x256xf32, #tpu.memory_space<vmem>> -> memref<40x256xf32, #tpu.memory_space<vmem>>
    %dma_start3A_24 = arith.constant 0 : i32
    %dma_start3A_25 = tpu.memref_slice %arg9[%dma_start3A_17, %dma_start3A_24] : memref<125x40xi32, #tpu.memory_space<vmem>> -> memref<1x40xi32, #tpu.memory_space<vmem>>
    %dma_start3A_26 = tpu.memref_squeeze %dma_start3A_25 : memref<1x40xi32, #tpu.memory_space<vmem>> -> memref<40xi32, #tpu.memory_space<vmem>>
    %dma_start3A_27 = arith.constant 0 : i32
    %dma_start3A_28 = arith.constant 0 : i32
    %dma_start3A_29 = tpu.memref_slice %arg3[%dma_start3A_27, %dma_start3A_28] : memref<10000x256xf32, #tpu.memory_space<hbm>> -> memref<10000x256xf32, #tpu.memory_space<hbm>>
    %dma_start3A_30 = tpu.memref_slice %arg13[%dma_start3A_19] : memref<2x!tpu.dma_semaphore, #tpu.memory_space<semaphore_mem>> -> memref<1x!tpu.dma_semaphore, #tpu.memory_space<semaphore_mem>>
    %dma_start3A_31 = tpu.memref_squeeze %dma_start3A_30 : memref<1x!tpu.dma_semaphore, #tpu.memory_space<semaphore_mem>> -> memref<!tpu.dma_semaphore, #tpu.memory_space<semaphore_mem>>
    tpu.enqueue_indirect_dma source(%dma_start3A_29 : memref<10000x256xf32, #tpu.memory_space<hbm>>) target(%dma_start3A_23 : memref<40x256xf32, #tpu.memory_space<vmem>>) offsets(%dma_start3A_26 : memref<40xi32, #tpu.memory_space<vmem>>) semaphore(%dma_start3A_31 : memref<!tpu.dma_semaphore, #tpu.memory_space<semaphore_mem>>)
    %scan3A = arith.constant 0 : i32
    %scan3A_32 = arith.constant 0 : i32
    %scan3A_33 = arith.constant 125 : i32
    %scan3A_34 = arith.addi %scan3A_32, %scan3A_33 : i32
    %scan3A_35 = arith.constant 1 : i32
    scf.for %scan3A_108 = %scan3A_32 to %scan3A_34 step %scan3A_35  : i32 {
      %rem3A = arith.constant 2 : i32
      %rem3A_109 = arith.remsi %scan3A_108, %rem3A : i32
      %add3A_110 = arith.constant 1 : i32
      %add3A_111 = arith.addi %scan3A_108, %add3A_110 : i32
      %lt3A = arith.constant 125 : i32
      %lt3A_112 = arith.cmpi slt, %add3A_111, %lt3A : i32
      %convert_element_type3A = arith.extui %lt3A_112 : i1 to i32
      %cond3A = arith.constant 0 : i32
      %cond3A_113 = arith.cmpi ne, %convert_element_type3A, %cond3A : i32
      scf.if %cond3A_113 {
        %add3A_123 = arith.constant 1 : i32
        %add3A_124 = arith.addi %scan3A_108, %add3A_123 : i32
        %rem3A_125 = arith.constant 2 : i32
        %rem3A_126 = arith.remsi %add3A_124, %rem3A_125 : i32
        %eq3A_127 = arith.constant 0 : i32
        %eq3A_128 = arith.cmpi eq, %rem3A_126, %eq3A_127 : i32
        %convert_element_type3A_129 = arith.extui %eq3A_128 : i1 to i32
        %cond3A_130 = arith.constant 0 : i32
        %cond3A_131 = arith.cmpi ne, %convert_element_type3A_129, %cond3A_130 : i32
        scf.if %cond3A_131 {
          %ge3A = arith.constant 1 : i32
          %ge3A_137 = arith.cmpi sge, %scan3A_108, %ge3A : i32
          %convert_element_type3A_138 = arith.extui %ge3A_137 : i1 to i32
          %cond3A_139 = arith.constant 0 : i32
          %cond3A_140 = arith.cmpi ne, %convert_element_type3A_138, %cond3A_139 : i32
          scf.if %cond3A_140 {
            %dma_wait3A_173 = arith.constant 0 : i32
            %dma_wait3A_174 = arith.constant 0 : i32
            %dma_wait3A_175 = arith.constant 0 : i32
            %dma_wait3A_176 = arith.constant 0 : i32
            %dma_wait3A_177 = tpu.memref_slice %arg10[%dma_wait3A_173, %dma_wait3A_175, %dma_wait3A_176] : memref<2x40x256xf32, #tpu.memory_space<vmem>> -> memref<1x40x256xf32, #tpu.memory_space<vmem>>
            %dma_wait3A_178 = tpu.memref_squeeze %dma_wait3A_177 : memref<1x40x256xf32, #tpu.memory_space<vmem>> -> memref<40x256xf32, #tpu.memory_space<vmem>>
            %dma_wait3A_179 = arith.constant 0 : i32
            %dma_wait3A_180 = arith.constant 0 : i32
            %dma_wait3A_181 = tpu.memref_slice %arg6[%dma_wait3A_179, %dma_wait3A_180] : memref<160000x256xf32, #tpu.memory_space<hbm>> -> memref<40x256xf32, #tpu.memory_space<hbm>>
            %dma_wait3A_182 = tpu.memref_slice %arg14[%dma_wait3A_174] : memref<2x!tpu.dma_semaphore, #tpu.memory_space<semaphore_mem>> -> memref<1x!tpu.dma_semaphore, #tpu.memory_space<semaphore_mem>>
            %dma_wait3A_183 = tpu.memref_squeeze %dma_wait3A_182 : memref<1x!tpu.dma_semaphore, #tpu.memory_space<semaphore_mem>> -> memref<!tpu.dma_semaphore, #tpu.memory_space<semaphore_mem>>
            %dma_wait3A_184 = arith.constant 0 : i32
            %dma_wait3A_185 = arith.constant 0 : i32
            %dma_wait3A_186 = tpu.memref_slice %arg6[%dma_wait3A_184, %dma_wait3A_185] : memref<160000x256xf32, #tpu.memory_space<hbm>> -> memref<40x256xf32, #tpu.memory_space<hbm>>
            %dma_wait3A_187 = arith.constant 0 : i32
            %dma_wait3A_188 = arith.constant 0 : i32
            %dma_wait3A_189 = tpu.memref_slice %arg10[%dma_wait3A_173, %dma_wait3A_187, %dma_wait3A_188] : memref<2x40x256xf32, #tpu.memory_space<vmem>> -> memref<1x40x256xf32, #tpu.memory_space<vmem>>
            %dma_wait3A_190 = tpu.memref_squeeze %dma_wait3A_189 : memref<1x40x256xf32, #tpu.memory_space<vmem>> -> memref<40x256xf32, #tpu.memory_space<vmem>>
            tpu.wait_dma2 semaphore(%dma_wait3A_183 : memref<!tpu.dma_semaphore, #tpu.memory_space<semaphore_mem>>) src(%dma_wait3A_190 : memref<40x256xf32, #tpu.memory_space<vmem>>) dst(%dma_wait3A_186 : memref<40x256xf32, #tpu.memory_space<hbm>>)
            %dma_wait3A_191 = arith.constant 0 : i32
            %dma_wait3A_192 = arith.constant 0 : i32
            %dma_wait3A_193 = arith.constant 0 : i32
            %dma_wait3A_194 = arith.constant 0 : i32
            %dma_wait3A_195 = tpu.memref_slice %arg11[%dma_wait3A_191, %dma_wait3A_193, %dma_wait3A_194] : memref<2x40x256xf32, #tpu.memory_space<vmem>> -> memref<1x40x256xf32, #tpu.memory_space<vmem>>
            %dma_wait3A_196 = tpu.memref_squeeze %dma_wait3A_195 : memref<1x40x256xf32, #tpu.memory_space<vmem>> -> memref<40x256xf32, #tpu.memory_space<vmem>>
            %dma_wait3A_197 = arith.constant 0 : i32
            %dma_wait3A_198 = arith.constant 0 : i32
            %dma_wait3A_199 = tpu.memref_slice %arg7[%dma_wait3A_197, %dma_wait3A_198] : memref<160000x256xf32, #tpu.memory_space<hbm>> -> memref<40x256xf32, #tpu.memory_space<hbm>>
            %dma_wait3A_200 = tpu.memref_slice %arg15[%dma_wait3A_192] : memref<2x!tpu.dma_semaphore, #tpu.memory_space<semaphore_mem>> -> memref<1x!tpu.dma_semaphore, #tpu.memory_space<semaphore_mem>>
            %dma_wait3A_201 = tpu.memref_squeeze %dma_wait3A_200 : memref<1x!tpu.dma_semaphore, #tpu.memory_space<semaphore_mem>> -> memref<!tpu.dma_semaphore, #tpu.memory_space<semaphore_mem>>
            %dma_wait3A_202 = arith.constant 0 : i32
            %dma_wait3A_203 = arith.constant 0 : i32
            %dma_wait3A_204 = tpu.memref_slice %arg7[%dma_wait3A_202, %dma_wait3A_203] : memref<160000x256xf32, #tpu.memory_space<hbm>> -> memref<40x256xf32, #tpu.memory_space<hbm>>
            %dma_wait3A_205 = arith.constant 0 : i32
            %dma_wait3A_206 = arith.constant 0 : i32
            %dma_wait3A_207 = tpu.memref_slice %arg11[%dma_wait3A_191, %dma_wait3A_205, %dma_wait3A_206] : memref<2x40x256xf32, #tpu.memory_space<vmem>> -> memref<1x40x256xf32, #tpu.memory_space<vmem>>
            %dma_wait3A_208 = tpu.memref_squeeze %dma_wait3A_207 : memref<1x40x256xf32, #tpu.memory_space<vmem>> -> memref<40x256xf32, #tpu.memory_space<vmem>>
            tpu.wait_dma2 semaphore(%dma_wait3A_201 : memref<!tpu.dma_semaphore, #tpu.memory_space<semaphore_mem>>) src(%dma_wait3A_208 : memref<40x256xf32, #tpu.memory_space<vmem>>) dst(%dma_wait3A_204 : memref<40x256xf32, #tpu.memory_space<hbm>>)
          } else {
          }
          %add3A_141 = arith.constant 1 : i32
          %add3A_142 = arith.addi %scan3A_108, %add3A_141 : i32
          %dma_start3A_143 = arith.constant 0 : i32
          %dma_start3A_144 = arith.constant 0 : i32
          %dma_start3A_145 = arith.constant 0 : i32
          %dma_start3A_146 = arith.constant 0 : i32
          %dma_start3A_147 = tpu.memref_slice %arg10[%dma_start3A_143, %dma_start3A_145, %dma_start3A_146] : memref<2x40x256xf32, #tpu.memory_space<vmem>> -> memref<1x40x256xf32, #tpu.memory_space<vmem>>
          %dma_start3A_148 = tpu.memref_squeeze %dma_start3A_147 : memref<1x40x256xf32, #tpu.memory_space<vmem>> -> memref<40x256xf32, #tpu.memory_space<vmem>>
          %dma_start3A_149 = arith.constant 0 : i32
          %dma_start3A_150 = tpu.memref_slice %arg8[%add3A_142, %dma_start3A_149] : memref<125x40xi32, #tpu.memory_space<vmem>> -> memref<1x40xi32, #tpu.memory_space<vmem>>
          %dma_start3A_151 = tpu.memref_squeeze %dma_start3A_150 : memref<1x40xi32, #tpu.memory_space<vmem>> -> memref<40xi32, #tpu.memory_space<vmem>>
          %dma_start3A_152 = arith.constant 0 : i32
          %dma_start3A_153 = arith.constant 0 : i32
          %dma_start3A_154 = tpu.memref_slice %arg2[%dma_start3A_152, %dma_start3A_153] : memref<10000x256xf32, #tpu.memory_space<hbm>> -> memref<10000x256xf32, #tpu.memory_space<hbm>>
          %dma_start3A_155 = tpu.memref_slice %arg12[%dma_start3A_144] : memref<2x!tpu.dma_semaphore, #tpu.memory_space<semaphore_mem>> -> memref<1x!tpu.dma_semaphore, #tpu.memory_space<semaphore_mem>>
          %dma_start3A_156 = tpu.memref_squeeze %dma_start3A_155 : memref<1x!tpu.dma_semaphore, #tpu.memory_space<semaphore_mem>> -> memref<!tpu.dma_semaphore, #tpu.memory_space<semaphore_mem>>
          tpu.enqueue_indirect_dma source(%dma_start3A_154 : memref<10000x256xf32, #tpu.memory_space<hbm>>) target(%dma_start3A_148 : memref<40x256xf32, #tpu.memory_space<vmem>>) offsets(%dma_start3A_151 : memref<40xi32, #tpu.memory_space<vmem>>) semaphore(%dma_start3A_156 : memref<!tpu.dma_semaphore, #tpu.memory_space<semaphore_mem>>)
          %add3A_157 = arith.constant 1 : i32
          %add3A_158 = arith.addi %scan3A_108, %add3A_157 : i32
          %dma_start3A_159 = arith.constant 0 : i32
          %dma_start3A_160 = arith.constant 0 : i32
          %dma_start3A_161 = arith.constant 0 : i32
          %dma_start3A_162 = arith.constant 0 : i32
          %dma_start3A_163 = tpu.memref_slice %arg11[%dma_start3A_159, %dma_start3A_161, %dma_start3A_162] : memref<2x40x256xf32, #tpu.memory_space<vmem>> -> memref<1x40x256xf32, #tpu.memory_space<vmem>>
          %dma_start3A_164 = tpu.memref_squeeze %dma_start3A_163 : memref<1x40x256xf32, #tpu.memory_space<vmem>> -> memref<40x256xf32, #tpu.memory_space<vmem>>
          %dma_start3A_165 = arith.constant 0 : i32
          %dma_start3A_166 = tpu.memref_slice %arg9[%add3A_158, %dma_start3A_165] : memref<125x40xi32, #tpu.memory_space<vmem>> -> memref<1x40xi32, #tpu.memory_space<vmem>>
          %dma_start3A_167 = tpu.memref_squeeze %dma_start3A_166 : memref<1x40xi32, #tpu.memory_space<vmem>> -> memref<40xi32, #tpu.memory_space<vmem>>
          %dma_start3A_168 = arith.constant 0 : i32
          %dma_start3A_169 = arith.constant 0 : i32
          %dma_start3A_170 = tpu.memref_slice %arg3[%dma_start3A_168, %dma_start3A_169] : memref<10000x256xf32, #tpu.memory_space<hbm>> -> memref<10000x256xf32, #tpu.memory_space<hbm>>
          %dma_start3A_171 = tpu.memref_slice %arg13[%dma_start3A_160] : memref<2x!tpu.dma_semaphore, #tpu.memory_space<semaphore_mem>> -> memref<1x!tpu.dma_semaphore, #tpu.memory_space<semaphore_mem>>
          %dma_start3A_172 = tpu.memref_squeeze %dma_start3A_171 : memref<1x!tpu.dma_semaphore, #tpu.memory_space<semaphore_mem>> -> memref<!tpu.dma_semaphore, #tpu.memory_space<semaphore_mem>>
          tpu.enqueue_indirect_dma source(%dma_start3A_170 : memref<10000x256xf32, #tpu.memory_space<hbm>>) target(%dma_start3A_164 : memref<40x256xf32, #tpu.memory_space<vmem>>) offsets(%dma_start3A_167 : memref<40xi32, #tpu.memory_space<vmem>>) semaphore(%dma_start3A_172 : memref<!tpu.dma_semaphore, #tpu.memory_space<semaphore_mem>>)
        } else {
        }
        %eq3A_132 = arith.constant 1 : i32
        %eq3A_133 = arith.cmpi eq, %rem3A_126, %eq3A_132 : i32
        %convert_element_type3A_134 = arith.extui %eq3A_133 : i1 to i32
        %cond3A_135 = arith.constant 0 : i32
        %cond3A_136 = arith.cmpi ne, %convert_element_type3A_134, %cond3A_135 : i32
        scf.if %cond3A_136 {
          %ge3A = arith.constant 1 : i32
          %ge3A_137 = arith.cmpi sge, %scan3A_108, %ge3A : i32
          %convert_element_type3A_138 = arith.extui %ge3A_137 : i1 to i32
          %cond3A_139 = arith.constant 0 : i32
          %cond3A_140 = arith.cmpi ne, %convert_element_type3A_138, %cond3A_139 : i32
          scf.if %cond3A_140 {
            %dma_wait3A_173 = arith.constant 1 : i32
            %dma_wait3A_174 = arith.constant 1 : i32
            %dma_wait3A_175 = arith.constant 0 : i32
            %dma_wait3A_176 = arith.constant 0 : i32
            %dma_wait3A_177 = tpu.memref_slice %arg10[%dma_wait3A_173, %dma_wait3A_175, %dma_wait3A_176] : memref<2x40x256xf32, #tpu.memory_space<vmem>> -> memref<1x40x256xf32, #tpu.memory_space<vmem>>
            %dma_wait3A_178 = tpu.memref_squeeze %dma_wait3A_177 : memref<1x40x256xf32, #tpu.memory_space<vmem>> -> memref<40x256xf32, #tpu.memory_space<vmem>>
            %dma_wait3A_179 = arith.constant 0 : i32
            %dma_wait3A_180 = arith.constant 0 : i32
            %dma_wait3A_181 = tpu.memref_slice %arg6[%dma_wait3A_179, %dma_wait3A_180] : memref<160000x256xf32, #tpu.memory_space<hbm>> -> memref<40x256xf32, #tpu.memory_space<hbm>>
            %dma_wait3A_182 = tpu.memref_slice %arg14[%dma_wait3A_174] : memref<2x!tpu.dma_semaphore, #tpu.memory_space<semaphore_mem>> -> memref<1x!tpu.dma_semaphore, #tpu.memory_space<semaphore_mem>>
            %dma_wait3A_183 = tpu.memref_squeeze %dma_wait3A_182 : memref<1x!tpu.dma_semaphore, #tpu.memory_space<semaphore_mem>> -> memref<!tpu.dma_semaphore, #tpu.memory_space<semaphore_mem>>
            %dma_wait3A_184 = arith.constant 0 : i32
            %dma_wait3A_185 = arith.constant 0 : i32
            %dma_wait3A_186 = tpu.memref_slice %arg6[%dma_wait3A_184, %dma_wait3A_185] : memref<160000x256xf32, #tpu.memory_space<hbm>> -> memref<40x256xf32, #tpu.memory_space<hbm>>
            %dma_wait3A_187 = arith.constant 0 : i32
            %dma_wait3A_188 = arith.constant 0 : i32
            %dma_wait3A_189 = tpu.memref_slice %arg10[%dma_wait3A_173, %dma_wait3A_187, %dma_wait3A_188] : memref<2x40x256xf32, #tpu.memory_space<vmem>> -> memref<1x40x256xf32, #tpu.memory_space<vmem>>
            %dma_wait3A_190 = tpu.memref_squeeze %dma_wait3A_189 : memref<1x40x256xf32, #tpu.memory_space<vmem>> -> memref<40x256xf32, #tpu.memory_space<vmem>>
            tpu.wait_dma2 semaphore(%dma_wait3A_183 : memref<!tpu.dma_semaphore, #tpu.memory_space<semaphore_mem>>) src(%dma_wait3A_190 : memref<40x256xf32, #tpu.memory_space<vmem>>) dst(%dma_wait3A_186 : memref<40x256xf32, #tpu.memory_space<hbm>>)
            %dma_wait3A_191 = arith.constant 1 : i32
            %dma_wait3A_192 = arith.constant 1 : i32
            %dma_wait3A_193 = arith.constant 0 : i32
            %dma_wait3A_194 = arith.constant 0 : i32
            %dma_wait3A_195 = tpu.memref_slice %arg11[%dma_wait3A_191, %dma_wait3A_193, %dma_wait3A_194] : memref<2x40x256xf32, #tpu.memory_space<vmem>> -> memref<1x40x256xf32, #tpu.memory_space<vmem>>
            %dma_wait3A_196 = tpu.memref_squeeze %dma_wait3A_195 : memref<1x40x256xf32, #tpu.memory_space<vmem>> -> memref<40x256xf32, #tpu.memory_space<vmem>>
            %dma_wait3A_197 = arith.constant 0 : i32
            %dma_wait3A_198 = arith.constant 0 : i32
            %dma_wait3A_199 = tpu.memref_slice %arg7[%dma_wait3A_197, %dma_wait3A_198] : memref<160000x256xf32, #tpu.memory_space<hbm>> -> memref<40x256xf32, #tpu.memory_space<hbm>>
            %dma_wait3A_200 = tpu.memref_slice %arg15[%dma_wait3A_192] : memref<2x!tpu.dma_semaphore, #tpu.memory_space<semaphore_mem>> -> memref<1x!tpu.dma_semaphore, #tpu.memory_space<semaphore_mem>>
            %dma_wait3A_201 = tpu.memref_squeeze %dma_wait3A_200 : memref<1x!tpu.dma_semaphore, #tpu.memory_space<semaphore_mem>> -> memref<!tpu.dma_semaphore, #tpu.memory_space<semaphore_mem>>
            %dma_wait3A_202 = arith.constant 0 : i32
            %dma_wait3A_203 = arith.constant 0 : i32
            %dma_wait3A_204 = tpu.memref_slice %arg7[%dma_wait3A_202, %dma_wait3A_203] : memref<160000x256xf32, #tpu.memory_space<hbm>> -> memref<40x256xf32, #tpu.memory_space<hbm>>
            %dma_wait3A_205 = arith.constant 0 : i32
            %dma_wait3A_206 = arith.constant 0 : i32
            %dma_wait3A_207 = tpu.memref_slice %arg11[%dma_wait3A_191, %dma_wait3A_205, %dma_wait3A_206] : memref<2x40x256xf32, #tpu.memory_space<vmem>> -> memref<1x40x256xf32, #tpu.memory_space<vmem>>
            %dma_wait3A_208 = tpu.memref_squeeze %dma_wait3A_207 : memref<1x40x256xf32, #tpu.memory_space<vmem>> -> memref<40x256xf32, #tpu.memory_space<vmem>>
            tpu.wait_dma2 semaphore(%dma_wait3A_201 : memref<!tpu.dma_semaphore, #tpu.memory_space<semaphore_mem>>) src(%dma_wait3A_208 : memref<40x256xf32, #tpu.memory_space<vmem>>) dst(%dma_wait3A_204 : memref<40x256xf32, #tpu.memory_space<hbm>>)
          } else {
          }
          %add3A_141 = arith.constant 1 : i32
          %add3A_142 = arith.addi %scan3A_108, %add3A_141 : i32
          %dma_start3A_143 = arith.constant 1 : i32
          %dma_start3A_144 = arith.constant 1 : i32
          %dma_start3A_145 = arith.constant 0 : i32
          %dma_start3A_146 = arith.constant 0 : i32
          %dma_start3A_147 = tpu.memref_slice %arg10[%dma_start3A_143, %dma_start3A_145, %dma_start3A_146] : memref<2x40x256xf32, #tpu.memory_space<vmem>> -> memref<1x40x256xf32, #tpu.memory_space<vmem>>
          %dma_start3A_148 = tpu.memref_squeeze %dma_start3A_147 : memref<1x40x256xf32, #tpu.memory_space<vmem>> -> memref<40x256xf32, #tpu.memory_space<vmem>>
          %dma_start3A_149 = arith.constant 0 : i32
          %dma_start3A_150 = tpu.memref_slice %arg8[%add3A_142, %dma_start3A_149] : memref<125x40xi32, #tpu.memory_space<vmem>> -> memref<1x40xi32, #tpu.memory_space<vmem>>
          %dma_start3A_151 = tpu.memref_squeeze %dma_start3A_150 : memref<1x40xi32, #tpu.memory_space<vmem>> -> memref<40xi32, #tpu.memory_space<vmem>>
          %dma_start3A_152 = arith.constant 0 : i32
          %dma_start3A_153 = arith.constant 0 : i32
          %dma_start3A_154 = tpu.memref_slice %arg2[%dma_start3A_152, %dma_start3A_153] : memref<10000x256xf32, #tpu.memory_space<hbm>> -> memref<10000x256xf32, #tpu.memory_space<hbm>>
          %dma_start3A_155 = tpu.memref_slice %arg12[%dma_start3A_144] : memref<2x!tpu.dma_semaphore, #tpu.memory_space<semaphore_mem>> -> memref<1x!tpu.dma_semaphore, #tpu.memory_space<semaphore_mem>>
          %dma_start3A_156 = tpu.memref_squeeze %dma_start3A_155 : memref<1x!tpu.dma_semaphore, #tpu.memory_space<semaphore_mem>> -> memref<!tpu.dma_semaphore, #tpu.memory_space<semaphore_mem>>
          tpu.enqueue_indirect_dma source(%dma_start3A_154 : memref<10000x256xf32, #tpu.memory_space<hbm>>) target(%dma_start3A_148 : memref<40x256xf32, #tpu.memory_space<vmem>>) offsets(%dma_start3A_151 : memref<40xi32, #tpu.memory_space<vmem>>) semaphore(%dma_start3A_156 : memref<!tpu.dma_semaphore, #tpu.memory_space<semaphore_mem>>)
          %add3A_157 = arith.constant 1 : i32
          %add3A_158 = arith.addi %scan3A_108, %add3A_157 : i32
          %dma_start3A_159 = arith.constant 1 : i32
          %dma_start3A_160 = arith.constant 1 : i32
          %dma_start3A_161 = arith.constant 0 : i32
          %dma_start3A_162 = arith.constant 0 : i32
          %dma_start3A_163 = tpu.memref_slice %arg11[%dma_start3A_159, %dma_start3A_161, %dma_start3A_162] : memref<2x40x256xf32, #tpu.memory_space<vmem>> -> memref<1x40x256xf32, #tpu.memory_space<vmem>>
          %dma_start3A_164 = tpu.memref_squeeze %dma_start3A_163 : memref<1x40x256xf32, #tpu.memory_space<vmem>> -> memref<40x256xf32, #tpu.memory_space<vmem>>
          %dma_start3A_165 = arith.constant 0 : i32
          %dma_start3A_166 = tpu.memref_slice %arg9[%add3A_158, %dma_start3A_165] : memref<125x40xi32, #tpu.memory_space<vmem>> -> memref<1x40xi32, #tpu.memory_space<vmem>>
          %dma_start3A_167 = tpu.memref_squeeze %dma_start3A_166 : memref<1x40xi32, #tpu.memory_space<vmem>> -> memref<40xi32, #tpu.memory_space<vmem>>
          %dma_start3A_168 = arith.constant 0 : i32
          %dma_start3A_169 = arith.constant 0 : i32
          %dma_start3A_170 = tpu.memref_slice %arg3[%dma_start3A_168, %dma_start3A_169] : memref<10000x256xf32, #tpu.memory_space<hbm>> -> memref<10000x256xf32, #tpu.memory_space<hbm>>
          %dma_start3A_171 = tpu.memref_slice %arg13[%dma_start3A_160] : memref<2x!tpu.dma_semaphore, #tpu.memory_space<semaphore_mem>> -> memref<1x!tpu.dma_semaphore, #tpu.memory_space<semaphore_mem>>
          %dma_start3A_172 = tpu.memref_squeeze %dma_start3A_171 : memref<1x!tpu.dma_semaphore, #tpu.memory_space<semaphore_mem>> -> memref<!tpu.dma_semaphore, #tpu.memory_space<semaphore_mem>>
          tpu.enqueue_indirect_dma source(%dma_start3A_170 : memref<10000x256xf32, #tpu.memory_space<hbm>>) target(%dma_start3A_164 : memref<40x256xf32, #tpu.memory_space<vmem>>) offsets(%dma_start3A_167 : memref<40xi32, #tpu.memory_space<vmem>>) semaphore(%dma_start3A_172 : memref<!tpu.dma_semaphore, #tpu.memory_space<semaphore_mem>>)
        } else {
        }
      } else {
      }
      %eq3A = arith.constant 0 : i32
      %eq3A_114 = arith.cmpi eq, %rem3A_109, %eq3A : i32
      %convert_element_type3A_115 = arith.extui %eq3A_114 : i1 to i32
      %cond3A_116 = arith.constant 0 : i32
      %cond3A_117 = arith.cmpi ne, %convert_element_type3A_115, %cond3A_116 : i32
      scf.if %cond3A_117 {
        %dma_wait3A_123 = arith.constant 0 : i32
        %dma_wait3A_124 = arith.constant 0 : i32
        %dma_wait3A_125 = arith.constant 0 : i32
        %dma_wait3A_126 = arith.constant 0 : i32
        %dma_wait3A_127 = tpu.memref_slice %arg10[%dma_wait3A_123, %dma_wait3A_125, %dma_wait3A_126] : memref<2x40x256xf32, #tpu.memory_space<vmem>> -> memref<1x40x256xf32, #tpu.memory_space<vmem>>
        %dma_wait3A_128 = tpu.memref_squeeze %dma_wait3A_127 : memref<1x40x256xf32, #tpu.memory_space<vmem>> -> memref<40x256xf32, #tpu.memory_space<vmem>>
        %dma_wait3A_129 = arith.constant 0 : i32
        %dma_wait3A_130 = tpu.memref_slice %arg8[%scan3A_108, %dma_wait3A_129] : memref<125x40xi32, #tpu.memory_space<vmem>> -> memref<1x40xi32, #tpu.memory_space<vmem>>
        %dma_wait3A_131 = tpu.memref_squeeze %dma_wait3A_130 : memref<1x40xi32, #tpu.memory_space<vmem>> -> memref<40xi32, #tpu.memory_space<vmem>>
        %dma_wait3A_132 = arith.constant 0 : i32
        %dma_wait3A_133 = arith.constant 0 : i32
        %dma_wait3A_134 = tpu.memref_slice %arg2[%dma_wait3A_132, %dma_wait3A_133] : memref<10000x256xf32, #tpu.memory_space<hbm>> -> memref<10000x256xf32, #tpu.memory_space<hbm>>
        %dma_wait3A_135 = tpu.memref_slice %arg12[%dma_wait3A_124] : memref<2x!tpu.dma_semaphore, #tpu.memory_space<semaphore_mem>> -> memref<1x!tpu.dma_semaphore, #tpu.memory_space<semaphore_mem>>
        %dma_wait3A_136 = tpu.memref_squeeze %dma_wait3A_135 : memref<1x!tpu.dma_semaphore, #tpu.memory_space<semaphore_mem>> -> memref<!tpu.dma_semaphore, #tpu.memory_space<semaphore_mem>>
        tpu.wait_indirect_dma semaphore(%dma_wait3A_136 : memref<!tpu.dma_semaphore, #tpu.memory_space<semaphore_mem>>) src(%dma_wait3A_134 : memref<10000x256xf32, #tpu.memory_space<hbm>>) dst(%dma_wait3A_128 : memref<40x256xf32, #tpu.memory_space<vmem>>)
        %dma_wait3A_137 = arith.constant 0 : i32
        %dma_wait3A_138 = arith.constant 0 : i32
        %dma_wait3A_139 = arith.constant 0 : i32
        %dma_wait3A_140 = arith.constant 0 : i32
        %dma_wait3A_141 = tpu.memref_slice %arg11[%dma_wait3A_137, %dma_wait3A_139, %dma_wait3A_140] : memref<2x40x256xf32, #tpu.memory_space<vmem>> -> memref<1x40x256xf32, #tpu.memory_space<vmem>>
        %dma_wait3A_142 = tpu.memref_squeeze %dma_wait3A_141 : memref<1x40x256xf32, #tpu.memory_space<vmem>> -> memref<40x256xf32, #tpu.memory_space<vmem>>
        %dma_wait3A_143 = arith.constant 0 : i32
        %dma_wait3A_144 = tpu.memref_slice %arg9[%scan3A_108, %dma_wait3A_143] : memref<125x40xi32, #tpu.memory_space<vmem>> -> memref<1x40xi32, #tpu.memory_space<vmem>>
        %dma_wait3A_145 = tpu.memref_squeeze %dma_wait3A_144 : memref<1x40xi32, #tpu.memory_space<vmem>> -> memref<40xi32, #tpu.memory_space<vmem>>
        %dma_wait3A_146 = arith.constant 0 : i32
        %dma_wait3A_147 = arith.constant 0 : i32
        %dma_wait3A_148 = tpu.memref_slice %arg3[%dma_wait3A_146, %dma_wait3A_147] : memref<10000x256xf32, #tpu.memory_space<hbm>> -> memref<10000x256xf32, #tpu.memory_space<hbm>>
        %dma_wait3A_149 = tpu.memref_slice %arg13[%dma_wait3A_138] : memref<2x!tpu.dma_semaphore, #tpu.memory_space<semaphore_mem>> -> memref<1x!tpu.dma_semaphore, #tpu.memory_space<semaphore_mem>>
        %dma_wait3A_150 = tpu.memref_squeeze %dma_wait3A_149 : memref<1x!tpu.dma_semaphore, #tpu.memory_space<semaphore_mem>> -> memref<!tpu.dma_semaphore, #tpu.memory_space<semaphore_mem>>
        tpu.wait_indirect_dma semaphore(%dma_wait3A_150 : memref<!tpu.dma_semaphore, #tpu.memory_space<semaphore_mem>>) src(%dma_wait3A_148 : memref<10000x256xf32, #tpu.memory_space<hbm>>) dst(%dma_wait3A_142 : memref<40x256xf32, #tpu.memory_space<vmem>>)
        %mul3A_151 = arith.constant 40 : i32
        %mul3A_152 = arith.muli %scan3A_108, %mul3A_151 : i32
        %add3A_153 = arith.addi %mul3A_2, %mul3A_152 : i32
        %dma_start3A_154 = arith.constant 0 : i32
        %dma_start3A_155 = arith.constant 0 : i32
        %dma_start3A_156 = arith.constant 0 : i32
        %dma_start3A_157 = arith.constant 0 : i32
        %dma_start3A_158 = tpu.memref_slice %arg10[%dma_start3A_154, %dma_start3A_156, %dma_start3A_157] : memref<2x40x256xf32, #tpu.memory_space<vmem>> -> memref<1x40x256xf32, #tpu.memory_space<vmem>>
        %dma_start3A_159 = tpu.memref_squeeze %dma_start3A_158 : memref<1x40x256xf32, #tpu.memory_space<vmem>> -> memref<40x256xf32, #tpu.memory_space<vmem>>
        %dma_start3A_160 = arith.constant 0 : i32
        %dma_start3A_161 = tpu.memref_slice %arg6[%add3A_153, %dma_start3A_160] : memref<160000x256xf32, #tpu.memory_space<hbm>> -> memref<40x256xf32, #tpu.memory_space<hbm>>
        %dma_start3A_162 = tpu.memref_slice %arg14[%dma_start3A_155] : memref<2x!tpu.dma_semaphore, #tpu.memory_space<semaphore_mem>> -> memref<1x!tpu.dma_semaphore, #tpu.memory_space<semaphore_mem>>
        %dma_start3A_163 = tpu.memref_squeeze %dma_start3A_162 : memref<1x!tpu.dma_semaphore, #tpu.memory_space<semaphore_mem>> -> memref<!tpu.dma_semaphore, #tpu.memory_space<semaphore_mem>>
        %dma_start3A_164 = arith.constant 0 : i32
        %dma_start3A_165 = tpu.memref_slice %arg6[%add3A_153, %dma_start3A_164] : memref<160000x256xf32, #tpu.memory_space<hbm>> -> memref<40x256xf32, #tpu.memory_space<hbm>>
        %dma_start3A_166 = arith.constant 0 : i32
        %dma_start3A_167 = arith.constant 0 : i32
        %dma_start3A_168 = tpu.memref_slice %arg10[%dma_start3A_154, %dma_start3A_166, %dma_start3A_167] : memref<2x40x256xf32, #tpu.memory_space<vmem>> -> memref<1x40x256xf32, #tpu.memory_space<vmem>>
        %dma_start3A_169 = tpu.memref_squeeze %dma_start3A_168 : memref<1x40x256xf32, #tpu.memory_space<vmem>> -> memref<40x256xf32, #tpu.memory_space<vmem>>
        tpu.enqueue_dma source(%dma_start3A_169 : memref<40x256xf32, #tpu.memory_space<vmem>>) target(%dma_start3A_165 : memref<40x256xf32, #tpu.memory_space<hbm>>) target_semaphore(%dma_start3A_163 : memref<!tpu.dma_semaphore, #tpu.memory_space<semaphore_mem>>)
        %mul3A_170 = arith.constant 40 : i32
        %mul3A_171 = arith.muli %scan3A_108, %mul3A_170 : i32
        %add3A_172 = arith.addi %mul3A_2, %mul3A_171 : i32
        %dma_start3A_173 = arith.constant 0 : i32
        %dma_start3A_174 = arith.constant 0 : i32
        %dma_start3A_175 = arith.constant 0 : i32
        %dma_start3A_176 = arith.constant 0 : i32
        %dma_start3A_177 = tpu.memref_slice %arg11[%dma_start3A_173, %dma_start3A_175, %dma_start3A_176] : memref<2x40x256xf32, #tpu.memory_space<vmem>> -> memref<1x40x256xf32, #tpu.memory_space<vmem>>
        %dma_start3A_178 = tpu.memref_squeeze %dma_start3A_177 : memref<1x40x256xf32, #tpu.memory_space<vmem>> -> memref<40x256xf32, #tpu.memory_space<vmem>>
        %dma_start3A_179 = arith.constant 0 : i32
        %dma_start3A_180 = tpu.memref_slice %arg7[%add3A_172, %dma_start3A_179] : memref<160000x256xf32, #tpu.memory_space<hbm>> -> memref<40x256xf32, #tpu.memory_space<hbm>>
        %dma_start3A_181 = tpu.memref_slice %arg15[%dma_start3A_174] : memref<2x!tpu.dma_semaphore, #tpu.memory_space<semaphore_mem>> -> memref<1x!tpu.dma_semaphore, #tpu.memory_space<semaphore_mem>>
        %dma_start3A_182 = tpu.memref_squeeze %dma_start3A_181 : memref<1x!tpu.dma_semaphore, #tpu.memory_space<semaphore_mem>> -> memref<!tpu.dma_semaphore, #tpu.memory_space<semaphore_mem>>
        %dma_start3A_183 = arith.constant 0 : i32
        %dma_start3A_184 = tpu.memref_slice %arg7[%add3A_172, %dma_start3A_183] : memref<160000x256xf32, #tpu.memory_space<hbm>> -> memref<40x256xf32, #tpu.memory_space<hbm>>
        %dma_start3A_185 = arith.constant 0 : i32
        %dma_start3A_186 = arith.constant 0 : i32
        %dma_start3A_187 = tpu.memref_slice %arg11[%dma_start3A_173, %dma_start3A_185, %dma_start3A_186] : memref<2x40x256xf32, #tpu.memory_space<vmem>> -> memref<1x40x256xf32, #tpu.memory_space<vmem>>
        %dma_start3A_188 = tpu.memref_squeeze %dma_start3A_187 : memref<1x40x256xf32, #tpu.memory_space<vmem>> -> memref<40x256xf32, #tpu.memory_space<vmem>>
        tpu.enqueue_dma source(%dma_start3A_188 : memref<40x256xf32, #tpu.memory_space<vmem>>) target(%dma_start3A_184 : memref<40x256xf32, #tpu.memory_space<hbm>>) target_semaphore(%dma_start3A_182 : memref<!tpu.dma_semaphore, #tpu.memory_space<semaphore_mem>>)
      } else {
      }
      %eq3A_118 = arith.constant 1 : i32
      %eq3A_119 = arith.cmpi eq, %rem3A_109, %eq3A_118 : i32
      %convert_element_type3A_120 = arith.extui %eq3A_119 : i1 to i32
      %cond3A_121 = arith.constant 0 : i32
      %cond3A_122 = arith.cmpi ne, %convert_element_type3A_120, %cond3A_121 : i32
      scf.if %cond3A_122 {
        %dma_wait3A_123 = arith.constant 1 : i32
        %dma_wait3A_124 = arith.constant 1 : i32
        %dma_wait3A_125 = arith.constant 0 : i32
        %dma_wait3A_126 = arith.constant 0 : i32
        %dma_wait3A_127 = tpu.memref_slice %arg10[%dma_wait3A_123, %dma_wait3A_125, %dma_wait3A_126] : memref<2x40x256xf32, #tpu.memory_space<vmem>> -> memref<1x40x256xf32, #tpu.memory_space<vmem>>
        %dma_wait3A_128 = tpu.memref_squeeze %dma_wait3A_127 : memref<1x40x256xf32, #tpu.memory_space<vmem>> -> memref<40x256xf32, #tpu.memory_space<vmem>>
        %dma_wait3A_129 = arith.constant 0 : i32
        %dma_wait3A_130 = tpu.memref_slice %arg8[%scan3A_108, %dma_wait3A_129] : memref<125x40xi32, #tpu.memory_space<vmem>> -> memref<1x40xi32, #tpu.memory_space<vmem>>
        %dma_wait3A_131 = tpu.memref_squeeze %dma_wait3A_130 : memref<1x40xi32, #tpu.memory_space<vmem>> -> memref<40xi32, #tpu.memory_space<vmem>>
        %dma_wait3A_132 = arith.constant 0 : i32
        %dma_wait3A_133 = arith.constant 0 : i32
        %dma_wait3A_134 = tpu.memref_slice %arg2[%dma_wait3A_132, %dma_wait3A_133] : memref<10000x256xf32, #tpu.memory_space<hbm>> -> memref<10000x256xf32, #tpu.memory_space<hbm>>
        %dma_wait3A_135 = tpu.memref_slice %arg12[%dma_wait3A_124] : memref<2x!tpu.dma_semaphore, #tpu.memory_space<semaphore_mem>> -> memref<1x!tpu.dma_semaphore, #tpu.memory_space<semaphore_mem>>
        %dma_wait3A_136 = tpu.memref_squeeze %dma_wait3A_135 : memref<1x!tpu.dma_semaphore, #tpu.memory_space<semaphore_mem>> -> memref<!tpu.dma_semaphore, #tpu.memory_space<semaphore_mem>>
        tpu.wait_indirect_dma semaphore(%dma_wait3A_136 : memref<!tpu.dma_semaphore, #tpu.memory_space<semaphore_mem>>) src(%dma_wait3A_134 : memref<10000x256xf32, #tpu.memory_space<hbm>>) dst(%dma_wait3A_128 : memref<40x256xf32, #tpu.memory_space<vmem>>)
        %dma_wait3A_137 = arith.constant 1 : i32
        %dma_wait3A_138 = arith.constant 1 : i32
        %dma_wait3A_139 = arith.constant 0 : i32
        %dma_wait3A_140 = arith.constant 0 : i32
        %dma_wait3A_141 = tpu.memref_slice %arg11[%dma_wait3A_137, %dma_wait3A_139, %dma_wait3A_140] : memref<2x40x256xf32, #tpu.memory_space<vmem>> -> memref<1x40x256xf32, #tpu.memory_space<vmem>>
        %dma_wait3A_142 = tpu.memref_squeeze %dma_wait3A_141 : memref<1x40x256xf32, #tpu.memory_space<vmem>> -> memref<40x256xf32, #tpu.memory_space<vmem>>
        %dma_wait3A_143 = arith.constant 0 : i32
        %dma_wait3A_144 = tpu.memref_slice %arg9[%scan3A_108, %dma_wait3A_143] : memref<125x40xi32, #tpu.memory_space<vmem>> -> memref<1x40xi32, #tpu.memory_space<vmem>>
        %dma_wait3A_145 = tpu.memref_squeeze %dma_wait3A_144 : memref<1x40xi32, #tpu.memory_space<vmem>> -> memref<40xi32, #tpu.memory_space<vmem>>
        %dma_wait3A_146 = arith.constant 0 : i32
        %dma_wait3A_147 = arith.constant 0 : i32
        %dma_wait3A_148 = tpu.memref_slice %arg3[%dma_wait3A_146, %dma_wait3A_147] : memref<10000x256xf32, #tpu.memory_space<hbm>> -> memref<10000x256xf32, #tpu.memory_space<hbm>>
        %dma_wait3A_149 = tpu.memref_slice %arg13[%dma_wait3A_138] : memref<2x!tpu.dma_semaphore, #tpu.memory_space<semaphore_mem>> -> memref<1x!tpu.dma_semaphore, #tpu.memory_space<semaphore_mem>>
        %dma_wait3A_150 = tpu.memref_squeeze %dma_wait3A_149 : memref<1x!tpu.dma_semaphore, #tpu.memory_space<semaphore_mem>> -> memref<!tpu.dma_semaphore, #tpu.memory_space<semaphore_mem>>
        tpu.wait_indirect_dma semaphore(%dma_wait3A_150 : memref<!tpu.dma_semaphore, #tpu.memory_space<semaphore_mem>>) src(%dma_wait3A_148 : memref<10000x256xf32, #tpu.memory_space<hbm>>) dst(%dma_wait3A_142 : memref<40x256xf32, #tpu.memory_space<vmem>>)
        %mul3A_151 = arith.constant 40 : i32
        %mul3A_152 = arith.muli %scan3A_108, %mul3A_151 : i32
        %add3A_153 = arith.addi %mul3A_2, %mul3A_152 : i32
        %dma_start3A_154 = arith.constant 1 : i32
        %dma_start3A_155 = arith.constant 1 : i32
        %dma_start3A_156 = arith.constant 0 : i32
        %dma_start3A_157 = arith.constant 0 : i32
        %dma_start3A_158 = tpu.memref_slice %arg10[%dma_start3A_154, %dma_start3A_156, %dma_start3A_157] : memref<2x40x256xf32, #tpu.memory_space<vmem>> -> memref<1x40x256xf32, #tpu.memory_space<vmem>>
        %dma_start3A_159 = tpu.memref_squeeze %dma_start3A_158 : memref<1x40x256xf32, #tpu.memory_space<vmem>> -> memref<40x256xf32, #tpu.memory_space<vmem>>
        %dma_start3A_160 = arith.constant 0 : i32
        %dma_start3A_161 = tpu.memref_slice %arg6[%add3A_153, %dma_start3A_160] : memref<160000x256xf32, #tpu.memory_space<hbm>> -> memref<40x256xf32, #tpu.memory_space<hbm>>
        %dma_start3A_162 = tpu.memref_slice %arg14[%dma_start3A_155] : memref<2x!tpu.dma_semaphore, #tpu.memory_space<semaphore_mem>> -> memref<1x!tpu.dma_semaphore, #tpu.memory_space<semaphore_mem>>
        %dma_start3A_163 = tpu.memref_squeeze %dma_start3A_162 : memref<1x!tpu.dma_semaphore, #tpu.memory_space<semaphore_mem>> -> memref<!tpu.dma_semaphore, #tpu.memory_space<semaphore_mem>>
        %dma_start3A_164 = arith.constant 0 : i32
        %dma_start3A_165 = tpu.memref_slice %arg6[%add3A_153, %dma_start3A_164] : memref<160000x256xf32, #tpu.memory_space<hbm>> -> memref<40x256xf32, #tpu.memory_space<hbm>>
        %dma_start3A_166 = arith.constant 0 : i32
        %dma_start3A_167 = arith.constant 0 : i32
        %dma_start3A_168 = tpu.memref_slice %arg10[%dma_start3A_154, %dma_start3A_166, %dma_start3A_167] : memref<2x40x256xf32, #tpu.memory_space<vmem>> -> memref<1x40x256xf32, #tpu.memory_space<vmem>>
        %dma_start3A_169 = tpu.memref_squeeze %dma_start3A_168 : memref<1x40x256xf32, #tpu.memory_space<vmem>> -> memref<40x256xf32, #tpu.memory_space<vmem>>
        tpu.enqueue_dma source(%dma_start3A_169 : memref<40x256xf32, #tpu.memory_space<vmem>>) target(%dma_start3A_165 : memref<40x256xf32, #tpu.memory_space<hbm>>) target_semaphore(%dma_start3A_163 : memref<!tpu.dma_semaphore, #tpu.memory_space<semaphore_mem>>)
        %mul3A_170 = arith.constant 40 : i32
        %mul3A_171 = arith.muli %scan3A_108, %mul3A_170 : i32
        %add3A_172 = arith.addi %mul3A_2, %mul3A_171 : i32
        %dma_start3A_173 = arith.constant 1 : i32
        %dma_start3A_174 = arith.constant 1 : i32
        %dma_start3A_175 = arith.constant 0 : i32
        %dma_start3A_176 = arith.constant 0 : i32
        %dma_start3A_177 = tpu.memref_slice %arg11[%dma_start3A_173, %dma_start3A_175, %dma_start3A_176] : memref<2x40x256xf32, #tpu.memory_space<vmem>> -> memref<1x40x256xf32, #tpu.memory_space<vmem>>
        %dma_start3A_178 = tpu.memref_squeeze %dma_start3A_177 : memref<1x40x256xf32, #tpu.memory_space<vmem>> -> memref<40x256xf32, #tpu.memory_space<vmem>>
        %dma_start3A_179 = arith.constant 0 : i32
        %dma_start3A_180 = tpu.memref_slice %arg7[%add3A_172, %dma_start3A_179] : memref<160000x256xf32, #tpu.memory_space<hbm>> -> memref<40x256xf32, #tpu.memory_space<hbm>>
        %dma_start3A_181 = tpu.memref_slice %arg15[%dma_start3A_174] : memref<2x!tpu.dma_semaphore, #tpu.memory_space<semaphore_mem>> -> memref<1x!tpu.dma_semaphore, #tpu.memory_space<semaphore_mem>>
        %dma_start3A_182 = tpu.memref_squeeze %dma_start3A_181 : memref<1x!tpu.dma_semaphore, #tpu.memory_space<semaphore_mem>> -> memref<!tpu.dma_semaphore, #tpu.memory_space<semaphore_mem>>
        %dma_start3A_183 = arith.constant 0 : i32
        %dma_start3A_184 = tpu.memref_slice %arg7[%add3A_172, %dma_start3A_183] : memref<160000x256xf32, #tpu.memory_space<hbm>> -> memref<40x256xf32, #tpu.memory_space<hbm>>
        %dma_start3A_185 = arith.constant 0 : i32
        %dma_start3A_186 = arith.constant 0 : i32
        %dma_start3A_187 = tpu.memref_slice %arg11[%dma_start3A_173, %dma_start3A_185, %dma_start3A_186] : memref<2x40x256xf32, #tpu.memory_space<vmem>> -> memref<1x40x256xf32, #tpu.memory_space<vmem>>
        %dma_start3A_188 = tpu.memref_squeeze %dma_start3A_187 : memref<1x40x256xf32, #tpu.memory_space<vmem>> -> memref<40x256xf32, #tpu.memory_space<vmem>>
        tpu.enqueue_dma source(%dma_start3A_188 : memref<40x256xf32, #tpu.memory_space<vmem>>) target(%dma_start3A_184 : memref<40x256xf32, #tpu.memory_space<hbm>>) target_semaphore(%dma_start3A_182 : memref<!tpu.dma_semaphore, #tpu.memory_space<semaphore_mem>>)
      } else {
      }
    }
    %scan3A_36 = arith.constant 125 : i32
    %dma_wait3A = arith.constant 0 : i32
    %dma_wait3A_37 = arith.constant 0 : i32
    %dma_wait3A_38 = arith.constant 0 : i32
    %dma_wait3A_39 = arith.constant 0 : i32
    %dma_wait3A_40 = tpu.memref_slice %arg10[%dma_wait3A, %dma_wait3A_38, %dma_wait3A_39] : memref<2x40x256xf32, #tpu.memory_space<vmem>> -> memref<1x40x256xf32, #tpu.memory_space<vmem>>
    %dma_wait3A_41 = tpu.memref_squeeze %dma_wait3A_40 : memref<1x40x256xf32, #tpu.memory_space<vmem>> -> memref<40x256xf32, #tpu.memory_space<vmem>>
    %dma_wait3A_42 = arith.constant 0 : i32
    %dma_wait3A_43 = arith.constant 0 : i32
    %dma_wait3A_44 = tpu.memref_slice %arg6[%dma_wait3A_42, %dma_wait3A_43] : memref<160000x256xf32, #tpu.memory_space<hbm>> -> memref<40x256xf32, #tpu.memory_space<hbm>>
    %dma_wait3A_45 = tpu.memref_slice %arg14[%dma_wait3A_37] : memref<2x!tpu.dma_semaphore, #tpu.memory_space<semaphore_mem>> -> memref<1x!tpu.dma_semaphore, #tpu.memory_space<semaphore_mem>>
    %dma_wait3A_46 = tpu.memref_squeeze %dma_wait3A_45 : memref<1x!tpu.dma_semaphore, #tpu.memory_space<semaphore_mem>> -> memref<!tpu.dma_semaphore, #tpu.memory_space<semaphore_mem>>
    %dma_wait3A_47 = arith.constant 0 : i32
    %dma_wait3A_48 = arith.constant 0 : i32
    %dma_wait3A_49 = tpu.memref_slice %arg6[%dma_wait3A_47, %dma_wait3A_48] : memref<160000x256xf32, #tpu.memory_space<hbm>> -> memref<40x256xf32, #tpu.memory_space<hbm>>
    %dma_wait3A_50 = arith.constant 0 : i32
    %dma_wait3A_51 = arith.constant 0 : i32
    %dma_wait3A_52 = tpu.memref_slice %arg10[%dma_wait3A, %dma_wait3A_50, %dma_wait3A_51] : memref<2x40x256xf32, #tpu.memory_space<vmem>> -> memref<1x40x256xf32, #tpu.memory_space<vmem>>
    %dma_wait3A_53 = tpu.memref_squeeze %dma_wait3A_52 : memref<1x40x256xf32, #tpu.memory_space<vmem>> -> memref<40x256xf32, #tpu.memory_space<vmem>>
    tpu.wait_dma2 semaphore(%dma_wait3A_46 : memref<!tpu.dma_semaphore, #tpu.memory_space<semaphore_mem>>) src(%dma_wait3A_53 : memref<40x256xf32, #tpu.memory_space<vmem>>) dst(%dma_wait3A_49 : memref<40x256xf32, #tpu.memory_space<hbm>>)
    %dma_wait3A_54 = arith.constant 0 : i32
    %dma_wait3A_55 = arith.constant 0 : i32
    %dma_wait3A_56 = arith.constant 0 : i32
    %dma_wait3A_57 = arith.constant 0 : i32
    %dma_wait3A_58 = tpu.memref_slice %arg11[%dma_wait3A_54, %dma_wait3A_56, %dma_wait3A_57] : memref<2x40x256xf32, #tpu.memory_space<vmem>> -> memref<1x40x256xf32, #tpu.memory_space<vmem>>
    %dma_wait3A_59 = tpu.memref_squeeze %dma_wait3A_58 : memref<1x40x256xf32, #tpu.memory_space<vmem>> -> memref<40x256xf32, #tpu.memory_space<vmem>>
    %dma_wait3A_60 = arith.constant 0 : i32
    %dma_wait3A_61 = arith.constant 0 : i32
    %dma_wait3A_62 = tpu.memref_slice %arg7[%dma_wait3A_60, %dma_wait3A_61] : memref<160000x256xf32, #tpu.memory_space<hbm>> -> memref<40x256xf32, #tpu.memory_space<hbm>>
    %dma_wait3A_63 = tpu.memref_slice %arg15[%dma_wait3A_55] : memref<2x!tpu.dma_semaphore, #tpu.memory_space<semaphore_mem>> -> memref<1x!tpu.dma_semaphore, #tpu.memory_space<semaphore_mem>>
    %dma_wait3A_64 = tpu.memref_squeeze %dma_wait3A_63 : memref<1x!tpu.dma_semaphore, #tpu.memory_space<semaphore_mem>> -> memref<!tpu.dma_semaphore, #tpu.memory_space<semaphore_mem>>
    %dma_wait3A_65 = arith.constant 0 : i32
    %dma_wait3A_66 = arith.constant 0 : i32
    %dma_wait3A_67 = tpu.memref_slice %arg7[%dma_wait3A_65, %dma_wait3A_66] : memref<160000x256xf32, #tpu.memory_space<hbm>> -> memref<40x256xf32, #tpu.memory_space<hbm>>
    %dma_wait3A_68 = arith.constant 0 : i32
    %dma_wait3A_69 = arith.constant 0 : i32
    %dma_wait3A_70 = tpu.memref_slice %arg11[%dma_wait3A_54, %dma_wait3A_68, %dma_wait3A_69] : memref<2x40x256xf32, #tpu.memory_space<vmem>> -> memref<1x40x256xf32, #tpu.memory_space<vmem>>
    %dma_wait3A_71 = tpu.memref_squeeze %dma_wait3A_70 : memref<1x40x256xf32, #tpu.memory_space<vmem>> -> memref<40x256xf32, #tpu.memory_space<vmem>>
    tpu.wait_dma2 semaphore(%dma_wait3A_64 : memref<!tpu.dma_semaphore, #tpu.memory_space<semaphore_mem>>) src(%dma_wait3A_71 : memref<40x256xf32, #tpu.memory_space<vmem>>) dst(%dma_wait3A_67 : memref<40x256xf32, #tpu.memory_space<hbm>>)
    %dma_wait3A_72 = arith.constant 1 : i32
    %dma_wait3A_73 = arith.constant 1 : i32
    %dma_wait3A_74 = arith.constant 0 : i32
    %dma_wait3A_75 = arith.constant 0 : i32
    %dma_wait3A_76 = tpu.memref_slice %arg10[%dma_wait3A_72, %dma_wait3A_74, %dma_wait3A_75] : memref<2x40x256xf32, #tpu.memory_space<vmem>> -> memref<1x40x256xf32, #tpu.memory_space<vmem>>
    %dma_wait3A_77 = tpu.memref_squeeze %dma_wait3A_76 : memref<1x40x256xf32, #tpu.memory_space<vmem>> -> memref<40x256xf32, #tpu.memory_space<vmem>>
    %dma_wait3A_78 = arith.constant 0 : i32
    %dma_wait3A_79 = arith.constant 0 : i32
    %dma_wait3A_80 = tpu.memref_slice %arg6[%dma_wait3A_78, %dma_wait3A_79] : memref<160000x256xf32, #tpu.memory_space<hbm>> -> memref<40x256xf32, #tpu.memory_space<hbm>>
    %dma_wait3A_81 = tpu.memref_slice %arg14[%dma_wait3A_73] : memref<2x!tpu.dma_semaphore, #tpu.memory_space<semaphore_mem>> -> memref<1x!tpu.dma_semaphore, #tpu.memory_space<semaphore_mem>>
    %dma_wait3A_82 = tpu.memref_squeeze %dma_wait3A_81 : memref<1x!tpu.dma_semaphore, #tpu.memory_space<semaphore_mem>> -> memref<!tpu.dma_semaphore, #tpu.memory_space<semaphore_mem>>
    %dma_wait3A_83 = arith.constant 0 : i32
    %dma_wait3A_84 = arith.constant 0 : i32
    %dma_wait3A_85 = tpu.memref_slice %arg6[%dma_wait3A_83, %dma_wait3A_84] : memref<160000x256xf32, #tpu.memory_space<hbm>> -> memref<40x256xf32, #tpu.memory_space<hbm>>
    %dma_wait3A_86 = arith.constant 0 : i32
    %dma_wait3A_87 = arith.constant 0 : i32
    %dma_wait3A_88 = tpu.memref_slice %arg10[%dma_wait3A_72, %dma_wait3A_86, %dma_wait3A_87] : memref<2x40x256xf32, #tpu.memory_space<vmem>> -> memref<1x40x256xf32, #tpu.memory_space<vmem>>
    %dma_wait3A_89 = tpu.memref_squeeze %dma_wait3A_88 : memref<1x40x256xf32, #tpu.memory_space<vmem>> -> memref<40x256xf32, #tpu.memory_space<vmem>>
    tpu.wait_dma2 semaphore(%dma_wait3A_82 : memref<!tpu.dma_semaphore, #tpu.memory_space<semaphore_mem>>) src(%dma_wait3A_89 : memref<40x256xf32, #tpu.memory_space<vmem>>) dst(%dma_wait3A_85 : memref<40x256xf32, #tpu.memory_space<hbm>>)
    %dma_wait3A_90 = arith.constant 1 : i32
    %dma_wait3A_91 = arith.constant 1 : i32
    %dma_wait3A_92 = arith.constant 0 : i32
    %dma_wait3A_93 = arith.constant 0 : i32
    %dma_wait3A_94 = tpu.memref_slice %arg11[%dma_wait3A_90, %dma_wait3A_92, %dma_wait3A_93] : memref<2x40x256xf32, #tpu.memory_space<vmem>> -> memref<1x40x256xf32, #tpu.memory_space<vmem>>
    %dma_wait3A_95 = tpu.memref_squeeze %dma_wait3A_94 : memref<1x40x256xf32, #tpu.memory_space<vmem>> -> memref<40x256xf32, #tpu.memory_space<vmem>>
    %dma_wait3A_96 = arith.constant 0 : i32
    %dma_wait3A_97 = arith.constant 0 : i32
    %dma_wait3A_98 = tpu.memref_slice %arg7[%dma_wait3A_96, %dma_wait3A_97] : memref<160000x256xf32, #tpu.memory_space<hbm>> -> memref<40x256xf32, #tpu.memory_space<hbm>>
    %dma_wait3A_99 = tpu.memref_slice %arg15[%dma_wait3A_91] : memref<2x!tpu.dma_semaphore, #tpu.memory_space<semaphore_mem>> -> memref<1x!tpu.dma_semaphore, #tpu.memory_space<semaphore_mem>>
    %dma_wait3A_100 = tpu.memref_squeeze %dma_wait3A_99 : memref<1x!tpu.dma_semaphore, #tpu.memory_space<semaphore_mem>> -> memref<!tpu.dma_semaphore, #tpu.memory_space<semaphore_mem>>
    %dma_wait3A_101 = arith.constant 0 : i32
    %dma_wait3A_102 = arith.constant 0 : i32
    %dma_wait3A_103 = tpu.memref_slice %arg7[%dma_wait3A_101, %dma_wait3A_102] : memref<160000x256xf32, #tpu.memory_space<hbm>> -> memref<40x256xf32, #tpu.memory_space<hbm>>
    %dma_wait3A_104 = arith.constant 0 : i32
    %dma_wait3A_105 = arith.constant 0 : i32
    %dma_wait3A_106 = tpu.memref_slice %arg11[%dma_wait3A_90, %dma_wait3A_104, %dma_wait3A_105] : memref<2x40x256xf32, #tpu.memory_space<vmem>> -> memref<1x40x256xf32, #tpu.memory_space<vmem>>
    %dma_wait3A_107 = tpu.memref_squeeze %dma_wait3A_106 : memref<1x40x256xf32, #tpu.memory_space<vmem>> -> memref<40x256xf32, #tpu.memory_space<vmem>>
    tpu.wait_dma2 semaphore(%dma_wait3A_100 : memref<!tpu.dma_semaphore, #tpu.memory_space<semaphore_mem>>) src(%dma_wait3A_107 : memref<40x256xf32, #tpu.memory_space<vmem>>) dst(%dma_wait3A_103 : memref<40x256xf32, #tpu.memory_space<hbm>>)
    return
  }
}

#map = affine_map<(d0, d1) -> (0, 0)>
#map1 = affine_map<(d0, d1) -> (0, 0, 0)>
module attributes {stable_mosaic.version = 14 : i64} {
  func.func @_scatter_body(%arg0: i32, %arg1: i32, %arg2: memref<160000x256xf32, #tpu.memory_space<hbm>>, %arg3: memref<16x250x40xi32, #tpu.memory_space<hbm>>, %arg4: memref<10240x128xf32, #tpu.memory_space<hbm>>, %arg5: memref<2x10240x128xf32, #tpu.memory_space<hbm>>, %arg6: memref<250x40xi32, #tpu.memory_space<vmem>>, %arg7: memref<2x40x128xf32, #tpu.memory_space<vmem>>, %arg8: memref<10240x128xf32, #tpu.memory_space<vmem_shared>>, %arg9: memref<2x!tpu.dma_semaphore, #tpu.memory_space<semaphore_mem>>, %arg10: memref<2x!tpu.dma_semaphore, #tpu.memory_space<semaphore_mem>>) attributes {dimension_semantics = [#tpu.dimension_semantics<core_parallel>, #tpu.dimension_semantics<subcore_parallel>], iteration_bounds = array<i64: 2, 16>, scalar_prefetch = 0 : i64, scratch_operands = 5 : i64, tpu.core_type = #tpu.core_type<sc_vector_subcore>, window_params = [{transform_indices = #map}, {transform_indices = #map1}, {transform_indices = #map}, {transform_indices = #map1}]} {
    %mul3A = arith.constant 10000 : i32
    %mul3A_0 = arith.muli %arg1, %mul3A : i32
    %mul3A_1 = arith.constant 640 : i32
    %mul3A_2 = arith.muli %arg1, %mul3A_1 : i32
    "tpu.region"() ({
      %run_scoped3A = tpu.sem_alloc : memref<!tpu.dma_semaphore, #tpu.memory_space<semaphore_mem>>
      %dma_start3A = arith.constant 0 : i32
      %dma_start3A_10 = arith.constant 0 : i32
      %dma_start3A_11 = tpu.memref_slice %arg3[%arg1, %dma_start3A, %dma_start3A_10] : memref<16x250x40xi32, #tpu.memory_space<hbm>> -> memref<1x250x40xi32, #tpu.memory_space<hbm>>
      %dma_start3A_12 = tpu.memref_squeeze %dma_start3A_11 : memref<1x250x40xi32, #tpu.memory_space<hbm>> -> memref<250x40xi32, #tpu.memory_space<hbm>>
      %dma_start3A_13 = arith.constant 0 : i32
      %dma_start3A_14 = arith.constant 0 : i32
      %dma_start3A_15 = tpu.memref_slice %arg3[%arg1, %dma_start3A_13, %dma_start3A_14] : memref<16x250x40xi32, #tpu.memory_space<hbm>> -> memref<1x250x40xi32, #tpu.memory_space<hbm>>
      %dma_start3A_16 = tpu.memref_squeeze %dma_start3A_15 : memref<1x250x40xi32, #tpu.memory_space<hbm>> -> memref<250x40xi32, #tpu.memory_space<hbm>>
      tpu.enqueue_dma source(%dma_start3A_16 : memref<250x40xi32, #tpu.memory_space<hbm>>) target(%arg6 : memref<250x40xi32, #tpu.memory_space<vmem>>) target_semaphore(%run_scoped3A : memref<!tpu.dma_semaphore, #tpu.memory_space<semaphore_mem>>)
      %dma_wait3A = arith.constant 0 : i32
      %dma_wait3A_17 = arith.constant 0 : i32
      %dma_wait3A_18 = tpu.memref_slice %arg3[%arg1, %dma_wait3A, %dma_wait3A_17] : memref<16x250x40xi32, #tpu.memory_space<hbm>> -> memref<1x250x40xi32, #tpu.memory_space<hbm>>
      %dma_wait3A_19 = tpu.memref_squeeze %dma_wait3A_18 : memref<1x250x40xi32, #tpu.memory_space<hbm>> -> memref<250x40xi32, #tpu.memory_space<hbm>>
      %dma_wait3A_20 = arith.constant 0 : i32
      %dma_wait3A_21 = arith.constant 0 : i32
      %dma_wait3A_22 = tpu.memref_slice %arg3[%arg1, %dma_wait3A_20, %dma_wait3A_21] : memref<16x250x40xi32, #tpu.memory_space<hbm>> -> memref<1x250x40xi32, #tpu.memory_space<hbm>>
      %dma_wait3A_23 = tpu.memref_squeeze %dma_wait3A_22 : memref<1x250x40xi32, #tpu.memory_space<hbm>> -> memref<250x40xi32, #tpu.memory_space<hbm>>
      tpu.wait_dma2 semaphore(%run_scoped3A : memref<!tpu.dma_semaphore, #tpu.memory_space<semaphore_mem>>) src(%dma_wait3A_23 : memref<250x40xi32, #tpu.memory_space<hbm>>) dst(%arg6 : memref<250x40xi32, #tpu.memory_space<vmem>>)
      tpu.yield
    }) : () -> ()
    "tpu.region"() ({
      %run_scoped3A = tpu.sem_alloc : memref<!tpu.dma_semaphore, #tpu.memory_space<semaphore_mem>>
      %dma_start3A = arith.constant 0 : i32
      %dma_start3A_10 = tpu.memref_slice %arg8[%mul3A_2, %dma_start3A] : memref<10240x128xf32, #tpu.memory_space<vmem_shared>> -> memref<640x128xf32, #tpu.memory_space<vmem_shared>>
      %dma_start3A_11 = arith.constant 0 : i32
      %dma_start3A_12 = tpu.memref_slice %arg4[%mul3A_2, %dma_start3A_11] : memref<10240x128xf32, #tpu.memory_space<hbm>> -> memref<640x128xf32, #tpu.memory_space<hbm>>
      tpu.enqueue_dma source(%dma_start3A_12 : memref<640x128xf32, #tpu.memory_space<hbm>>) target(%dma_start3A_10 : memref<640x128xf32, #tpu.memory_space<vmem_shared>>) target_semaphore(%run_scoped3A : memref<!tpu.dma_semaphore, #tpu.memory_space<semaphore_mem>>)
      %dma_wait3A = arith.constant 0 : i32
      %dma_wait3A_13 = tpu.memref_slice %arg8[%mul3A_2, %dma_wait3A] : memref<10240x128xf32, #tpu.memory_space<vmem_shared>> -> memref<640x128xf32, #tpu.memory_space<vmem_shared>>
      %dma_wait3A_14 = arith.constant 0 : i32
      %dma_wait3A_15 = tpu.memref_slice %arg4[%mul3A_2, %dma_wait3A_14] : memref<10240x128xf32, #tpu.memory_space<hbm>> -> memref<640x128xf32, #tpu.memory_space<hbm>>
      tpu.wait_dma2 semaphore(%run_scoped3A : memref<!tpu.dma_semaphore, #tpu.memory_space<semaphore_mem>>) src(%dma_wait3A_15 : memref<640x128xf32, #tpu.memory_space<hbm>>) dst(%dma_wait3A_13 : memref<640x128xf32, #tpu.memory_space<vmem_shared>>)
      tpu.yield
    }) : () -> ()
    %barrier3A = arith.constant 0 : index
    tpu.barrier barrier_id(%barrier3A)
    %eq3A = arith.constant 0 : i32
    %eq3A_3 = arith.cmpi eq, %arg0, %eq3A : i32
    %convert_element_type3A = arith.extui %eq3A_3 : i1 to i32
    %cond3A = arith.constant 0 : i32
    %cond3A_4 = arith.cmpi ne, %convert_element_type3A, %cond3A : i32
    scf.if %cond3A_4 {
      %dma_start3A = arith.constant 0 : i32
      %dma_start3A_10 = arith.constant 0 : i32
      %dma_start3A_11 = arith.constant 0 : i32
      %dma_start3A_12 = arith.constant 0 : i32
      %dma_start3A_13 = tpu.memref_slice %arg7[%dma_start3A, %dma_start3A_11, %dma_start3A_12] : memref<2x40x128xf32, #tpu.memory_space<vmem>> -> memref<1x40x128xf32, #tpu.memory_space<vmem>>
      %dma_start3A_14 = tpu.memref_squeeze %dma_start3A_13 : memref<1x40x128xf32, #tpu.memory_space<vmem>> -> memref<40x128xf32, #tpu.memory_space<vmem>>
      %dma_start3A_15 = arith.constant 0 : i32
      %dma_start3A_16 = tpu.memref_slice %arg2[%mul3A_0, %dma_start3A_15] : memref<160000x256xf32, #tpu.memory_space<hbm>> -> memref<40x128xf32, #tpu.memory_space<hbm>>
      %dma_start3A_17 = tpu.memref_slice %arg9[%dma_start3A_10] : memref<2x!tpu.dma_semaphore, #tpu.memory_space<semaphore_mem>> -> memref<1x!tpu.dma_semaphore, #tpu.memory_space<semaphore_mem>>
      %dma_start3A_18 = tpu.memref_squeeze %dma_start3A_17 : memref<1x!tpu.dma_semaphore, #tpu.memory_space<semaphore_mem>> -> memref<!tpu.dma_semaphore, #tpu.memory_space<semaphore_mem>>
      %dma_start3A_19 = arith.constant 0 : i32
      %dma_start3A_20 = arith.constant 0 : i32
      %dma_start3A_21 = tpu.memref_slice %arg7[%dma_start3A, %dma_start3A_19, %dma_start3A_20] : memref<2x40x128xf32, #tpu.memory_space<vmem>> -> memref<1x40x128xf32, #tpu.memory_space<vmem>>
      %dma_start3A_22 = tpu.memref_squeeze %dma_start3A_21 : memref<1x40x128xf32, #tpu.memory_space<vmem>> -> memref<40x128xf32, #tpu.memory_space<vmem>>
      %dma_start3A_23 = arith.constant 0 : i32
      %dma_start3A_24 = tpu.memref_slice %arg2[%mul3A_0, %dma_start3A_23] : memref<160000x256xf32, #tpu.memory_space<hbm>> -> memref<40x128xf32, #tpu.memory_space<hbm>>
      tpu.enqueue_dma source(%dma_start3A_24 : memref<40x128xf32, #tpu.memory_space<hbm>>) target(%dma_start3A_22 : memref<40x128xf32, #tpu.memory_space<vmem>>) target_semaphore(%dma_start3A_18 : memref<!tpu.dma_semaphore, #tpu.memory_space<semaphore_mem>>)
      %scan3A = arith.constant 0 : i32
      %scan3A_25 = arith.constant 0 : i32
      %scan3A_26 = arith.constant 250 : i32
      %scan3A_27 = arith.addi %scan3A_25, %scan3A_26 : i32
      %scan3A_28 = arith.constant 1 : i32
      scf.for %scan3A_60 = %scan3A_25 to %scan3A_27 step %scan3A_28  : i32 {
        %rem3A = arith.constant 2 : i32
        %rem3A_61 = arith.remsi %scan3A_60, %rem3A : i32
        %add3A = arith.constant 1 : i32
        %add3A_62 = arith.addi %scan3A_60, %add3A : i32
        %lt3A = arith.constant 250 : i32
        %lt3A_63 = arith.cmpi slt, %add3A_62, %lt3A : i32
        %convert_element_type3A_64 = arith.extui %lt3A_63 : i1 to i32
        %cond3A_65 = arith.constant 0 : i32
        %cond3A_66 = arith.cmpi ne, %convert_element_type3A_64, %cond3A_65 : i32
        scf.if %cond3A_66 {
          %add3A_77 = arith.constant 1 : i32
          %add3A_78 = arith.addi %scan3A_60, %add3A_77 : i32
          %rem3A_79 = arith.constant 2 : i32
          %rem3A_80 = arith.remsi %add3A_78, %rem3A_79 : i32
          %eq3A_81 = arith.constant 0 : i32
          %eq3A_82 = arith.cmpi eq, %rem3A_80, %eq3A_81 : i32
          %convert_element_type3A_83 = arith.extui %eq3A_82 : i1 to i32
          %cond3A_84 = arith.constant 0 : i32
          %cond3A_85 = arith.cmpi ne, %convert_element_type3A_83, %cond3A_84 : i32
          scf.if %cond3A_85 {
            %ge3A = arith.constant 1 : i32
            %ge3A_91 = arith.cmpi sge, %scan3A_60, %ge3A : i32
            %convert_element_type3A_92 = arith.extui %ge3A_91 : i1 to i32
            %cond3A_93 = arith.constant 0 : i32
            %cond3A_94 = arith.cmpi ne, %convert_element_type3A_92, %cond3A_93 : i32
            scf.if %cond3A_94 {
              %dma_wait3A_116 = arith.constant 0 : i32
              %dma_wait3A_117 = arith.constant 0 : i32
              %dma_wait3A_118 = arith.constant 0 : i32
              %dma_wait3A_119 = arith.constant 0 : i32
              %dma_wait3A_120 = arith.constant 0 : i32
              %dma_wait3A_121 = tpu.memref_slice %arg7[%dma_wait3A_116, %dma_wait3A_119, %dma_wait3A_120] : memref<2x40x128xf32, #tpu.memory_space<vmem>> -> memref<1x40x128xf32, #tpu.memory_space<vmem>>
              %dma_wait3A_122 = tpu.memref_squeeze %dma_wait3A_121 : memref<1x40x128xf32, #tpu.memory_space<vmem>> -> memref<40x128xf32, #tpu.memory_space<vmem>>
              %dma_wait3A_123 = arith.constant 0 : i32
              %dma_wait3A_124 = tpu.memref_slice %arg6[%dma_wait3A_117, %dma_wait3A_123] : memref<250x40xi32, #tpu.memory_space<vmem>> -> memref<1x40xi32, #tpu.memory_space<vmem>>
              %dma_wait3A_125 = tpu.memref_squeeze %dma_wait3A_124 : memref<1x40xi32, #tpu.memory_space<vmem>> -> memref<40xi32, #tpu.memory_space<vmem>>
              %dma_wait3A_126 = arith.constant 0 : i32
              %dma_wait3A_127 = arith.constant 0 : i32
              %dma_wait3A_128 = tpu.memref_slice %arg8[%dma_wait3A_126, %dma_wait3A_127] : memref<10240x128xf32, #tpu.memory_space<vmem_shared>> -> memref<10240x128xf32, #tpu.memory_space<vmem_shared>>
              %dma_wait3A_129 = tpu.memref_slice %arg10[%dma_wait3A_118] : memref<2x!tpu.dma_semaphore, #tpu.memory_space<semaphore_mem>> -> memref<1x!tpu.dma_semaphore, #tpu.memory_space<semaphore_mem>>
              %dma_wait3A_130 = tpu.memref_squeeze %dma_wait3A_129 : memref<1x!tpu.dma_semaphore, #tpu.memory_space<semaphore_mem>> -> memref<!tpu.dma_semaphore, #tpu.memory_space<semaphore_mem>>
              tpu.wait_indirect_dma semaphore(%dma_wait3A_130 : memref<!tpu.dma_semaphore, #tpu.memory_space<semaphore_mem>>) src(%dma_wait3A_122 : memref<40x128xf32, #tpu.memory_space<vmem>>) dst(%dma_wait3A_128 : memref<10240x128xf32, #tpu.memory_space<vmem_shared>>)
            } else {
            }
            %add3A_95 = arith.constant 1 : i32
            %add3A_96 = arith.addi %scan3A_60, %add3A_95 : i32
            %mul3A_97 = arith.constant 40 : i32
            %mul3A_98 = arith.muli %add3A_96, %mul3A_97 : i32
            %add3A_99 = arith.addi %mul3A_0, %mul3A_98 : i32
            %dma_start3A_100 = arith.constant 0 : i32
            %dma_start3A_101 = arith.constant 0 : i32
            %dma_start3A_102 = arith.constant 0 : i32
            %dma_start3A_103 = arith.constant 0 : i32
            %dma_start3A_104 = tpu.memref_slice %arg7[%dma_start3A_100, %dma_start3A_102, %dma_start3A_103] : memref<2x40x128xf32, #tpu.memory_space<vmem>> -> memref<1x40x128xf32, #tpu.memory_space<vmem>>
            %dma_start3A_105 = tpu.memref_squeeze %dma_start3A_104 : memref<1x40x128xf32, #tpu.memory_space<vmem>> -> memref<40x128xf32, #tpu.memory_space<vmem>>
            %dma_start3A_106 = arith.constant 0 : i32
            %dma_start3A_107 = tpu.memref_slice %arg2[%add3A_99, %dma_start3A_106] : memref<160000x256xf32, #tpu.memory_space<hbm>> -> memref<40x128xf32, #tpu.memory_space<hbm>>
            %dma_start3A_108 = tpu.memref_slice %arg9[%dma_start3A_101] : memref<2x!tpu.dma_semaphore, #tpu.memory_space<semaphore_mem>> -> memref<1x!tpu.dma_semaphore, #tpu.memory_space<semaphore_mem>>
            %dma_start3A_109 = tpu.memref_squeeze %dma_start3A_108 : memref<1x!tpu.dma_semaphore, #tpu.memory_space<semaphore_mem>> -> memref<!tpu.dma_semaphore, #tpu.memory_space<semaphore_mem>>
            %dma_start3A_110 = arith.constant 0 : i32
            %dma_start3A_111 = arith.constant 0 : i32
            %dma_start3A_112 = tpu.memref_slice %arg7[%dma_start3A_100, %dma_start3A_110, %dma_start3A_111] : memref<2x40x128xf32, #tpu.memory_space<vmem>> -> memref<1x40x128xf32, #tpu.memory_space<vmem>>
            %dma_start3A_113 = tpu.memref_squeeze %dma_start3A_112 : memref<1x40x128xf32, #tpu.memory_space<vmem>> -> memref<40x128xf32, #tpu.memory_space<vmem>>
            %dma_start3A_114 = arith.constant 0 : i32
            %dma_start3A_115 = tpu.memref_slice %arg2[%add3A_99, %dma_start3A_114] : memref<160000x256xf32, #tpu.memory_space<hbm>> -> memref<40x128xf32, #tpu.memory_space<hbm>>
            tpu.enqueue_dma source(%dma_start3A_115 : memref<40x128xf32, #tpu.memory_space<hbm>>) target(%dma_start3A_113 : memref<40x128xf32, #tpu.memory_space<vmem>>) target_semaphore(%dma_start3A_109 : memref<!tpu.dma_semaphore, #tpu.memory_space<semaphore_mem>>)
          } else {
          }
          %eq3A_86 = arith.constant 1 : i32
          %eq3A_87 = arith.cmpi eq, %rem3A_80, %eq3A_86 : i32
          %convert_element_type3A_88 = arith.extui %eq3A_87 : i1 to i32
          %cond3A_89 = arith.constant 0 : i32
          %cond3A_90 = arith.cmpi ne, %convert_element_type3A_88, %cond3A_89 : i32
          scf.if %cond3A_90 {
            %ge3A = arith.constant 1 : i32
            %ge3A_91 = arith.cmpi sge, %scan3A_60, %ge3A : i32
            %convert_element_type3A_92 = arith.extui %ge3A_91 : i1 to i32
            %cond3A_93 = arith.constant 0 : i32
            %cond3A_94 = arith.cmpi ne, %convert_element_type3A_92, %cond3A_93 : i32
            scf.if %cond3A_94 {
              %dma_wait3A_116 = arith.constant 1 : i32
              %dma_wait3A_117 = arith.constant 0 : i32
              %dma_wait3A_118 = arith.constant 1 : i32
              %dma_wait3A_119 = arith.constant 0 : i32
              %dma_wait3A_120 = arith.constant 0 : i32
              %dma_wait3A_121 = tpu.memref_slice %arg7[%dma_wait3A_116, %dma_wait3A_119, %dma_wait3A_120] : memref<2x40x128xf32, #tpu.memory_space<vmem>> -> memref<1x40x128xf32, #tpu.memory_space<vmem>>
              %dma_wait3A_122 = tpu.memref_squeeze %dma_wait3A_121 : memref<1x40x128xf32, #tpu.memory_space<vmem>> -> memref<40x128xf32, #tpu.memory_space<vmem>>
              %dma_wait3A_123 = arith.constant 0 : i32
              %dma_wait3A_124 = tpu.memref_slice %arg6[%dma_wait3A_117, %dma_wait3A_123] : memref<250x40xi32, #tpu.memory_space<vmem>> -> memref<1x40xi32, #tpu.memory_space<vmem>>
              %dma_wait3A_125 = tpu.memref_squeeze %dma_wait3A_124 : memref<1x40xi32, #tpu.memory_space<vmem>> -> memref<40xi32, #tpu.memory_space<vmem>>
              %dma_wait3A_126 = arith.constant 0 : i32
              %dma_wait3A_127 = arith.constant 0 : i32
              %dma_wait3A_128 = tpu.memref_slice %arg8[%dma_wait3A_126, %dma_wait3A_127] : memref<10240x128xf32, #tpu.memory_space<vmem_shared>> -> memref<10240x128xf32, #tpu.memory_space<vmem_shared>>
              %dma_wait3A_129 = tpu.memref_slice %arg10[%dma_wait3A_118] : memref<2x!tpu.dma_semaphore, #tpu.memory_space<semaphore_mem>> -> memref<1x!tpu.dma_semaphore, #tpu.memory_space<semaphore_mem>>
              %dma_wait3A_130 = tpu.memref_squeeze %dma_wait3A_129 : memref<1x!tpu.dma_semaphore, #tpu.memory_space<semaphore_mem>> -> memref<!tpu.dma_semaphore, #tpu.memory_space<semaphore_mem>>
              tpu.wait_indirect_dma semaphore(%dma_wait3A_130 : memref<!tpu.dma_semaphore, #tpu.memory_space<semaphore_mem>>) src(%dma_wait3A_122 : memref<40x128xf32, #tpu.memory_space<vmem>>) dst(%dma_wait3A_128 : memref<10240x128xf32, #tpu.memory_space<vmem_shared>>)
            } else {
            }
            %add3A_95 = arith.constant 1 : i32
            %add3A_96 = arith.addi %scan3A_60, %add3A_95 : i32
            %mul3A_97 = arith.constant 40 : i32
            %mul3A_98 = arith.muli %add3A_96, %mul3A_97 : i32
            %add3A_99 = arith.addi %mul3A_0, %mul3A_98 : i32
            %dma_start3A_100 = arith.constant 1 : i32
            %dma_start3A_101 = arith.constant 1 : i32
            %dma_start3A_102 = arith.constant 0 : i32
            %dma_start3A_103 = arith.constant 0 : i32
            %dma_start3A_104 = tpu.memref_slice %arg7[%dma_start3A_100, %dma_start3A_102, %dma_start3A_103] : memref<2x40x128xf32, #tpu.memory_space<vmem>> -> memref<1x40x128xf32, #tpu.memory_space<vmem>>
            %dma_start3A_105 = tpu.memref_squeeze %dma_start3A_104 : memref<1x40x128xf32, #tpu.memory_space<vmem>> -> memref<40x128xf32, #tpu.memory_space<vmem>>
            %dma_start3A_106 = arith.constant 0 : i32
            %dma_start3A_107 = tpu.memref_slice %arg2[%add3A_99, %dma_start3A_106] : memref<160000x256xf32, #tpu.memory_space<hbm>> -> memref<40x128xf32, #tpu.memory_space<hbm>>
            %dma_start3A_108 = tpu.memref_slice %arg9[%dma_start3A_101] : memref<2x!tpu.dma_semaphore, #tpu.memory_space<semaphore_mem>> -> memref<1x!tpu.dma_semaphore, #tpu.memory_space<semaphore_mem>>
            %dma_start3A_109 = tpu.memref_squeeze %dma_start3A_108 : memref<1x!tpu.dma_semaphore, #tpu.memory_space<semaphore_mem>> -> memref<!tpu.dma_semaphore, #tpu.memory_space<semaphore_mem>>
            %dma_start3A_110 = arith.constant 0 : i32
            %dma_start3A_111 = arith.constant 0 : i32
            %dma_start3A_112 = tpu.memref_slice %arg7[%dma_start3A_100, %dma_start3A_110, %dma_start3A_111] : memref<2x40x128xf32, #tpu.memory_space<vmem>> -> memref<1x40x128xf32, #tpu.memory_space<vmem>>
            %dma_start3A_113 = tpu.memref_squeeze %dma_start3A_112 : memref<1x40x128xf32, #tpu.memory_space<vmem>> -> memref<40x128xf32, #tpu.memory_space<vmem>>
            %dma_start3A_114 = arith.constant 0 : i32
            %dma_start3A_115 = tpu.memref_slice %arg2[%add3A_99, %dma_start3A_114] : memref<160000x256xf32, #tpu.memory_space<hbm>> -> memref<40x128xf32, #tpu.memory_space<hbm>>
            tpu.enqueue_dma source(%dma_start3A_115 : memref<40x128xf32, #tpu.memory_space<hbm>>) target(%dma_start3A_113 : memref<40x128xf32, #tpu.memory_space<vmem>>) target_semaphore(%dma_start3A_109 : memref<!tpu.dma_semaphore, #tpu.memory_space<semaphore_mem>>)
          } else {
          }
        } else {
        }
        %eq3A_67 = arith.constant 0 : i32
        %eq3A_68 = arith.cmpi eq, %rem3A_61, %eq3A_67 : i32
        %convert_element_type3A_69 = arith.extui %eq3A_68 : i1 to i32
        %cond3A_70 = arith.constant 0 : i32
        %cond3A_71 = arith.cmpi ne, %convert_element_type3A_69, %cond3A_70 : i32
        scf.if %cond3A_71 {
          %dma_wait3A_77 = arith.constant 0 : i32
          %dma_wait3A_78 = arith.constant 0 : i32
          %dma_wait3A_79 = arith.constant 0 : i32
          %dma_wait3A_80 = arith.constant 0 : i32
          %dma_wait3A_81 = tpu.memref_slice %arg7[%dma_wait3A_77, %dma_wait3A_79, %dma_wait3A_80] : memref<2x40x128xf32, #tpu.memory_space<vmem>> -> memref<1x40x128xf32, #tpu.memory_space<vmem>>
          %dma_wait3A_82 = tpu.memref_squeeze %dma_wait3A_81 : memref<1x40x128xf32, #tpu.memory_space<vmem>> -> memref<40x128xf32, #tpu.memory_space<vmem>>
          %dma_wait3A_83 = arith.constant 0 : i32
          %dma_wait3A_84 = tpu.memref_slice %arg2[%mul3A_0, %dma_wait3A_83] : memref<160000x256xf32, #tpu.memory_space<hbm>> -> memref<40x128xf32, #tpu.memory_space<hbm>>
          %dma_wait3A_85 = tpu.memref_slice %arg9[%dma_wait3A_78] : memref<2x!tpu.dma_semaphore, #tpu.memory_space<semaphore_mem>> -> memref<1x!tpu.dma_semaphore, #tpu.memory_space<semaphore_mem>>
          %dma_wait3A_86 = tpu.memref_squeeze %dma_wait3A_85 : memref<1x!tpu.dma_semaphore, #tpu.memory_space<semaphore_mem>> -> memref<!tpu.dma_semaphore, #tpu.memory_space<semaphore_mem>>
          %dma_wait3A_87 = arith.constant 0 : i32
          %dma_wait3A_88 = arith.constant 0 : i32
          %dma_wait3A_89 = tpu.memref_slice %arg7[%dma_wait3A_77, %dma_wait3A_87, %dma_wait3A_88] : memref<2x40x128xf32, #tpu.memory_space<vmem>> -> memref<1x40x128xf32, #tpu.memory_space<vmem>>
          %dma_wait3A_90 = tpu.memref_squeeze %dma_wait3A_89 : memref<1x40x128xf32, #tpu.memory_space<vmem>> -> memref<40x128xf32, #tpu.memory_space<vmem>>
          %dma_wait3A_91 = arith.constant 0 : i32
          %dma_wait3A_92 = tpu.memref_slice %arg2[%mul3A_0, %dma_wait3A_91] : memref<160000x256xf32, #tpu.memory_space<hbm>> -> memref<40x128xf32, #tpu.memory_space<hbm>>
          tpu.wait_dma2 semaphore(%dma_wait3A_86 : memref<!tpu.dma_semaphore, #tpu.memory_space<semaphore_mem>>) src(%dma_wait3A_92 : memref<40x128xf32, #tpu.memory_space<hbm>>) dst(%dma_wait3A_90 : memref<40x128xf32, #tpu.memory_space<vmem>>)
          %dma_start3A_93 = arith.constant 0 : i32
          %dma_start3A_94 = arith.constant 0 : i32
          %dma_start3A_95 = arith.constant 0 : i32
          %dma_start3A_96 = arith.constant 0 : i32
          %dma_start3A_97 = tpu.memref_slice %arg7[%dma_start3A_93, %dma_start3A_95, %dma_start3A_96] : memref<2x40x128xf32, #tpu.memory_space<vmem>> -> memref<1x40x128xf32, #tpu.memory_space<vmem>>
          %dma_start3A_98 = tpu.memref_squeeze %dma_start3A_97 : memref<1x40x128xf32, #tpu.memory_space<vmem>> -> memref<40x128xf32, #tpu.memory_space<vmem>>
          %dma_start3A_99 = arith.constant 0 : i32
          %dma_start3A_100 = tpu.memref_slice %arg6[%scan3A_60, %dma_start3A_99] : memref<250x40xi32, #tpu.memory_space<vmem>> -> memref<1x40xi32, #tpu.memory_space<vmem>>
          %dma_start3A_101 = tpu.memref_squeeze %dma_start3A_100 : memref<1x40xi32, #tpu.memory_space<vmem>> -> memref<40xi32, #tpu.memory_space<vmem>>
          %dma_start3A_102 = arith.constant 0 : i32
          %dma_start3A_103 = arith.constant 0 : i32
          %dma_start3A_104 = tpu.memref_slice %arg8[%dma_start3A_102, %dma_start3A_103] : memref<10240x128xf32, #tpu.memory_space<vmem_shared>> -> memref<10240x128xf32, #tpu.memory_space<vmem_shared>>
          %dma_start3A_105 = tpu.memref_slice %arg10[%dma_start3A_94] : memref<2x!tpu.dma_semaphore, #tpu.memory_space<semaphore_mem>> -> memref<1x!tpu.dma_semaphore, #tpu.memory_space<semaphore_mem>>
          %dma_start3A_106 = tpu.memref_squeeze %dma_start3A_105 : memref<1x!tpu.dma_semaphore, #tpu.memory_space<semaphore_mem>> -> memref<!tpu.dma_semaphore, #tpu.memory_space<semaphore_mem>>
          tpu.enqueue_indirect_dma source(%dma_start3A_98 : memref<40x128xf32, #tpu.memory_space<vmem>>) target(%dma_start3A_104 : memref<10240x128xf32, #tpu.memory_space<vmem_shared>>) offsets(%dma_start3A_101 : memref<40xi32, #tpu.memory_space<vmem>>) semaphore(%dma_start3A_106 : memref<!tpu.dma_semaphore, #tpu.memory_space<semaphore_mem>>) {add = true}
        } else {
        }
        %eq3A_72 = arith.constant 1 : i32
        %eq3A_73 = arith.cmpi eq, %rem3A_61, %eq3A_72 : i32
        %convert_element_type3A_74 = arith.extui %eq3A_73 : i1 to i32
        %cond3A_75 = arith.constant 0 : i32
        %cond3A_76 = arith.cmpi ne, %convert_element_type3A_74, %cond3A_75 : i32
        scf.if %cond3A_76 {
          %dma_wait3A_77 = arith.constant 1 : i32
          %dma_wait3A_78 = arith.constant 1 : i32
          %dma_wait3A_79 = arith.constant 0 : i32
          %dma_wait3A_80 = arith.constant 0 : i32
          %dma_wait3A_81 = tpu.memref_slice %arg7[%dma_wait3A_77, %dma_wait3A_79, %dma_wait3A_80] : memref<2x40x128xf32, #tpu.memory_space<vmem>> -> memref<1x40x128xf32, #tpu.memory_space<vmem>>
          %dma_wait3A_82 = tpu.memref_squeeze %dma_wait3A_81 : memref<1x40x128xf32, #tpu.memory_space<vmem>> -> memref<40x128xf32, #tpu.memory_space<vmem>>
          %dma_wait3A_83 = arith.constant 0 : i32
          %dma_wait3A_84 = tpu.memref_slice %arg2[%mul3A_0, %dma_wait3A_83] : memref<160000x256xf32, #tpu.memory_space<hbm>> -> memref<40x128xf32, #tpu.memory_space<hbm>>
          %dma_wait3A_85 = tpu.memref_slice %arg9[%dma_wait3A_78] : memref<2x!tpu.dma_semaphore, #tpu.memory_space<semaphore_mem>> -> memref<1x!tpu.dma_semaphore, #tpu.memory_space<semaphore_mem>>
          %dma_wait3A_86 = tpu.memref_squeeze %dma_wait3A_85 : memref<1x!tpu.dma_semaphore, #tpu.memory_space<semaphore_mem>> -> memref<!tpu.dma_semaphore, #tpu.memory_space<semaphore_mem>>
          %dma_wait3A_87 = arith.constant 0 : i32
          %dma_wait3A_88 = arith.constant 0 : i32
          %dma_wait3A_89 = tpu.memref_slice %arg7[%dma_wait3A_77, %dma_wait3A_87, %dma_wait3A_88] : memref<2x40x128xf32, #tpu.memory_space<vmem>> -> memref<1x40x128xf32, #tpu.memory_space<vmem>>
          %dma_wait3A_90 = tpu.memref_squeeze %dma_wait3A_89 : memref<1x40x128xf32, #tpu.memory_space<vmem>> -> memref<40x128xf32, #tpu.memory_space<vmem>>
          %dma_wait3A_91 = arith.constant 0 : i32
          %dma_wait3A_92 = tpu.memref_slice %arg2[%mul3A_0, %dma_wait3A_91] : memref<160000x256xf32, #tpu.memory_space<hbm>> -> memref<40x128xf32, #tpu.memory_space<hbm>>
          tpu.wait_dma2 semaphore(%dma_wait3A_86 : memref<!tpu.dma_semaphore, #tpu.memory_space<semaphore_mem>>) src(%dma_wait3A_92 : memref<40x128xf32, #tpu.memory_space<hbm>>) dst(%dma_wait3A_90 : memref<40x128xf32, #tpu.memory_space<vmem>>)
          %dma_start3A_93 = arith.constant 1 : i32
          %dma_start3A_94 = arith.constant 1 : i32
          %dma_start3A_95 = arith.constant 0 : i32
          %dma_start3A_96 = arith.constant 0 : i32
          %dma_start3A_97 = tpu.memref_slice %arg7[%dma_start3A_93, %dma_start3A_95, %dma_start3A_96] : memref<2x40x128xf32, #tpu.memory_space<vmem>> -> memref<1x40x128xf32, #tpu.memory_space<vmem>>
          %dma_start3A_98 = tpu.memref_squeeze %dma_start3A_97 : memref<1x40x128xf32, #tpu.memory_space<vmem>> -> memref<40x128xf32, #tpu.memory_space<vmem>>
          %dma_start3A_99 = arith.constant 0 : i32
          %dma_start3A_100 = tpu.memref_slice %arg6[%scan3A_60, %dma_start3A_99] : memref<250x40xi32, #tpu.memory_space<vmem>> -> memref<1x40xi32, #tpu.memory_space<vmem>>
          %dma_start3A_101 = tpu.memref_squeeze %dma_start3A_100 : memref<1x40xi32, #tpu.memory_space<vmem>> -> memref<40xi32, #tpu.memory_space<vmem>>
          %dma_start3A_102 = arith.constant 0 : i32
          %dma_start3A_103 = arith.constant 0 : i32
          %dma_start3A_104 = tpu.memref_slice %arg8[%dma_start3A_102, %dma_start3A_103] : memref<10240x128xf32, #tpu.memory_space<vmem_shared>> -> memref<10240x128xf32, #tpu.memory_space<vmem_shared>>
          %dma_start3A_105 = tpu.memref_slice %arg10[%dma_start3A_94] : memref<2x!tpu.dma_semaphore, #tpu.memory_space<semaphore_mem>> -> memref<1x!tpu.dma_semaphore, #tpu.memory_space<semaphore_mem>>
          %dma_start3A_106 = tpu.memref_squeeze %dma_start3A_105 : memref<1x!tpu.dma_semaphore, #tpu.memory_space<semaphore_mem>> -> memref<!tpu.dma_semaphore, #tpu.memory_space<semaphore_mem>>
          tpu.enqueue_indirect_dma source(%dma_start3A_98 : memref<40x128xf32, #tpu.memory_space<vmem>>) target(%dma_start3A_104 : memref<10240x128xf32, #tpu.memory_space<vmem_shared>>) offsets(%dma_start3A_101 : memref<40xi32, #tpu.memory_space<vmem>>) semaphore(%dma_start3A_106 : memref<!tpu.dma_semaphore, #tpu.memory_space<semaphore_mem>>) {add = true}
        } else {
        }
      }
      %scan3A_29 = arith.constant 250 : i32
      %dma_wait3A = arith.constant 0 : i32
      %dma_wait3A_30 = arith.constant 0 : i32
      %dma_wait3A_31 = arith.constant 0 : i32
      %dma_wait3A_32 = arith.constant 0 : i32
      %dma_wait3A_33 = arith.constant 0 : i32
      %dma_wait3A_34 = tpu.memref_slice %arg7[%dma_wait3A, %dma_wait3A_32, %dma_wait3A_33] : memref<2x40x128xf32, #tpu.memory_space<vmem>> -> memref<1x40x128xf32, #tpu.memory_space<vmem>>
      %dma_wait3A_35 = tpu.memref_squeeze %dma_wait3A_34 : memref<1x40x128xf32, #tpu.memory_space<vmem>> -> memref<40x128xf32, #tpu.memory_space<vmem>>
      %dma_wait3A_36 = arith.constant 0 : i32
      %dma_wait3A_37 = tpu.memref_slice %arg6[%dma_wait3A_30, %dma_wait3A_36] : memref<250x40xi32, #tpu.memory_space<vmem>> -> memref<1x40xi32, #tpu.memory_space<vmem>>
      %dma_wait3A_38 = tpu.memref_squeeze %dma_wait3A_37 : memref<1x40xi32, #tpu.memory_space<vmem>> -> memref<40xi32, #tpu.memory_space<vmem>>
      %dma_wait3A_39 = arith.constant 0 : i32
      %dma_wait3A_40 = arith.constant 0 : i32
      %dma_wait3A_41 = tpu.memref_slice %arg8[%dma_wait3A_39, %dma_wait3A_40] : memref<10240x128xf32, #tpu.memory_space<vmem_shared>> -> memref<10240x128xf32, #tpu.memory_space<vmem_shared>>
      %dma_wait3A_42 = tpu.memref_slice %arg10[%dma_wait3A_31] : memref<2x!tpu.dma_semaphore, #tpu.memory_space<semaphore_mem>> -> memref<1x!tpu.dma_semaphore, #tpu.memory_space<semaphore_mem>>
      %dma_wait3A_43 = tpu.memref_squeeze %dma_wait3A_42 : memref<1x!tpu.dma_semaphore, #tpu.memory_space<semaphore_mem>> -> memref<!tpu.dma_semaphore, #tpu.memory_space<semaphore_mem>>
      tpu.wait_indirect_dma semaphore(%dma_wait3A_43 : memref<!tpu.dma_semaphore, #tpu.memory_space<semaphore_mem>>) src(%dma_wait3A_35 : memref<40x128xf32, #tpu.memory_space<vmem>>) dst(%dma_wait3A_41 : memref<10240x128xf32, #tpu.memory_space<vmem_shared>>)
      %dma_wait3A_44 = arith.constant 1 : i32
      %dma_wait3A_45 = arith.constant 0 : i32
      %dma_wait3A_46 = arith.constant 1 : i32
      %dma_wait3A_47 = arith.constant 0 : i32
      %dma_wait3A_48 = arith.constant 0 : i32
      %dma_wait3A_49 = tpu.memref_slice %arg7[%dma_wait3A_44, %dma_wait3A_47, %dma_wait3A_48] : memref<2x40x128xf32, #tpu.memory_space<vmem>> -> memref<1x40x128xf32, #tpu.memory_space<vmem>>
      %dma_wait3A_50 = tpu.memref_squeeze %dma_wait3A_49 : memref<1x40x128xf32, #tpu.memory_space<vmem>> -> memref<40x128xf32, #tpu.memory_space<vmem>>
      %dma_wait3A_51 = arith.constant 0 : i32
      %dma_wait3A_52 = tpu.memref_slice %arg6[%dma_wait3A_45, %dma_wait3A_51] : memref<250x40xi32, #tpu.memory_space<vmem>> -> memref<1x40xi32, #tpu.memory_space<vmem>>
      %dma_wait3A_53 = tpu.memref_squeeze %dma_wait3A_52 : memref<1x40xi32, #tpu.memory_space<vmem>> -> memref<40xi32, #tpu.memory_space<vmem>>
      %dma_wait3A_54 = arith.constant 0 : i32
      %dma_wait3A_55 = arith.constant 0 : i32
      %dma_wait3A_56 = tpu.memref_slice %arg8[%dma_wait3A_54, %dma_wait3A_55] : memref<10240x128xf32, #tpu.memory_space<vmem_shared>> -> memref<10240x128xf32, #tpu.memory_space<vmem_shared>>
      %dma_wait3A_57 = tpu.memref_slice %arg10[%dma_wait3A_46] : memref<2x!tpu.dma_semaphore, #tpu.memory_space<semaphore_mem>> -> memref<1x!tpu.dma_semaphore, #tpu.memory_space<semaphore_mem>>
      %dma_wait3A_58 = tpu.memref_squeeze %dma_wait3A_57 : memref<1x!tpu.dma_semaphore, #tpu.memory_space<semaphore_mem>> -> memref<!tpu.dma_semaphore, #tpu.memory_space<semaphore_mem>>
      tpu.wait_indirect_dma semaphore(%dma_wait3A_58 : memref<!tpu.dma_semaphore, #tpu.memory_space<semaphore_mem>>) src(%dma_wait3A_50 : memref<40x128xf32, #tpu.memory_space<vmem>>) dst(%dma_wait3A_56 : memref<10240x128xf32, #tpu.memory_space<vmem_shared>>)
      %barrier3A_59 = arith.constant 0 : index
      tpu.barrier barrier_id(%barrier3A_59)
      %run_scoped3A = arith.constant 0 : i32
      "tpu.region"() ({
        %run_scoped3A_60 = tpu.sem_alloc : memref<!tpu.dma_semaphore, #tpu.memory_space<semaphore_mem>>
        %dma_start3A_61 = arith.constant 0 : i32
        %dma_start3A_62 = arith.constant 0 : i32
        %dma_start3A_63 = tpu.memref_slice %arg5[%run_scoped3A, %dma_start3A_61, %dma_start3A_62] : memref<2x10240x128xf32, #tpu.memory_space<hbm>> -> memref<1x10240x128xf32, #tpu.memory_space<hbm>>
        %dma_start3A_64 = tpu.memref_squeeze %dma_start3A_63 : memref<1x10240x128xf32, #tpu.memory_space<hbm>> -> memref<10240x128xf32, #tpu.memory_space<hbm>>
        %dma_start3A_65 = arith.constant 0 : i32
        %dma_start3A_66 = tpu.memref_slice %dma_start3A_64[%mul3A_2, %dma_start3A_65] : memref<10240x128xf32, #tpu.memory_space<hbm>> -> memref<640x128xf32, #tpu.memory_space<hbm>>
        %dma_start3A_67 = arith.constant 0 : i32
        %dma_start3A_68 = tpu.memref_slice %arg8[%mul3A_2, %dma_start3A_67] : memref<10240x128xf32, #tpu.memory_space<vmem_shared>> -> memref<640x128xf32, #tpu.memory_space<vmem_shared>>
        tpu.enqueue_dma source(%dma_start3A_68 : memref<640x128xf32, #tpu.memory_space<vmem_shared>>) target(%dma_start3A_66 : memref<640x128xf32, #tpu.memory_space<hbm>>) target_semaphore(%run_scoped3A_60 : memref<!tpu.dma_semaphore, #tpu.memory_space<semaphore_mem>>)
        %dma_wait3A_69 = arith.constant 0 : i32
        %dma_wait3A_70 = arith.constant 0 : i32
        %dma_wait3A_71 = tpu.memref_slice %arg5[%run_scoped3A, %dma_wait3A_69, %dma_wait3A_70] : memref<2x10240x128xf32, #tpu.memory_space<hbm>> -> memref<1x10240x128xf32, #tpu.memory_space<hbm>>
        %dma_wait3A_72 = tpu.memref_squeeze %dma_wait3A_71 : memref<1x10240x128xf32, #tpu.memory_space<hbm>> -> memref<10240x128xf32, #tpu.memory_space<hbm>>
        %dma_wait3A_73 = arith.constant 0 : i32
        %dma_wait3A_74 = tpu.memref_slice %dma_wait3A_72[%mul3A_2, %dma_wait3A_73] : memref<10240x128xf32, #tpu.memory_space<hbm>> -> memref<640x128xf32, #tpu.memory_space<hbm>>
        %dma_wait3A_75 = arith.constant 0 : i32
        %dma_wait3A_76 = tpu.memref_slice %arg8[%mul3A_2, %dma_wait3A_75] : memref<10240x128xf32, #tpu.memory_space<vmem_shared>> -> memref<640x128xf32, #tpu.memory_space<vmem_shared>>
        tpu.wait_dma2 semaphore(%run_scoped3A_60 : memref<!tpu.dma_semaphore, #tpu.memory_space<semaphore_mem>>) src(%dma_wait3A_76 : memref<640x128xf32, #tpu.memory_space<vmem_shared>>) dst(%dma_wait3A_74 : memref<640x128xf32, #tpu.memory_space<hbm>>)
        tpu.yield
      }) : () -> ()
    } else {
    }
    %eq3A_5 = arith.constant 1 : i32
    %eq3A_6 = arith.cmpi eq, %arg0, %eq3A_5 : i32
    %convert_element_type3A_7 = arith.extui %eq3A_6 : i1 to i32
    %cond3A_8 = arith.constant 0 : i32
    %cond3A_9 = arith.cmpi ne, %convert_element_type3A_7, %cond3A_8 : i32
    scf.if %cond3A_9 {
      %dma_start3A = arith.constant 0 : i32
      %dma_start3A_10 = arith.constant 0 : i32
      %dma_start3A_11 = arith.constant 0 : i32
      %dma_start3A_12 = arith.constant 0 : i32
      %dma_start3A_13 = tpu.memref_slice %arg7[%dma_start3A, %dma_start3A_11, %dma_start3A_12] : memref<2x40x128xf32, #tpu.memory_space<vmem>> -> memref<1x40x128xf32, #tpu.memory_space<vmem>>
      %dma_start3A_14 = tpu.memref_squeeze %dma_start3A_13 : memref<1x40x128xf32, #tpu.memory_space<vmem>> -> memref<40x128xf32, #tpu.memory_space<vmem>>
      %dma_start3A_15 = arith.constant 128 : i32
      %dma_start3A_16 = tpu.memref_slice %arg2[%mul3A_0, %dma_start3A_15] : memref<160000x256xf32, #tpu.memory_space<hbm>> -> memref<40x128xf32, #tpu.memory_space<hbm>>
      %dma_start3A_17 = tpu.memref_slice %arg9[%dma_start3A_10] : memref<2x!tpu.dma_semaphore, #tpu.memory_space<semaphore_mem>> -> memref<1x!tpu.dma_semaphore, #tpu.memory_space<semaphore_mem>>
      %dma_start3A_18 = tpu.memref_squeeze %dma_start3A_17 : memref<1x!tpu.dma_semaphore, #tpu.memory_space<semaphore_mem>> -> memref<!tpu.dma_semaphore, #tpu.memory_space<semaphore_mem>>
      %dma_start3A_19 = arith.constant 0 : i32
      %dma_start3A_20 = arith.constant 0 : i32
      %dma_start3A_21 = tpu.memref_slice %arg7[%dma_start3A, %dma_start3A_19, %dma_start3A_20] : memref<2x40x128xf32, #tpu.memory_space<vmem>> -> memref<1x40x128xf32, #tpu.memory_space<vmem>>
      %dma_start3A_22 = tpu.memref_squeeze %dma_start3A_21 : memref<1x40x128xf32, #tpu.memory_space<vmem>> -> memref<40x128xf32, #tpu.memory_space<vmem>>
      %dma_start3A_23 = arith.constant 128 : i32
      %dma_start3A_24 = tpu.memref_slice %arg2[%mul3A_0, %dma_start3A_23] : memref<160000x256xf32, #tpu.memory_space<hbm>> -> memref<40x128xf32, #tpu.memory_space<hbm>>
      tpu.enqueue_dma source(%dma_start3A_24 : memref<40x128xf32, #tpu.memory_space<hbm>>) target(%dma_start3A_22 : memref<40x128xf32, #tpu.memory_space<vmem>>) target_semaphore(%dma_start3A_18 : memref<!tpu.dma_semaphore, #tpu.memory_space<semaphore_mem>>)
      %scan3A = arith.constant 0 : i32
      %scan3A_25 = arith.constant 0 : i32
      %scan3A_26 = arith.constant 250 : i32
      %scan3A_27 = arith.addi %scan3A_25, %scan3A_26 : i32
      %scan3A_28 = arith.constant 1 : i32
      scf.for %scan3A_60 = %scan3A_25 to %scan3A_27 step %scan3A_28  : i32 {
        %rem3A = arith.constant 2 : i32
        %rem3A_61 = arith.remsi %scan3A_60, %rem3A : i32
        %add3A = arith.constant 1 : i32
        %add3A_62 = arith.addi %scan3A_60, %add3A : i32
        %lt3A = arith.constant 250 : i32
        %lt3A_63 = arith.cmpi slt, %add3A_62, %lt3A : i32
        %convert_element_type3A_64 = arith.extui %lt3A_63 : i1 to i32
        %cond3A_65 = arith.constant 0 : i32
        %cond3A_66 = arith.cmpi ne, %convert_element_type3A_64, %cond3A_65 : i32
        scf.if %cond3A_66 {
          %add3A_77 = arith.constant 1 : i32
          %add3A_78 = arith.addi %scan3A_60, %add3A_77 : i32
          %rem3A_79 = arith.constant 2 : i32
          %rem3A_80 = arith.remsi %add3A_78, %rem3A_79 : i32
          %eq3A_81 = arith.constant 0 : i32
          %eq3A_82 = arith.cmpi eq, %rem3A_80, %eq3A_81 : i32
          %convert_element_type3A_83 = arith.extui %eq3A_82 : i1 to i32
          %cond3A_84 = arith.constant 0 : i32
          %cond3A_85 = arith.cmpi ne, %convert_element_type3A_83, %cond3A_84 : i32
          scf.if %cond3A_85 {
            %ge3A = arith.constant 1 : i32
            %ge3A_91 = arith.cmpi sge, %scan3A_60, %ge3A : i32
            %convert_element_type3A_92 = arith.extui %ge3A_91 : i1 to i32
            %cond3A_93 = arith.constant 0 : i32
            %cond3A_94 = arith.cmpi ne, %convert_element_type3A_92, %cond3A_93 : i32
            scf.if %cond3A_94 {
              %dma_wait3A_116 = arith.constant 0 : i32
              %dma_wait3A_117 = arith.constant 0 : i32
              %dma_wait3A_118 = arith.constant 0 : i32
              %dma_wait3A_119 = arith.constant 0 : i32
              %dma_wait3A_120 = arith.constant 0 : i32
              %dma_wait3A_121 = tpu.memref_slice %arg7[%dma_wait3A_116, %dma_wait3A_119, %dma_wait3A_120] : memref<2x40x128xf32, #tpu.memory_space<vmem>> -> memref<1x40x128xf32, #tpu.memory_space<vmem>>
              %dma_wait3A_122 = tpu.memref_squeeze %dma_wait3A_121 : memref<1x40x128xf32, #tpu.memory_space<vmem>> -> memref<40x128xf32, #tpu.memory_space<vmem>>
              %dma_wait3A_123 = arith.constant 0 : i32
              %dma_wait3A_124 = tpu.memref_slice %arg6[%dma_wait3A_117, %dma_wait3A_123] : memref<250x40xi32, #tpu.memory_space<vmem>> -> memref<1x40xi32, #tpu.memory_space<vmem>>
              %dma_wait3A_125 = tpu.memref_squeeze %dma_wait3A_124 : memref<1x40xi32, #tpu.memory_space<vmem>> -> memref<40xi32, #tpu.memory_space<vmem>>
              %dma_wait3A_126 = arith.constant 0 : i32
              %dma_wait3A_127 = arith.constant 0 : i32
              %dma_wait3A_128 = tpu.memref_slice %arg8[%dma_wait3A_126, %dma_wait3A_127] : memref<10240x128xf32, #tpu.memory_space<vmem_shared>> -> memref<10240x128xf32, #tpu.memory_space<vmem_shared>>
              %dma_wait3A_129 = tpu.memref_slice %arg10[%dma_wait3A_118] : memref<2x!tpu.dma_semaphore, #tpu.memory_space<semaphore_mem>> -> memref<1x!tpu.dma_semaphore, #tpu.memory_space<semaphore_mem>>
              %dma_wait3A_130 = tpu.memref_squeeze %dma_wait3A_129 : memref<1x!tpu.dma_semaphore, #tpu.memory_space<semaphore_mem>> -> memref<!tpu.dma_semaphore, #tpu.memory_space<semaphore_mem>>
              tpu.wait_indirect_dma semaphore(%dma_wait3A_130 : memref<!tpu.dma_semaphore, #tpu.memory_space<semaphore_mem>>) src(%dma_wait3A_122 : memref<40x128xf32, #tpu.memory_space<vmem>>) dst(%dma_wait3A_128 : memref<10240x128xf32, #tpu.memory_space<vmem_shared>>)
            } else {
            }
            %add3A_95 = arith.constant 1 : i32
            %add3A_96 = arith.addi %scan3A_60, %add3A_95 : i32
            %mul3A_97 = arith.constant 40 : i32
            %mul3A_98 = arith.muli %add3A_96, %mul3A_97 : i32
            %add3A_99 = arith.addi %mul3A_0, %mul3A_98 : i32
            %dma_start3A_100 = arith.constant 0 : i32
            %dma_start3A_101 = arith.constant 0 : i32
            %dma_start3A_102 = arith.constant 0 : i32
            %dma_start3A_103 = arith.constant 0 : i32
            %dma_start3A_104 = tpu.memref_slice %arg7[%dma_start3A_100, %dma_start3A_102, %dma_start3A_103] : memref<2x40x128xf32, #tpu.memory_space<vmem>> -> memref<1x40x128xf32, #tpu.memory_space<vmem>>
            %dma_start3A_105 = tpu.memref_squeeze %dma_start3A_104 : memref<1x40x128xf32, #tpu.memory_space<vmem>> -> memref<40x128xf32, #tpu.memory_space<vmem>>
            %dma_start3A_106 = arith.constant 128 : i32
            %dma_start3A_107 = tpu.memref_slice %arg2[%add3A_99, %dma_start3A_106] : memref<160000x256xf32, #tpu.memory_space<hbm>> -> memref<40x128xf32, #tpu.memory_space<hbm>>
            %dma_start3A_108 = tpu.memref_slice %arg9[%dma_start3A_101] : memref<2x!tpu.dma_semaphore, #tpu.memory_space<semaphore_mem>> -> memref<1x!tpu.dma_semaphore, #tpu.memory_space<semaphore_mem>>
            %dma_start3A_109 = tpu.memref_squeeze %dma_start3A_108 : memref<1x!tpu.dma_semaphore, #tpu.memory_space<semaphore_mem>> -> memref<!tpu.dma_semaphore, #tpu.memory_space<semaphore_mem>>
            %dma_start3A_110 = arith.constant 0 : i32
            %dma_start3A_111 = arith.constant 0 : i32
            %dma_start3A_112 = tpu.memref_slice %arg7[%dma_start3A_100, %dma_start3A_110, %dma_start3A_111] : memref<2x40x128xf32, #tpu.memory_space<vmem>> -> memref<1x40x128xf32, #tpu.memory_space<vmem>>
            %dma_start3A_113 = tpu.memref_squeeze %dma_start3A_112 : memref<1x40x128xf32, #tpu.memory_space<vmem>> -> memref<40x128xf32, #tpu.memory_space<vmem>>
            %dma_start3A_114 = arith.constant 128 : i32
            %dma_start3A_115 = tpu.memref_slice %arg2[%add3A_99, %dma_start3A_114] : memref<160000x256xf32, #tpu.memory_space<hbm>> -> memref<40x128xf32, #tpu.memory_space<hbm>>
            tpu.enqueue_dma source(%dma_start3A_115 : memref<40x128xf32, #tpu.memory_space<hbm>>) target(%dma_start3A_113 : memref<40x128xf32, #tpu.memory_space<vmem>>) target_semaphore(%dma_start3A_109 : memref<!tpu.dma_semaphore, #tpu.memory_space<semaphore_mem>>)
          } else {
          }
          %eq3A_86 = arith.constant 1 : i32
          %eq3A_87 = arith.cmpi eq, %rem3A_80, %eq3A_86 : i32
          %convert_element_type3A_88 = arith.extui %eq3A_87 : i1 to i32
          %cond3A_89 = arith.constant 0 : i32
          %cond3A_90 = arith.cmpi ne, %convert_element_type3A_88, %cond3A_89 : i32
          scf.if %cond3A_90 {
            %ge3A = arith.constant 1 : i32
            %ge3A_91 = arith.cmpi sge, %scan3A_60, %ge3A : i32
            %convert_element_type3A_92 = arith.extui %ge3A_91 : i1 to i32
            %cond3A_93 = arith.constant 0 : i32
            %cond3A_94 = arith.cmpi ne, %convert_element_type3A_92, %cond3A_93 : i32
            scf.if %cond3A_94 {
              %dma_wait3A_116 = arith.constant 1 : i32
              %dma_wait3A_117 = arith.constant 0 : i32
              %dma_wait3A_118 = arith.constant 1 : i32
              %dma_wait3A_119 = arith.constant 0 : i32
              %dma_wait3A_120 = arith.constant 0 : i32
              %dma_wait3A_121 = tpu.memref_slice %arg7[%dma_wait3A_116, %dma_wait3A_119, %dma_wait3A_120] : memref<2x40x128xf32, #tpu.memory_space<vmem>> -> memref<1x40x128xf32, #tpu.memory_space<vmem>>
              %dma_wait3A_122 = tpu.memref_squeeze %dma_wait3A_121 : memref<1x40x128xf32, #tpu.memory_space<vmem>> -> memref<40x128xf32, #tpu.memory_space<vmem>>
              %dma_wait3A_123 = arith.constant 0 : i32
              %dma_wait3A_124 = tpu.memref_slice %arg6[%dma_wait3A_117, %dma_wait3A_123] : memref<250x40xi32, #tpu.memory_space<vmem>> -> memref<1x40xi32, #tpu.memory_space<vmem>>
              %dma_wait3A_125 = tpu.memref_squeeze %dma_wait3A_124 : memref<1x40xi32, #tpu.memory_space<vmem>> -> memref<40xi32, #tpu.memory_space<vmem>>
              %dma_wait3A_126 = arith.constant 0 : i32
              %dma_wait3A_127 = arith.constant 0 : i32
              %dma_wait3A_128 = tpu.memref_slice %arg8[%dma_wait3A_126, %dma_wait3A_127] : memref<10240x128xf32, #tpu.memory_space<vmem_shared>> -> memref<10240x128xf32, #tpu.memory_space<vmem_shared>>
              %dma_wait3A_129 = tpu.memref_slice %arg10[%dma_wait3A_118] : memref<2x!tpu.dma_semaphore, #tpu.memory_space<semaphore_mem>> -> memref<1x!tpu.dma_semaphore, #tpu.memory_space<semaphore_mem>>
              %dma_wait3A_130 = tpu.memref_squeeze %dma_wait3A_129 : memref<1x!tpu.dma_semaphore, #tpu.memory_space<semaphore_mem>> -> memref<!tpu.dma_semaphore, #tpu.memory_space<semaphore_mem>>
              tpu.wait_indirect_dma semaphore(%dma_wait3A_130 : memref<!tpu.dma_semaphore, #tpu.memory_space<semaphore_mem>>) src(%dma_wait3A_122 : memref<40x128xf32, #tpu.memory_space<vmem>>) dst(%dma_wait3A_128 : memref<10240x128xf32, #tpu.memory_space<vmem_shared>>)
            } else {
            }
            %add3A_95 = arith.constant 1 : i32
            %add3A_96 = arith.addi %scan3A_60, %add3A_95 : i32
            %mul3A_97 = arith.constant 40 : i32
            %mul3A_98 = arith.muli %add3A_96, %mul3A_97 : i32
            %add3A_99 = arith.addi %mul3A_0, %mul3A_98 : i32
            %dma_start3A_100 = arith.constant 1 : i32
            %dma_start3A_101 = arith.constant 1 : i32
            %dma_start3A_102 = arith.constant 0 : i32
            %dma_start3A_103 = arith.constant 0 : i32
            %dma_start3A_104 = tpu.memref_slice %arg7[%dma_start3A_100, %dma_start3A_102, %dma_start3A_103] : memref<2x40x128xf32, #tpu.memory_space<vmem>> -> memref<1x40x128xf32, #tpu.memory_space<vmem>>
            %dma_start3A_105 = tpu.memref_squeeze %dma_start3A_104 : memref<1x40x128xf32, #tpu.memory_space<vmem>> -> memref<40x128xf32, #tpu.memory_space<vmem>>
            %dma_start3A_106 = arith.constant 128 : i32
            %dma_start3A_107 = tpu.memref_slice %arg2[%add3A_99, %dma_start3A_106] : memref<160000x256xf32, #tpu.memory_space<hbm>> -> memref<40x128xf32, #tpu.memory_space<hbm>>
            %dma_start3A_108 = tpu.memref_slice %arg9[%dma_start3A_101] : memref<2x!tpu.dma_semaphore, #tpu.memory_space<semaphore_mem>> -> memref<1x!tpu.dma_semaphore, #tpu.memory_space<semaphore_mem>>
            %dma_start3A_109 = tpu.memref_squeeze %dma_start3A_108 : memref<1x!tpu.dma_semaphore, #tpu.memory_space<semaphore_mem>> -> memref<!tpu.dma_semaphore, #tpu.memory_space<semaphore_mem>>
            %dma_start3A_110 = arith.constant 0 : i32
            %dma_start3A_111 = arith.constant 0 : i32
            %dma_start3A_112 = tpu.memref_slice %arg7[%dma_start3A_100, %dma_start3A_110, %dma_start3A_111] : memref<2x40x128xf32, #tpu.memory_space<vmem>> -> memref<1x40x128xf32, #tpu.memory_space<vmem>>
            %dma_start3A_113 = tpu.memref_squeeze %dma_start3A_112 : memref<1x40x128xf32, #tpu.memory_space<vmem>> -> memref<40x128xf32, #tpu.memory_space<vmem>>
            %dma_start3A_114 = arith.constant 128 : i32
            %dma_start3A_115 = tpu.memref_slice %arg2[%add3A_99, %dma_start3A_114] : memref<160000x256xf32, #tpu.memory_space<hbm>> -> memref<40x128xf32, #tpu.memory_space<hbm>>
            tpu.enqueue_dma source(%dma_start3A_115 : memref<40x128xf32, #tpu.memory_space<hbm>>) target(%dma_start3A_113 : memref<40x128xf32, #tpu.memory_space<vmem>>) target_semaphore(%dma_start3A_109 : memref<!tpu.dma_semaphore, #tpu.memory_space<semaphore_mem>>)
          } else {
          }
        } else {
        }
        %eq3A_67 = arith.constant 0 : i32
        %eq3A_68 = arith.cmpi eq, %rem3A_61, %eq3A_67 : i32
        %convert_element_type3A_69 = arith.extui %eq3A_68 : i1 to i32
        %cond3A_70 = arith.constant 0 : i32
        %cond3A_71 = arith.cmpi ne, %convert_element_type3A_69, %cond3A_70 : i32
        scf.if %cond3A_71 {
          %dma_wait3A_77 = arith.constant 0 : i32
          %dma_wait3A_78 = arith.constant 0 : i32
          %dma_wait3A_79 = arith.constant 0 : i32
          %dma_wait3A_80 = arith.constant 0 : i32
          %dma_wait3A_81 = tpu.memref_slice %arg7[%dma_wait3A_77, %dma_wait3A_79, %dma_wait3A_80] : memref<2x40x128xf32, #tpu.memory_space<vmem>> -> memref<1x40x128xf32, #tpu.memory_space<vmem>>
          %dma_wait3A_82 = tpu.memref_squeeze %dma_wait3A_81 : memref<1x40x128xf32, #tpu.memory_space<vmem>> -> memref<40x128xf32, #tpu.memory_space<vmem>>
          %dma_wait3A_83 = arith.constant 128 : i32
          %dma_wait3A_84 = tpu.memref_slice %arg2[%mul3A_0, %dma_wait3A_83] : memref<160000x256xf32, #tpu.memory_space<hbm>> -> memref<40x128xf32, #tpu.memory_space<hbm>>
          %dma_wait3A_85 = tpu.memref_slice %arg9[%dma_wait3A_78] : memref<2x!tpu.dma_semaphore, #tpu.memory_space<semaphore_mem>> -> memref<1x!tpu.dma_semaphore, #tpu.memory_space<semaphore_mem>>
          %dma_wait3A_86 = tpu.memref_squeeze %dma_wait3A_85 : memref<1x!tpu.dma_semaphore, #tpu.memory_space<semaphore_mem>> -> memref<!tpu.dma_semaphore, #tpu.memory_space<semaphore_mem>>
          %dma_wait3A_87 = arith.constant 0 : i32
          %dma_wait3A_88 = arith.constant 0 : i32
          %dma_wait3A_89 = tpu.memref_slice %arg7[%dma_wait3A_77, %dma_wait3A_87, %dma_wait3A_88] : memref<2x40x128xf32, #tpu.memory_space<vmem>> -> memref<1x40x128xf32, #tpu.memory_space<vmem>>
          %dma_wait3A_90 = tpu.memref_squeeze %dma_wait3A_89 : memref<1x40x128xf32, #tpu.memory_space<vmem>> -> memref<40x128xf32, #tpu.memory_space<vmem>>
          %dma_wait3A_91 = arith.constant 128 : i32
          %dma_wait3A_92 = tpu.memref_slice %arg2[%mul3A_0, %dma_wait3A_91] : memref<160000x256xf32, #tpu.memory_space<hbm>> -> memref<40x128xf32, #tpu.memory_space<hbm>>
          tpu.wait_dma2 semaphore(%dma_wait3A_86 : memref<!tpu.dma_semaphore, #tpu.memory_space<semaphore_mem>>) src(%dma_wait3A_92 : memref<40x128xf32, #tpu.memory_space<hbm>>) dst(%dma_wait3A_90 : memref<40x128xf32, #tpu.memory_space<vmem>>)
          %dma_start3A_93 = arith.constant 0 : i32
          %dma_start3A_94 = arith.constant 0 : i32
          %dma_start3A_95 = arith.constant 0 : i32
          %dma_start3A_96 = arith.constant 0 : i32
          %dma_start3A_97 = tpu.memref_slice %arg7[%dma_start3A_93, %dma_start3A_95, %dma_start3A_96] : memref<2x40x128xf32, #tpu.memory_space<vmem>> -> memref<1x40x128xf32, #tpu.memory_space<vmem>>
          %dma_start3A_98 = tpu.memref_squeeze %dma_start3A_97 : memref<1x40x128xf32, #tpu.memory_space<vmem>> -> memref<40x128xf32, #tpu.memory_space<vmem>>
          %dma_start3A_99 = arith.constant 0 : i32
          %dma_start3A_100 = tpu.memref_slice %arg6[%scan3A_60, %dma_start3A_99] : memref<250x40xi32, #tpu.memory_space<vmem>> -> memref<1x40xi32, #tpu.memory_space<vmem>>
          %dma_start3A_101 = tpu.memref_squeeze %dma_start3A_100 : memref<1x40xi32, #tpu.memory_space<vmem>> -> memref<40xi32, #tpu.memory_space<vmem>>
          %dma_start3A_102 = arith.constant 0 : i32
          %dma_start3A_103 = arith.constant 0 : i32
          %dma_start3A_104 = tpu.memref_slice %arg8[%dma_start3A_102, %dma_start3A_103] : memref<10240x128xf32, #tpu.memory_space<vmem_shared>> -> memref<10240x128xf32, #tpu.memory_space<vmem_shared>>
          %dma_start3A_105 = tpu.memref_slice %arg10[%dma_start3A_94] : memref<2x!tpu.dma_semaphore, #tpu.memory_space<semaphore_mem>> -> memref<1x!tpu.dma_semaphore, #tpu.memory_space<semaphore_mem>>
          %dma_start3A_106 = tpu.memref_squeeze %dma_start3A_105 : memref<1x!tpu.dma_semaphore, #tpu.memory_space<semaphore_mem>> -> memref<!tpu.dma_semaphore, #tpu.memory_space<semaphore_mem>>
          tpu.enqueue_indirect_dma source(%dma_start3A_98 : memref<40x128xf32, #tpu.memory_space<vmem>>) target(%dma_start3A_104 : memref<10240x128xf32, #tpu.memory_space<vmem_shared>>) offsets(%dma_start3A_101 : memref<40xi32, #tpu.memory_space<vmem>>) semaphore(%dma_start3A_106 : memref<!tpu.dma_semaphore, #tpu.memory_space<semaphore_mem>>) {add = true}
        } else {
        }
        %eq3A_72 = arith.constant 1 : i32
        %eq3A_73 = arith.cmpi eq, %rem3A_61, %eq3A_72 : i32
        %convert_element_type3A_74 = arith.extui %eq3A_73 : i1 to i32
        %cond3A_75 = arith.constant 0 : i32
        %cond3A_76 = arith.cmpi ne, %convert_element_type3A_74, %cond3A_75 : i32
        scf.if %cond3A_76 {
          %dma_wait3A_77 = arith.constant 1 : i32
          %dma_wait3A_78 = arith.constant 1 : i32
          %dma_wait3A_79 = arith.constant 0 : i32
          %dma_wait3A_80 = arith.constant 0 : i32
          %dma_wait3A_81 = tpu.memref_slice %arg7[%dma_wait3A_77, %dma_wait3A_79, %dma_wait3A_80] : memref<2x40x128xf32, #tpu.memory_space<vmem>> -> memref<1x40x128xf32, #tpu.memory_space<vmem>>
          %dma_wait3A_82 = tpu.memref_squeeze %dma_wait3A_81 : memref<1x40x128xf32, #tpu.memory_space<vmem>> -> memref<40x128xf32, #tpu.memory_space<vmem>>
          %dma_wait3A_83 = arith.constant 128 : i32
          %dma_wait3A_84 = tpu.memref_slice %arg2[%mul3A_0, %dma_wait3A_83] : memref<160000x256xf32, #tpu.memory_space<hbm>> -> memref<40x128xf32, #tpu.memory_space<hbm>>
          %dma_wait3A_85 = tpu.memref_slice %arg9[%dma_wait3A_78] : memref<2x!tpu.dma_semaphore, #tpu.memory_space<semaphore_mem>> -> memref<1x!tpu.dma_semaphore, #tpu.memory_space<semaphore_mem>>
          %dma_wait3A_86 = tpu.memref_squeeze %dma_wait3A_85 : memref<1x!tpu.dma_semaphore, #tpu.memory_space<semaphore_mem>> -> memref<!tpu.dma_semaphore, #tpu.memory_space<semaphore_mem>>
          %dma_wait3A_87 = arith.constant 0 : i32
          %dma_wait3A_88 = arith.constant 0 : i32
          %dma_wait3A_89 = tpu.memref_slice %arg7[%dma_wait3A_77, %dma_wait3A_87, %dma_wait3A_88] : memref<2x40x128xf32, #tpu.memory_space<vmem>> -> memref<1x40x128xf32, #tpu.memory_space<vmem>>
          %dma_wait3A_90 = tpu.memref_squeeze %dma_wait3A_89 : memref<1x40x128xf32, #tpu.memory_space<vmem>> -> memref<40x128xf32, #tpu.memory_space<vmem>>
          %dma_wait3A_91 = arith.constant 128 : i32
          %dma_wait3A_92 = tpu.memref_slice %arg2[%mul3A_0, %dma_wait3A_91] : memref<160000x256xf32, #tpu.memory_space<hbm>> -> memref<40x128xf32, #tpu.memory_space<hbm>>
          tpu.wait_dma2 semaphore(%dma_wait3A_86 : memref<!tpu.dma_semaphore, #tpu.memory_space<semaphore_mem>>) src(%dma_wait3A_92 : memref<40x128xf32, #tpu.memory_space<hbm>>) dst(%dma_wait3A_90 : memref<40x128xf32, #tpu.memory_space<vmem>>)
          %dma_start3A_93 = arith.constant 1 : i32
          %dma_start3A_94 = arith.constant 1 : i32
          %dma_start3A_95 = arith.constant 0 : i32
          %dma_start3A_96 = arith.constant 0 : i32
          %dma_start3A_97 = tpu.memref_slice %arg7[%dma_start3A_93, %dma_start3A_95, %dma_start3A_96] : memref<2x40x128xf32, #tpu.memory_space<vmem>> -> memref<1x40x128xf32, #tpu.memory_space<vmem>>
          %dma_start3A_98 = tpu.memref_squeeze %dma_start3A_97 : memref<1x40x128xf32, #tpu.memory_space<vmem>> -> memref<40x128xf32, #tpu.memory_space<vmem>>
          %dma_start3A_99 = arith.constant 0 : i32
          %dma_start3A_100 = tpu.memref_slice %arg6[%scan3A_60, %dma_start3A_99] : memref<250x40xi32, #tpu.memory_space<vmem>> -> memref<1x40xi32, #tpu.memory_space<vmem>>
          %dma_start3A_101 = tpu.memref_squeeze %dma_start3A_100 : memref<1x40xi32, #tpu.memory_space<vmem>> -> memref<40xi32, #tpu.memory_space<vmem>>
          %dma_start3A_102 = arith.constant 0 : i32
          %dma_start3A_103 = arith.constant 0 : i32
          %dma_start3A_104 = tpu.memref_slice %arg8[%dma_start3A_102, %dma_start3A_103] : memref<10240x128xf32, #tpu.memory_space<vmem_shared>> -> memref<10240x128xf32, #tpu.memory_space<vmem_shared>>
          %dma_start3A_105 = tpu.memref_slice %arg10[%dma_start3A_94] : memref<2x!tpu.dma_semaphore, #tpu.memory_space<semaphore_mem>> -> memref<1x!tpu.dma_semaphore, #tpu.memory_space<semaphore_mem>>
          %dma_start3A_106 = tpu.memref_squeeze %dma_start3A_105 : memref<1x!tpu.dma_semaphore, #tpu.memory_space<semaphore_mem>> -> memref<!tpu.dma_semaphore, #tpu.memory_space<semaphore_mem>>
          tpu.enqueue_indirect_dma source(%dma_start3A_98 : memref<40x128xf32, #tpu.memory_space<vmem>>) target(%dma_start3A_104 : memref<10240x128xf32, #tpu.memory_space<vmem_shared>>) offsets(%dma_start3A_101 : memref<40xi32, #tpu.memory_space<vmem>>) semaphore(%dma_start3A_106 : memref<!tpu.dma_semaphore, #tpu.memory_space<semaphore_mem>>) {add = true}
        } else {
        }
      }
      %scan3A_29 = arith.constant 250 : i32
      %dma_wait3A = arith.constant 0 : i32
      %dma_wait3A_30 = arith.constant 0 : i32
      %dma_wait3A_31 = arith.constant 0 : i32
      %dma_wait3A_32 = arith.constant 0 : i32
      %dma_wait3A_33 = arith.constant 0 : i32
      %dma_wait3A_34 = tpu.memref_slice %arg7[%dma_wait3A, %dma_wait3A_32, %dma_wait3A_33] : memref<2x40x128xf32, #tpu.memory_space<vmem>> -> memref<1x40x128xf32, #tpu.memory_space<vmem>>
      %dma_wait3A_35 = tpu.memref_squeeze %dma_wait3A_34 : memref<1x40x128xf32, #tpu.memory_space<vmem>> -> memref<40x128xf32, #tpu.memory_space<vmem>>
      %dma_wait3A_36 = arith.constant 0 : i32
      %dma_wait3A_37 = tpu.memref_slice %arg6[%dma_wait3A_30, %dma_wait3A_36] : memref<250x40xi32, #tpu.memory_space<vmem>> -> memref<1x40xi32, #tpu.memory_space<vmem>>
      %dma_wait3A_38 = tpu.memref_squeeze %dma_wait3A_37 : memref<1x40xi32, #tpu.memory_space<vmem>> -> memref<40xi32, #tpu.memory_space<vmem>>
      %dma_wait3A_39 = arith.constant 0 : i32
      %dma_wait3A_40 = arith.constant 0 : i32
      %dma_wait3A_41 = tpu.memref_slice %arg8[%dma_wait3A_39, %dma_wait3A_40] : memref<10240x128xf32, #tpu.memory_space<vmem_shared>> -> memref<10240x128xf32, #tpu.memory_space<vmem_shared>>
      %dma_wait3A_42 = tpu.memref_slice %arg10[%dma_wait3A_31] : memref<2x!tpu.dma_semaphore, #tpu.memory_space<semaphore_mem>> -> memref<1x!tpu.dma_semaphore, #tpu.memory_space<semaphore_mem>>
      %dma_wait3A_43 = tpu.memref_squeeze %dma_wait3A_42 : memref<1x!tpu.dma_semaphore, #tpu.memory_space<semaphore_mem>> -> memref<!tpu.dma_semaphore, #tpu.memory_space<semaphore_mem>>
      tpu.wait_indirect_dma semaphore(%dma_wait3A_43 : memref<!tpu.dma_semaphore, #tpu.memory_space<semaphore_mem>>) src(%dma_wait3A_35 : memref<40x128xf32, #tpu.memory_space<vmem>>) dst(%dma_wait3A_41 : memref<10240x128xf32, #tpu.memory_space<vmem_shared>>)
      %dma_wait3A_44 = arith.constant 1 : i32
      %dma_wait3A_45 = arith.constant 0 : i32
      %dma_wait3A_46 = arith.constant 1 : i32
      %dma_wait3A_47 = arith.constant 0 : i32
      %dma_wait3A_48 = arith.constant 0 : i32
      %dma_wait3A_49 = tpu.memref_slice %arg7[%dma_wait3A_44, %dma_wait3A_47, %dma_wait3A_48] : memref<2x40x128xf32, #tpu.memory_space<vmem>> -> memref<1x40x128xf32, #tpu.memory_space<vmem>>
      %dma_wait3A_50 = tpu.memref_squeeze %dma_wait3A_49 : memref<1x40x128xf32, #tpu.memory_space<vmem>> -> memref<40x128xf32, #tpu.memory_space<vmem>>
      %dma_wait3A_51 = arith.constant 0 : i32
      %dma_wait3A_52 = tpu.memref_slice %arg6[%dma_wait3A_45, %dma_wait3A_51] : memref<250x40xi32, #tpu.memory_space<vmem>> -> memref<1x40xi32, #tpu.memory_space<vmem>>
      %dma_wait3A_53 = tpu.memref_squeeze %dma_wait3A_52 : memref<1x40xi32, #tpu.memory_space<vmem>> -> memref<40xi32, #tpu.memory_space<vmem>>
      %dma_wait3A_54 = arith.constant 0 : i32
      %dma_wait3A_55 = arith.constant 0 : i32
      %dma_wait3A_56 = tpu.memref_slice %arg8[%dma_wait3A_54, %dma_wait3A_55] : memref<10240x128xf32, #tpu.memory_space<vmem_shared>> -> memref<10240x128xf32, #tpu.memory_space<vmem_shared>>
      %dma_wait3A_57 = tpu.memref_slice %arg10[%dma_wait3A_46] : memref<2x!tpu.dma_semaphore, #tpu.memory_space<semaphore_mem>> -> memref<1x!tpu.dma_semaphore, #tpu.memory_space<semaphore_mem>>
      %dma_wait3A_58 = tpu.memref_squeeze %dma_wait3A_57 : memref<1x!tpu.dma_semaphore, #tpu.memory_space<semaphore_mem>> -> memref<!tpu.dma_semaphore, #tpu.memory_space<semaphore_mem>>
      tpu.wait_indirect_dma semaphore(%dma_wait3A_58 : memref<!tpu.dma_semaphore, #tpu.memory_space<semaphore_mem>>) src(%dma_wait3A_50 : memref<40x128xf32, #tpu.memory_space<vmem>>) dst(%dma_wait3A_56 : memref<10240x128xf32, #tpu.memory_space<vmem_shared>>)
      %barrier3A_59 = arith.constant 0 : index
      tpu.barrier barrier_id(%barrier3A_59)
      %run_scoped3A = arith.constant 1 : i32
      "tpu.region"() ({
        %run_scoped3A_60 = tpu.sem_alloc : memref<!tpu.dma_semaphore, #tpu.memory_space<semaphore_mem>>
        %dma_start3A_61 = arith.constant 0 : i32
        %dma_start3A_62 = arith.constant 0 : i32
        %dma_start3A_63 = tpu.memref_slice %arg5[%run_scoped3A, %dma_start3A_61, %dma_start3A_62] : memref<2x10240x128xf32, #tpu.memory_space<hbm>> -> memref<1x10240x128xf32, #tpu.memory_space<hbm>>
        %dma_start3A_64 = tpu.memref_squeeze %dma_start3A_63 : memref<1x10240x128xf32, #tpu.memory_space<hbm>> -> memref<10240x128xf32, #tpu.memory_space<hbm>>
        %dma_start3A_65 = arith.constant 0 : i32
        %dma_start3A_66 = tpu.memref_slice %dma_start3A_64[%mul3A_2, %dma_start3A_65] : memref<10240x128xf32, #tpu.memory_space<hbm>> -> memref<640x128xf32, #tpu.memory_space<hbm>>
        %dma_start3A_67 = arith.constant 0 : i32
        %dma_start3A_68 = tpu.memref_slice %arg8[%mul3A_2, %dma_start3A_67] : memref<10240x128xf32, #tpu.memory_space<vmem_shared>> -> memref<640x128xf32, #tpu.memory_space<vmem_shared>>
        tpu.enqueue_dma source(%dma_start3A_68 : memref<640x128xf32, #tpu.memory_space<vmem_shared>>) target(%dma_start3A_66 : memref<640x128xf32, #tpu.memory_space<hbm>>) target_semaphore(%run_scoped3A_60 : memref<!tpu.dma_semaphore, #tpu.memory_space<semaphore_mem>>)
        %dma_wait3A_69 = arith.constant 0 : i32
        %dma_wait3A_70 = arith.constant 0 : i32
        %dma_wait3A_71 = tpu.memref_slice %arg5[%run_scoped3A, %dma_wait3A_69, %dma_wait3A_70] : memref<2x10240x128xf32, #tpu.memory_space<hbm>> -> memref<1x10240x128xf32, #tpu.memory_space<hbm>>
        %dma_wait3A_72 = tpu.memref_squeeze %dma_wait3A_71 : memref<1x10240x128xf32, #tpu.memory_space<hbm>> -> memref<10240x128xf32, #tpu.memory_space<hbm>>
        %dma_wait3A_73 = arith.constant 0 : i32
        %dma_wait3A_74 = tpu.memref_slice %dma_wait3A_72[%mul3A_2, %dma_wait3A_73] : memref<10240x128xf32, #tpu.memory_space<hbm>> -> memref<640x128xf32, #tpu.memory_space<hbm>>
        %dma_wait3A_75 = arith.constant 0 : i32
        %dma_wait3A_76 = tpu.memref_slice %arg8[%mul3A_2, %dma_wait3A_75] : memref<10240x128xf32, #tpu.memory_space<vmem_shared>> -> memref<640x128xf32, #tpu.memory_space<vmem_shared>>
        tpu.wait_dma2 semaphore(%run_scoped3A_60 : memref<!tpu.dma_semaphore, #tpu.memory_space<semaphore_mem>>) src(%dma_wait3A_76 : memref<640x128xf32, #tpu.memory_space<vmem_shared>>) dst(%dma_wait3A_74 : memref<640x128xf32, #tpu.memory_space<hbm>>)
        tpu.yield
      }) : () -> ()
    } else {
    }
    return
  }
}

#map = affine_map<(d0, d1) -> (0, 0)>
#map1 = affine_map<(d0, d1) -> (0, 0, 0)>
module attributes {stable_mosaic.version = 14 : i64} {
  func.func @_scatter_body(%arg0: i32, %arg1: i32, %arg2: memref<160000x256xf32, #tpu.memory_space<hbm>>, %arg3: memref<16x250x40xi32, #tpu.memory_space<hbm>>, %arg4: memref<10240x128xf32, #tpu.memory_space<hbm>>, %arg5: memref<2x10240x128xf32, #tpu.memory_space<hbm>>, %arg6: memref<250x40xi32, #tpu.memory_space<vmem>>, %arg7: memref<2x40x128xf32, #tpu.memory_space<vmem>>, %arg8: memref<10240x128xf32, #tpu.memory_space<vmem_shared>>, %arg9: memref<2x!tpu.dma_semaphore, #tpu.memory_space<semaphore_mem>>, %arg10: memref<2x!tpu.dma_semaphore, #tpu.memory_space<semaphore_mem>>) attributes {dimension_semantics = [#tpu.dimension_semantics<core_parallel>, #tpu.dimension_semantics<subcore_parallel>], iteration_bounds = array<i64: 2, 16>, scalar_prefetch = 0 : i64, scratch_operands = 5 : i64, tpu.core_type = #tpu.core_type<sc_vector_subcore>, window_params = [{transform_indices = #map}, {transform_indices = #map1}, {transform_indices = #map}, {transform_indices = #map1}]} {
    %mul3A = arith.constant 10000 : i32
    %mul3A_0 = arith.muli %arg1, %mul3A : i32
    %mul3A_1 = arith.constant 640 : i32
    %mul3A_2 = arith.muli %arg1, %mul3A_1 : i32
    "tpu.region"() ({
      %run_scoped3A = tpu.sem_alloc : memref<!tpu.dma_semaphore, #tpu.memory_space<semaphore_mem>>
      %dma_start3A = arith.constant 0 : i32
      %dma_start3A_10 = arith.constant 0 : i32
      %dma_start3A_11 = tpu.memref_slice %arg3[%arg1, %dma_start3A, %dma_start3A_10] : memref<16x250x40xi32, #tpu.memory_space<hbm>> -> memref<1x250x40xi32, #tpu.memory_space<hbm>>
      %dma_start3A_12 = tpu.memref_squeeze %dma_start3A_11 : memref<1x250x40xi32, #tpu.memory_space<hbm>> -> memref<250x40xi32, #tpu.memory_space<hbm>>
      %dma_start3A_13 = arith.constant 0 : i32
      %dma_start3A_14 = arith.constant 0 : i32
      %dma_start3A_15 = tpu.memref_slice %arg3[%arg1, %dma_start3A_13, %dma_start3A_14] : memref<16x250x40xi32, #tpu.memory_space<hbm>> -> memref<1x250x40xi32, #tpu.memory_space<hbm>>
      %dma_start3A_16 = tpu.memref_squeeze %dma_start3A_15 : memref<1x250x40xi32, #tpu.memory_space<hbm>> -> memref<250x40xi32, #tpu.memory_space<hbm>>
      tpu.enqueue_dma source(%dma_start3A_16 : memref<250x40xi32, #tpu.memory_space<hbm>>) target(%arg6 : memref<250x40xi32, #tpu.memory_space<vmem>>) target_semaphore(%run_scoped3A : memref<!tpu.dma_semaphore, #tpu.memory_space<semaphore_mem>>)
      %dma_wait3A = arith.constant 0 : i32
      %dma_wait3A_17 = arith.constant 0 : i32
      %dma_wait3A_18 = tpu.memref_slice %arg3[%arg1, %dma_wait3A, %dma_wait3A_17] : memref<16x250x40xi32, #tpu.memory_space<hbm>> -> memref<1x250x40xi32, #tpu.memory_space<hbm>>
      %dma_wait3A_19 = tpu.memref_squeeze %dma_wait3A_18 : memref<1x250x40xi32, #tpu.memory_space<hbm>> -> memref<250x40xi32, #tpu.memory_space<hbm>>
      %dma_wait3A_20 = arith.constant 0 : i32
      %dma_wait3A_21 = arith.constant 0 : i32
      %dma_wait3A_22 = tpu.memref_slice %arg3[%arg1, %dma_wait3A_20, %dma_wait3A_21] : memref<16x250x40xi32, #tpu.memory_space<hbm>> -> memref<1x250x40xi32, #tpu.memory_space<hbm>>
      %dma_wait3A_23 = tpu.memref_squeeze %dma_wait3A_22 : memref<1x250x40xi32, #tpu.memory_space<hbm>> -> memref<250x40xi32, #tpu.memory_space<hbm>>
      tpu.wait_dma2 semaphore(%run_scoped3A : memref<!tpu.dma_semaphore, #tpu.memory_space<semaphore_mem>>) src(%dma_wait3A_23 : memref<250x40xi32, #tpu.memory_space<hbm>>) dst(%arg6 : memref<250x40xi32, #tpu.memory_space<vmem>>)
      tpu.yield
    }) : () -> ()
    "tpu.region"() ({
      %run_scoped3A = tpu.sem_alloc : memref<!tpu.dma_semaphore, #tpu.memory_space<semaphore_mem>>
      %dma_start3A = arith.constant 0 : i32
      %dma_start3A_10 = tpu.memref_slice %arg8[%mul3A_2, %dma_start3A] : memref<10240x128xf32, #tpu.memory_space<vmem_shared>> -> memref<640x128xf32, #tpu.memory_space<vmem_shared>>
      %dma_start3A_11 = arith.constant 0 : i32
      %dma_start3A_12 = tpu.memref_slice %arg4[%mul3A_2, %dma_start3A_11] : memref<10240x128xf32, #tpu.memory_space<hbm>> -> memref<640x128xf32, #tpu.memory_space<hbm>>
      tpu.enqueue_dma source(%dma_start3A_12 : memref<640x128xf32, #tpu.memory_space<hbm>>) target(%dma_start3A_10 : memref<640x128xf32, #tpu.memory_space<vmem_shared>>) target_semaphore(%run_scoped3A : memref<!tpu.dma_semaphore, #tpu.memory_space<semaphore_mem>>)
      %dma_wait3A = arith.constant 0 : i32
      %dma_wait3A_13 = tpu.memref_slice %arg8[%mul3A_2, %dma_wait3A] : memref<10240x128xf32, #tpu.memory_space<vmem_shared>> -> memref<640x128xf32, #tpu.memory_space<vmem_shared>>
      %dma_wait3A_14 = arith.constant 0 : i32
      %dma_wait3A_15 = tpu.memref_slice %arg4[%mul3A_2, %dma_wait3A_14] : memref<10240x128xf32, #tpu.memory_space<hbm>> -> memref<640x128xf32, #tpu.memory_space<hbm>>
      tpu.wait_dma2 semaphore(%run_scoped3A : memref<!tpu.dma_semaphore, #tpu.memory_space<semaphore_mem>>) src(%dma_wait3A_15 : memref<640x128xf32, #tpu.memory_space<hbm>>) dst(%dma_wait3A_13 : memref<640x128xf32, #tpu.memory_space<vmem_shared>>)
      tpu.yield
    }) : () -> ()
    %barrier3A = arith.constant 0 : index
    tpu.barrier barrier_id(%barrier3A)
    %eq3A = arith.constant 0 : i32
    %eq3A_3 = arith.cmpi eq, %arg0, %eq3A : i32
    %convert_element_type3A = arith.extui %eq3A_3 : i1 to i32
    %cond3A = arith.constant 0 : i32
    %cond3A_4 = arith.cmpi ne, %convert_element_type3A, %cond3A : i32
    scf.if %cond3A_4 {
      %dma_start3A = arith.constant 0 : i32
      %dma_start3A_10 = arith.constant 0 : i32
      %dma_start3A_11 = arith.constant 0 : i32
      %dma_start3A_12 = arith.constant 0 : i32
      %dma_start3A_13 = tpu.memref_slice %arg7[%dma_start3A, %dma_start3A_11, %dma_start3A_12] : memref<2x40x128xf32, #tpu.memory_space<vmem>> -> memref<1x40x128xf32, #tpu.memory_space<vmem>>
      %dma_start3A_14 = tpu.memref_squeeze %dma_start3A_13 : memref<1x40x128xf32, #tpu.memory_space<vmem>> -> memref<40x128xf32, #tpu.memory_space<vmem>>
      %dma_start3A_15 = arith.constant 0 : i32
      %dma_start3A_16 = tpu.memref_slice %arg2[%mul3A_0, %dma_start3A_15] : memref<160000x256xf32, #tpu.memory_space<hbm>> -> memref<40x128xf32, #tpu.memory_space<hbm>>
      %dma_start3A_17 = tpu.memref_slice %arg9[%dma_start3A_10] : memref<2x!tpu.dma_semaphore, #tpu.memory_space<semaphore_mem>> -> memref<1x!tpu.dma_semaphore, #tpu.memory_space<semaphore_mem>>
      %dma_start3A_18 = tpu.memref_squeeze %dma_start3A_17 : memref<1x!tpu.dma_semaphore, #tpu.memory_space<semaphore_mem>> -> memref<!tpu.dma_semaphore, #tpu.memory_space<semaphore_mem>>
      %dma_start3A_19 = arith.constant 0 : i32
      %dma_start3A_20 = arith.constant 0 : i32
      %dma_start3A_21 = tpu.memref_slice %arg7[%dma_start3A, %dma_start3A_19, %dma_start3A_20] : memref<2x40x128xf32, #tpu.memory_space<vmem>> -> memref<1x40x128xf32, #tpu.memory_space<vmem>>
      %dma_start3A_22 = tpu.memref_squeeze %dma_start3A_21 : memref<1x40x128xf32, #tpu.memory_space<vmem>> -> memref<40x128xf32, #tpu.memory_space<vmem>>
      %dma_start3A_23 = arith.constant 0 : i32
      %dma_start3A_24 = tpu.memref_slice %arg2[%mul3A_0, %dma_start3A_23] : memref<160000x256xf32, #tpu.memory_space<hbm>> -> memref<40x128xf32, #tpu.memory_space<hbm>>
      tpu.enqueue_dma source(%dma_start3A_24 : memref<40x128xf32, #tpu.memory_space<hbm>>) target(%dma_start3A_22 : memref<40x128xf32, #tpu.memory_space<vmem>>) target_semaphore(%dma_start3A_18 : memref<!tpu.dma_semaphore, #tpu.memory_space<semaphore_mem>>)
      %scan3A = arith.constant 0 : i32
      %scan3A_25 = arith.constant 0 : i32
      %scan3A_26 = arith.constant 250 : i32
      %scan3A_27 = arith.addi %scan3A_25, %scan3A_26 : i32
      %scan3A_28 = arith.constant 1 : i32
      scf.for %scan3A_60 = %scan3A_25 to %scan3A_27 step %scan3A_28  : i32 {
        %rem3A = arith.constant 2 : i32
        %rem3A_61 = arith.remsi %scan3A_60, %rem3A : i32
        %add3A = arith.constant 1 : i32
        %add3A_62 = arith.addi %scan3A_60, %add3A : i32
        %lt3A = arith.constant 250 : i32
        %lt3A_63 = arith.cmpi slt, %add3A_62, %lt3A : i32
        %convert_element_type3A_64 = arith.extui %lt3A_63 : i1 to i32
        %cond3A_65 = arith.constant 0 : i32
        %cond3A_66 = arith.cmpi ne, %convert_element_type3A_64, %cond3A_65 : i32
        scf.if %cond3A_66 {
          %add3A_77 = arith.constant 1 : i32
          %add3A_78 = arith.addi %scan3A_60, %add3A_77 : i32
          %rem3A_79 = arith.constant 2 : i32
          %rem3A_80 = arith.remsi %add3A_78, %rem3A_79 : i32
          %eq3A_81 = arith.constant 0 : i32
          %eq3A_82 = arith.cmpi eq, %rem3A_80, %eq3A_81 : i32
          %convert_element_type3A_83 = arith.extui %eq3A_82 : i1 to i32
          %cond3A_84 = arith.constant 0 : i32
          %cond3A_85 = arith.cmpi ne, %convert_element_type3A_83, %cond3A_84 : i32
          scf.if %cond3A_85 {
            %ge3A = arith.constant 1 : i32
            %ge3A_91 = arith.cmpi sge, %scan3A_60, %ge3A : i32
            %convert_element_type3A_92 = arith.extui %ge3A_91 : i1 to i32
            %cond3A_93 = arith.constant 0 : i32
            %cond3A_94 = arith.cmpi ne, %convert_element_type3A_92, %cond3A_93 : i32
            scf.if %cond3A_94 {
              %dma_wait3A_116 = arith.constant 0 : i32
              %dma_wait3A_117 = arith.constant 0 : i32
              %dma_wait3A_118 = arith.constant 0 : i32
              %dma_wait3A_119 = arith.constant 0 : i32
              %dma_wait3A_120 = arith.constant 0 : i32
              %dma_wait3A_121 = tpu.memref_slice %arg7[%dma_wait3A_116, %dma_wait3A_119, %dma_wait3A_120] : memref<2x40x128xf32, #tpu.memory_space<vmem>> -> memref<1x40x128xf32, #tpu.memory_space<vmem>>
              %dma_wait3A_122 = tpu.memref_squeeze %dma_wait3A_121 : memref<1x40x128xf32, #tpu.memory_space<vmem>> -> memref<40x128xf32, #tpu.memory_space<vmem>>
              %dma_wait3A_123 = arith.constant 0 : i32
              %dma_wait3A_124 = tpu.memref_slice %arg6[%dma_wait3A_117, %dma_wait3A_123] : memref<250x40xi32, #tpu.memory_space<vmem>> -> memref<1x40xi32, #tpu.memory_space<vmem>>
              %dma_wait3A_125 = tpu.memref_squeeze %dma_wait3A_124 : memref<1x40xi32, #tpu.memory_space<vmem>> -> memref<40xi32, #tpu.memory_space<vmem>>
              %dma_wait3A_126 = arith.constant 0 : i32
              %dma_wait3A_127 = arith.constant 0 : i32
              %dma_wait3A_128 = tpu.memref_slice %arg8[%dma_wait3A_126, %dma_wait3A_127] : memref<10240x128xf32, #tpu.memory_space<vmem_shared>> -> memref<10240x128xf32, #tpu.memory_space<vmem_shared>>
              %dma_wait3A_129 = tpu.memref_slice %arg10[%dma_wait3A_118] : memref<2x!tpu.dma_semaphore, #tpu.memory_space<semaphore_mem>> -> memref<1x!tpu.dma_semaphore, #tpu.memory_space<semaphore_mem>>
              %dma_wait3A_130 = tpu.memref_squeeze %dma_wait3A_129 : memref<1x!tpu.dma_semaphore, #tpu.memory_space<semaphore_mem>> -> memref<!tpu.dma_semaphore, #tpu.memory_space<semaphore_mem>>
              tpu.wait_indirect_dma semaphore(%dma_wait3A_130 : memref<!tpu.dma_semaphore, #tpu.memory_space<semaphore_mem>>) src(%dma_wait3A_122 : memref<40x128xf32, #tpu.memory_space<vmem>>) dst(%dma_wait3A_128 : memref<10240x128xf32, #tpu.memory_space<vmem_shared>>)
            } else {
            }
            %add3A_95 = arith.constant 1 : i32
            %add3A_96 = arith.addi %scan3A_60, %add3A_95 : i32
            %mul3A_97 = arith.constant 40 : i32
            %mul3A_98 = arith.muli %add3A_96, %mul3A_97 : i32
            %add3A_99 = arith.addi %mul3A_0, %mul3A_98 : i32
            %dma_start3A_100 = arith.constant 0 : i32
            %dma_start3A_101 = arith.constant 0 : i32
            %dma_start3A_102 = arith.constant 0 : i32
            %dma_start3A_103 = arith.constant 0 : i32
            %dma_start3A_104 = tpu.memref_slice %arg7[%dma_start3A_100, %dma_start3A_102, %dma_start3A_103] : memref<2x40x128xf32, #tpu.memory_space<vmem>> -> memref<1x40x128xf32, #tpu.memory_space<vmem>>
            %dma_start3A_105 = tpu.memref_squeeze %dma_start3A_104 : memref<1x40x128xf32, #tpu.memory_space<vmem>> -> memref<40x128xf32, #tpu.memory_space<vmem>>
            %dma_start3A_106 = arith.constant 0 : i32
            %dma_start3A_107 = tpu.memref_slice %arg2[%add3A_99, %dma_start3A_106] : memref<160000x256xf32, #tpu.memory_space<hbm>> -> memref<40x128xf32, #tpu.memory_space<hbm>>
            %dma_start3A_108 = tpu.memref_slice %arg9[%dma_start3A_101] : memref<2x!tpu.dma_semaphore, #tpu.memory_space<semaphore_mem>> -> memref<1x!tpu.dma_semaphore, #tpu.memory_space<semaphore_mem>>
            %dma_start3A_109 = tpu.memref_squeeze %dma_start3A_108 : memref<1x!tpu.dma_semaphore, #tpu.memory_space<semaphore_mem>> -> memref<!tpu.dma_semaphore, #tpu.memory_space<semaphore_mem>>
            %dma_start3A_110 = arith.constant 0 : i32
            %dma_start3A_111 = arith.constant 0 : i32
            %dma_start3A_112 = tpu.memref_slice %arg7[%dma_start3A_100, %dma_start3A_110, %dma_start3A_111] : memref<2x40x128xf32, #tpu.memory_space<vmem>> -> memref<1x40x128xf32, #tpu.memory_space<vmem>>
            %dma_start3A_113 = tpu.memref_squeeze %dma_start3A_112 : memref<1x40x128xf32, #tpu.memory_space<vmem>> -> memref<40x128xf32, #tpu.memory_space<vmem>>
            %dma_start3A_114 = arith.constant 0 : i32
            %dma_start3A_115 = tpu.memref_slice %arg2[%add3A_99, %dma_start3A_114] : memref<160000x256xf32, #tpu.memory_space<hbm>> -> memref<40x128xf32, #tpu.memory_space<hbm>>
            tpu.enqueue_dma source(%dma_start3A_115 : memref<40x128xf32, #tpu.memory_space<hbm>>) target(%dma_start3A_113 : memref<40x128xf32, #tpu.memory_space<vmem>>) target_semaphore(%dma_start3A_109 : memref<!tpu.dma_semaphore, #tpu.memory_space<semaphore_mem>>)
          } else {
          }
          %eq3A_86 = arith.constant 1 : i32
          %eq3A_87 = arith.cmpi eq, %rem3A_80, %eq3A_86 : i32
          %convert_element_type3A_88 = arith.extui %eq3A_87 : i1 to i32
          %cond3A_89 = arith.constant 0 : i32
          %cond3A_90 = arith.cmpi ne, %convert_element_type3A_88, %cond3A_89 : i32
          scf.if %cond3A_90 {
            %ge3A = arith.constant 1 : i32
            %ge3A_91 = arith.cmpi sge, %scan3A_60, %ge3A : i32
            %convert_element_type3A_92 = arith.extui %ge3A_91 : i1 to i32
            %cond3A_93 = arith.constant 0 : i32
            %cond3A_94 = arith.cmpi ne, %convert_element_type3A_92, %cond3A_93 : i32
            scf.if %cond3A_94 {
              %dma_wait3A_116 = arith.constant 1 : i32
              %dma_wait3A_117 = arith.constant 0 : i32
              %dma_wait3A_118 = arith.constant 1 : i32
              %dma_wait3A_119 = arith.constant 0 : i32
              %dma_wait3A_120 = arith.constant 0 : i32
              %dma_wait3A_121 = tpu.memref_slice %arg7[%dma_wait3A_116, %dma_wait3A_119, %dma_wait3A_120] : memref<2x40x128xf32, #tpu.memory_space<vmem>> -> memref<1x40x128xf32, #tpu.memory_space<vmem>>
              %dma_wait3A_122 = tpu.memref_squeeze %dma_wait3A_121 : memref<1x40x128xf32, #tpu.memory_space<vmem>> -> memref<40x128xf32, #tpu.memory_space<vmem>>
              %dma_wait3A_123 = arith.constant 0 : i32
              %dma_wait3A_124 = tpu.memref_slice %arg6[%dma_wait3A_117, %dma_wait3A_123] : memref<250x40xi32, #tpu.memory_space<vmem>> -> memref<1x40xi32, #tpu.memory_space<vmem>>
              %dma_wait3A_125 = tpu.memref_squeeze %dma_wait3A_124 : memref<1x40xi32, #tpu.memory_space<vmem>> -> memref<40xi32, #tpu.memory_space<vmem>>
              %dma_wait3A_126 = arith.constant 0 : i32
              %dma_wait3A_127 = arith.constant 0 : i32
              %dma_wait3A_128 = tpu.memref_slice %arg8[%dma_wait3A_126, %dma_wait3A_127] : memref<10240x128xf32, #tpu.memory_space<vmem_shared>> -> memref<10240x128xf32, #tpu.memory_space<vmem_shared>>
              %dma_wait3A_129 = tpu.memref_slice %arg10[%dma_wait3A_118] : memref<2x!tpu.dma_semaphore, #tpu.memory_space<semaphore_mem>> -> memref<1x!tpu.dma_semaphore, #tpu.memory_space<semaphore_mem>>
              %dma_wait3A_130 = tpu.memref_squeeze %dma_wait3A_129 : memref<1x!tpu.dma_semaphore, #tpu.memory_space<semaphore_mem>> -> memref<!tpu.dma_semaphore, #tpu.memory_space<semaphore_mem>>
              tpu.wait_indirect_dma semaphore(%dma_wait3A_130 : memref<!tpu.dma_semaphore, #tpu.memory_space<semaphore_mem>>) src(%dma_wait3A_122 : memref<40x128xf32, #tpu.memory_space<vmem>>) dst(%dma_wait3A_128 : memref<10240x128xf32, #tpu.memory_space<vmem_shared>>)
            } else {
            }
            %add3A_95 = arith.constant 1 : i32
            %add3A_96 = arith.addi %scan3A_60, %add3A_95 : i32
            %mul3A_97 = arith.constant 40 : i32
            %mul3A_98 = arith.muli %add3A_96, %mul3A_97 : i32
            %add3A_99 = arith.addi %mul3A_0, %mul3A_98 : i32
            %dma_start3A_100 = arith.constant 1 : i32
            %dma_start3A_101 = arith.constant 1 : i32
            %dma_start3A_102 = arith.constant 0 : i32
            %dma_start3A_103 = arith.constant 0 : i32
            %dma_start3A_104 = tpu.memref_slice %arg7[%dma_start3A_100, %dma_start3A_102, %dma_start3A_103] : memref<2x40x128xf32, #tpu.memory_space<vmem>> -> memref<1x40x128xf32, #tpu.memory_space<vmem>>
            %dma_start3A_105 = tpu.memref_squeeze %dma_start3A_104 : memref<1x40x128xf32, #tpu.memory_space<vmem>> -> memref<40x128xf32, #tpu.memory_space<vmem>>
            %dma_start3A_106 = arith.constant 0 : i32
            %dma_start3A_107 = tpu.memref_slice %arg2[%add3A_99, %dma_start3A_106] : memref<160000x256xf32, #tpu.memory_space<hbm>> -> memref<40x128xf32, #tpu.memory_space<hbm>>
            %dma_start3A_108 = tpu.memref_slice %arg9[%dma_start3A_101] : memref<2x!tpu.dma_semaphore, #tpu.memory_space<semaphore_mem>> -> memref<1x!tpu.dma_semaphore, #tpu.memory_space<semaphore_mem>>
            %dma_start3A_109 = tpu.memref_squeeze %dma_start3A_108 : memref<1x!tpu.dma_semaphore, #tpu.memory_space<semaphore_mem>> -> memref<!tpu.dma_semaphore, #tpu.memory_space<semaphore_mem>>
            %dma_start3A_110 = arith.constant 0 : i32
            %dma_start3A_111 = arith.constant 0 : i32
            %dma_start3A_112 = tpu.memref_slice %arg7[%dma_start3A_100, %dma_start3A_110, %dma_start3A_111] : memref<2x40x128xf32, #tpu.memory_space<vmem>> -> memref<1x40x128xf32, #tpu.memory_space<vmem>>
            %dma_start3A_113 = tpu.memref_squeeze %dma_start3A_112 : memref<1x40x128xf32, #tpu.memory_space<vmem>> -> memref<40x128xf32, #tpu.memory_space<vmem>>
            %dma_start3A_114 = arith.constant 0 : i32
            %dma_start3A_115 = tpu.memref_slice %arg2[%add3A_99, %dma_start3A_114] : memref<160000x256xf32, #tpu.memory_space<hbm>> -> memref<40x128xf32, #tpu.memory_space<hbm>>
            tpu.enqueue_dma source(%dma_start3A_115 : memref<40x128xf32, #tpu.memory_space<hbm>>) target(%dma_start3A_113 : memref<40x128xf32, #tpu.memory_space<vmem>>) target_semaphore(%dma_start3A_109 : memref<!tpu.dma_semaphore, #tpu.memory_space<semaphore_mem>>)
          } else {
          }
        } else {
        }
        %eq3A_67 = arith.constant 0 : i32
        %eq3A_68 = arith.cmpi eq, %rem3A_61, %eq3A_67 : i32
        %convert_element_type3A_69 = arith.extui %eq3A_68 : i1 to i32
        %cond3A_70 = arith.constant 0 : i32
        %cond3A_71 = arith.cmpi ne, %convert_element_type3A_69, %cond3A_70 : i32
        scf.if %cond3A_71 {
          %dma_wait3A_77 = arith.constant 0 : i32
          %dma_wait3A_78 = arith.constant 0 : i32
          %dma_wait3A_79 = arith.constant 0 : i32
          %dma_wait3A_80 = arith.constant 0 : i32
          %dma_wait3A_81 = tpu.memref_slice %arg7[%dma_wait3A_77, %dma_wait3A_79, %dma_wait3A_80] : memref<2x40x128xf32, #tpu.memory_space<vmem>> -> memref<1x40x128xf32, #tpu.memory_space<vmem>>
          %dma_wait3A_82 = tpu.memref_squeeze %dma_wait3A_81 : memref<1x40x128xf32, #tpu.memory_space<vmem>> -> memref<40x128xf32, #tpu.memory_space<vmem>>
          %dma_wait3A_83 = arith.constant 0 : i32
          %dma_wait3A_84 = tpu.memref_slice %arg2[%mul3A_0, %dma_wait3A_83] : memref<160000x256xf32, #tpu.memory_space<hbm>> -> memref<40x128xf32, #tpu.memory_space<hbm>>
          %dma_wait3A_85 = tpu.memref_slice %arg9[%dma_wait3A_78] : memref<2x!tpu.dma_semaphore, #tpu.memory_space<semaphore_mem>> -> memref<1x!tpu.dma_semaphore, #tpu.memory_space<semaphore_mem>>
          %dma_wait3A_86 = tpu.memref_squeeze %dma_wait3A_85 : memref<1x!tpu.dma_semaphore, #tpu.memory_space<semaphore_mem>> -> memref<!tpu.dma_semaphore, #tpu.memory_space<semaphore_mem>>
          %dma_wait3A_87 = arith.constant 0 : i32
          %dma_wait3A_88 = arith.constant 0 : i32
          %dma_wait3A_89 = tpu.memref_slice %arg7[%dma_wait3A_77, %dma_wait3A_87, %dma_wait3A_88] : memref<2x40x128xf32, #tpu.memory_space<vmem>> -> memref<1x40x128xf32, #tpu.memory_space<vmem>>
          %dma_wait3A_90 = tpu.memref_squeeze %dma_wait3A_89 : memref<1x40x128xf32, #tpu.memory_space<vmem>> -> memref<40x128xf32, #tpu.memory_space<vmem>>
          %dma_wait3A_91 = arith.constant 0 : i32
          %dma_wait3A_92 = tpu.memref_slice %arg2[%mul3A_0, %dma_wait3A_91] : memref<160000x256xf32, #tpu.memory_space<hbm>> -> memref<40x128xf32, #tpu.memory_space<hbm>>
          tpu.wait_dma2 semaphore(%dma_wait3A_86 : memref<!tpu.dma_semaphore, #tpu.memory_space<semaphore_mem>>) src(%dma_wait3A_92 : memref<40x128xf32, #tpu.memory_space<hbm>>) dst(%dma_wait3A_90 : memref<40x128xf32, #tpu.memory_space<vmem>>)
          %dma_start3A_93 = arith.constant 0 : i32
          %dma_start3A_94 = arith.constant 0 : i32
          %dma_start3A_95 = arith.constant 0 : i32
          %dma_start3A_96 = arith.constant 0 : i32
          %dma_start3A_97 = tpu.memref_slice %arg7[%dma_start3A_93, %dma_start3A_95, %dma_start3A_96] : memref<2x40x128xf32, #tpu.memory_space<vmem>> -> memref<1x40x128xf32, #tpu.memory_space<vmem>>
          %dma_start3A_98 = tpu.memref_squeeze %dma_start3A_97 : memref<1x40x128xf32, #tpu.memory_space<vmem>> -> memref<40x128xf32, #tpu.memory_space<vmem>>
          %dma_start3A_99 = arith.constant 0 : i32
          %dma_start3A_100 = tpu.memref_slice %arg6[%scan3A_60, %dma_start3A_99] : memref<250x40xi32, #tpu.memory_space<vmem>> -> memref<1x40xi32, #tpu.memory_space<vmem>>
          %dma_start3A_101 = tpu.memref_squeeze %dma_start3A_100 : memref<1x40xi32, #tpu.memory_space<vmem>> -> memref<40xi32, #tpu.memory_space<vmem>>
          %dma_start3A_102 = arith.constant 0 : i32
          %dma_start3A_103 = arith.constant 0 : i32
          %dma_start3A_104 = tpu.memref_slice %arg8[%dma_start3A_102, %dma_start3A_103] : memref<10240x128xf32, #tpu.memory_space<vmem_shared>> -> memref<10240x128xf32, #tpu.memory_space<vmem_shared>>
          %dma_start3A_105 = tpu.memref_slice %arg10[%dma_start3A_94] : memref<2x!tpu.dma_semaphore, #tpu.memory_space<semaphore_mem>> -> memref<1x!tpu.dma_semaphore, #tpu.memory_space<semaphore_mem>>
          %dma_start3A_106 = tpu.memref_squeeze %dma_start3A_105 : memref<1x!tpu.dma_semaphore, #tpu.memory_space<semaphore_mem>> -> memref<!tpu.dma_semaphore, #tpu.memory_space<semaphore_mem>>
          tpu.enqueue_indirect_dma source(%dma_start3A_98 : memref<40x128xf32, #tpu.memory_space<vmem>>) target(%dma_start3A_104 : memref<10240x128xf32, #tpu.memory_space<vmem_shared>>) offsets(%dma_start3A_101 : memref<40xi32, #tpu.memory_space<vmem>>) semaphore(%dma_start3A_106 : memref<!tpu.dma_semaphore, #tpu.memory_space<semaphore_mem>>) {add = true}
        } else {
        }
        %eq3A_72 = arith.constant 1 : i32
        %eq3A_73 = arith.cmpi eq, %rem3A_61, %eq3A_72 : i32
        %convert_element_type3A_74 = arith.extui %eq3A_73 : i1 to i32
        %cond3A_75 = arith.constant 0 : i32
        %cond3A_76 = arith.cmpi ne, %convert_element_type3A_74, %cond3A_75 : i32
        scf.if %cond3A_76 {
          %dma_wait3A_77 = arith.constant 1 : i32
          %dma_wait3A_78 = arith.constant 1 : i32
          %dma_wait3A_79 = arith.constant 0 : i32
          %dma_wait3A_80 = arith.constant 0 : i32
          %dma_wait3A_81 = tpu.memref_slice %arg7[%dma_wait3A_77, %dma_wait3A_79, %dma_wait3A_80] : memref<2x40x128xf32, #tpu.memory_space<vmem>> -> memref<1x40x128xf32, #tpu.memory_space<vmem>>
          %dma_wait3A_82 = tpu.memref_squeeze %dma_wait3A_81 : memref<1x40x128xf32, #tpu.memory_space<vmem>> -> memref<40x128xf32, #tpu.memory_space<vmem>>
          %dma_wait3A_83 = arith.constant 0 : i32
          %dma_wait3A_84 = tpu.memref_slice %arg2[%mul3A_0, %dma_wait3A_83] : memref<160000x256xf32, #tpu.memory_space<hbm>> -> memref<40x128xf32, #tpu.memory_space<hbm>>
          %dma_wait3A_85 = tpu.memref_slice %arg9[%dma_wait3A_78] : memref<2x!tpu.dma_semaphore, #tpu.memory_space<semaphore_mem>> -> memref<1x!tpu.dma_semaphore, #tpu.memory_space<semaphore_mem>>
          %dma_wait3A_86 = tpu.memref_squeeze %dma_wait3A_85 : memref<1x!tpu.dma_semaphore, #tpu.memory_space<semaphore_mem>> -> memref<!tpu.dma_semaphore, #tpu.memory_space<semaphore_mem>>
          %dma_wait3A_87 = arith.constant 0 : i32
          %dma_wait3A_88 = arith.constant 0 : i32
          %dma_wait3A_89 = tpu.memref_slice %arg7[%dma_wait3A_77, %dma_wait3A_87, %dma_wait3A_88] : memref<2x40x128xf32, #tpu.memory_space<vmem>> -> memref<1x40x128xf32, #tpu.memory_space<vmem>>
          %dma_wait3A_90 = tpu.memref_squeeze %dma_wait3A_89 : memref<1x40x128xf32, #tpu.memory_space<vmem>> -> memref<40x128xf32, #tpu.memory_space<vmem>>
          %dma_wait3A_91 = arith.constant 0 : i32
          %dma_wait3A_92 = tpu.memref_slice %arg2[%mul3A_0, %dma_wait3A_91] : memref<160000x256xf32, #tpu.memory_space<hbm>> -> memref<40x128xf32, #tpu.memory_space<hbm>>
          tpu.wait_dma2 semaphore(%dma_wait3A_86 : memref<!tpu.dma_semaphore, #tpu.memory_space<semaphore_mem>>) src(%dma_wait3A_92 : memref<40x128xf32, #tpu.memory_space<hbm>>) dst(%dma_wait3A_90 : memref<40x128xf32, #tpu.memory_space<vmem>>)
          %dma_start3A_93 = arith.constant 1 : i32
          %dma_start3A_94 = arith.constant 1 : i32
          %dma_start3A_95 = arith.constant 0 : i32
          %dma_start3A_96 = arith.constant 0 : i32
          %dma_start3A_97 = tpu.memref_slice %arg7[%dma_start3A_93, %dma_start3A_95, %dma_start3A_96] : memref<2x40x128xf32, #tpu.memory_space<vmem>> -> memref<1x40x128xf32, #tpu.memory_space<vmem>>
          %dma_start3A_98 = tpu.memref_squeeze %dma_start3A_97 : memref<1x40x128xf32, #tpu.memory_space<vmem>> -> memref<40x128xf32, #tpu.memory_space<vmem>>
          %dma_start3A_99 = arith.constant 0 : i32
          %dma_start3A_100 = tpu.memref_slice %arg6[%scan3A_60, %dma_start3A_99] : memref<250x40xi32, #tpu.memory_space<vmem>> -> memref<1x40xi32, #tpu.memory_space<vmem>>
          %dma_start3A_101 = tpu.memref_squeeze %dma_start3A_100 : memref<1x40xi32, #tpu.memory_space<vmem>> -> memref<40xi32, #tpu.memory_space<vmem>>
          %dma_start3A_102 = arith.constant 0 : i32
          %dma_start3A_103 = arith.constant 0 : i32
          %dma_start3A_104 = tpu.memref_slice %arg8[%dma_start3A_102, %dma_start3A_103] : memref<10240x128xf32, #tpu.memory_space<vmem_shared>> -> memref<10240x128xf32, #tpu.memory_space<vmem_shared>>
          %dma_start3A_105 = tpu.memref_slice %arg10[%dma_start3A_94] : memref<2x!tpu.dma_semaphore, #tpu.memory_space<semaphore_mem>> -> memref<1x!tpu.dma_semaphore, #tpu.memory_space<semaphore_mem>>
          %dma_start3A_106 = tpu.memref_squeeze %dma_start3A_105 : memref<1x!tpu.dma_semaphore, #tpu.memory_space<semaphore_mem>> -> memref<!tpu.dma_semaphore, #tpu.memory_space<semaphore_mem>>
          tpu.enqueue_indirect_dma source(%dma_start3A_98 : memref<40x128xf32, #tpu.memory_space<vmem>>) target(%dma_start3A_104 : memref<10240x128xf32, #tpu.memory_space<vmem_shared>>) offsets(%dma_start3A_101 : memref<40xi32, #tpu.memory_space<vmem>>) semaphore(%dma_start3A_106 : memref<!tpu.dma_semaphore, #tpu.memory_space<semaphore_mem>>) {add = true}
        } else {
        }
      }
      %scan3A_29 = arith.constant 250 : i32
      %dma_wait3A = arith.constant 0 : i32
      %dma_wait3A_30 = arith.constant 0 : i32
      %dma_wait3A_31 = arith.constant 0 : i32
      %dma_wait3A_32 = arith.constant 0 : i32
      %dma_wait3A_33 = arith.constant 0 : i32
      %dma_wait3A_34 = tpu.memref_slice %arg7[%dma_wait3A, %dma_wait3A_32, %dma_wait3A_33] : memref<2x40x128xf32, #tpu.memory_space<vmem>> -> memref<1x40x128xf32, #tpu.memory_space<vmem>>
      %dma_wait3A_35 = tpu.memref_squeeze %dma_wait3A_34 : memref<1x40x128xf32, #tpu.memory_space<vmem>> -> memref<40x128xf32, #tpu.memory_space<vmem>>
      %dma_wait3A_36 = arith.constant 0 : i32
      %dma_wait3A_37 = tpu.memref_slice %arg6[%dma_wait3A_30, %dma_wait3A_36] : memref<250x40xi32, #tpu.memory_space<vmem>> -> memref<1x40xi32, #tpu.memory_space<vmem>>
      %dma_wait3A_38 = tpu.memref_squeeze %dma_wait3A_37 : memref<1x40xi32, #tpu.memory_space<vmem>> -> memref<40xi32, #tpu.memory_space<vmem>>
      %dma_wait3A_39 = arith.constant 0 : i32
      %dma_wait3A_40 = arith.constant 0 : i32
      %dma_wait3A_41 = tpu.memref_slice %arg8[%dma_wait3A_39, %dma_wait3A_40] : memref<10240x128xf32, #tpu.memory_space<vmem_shared>> -> memref<10240x128xf32, #tpu.memory_space<vmem_shared>>
      %dma_wait3A_42 = tpu.memref_slice %arg10[%dma_wait3A_31] : memref<2x!tpu.dma_semaphore, #tpu.memory_space<semaphore_mem>> -> memref<1x!tpu.dma_semaphore, #tpu.memory_space<semaphore_mem>>
      %dma_wait3A_43 = tpu.memref_squeeze %dma_wait3A_42 : memref<1x!tpu.dma_semaphore, #tpu.memory_space<semaphore_mem>> -> memref<!tpu.dma_semaphore, #tpu.memory_space<semaphore_mem>>
      tpu.wait_indirect_dma semaphore(%dma_wait3A_43 : memref<!tpu.dma_semaphore, #tpu.memory_space<semaphore_mem>>) src(%dma_wait3A_35 : memref<40x128xf32, #tpu.memory_space<vmem>>) dst(%dma_wait3A_41 : memref<10240x128xf32, #tpu.memory_space<vmem_shared>>)
      %dma_wait3A_44 = arith.constant 1 : i32
      %dma_wait3A_45 = arith.constant 0 : i32
      %dma_wait3A_46 = arith.constant 1 : i32
      %dma_wait3A_47 = arith.constant 0 : i32
      %dma_wait3A_48 = arith.constant 0 : i32
      %dma_wait3A_49 = tpu.memref_slice %arg7[%dma_wait3A_44, %dma_wait3A_47, %dma_wait3A_48] : memref<2x40x128xf32, #tpu.memory_space<vmem>> -> memref<1x40x128xf32, #tpu.memory_space<vmem>>
      %dma_wait3A_50 = tpu.memref_squeeze %dma_wait3A_49 : memref<1x40x128xf32, #tpu.memory_space<vmem>> -> memref<40x128xf32, #tpu.memory_space<vmem>>
      %dma_wait3A_51 = arith.constant 0 : i32
      %dma_wait3A_52 = tpu.memref_slice %arg6[%dma_wait3A_45, %dma_wait3A_51] : memref<250x40xi32, #tpu.memory_space<vmem>> -> memref<1x40xi32, #tpu.memory_space<vmem>>
      %dma_wait3A_53 = tpu.memref_squeeze %dma_wait3A_52 : memref<1x40xi32, #tpu.memory_space<vmem>> -> memref<40xi32, #tpu.memory_space<vmem>>
      %dma_wait3A_54 = arith.constant 0 : i32
      %dma_wait3A_55 = arith.constant 0 : i32
      %dma_wait3A_56 = tpu.memref_slice %arg8[%dma_wait3A_54, %dma_wait3A_55] : memref<10240x128xf32, #tpu.memory_space<vmem_shared>> -> memref<10240x128xf32, #tpu.memory_space<vmem_shared>>
      %dma_wait3A_57 = tpu.memref_slice %arg10[%dma_wait3A_46] : memref<2x!tpu.dma_semaphore, #tpu.memory_space<semaphore_mem>> -> memref<1x!tpu.dma_semaphore, #tpu.memory_space<semaphore_mem>>
      %dma_wait3A_58 = tpu.memref_squeeze %dma_wait3A_57 : memref<1x!tpu.dma_semaphore, #tpu.memory_space<semaphore_mem>> -> memref<!tpu.dma_semaphore, #tpu.memory_space<semaphore_mem>>
      tpu.wait_indirect_dma semaphore(%dma_wait3A_58 : memref<!tpu.dma_semaphore, #tpu.memory_space<semaphore_mem>>) src(%dma_wait3A_50 : memref<40x128xf32, #tpu.memory_space<vmem>>) dst(%dma_wait3A_56 : memref<10240x128xf32, #tpu.memory_space<vmem_shared>>)
      %barrier3A_59 = arith.constant 0 : index
      tpu.barrier barrier_id(%barrier3A_59)
      %run_scoped3A = arith.constant 0 : i32
      "tpu.region"() ({
        %run_scoped3A_60 = tpu.sem_alloc : memref<!tpu.dma_semaphore, #tpu.memory_space<semaphore_mem>>
        %dma_start3A_61 = arith.constant 0 : i32
        %dma_start3A_62 = arith.constant 0 : i32
        %dma_start3A_63 = tpu.memref_slice %arg5[%run_scoped3A, %dma_start3A_61, %dma_start3A_62] : memref<2x10240x128xf32, #tpu.memory_space<hbm>> -> memref<1x10240x128xf32, #tpu.memory_space<hbm>>
        %dma_start3A_64 = tpu.memref_squeeze %dma_start3A_63 : memref<1x10240x128xf32, #tpu.memory_space<hbm>> -> memref<10240x128xf32, #tpu.memory_space<hbm>>
        %dma_start3A_65 = arith.constant 0 : i32
        %dma_start3A_66 = tpu.memref_slice %dma_start3A_64[%mul3A_2, %dma_start3A_65] : memref<10240x128xf32, #tpu.memory_space<hbm>> -> memref<640x128xf32, #tpu.memory_space<hbm>>
        %dma_start3A_67 = arith.constant 0 : i32
        %dma_start3A_68 = tpu.memref_slice %arg8[%mul3A_2, %dma_start3A_67] : memref<10240x128xf32, #tpu.memory_space<vmem_shared>> -> memref<640x128xf32, #tpu.memory_space<vmem_shared>>
        tpu.enqueue_dma source(%dma_start3A_68 : memref<640x128xf32, #tpu.memory_space<vmem_shared>>) target(%dma_start3A_66 : memref<640x128xf32, #tpu.memory_space<hbm>>) target_semaphore(%run_scoped3A_60 : memref<!tpu.dma_semaphore, #tpu.memory_space<semaphore_mem>>)
        %dma_wait3A_69 = arith.constant 0 : i32
        %dma_wait3A_70 = arith.constant 0 : i32
        %dma_wait3A_71 = tpu.memref_slice %arg5[%run_scoped3A, %dma_wait3A_69, %dma_wait3A_70] : memref<2x10240x128xf32, #tpu.memory_space<hbm>> -> memref<1x10240x128xf32, #tpu.memory_space<hbm>>
        %dma_wait3A_72 = tpu.memref_squeeze %dma_wait3A_71 : memref<1x10240x128xf32, #tpu.memory_space<hbm>> -> memref<10240x128xf32, #tpu.memory_space<hbm>>
        %dma_wait3A_73 = arith.constant 0 : i32
        %dma_wait3A_74 = tpu.memref_slice %dma_wait3A_72[%mul3A_2, %dma_wait3A_73] : memref<10240x128xf32, #tpu.memory_space<hbm>> -> memref<640x128xf32, #tpu.memory_space<hbm>>
        %dma_wait3A_75 = arith.constant 0 : i32
        %dma_wait3A_76 = tpu.memref_slice %arg8[%mul3A_2, %dma_wait3A_75] : memref<10240x128xf32, #tpu.memory_space<vmem_shared>> -> memref<640x128xf32, #tpu.memory_space<vmem_shared>>
        tpu.wait_dma2 semaphore(%run_scoped3A_60 : memref<!tpu.dma_semaphore, #tpu.memory_space<semaphore_mem>>) src(%dma_wait3A_76 : memref<640x128xf32, #tpu.memory_space<vmem_shared>>) dst(%dma_wait3A_74 : memref<640x128xf32, #tpu.memory_space<hbm>>)
        tpu.yield
      }) : () -> ()
    } else {
    }
    %eq3A_5 = arith.constant 1 : i32
    %eq3A_6 = arith.cmpi eq, %arg0, %eq3A_5 : i32
    %convert_element_type3A_7 = arith.extui %eq3A_6 : i1 to i32
    %cond3A_8 = arith.constant 0 : i32
    %cond3A_9 = arith.cmpi ne, %convert_element_type3A_7, %cond3A_8 : i32
    scf.if %cond3A_9 {
      %dma_start3A = arith.constant 0 : i32
      %dma_start3A_10 = arith.constant 0 : i32
      %dma_start3A_11 = arith.constant 0 : i32
      %dma_start3A_12 = arith.constant 0 : i32
      %dma_start3A_13 = tpu.memref_slice %arg7[%dma_start3A, %dma_start3A_11, %dma_start3A_12] : memref<2x40x128xf32, #tpu.memory_space<vmem>> -> memref<1x40x128xf32, #tpu.memory_space<vmem>>
      %dma_start3A_14 = tpu.memref_squeeze %dma_start3A_13 : memref<1x40x128xf32, #tpu.memory_space<vmem>> -> memref<40x128xf32, #tpu.memory_space<vmem>>
      %dma_start3A_15 = arith.constant 128 : i32
      %dma_start3A_16 = tpu.memref_slice %arg2[%mul3A_0, %dma_start3A_15] : memref<160000x256xf32, #tpu.memory_space<hbm>> -> memref<40x128xf32, #tpu.memory_space<hbm>>
      %dma_start3A_17 = tpu.memref_slice %arg9[%dma_start3A_10] : memref<2x!tpu.dma_semaphore, #tpu.memory_space<semaphore_mem>> -> memref<1x!tpu.dma_semaphore, #tpu.memory_space<semaphore_mem>>
      %dma_start3A_18 = tpu.memref_squeeze %dma_start3A_17 : memref<1x!tpu.dma_semaphore, #tpu.memory_space<semaphore_mem>> -> memref<!tpu.dma_semaphore, #tpu.memory_space<semaphore_mem>>
      %dma_start3A_19 = arith.constant 0 : i32
      %dma_start3A_20 = arith.constant 0 : i32
      %dma_start3A_21 = tpu.memref_slice %arg7[%dma_start3A, %dma_start3A_19, %dma_start3A_20] : memref<2x40x128xf32, #tpu.memory_space<vmem>> -> memref<1x40x128xf32, #tpu.memory_space<vmem>>
      %dma_start3A_22 = tpu.memref_squeeze %dma_start3A_21 : memref<1x40x128xf32, #tpu.memory_space<vmem>> -> memref<40x128xf32, #tpu.memory_space<vmem>>
      %dma_start3A_23 = arith.constant 128 : i32
      %dma_start3A_24 = tpu.memref_slice %arg2[%mul3A_0, %dma_start3A_23] : memref<160000x256xf32, #tpu.memory_space<hbm>> -> memref<40x128xf32, #tpu.memory_space<hbm>>
      tpu.enqueue_dma source(%dma_start3A_24 : memref<40x128xf32, #tpu.memory_space<hbm>>) target(%dma_start3A_22 : memref<40x128xf32, #tpu.memory_space<vmem>>) target_semaphore(%dma_start3A_18 : memref<!tpu.dma_semaphore, #tpu.memory_space<semaphore_mem>>)
      %scan3A = arith.constant 0 : i32
      %scan3A_25 = arith.constant 0 : i32
      %scan3A_26 = arith.constant 250 : i32
      %scan3A_27 = arith.addi %scan3A_25, %scan3A_26 : i32
      %scan3A_28 = arith.constant 1 : i32
      scf.for %scan3A_60 = %scan3A_25 to %scan3A_27 step %scan3A_28  : i32 {
        %rem3A = arith.constant 2 : i32
        %rem3A_61 = arith.remsi %scan3A_60, %rem3A : i32
        %add3A = arith.constant 1 : i32
        %add3A_62 = arith.addi %scan3A_60, %add3A : i32
        %lt3A = arith.constant 250 : i32
        %lt3A_63 = arith.cmpi slt, %add3A_62, %lt3A : i32
        %convert_element_type3A_64 = arith.extui %lt3A_63 : i1 to i32
        %cond3A_65 = arith.constant 0 : i32
        %cond3A_66 = arith.cmpi ne, %convert_element_type3A_64, %cond3A_65 : i32
        scf.if %cond3A_66 {
          %add3A_77 = arith.constant 1 : i32
          %add3A_78 = arith.addi %scan3A_60, %add3A_77 : i32
          %rem3A_79 = arith.constant 2 : i32
          %rem3A_80 = arith.remsi %add3A_78, %rem3A_79 : i32
          %eq3A_81 = arith.constant 0 : i32
          %eq3A_82 = arith.cmpi eq, %rem3A_80, %eq3A_81 : i32
          %convert_element_type3A_83 = arith.extui %eq3A_82 : i1 to i32
          %cond3A_84 = arith.constant 0 : i32
          %cond3A_85 = arith.cmpi ne, %convert_element_type3A_83, %cond3A_84 : i32
          scf.if %cond3A_85 {
            %ge3A = arith.constant 1 : i32
            %ge3A_91 = arith.cmpi sge, %scan3A_60, %ge3A : i32
            %convert_element_type3A_92 = arith.extui %ge3A_91 : i1 to i32
            %cond3A_93 = arith.constant 0 : i32
            %cond3A_94 = arith.cmpi ne, %convert_element_type3A_92, %cond3A_93 : i32
            scf.if %cond3A_94 {
              %dma_wait3A_116 = arith.constant 0 : i32
              %dma_wait3A_117 = arith.constant 0 : i32
              %dma_wait3A_118 = arith.constant 0 : i32
              %dma_wait3A_119 = arith.constant 0 : i32
              %dma_wait3A_120 = arith.constant 0 : i32
              %dma_wait3A_121 = tpu.memref_slice %arg7[%dma_wait3A_116, %dma_wait3A_119, %dma_wait3A_120] : memref<2x40x128xf32, #tpu.memory_space<vmem>> -> memref<1x40x128xf32, #tpu.memory_space<vmem>>
              %dma_wait3A_122 = tpu.memref_squeeze %dma_wait3A_121 : memref<1x40x128xf32, #tpu.memory_space<vmem>> -> memref<40x128xf32, #tpu.memory_space<vmem>>
              %dma_wait3A_123 = arith.constant 0 : i32
              %dma_wait3A_124 = tpu.memref_slice %arg6[%dma_wait3A_117, %dma_wait3A_123] : memref<250x40xi32, #tpu.memory_space<vmem>> -> memref<1x40xi32, #tpu.memory_space<vmem>>
              %dma_wait3A_125 = tpu.memref_squeeze %dma_wait3A_124 : memref<1x40xi32, #tpu.memory_space<vmem>> -> memref<40xi32, #tpu.memory_space<vmem>>
              %dma_wait3A_126 = arith.constant 0 : i32
              %dma_wait3A_127 = arith.constant 0 : i32
              %dma_wait3A_128 = tpu.memref_slice %arg8[%dma_wait3A_126, %dma_wait3A_127] : memref<10240x128xf32, #tpu.memory_space<vmem_shared>> -> memref<10240x128xf32, #tpu.memory_space<vmem_shared>>
              %dma_wait3A_129 = tpu.memref_slice %arg10[%dma_wait3A_118] : memref<2x!tpu.dma_semaphore, #tpu.memory_space<semaphore_mem>> -> memref<1x!tpu.dma_semaphore, #tpu.memory_space<semaphore_mem>>
              %dma_wait3A_130 = tpu.memref_squeeze %dma_wait3A_129 : memref<1x!tpu.dma_semaphore, #tpu.memory_space<semaphore_mem>> -> memref<!tpu.dma_semaphore, #tpu.memory_space<semaphore_mem>>
              tpu.wait_indirect_dma semaphore(%dma_wait3A_130 : memref<!tpu.dma_semaphore, #tpu.memory_space<semaphore_mem>>) src(%dma_wait3A_122 : memref<40x128xf32, #tpu.memory_space<vmem>>) dst(%dma_wait3A_128 : memref<10240x128xf32, #tpu.memory_space<vmem_shared>>)
            } else {
            }
            %add3A_95 = arith.constant 1 : i32
            %add3A_96 = arith.addi %scan3A_60, %add3A_95 : i32
            %mul3A_97 = arith.constant 40 : i32
            %mul3A_98 = arith.muli %add3A_96, %mul3A_97 : i32
            %add3A_99 = arith.addi %mul3A_0, %mul3A_98 : i32
            %dma_start3A_100 = arith.constant 0 : i32
            %dma_start3A_101 = arith.constant 0 : i32
            %dma_start3A_102 = arith.constant 0 : i32
            %dma_start3A_103 = arith.constant 0 : i32
            %dma_start3A_104 = tpu.memref_slice %arg7[%dma_start3A_100, %dma_start3A_102, %dma_start3A_103] : memref<2x40x128xf32, #tpu.memory_space<vmem>> -> memref<1x40x128xf32, #tpu.memory_space<vmem>>
            %dma_start3A_105 = tpu.memref_squeeze %dma_start3A_104 : memref<1x40x128xf32, #tpu.memory_space<vmem>> -> memref<40x128xf32, #tpu.memory_space<vmem>>
            %dma_start3A_106 = arith.constant 128 : i32
            %dma_start3A_107 = tpu.memref_slice %arg2[%add3A_99, %dma_start3A_106] : memref<160000x256xf32, #tpu.memory_space<hbm>> -> memref<40x128xf32, #tpu.memory_space<hbm>>
            %dma_start3A_108 = tpu.memref_slice %arg9[%dma_start3A_101] : memref<2x!tpu.dma_semaphore, #tpu.memory_space<semaphore_mem>> -> memref<1x!tpu.dma_semaphore, #tpu.memory_space<semaphore_mem>>
            %dma_start3A_109 = tpu.memref_squeeze %dma_start3A_108 : memref<1x!tpu.dma_semaphore, #tpu.memory_space<semaphore_mem>> -> memref<!tpu.dma_semaphore, #tpu.memory_space<semaphore_mem>>
            %dma_start3A_110 = arith.constant 0 : i32
            %dma_start3A_111 = arith.constant 0 : i32
            %dma_start3A_112 = tpu.memref_slice %arg7[%dma_start3A_100, %dma_start3A_110, %dma_start3A_111] : memref<2x40x128xf32, #tpu.memory_space<vmem>> -> memref<1x40x128xf32, #tpu.memory_space<vmem>>
            %dma_start3A_113 = tpu.memref_squeeze %dma_start3A_112 : memref<1x40x128xf32, #tpu.memory_space<vmem>> -> memref<40x128xf32, #tpu.memory_space<vmem>>
            %dma_start3A_114 = arith.constant 128 : i32
            %dma_start3A_115 = tpu.memref_slice %arg2[%add3A_99, %dma_start3A_114] : memref<160000x256xf32, #tpu.memory_space<hbm>> -> memref<40x128xf32, #tpu.memory_space<hbm>>
            tpu.enqueue_dma source(%dma_start3A_115 : memref<40x128xf32, #tpu.memory_space<hbm>>) target(%dma_start3A_113 : memref<40x128xf32, #tpu.memory_space<vmem>>) target_semaphore(%dma_start3A_109 : memref<!tpu.dma_semaphore, #tpu.memory_space<semaphore_mem>>)
          } else {
          }
          %eq3A_86 = arith.constant 1 : i32
          %eq3A_87 = arith.cmpi eq, %rem3A_80, %eq3A_86 : i32
          %convert_element_type3A_88 = arith.extui %eq3A_87 : i1 to i32
          %cond3A_89 = arith.constant 0 : i32
          %cond3A_90 = arith.cmpi ne, %convert_element_type3A_88, %cond3A_89 : i32
          scf.if %cond3A_90 {
            %ge3A = arith.constant 1 : i32
            %ge3A_91 = arith.cmpi sge, %scan3A_60, %ge3A : i32
            %convert_element_type3A_92 = arith.extui %ge3A_91 : i1 to i32
            %cond3A_93 = arith.constant 0 : i32
            %cond3A_94 = arith.cmpi ne, %convert_element_type3A_92, %cond3A_93 : i32
            scf.if %cond3A_94 {
              %dma_wait3A_116 = arith.constant 1 : i32
              %dma_wait3A_117 = arith.constant 0 : i32
              %dma_wait3A_118 = arith.constant 1 : i32
              %dma_wait3A_119 = arith.constant 0 : i32
              %dma_wait3A_120 = arith.constant 0 : i32
              %dma_wait3A_121 = tpu.memref_slice %arg7[%dma_wait3A_116, %dma_wait3A_119, %dma_wait3A_120] : memref<2x40x128xf32, #tpu.memory_space<vmem>> -> memref<1x40x128xf32, #tpu.memory_space<vmem>>
              %dma_wait3A_122 = tpu.memref_squeeze %dma_wait3A_121 : memref<1x40x128xf32, #tpu.memory_space<vmem>> -> memref<40x128xf32, #tpu.memory_space<vmem>>
              %dma_wait3A_123 = arith.constant 0 : i32
              %dma_wait3A_124 = tpu.memref_slice %arg6[%dma_wait3A_117, %dma_wait3A_123] : memref<250x40xi32, #tpu.memory_space<vmem>> -> memref<1x40xi32, #tpu.memory_space<vmem>>
              %dma_wait3A_125 = tpu.memref_squeeze %dma_wait3A_124 : memref<1x40xi32, #tpu.memory_space<vmem>> -> memref<40xi32, #tpu.memory_space<vmem>>
              %dma_wait3A_126 = arith.constant 0 : i32
              %dma_wait3A_127 = arith.constant 0 : i32
              %dma_wait3A_128 = tpu.memref_slice %arg8[%dma_wait3A_126, %dma_wait3A_127] : memref<10240x128xf32, #tpu.memory_space<vmem_shared>> -> memref<10240x128xf32, #tpu.memory_space<vmem_shared>>
              %dma_wait3A_129 = tpu.memref_slice %arg10[%dma_wait3A_118] : memref<2x!tpu.dma_semaphore, #tpu.memory_space<semaphore_mem>> -> memref<1x!tpu.dma_semaphore, #tpu.memory_space<semaphore_mem>>
              %dma_wait3A_130 = tpu.memref_squeeze %dma_wait3A_129 : memref<1x!tpu.dma_semaphore, #tpu.memory_space<semaphore_mem>> -> memref<!tpu.dma_semaphore, #tpu.memory_space<semaphore_mem>>
              tpu.wait_indirect_dma semaphore(%dma_wait3A_130 : memref<!tpu.dma_semaphore, #tpu.memory_space<semaphore_mem>>) src(%dma_wait3A_122 : memref<40x128xf32, #tpu.memory_space<vmem>>) dst(%dma_wait3A_128 : memref<10240x128xf32, #tpu.memory_space<vmem_shared>>)
            } else {
            }
            %add3A_95 = arith.constant 1 : i32
            %add3A_96 = arith.addi %scan3A_60, %add3A_95 : i32
            %mul3A_97 = arith.constant 40 : i32
            %mul3A_98 = arith.muli %add3A_96, %mul3A_97 : i32
            %add3A_99 = arith.addi %mul3A_0, %mul3A_98 : i32
            %dma_start3A_100 = arith.constant 1 : i32
            %dma_start3A_101 = arith.constant 1 : i32
            %dma_start3A_102 = arith.constant 0 : i32
            %dma_start3A_103 = arith.constant 0 : i32
            %dma_start3A_104 = tpu.memref_slice %arg7[%dma_start3A_100, %dma_start3A_102, %dma_start3A_103] : memref<2x40x128xf32, #tpu.memory_space<vmem>> -> memref<1x40x128xf32, #tpu.memory_space<vmem>>
            %dma_start3A_105 = tpu.memref_squeeze %dma_start3A_104 : memref<1x40x128xf32, #tpu.memory_space<vmem>> -> memref<40x128xf32, #tpu.memory_space<vmem>>
            %dma_start3A_106 = arith.constant 128 : i32
            %dma_start3A_107 = tpu.memref_slice %arg2[%add3A_99, %dma_start3A_106] : memref<160000x256xf32, #tpu.memory_space<hbm>> -> memref<40x128xf32, #tpu.memory_space<hbm>>
            %dma_start3A_108 = tpu.memref_slice %arg9[%dma_start3A_101] : memref<2x!tpu.dma_semaphore, #tpu.memory_space<semaphore_mem>> -> memref<1x!tpu.dma_semaphore, #tpu.memory_space<semaphore_mem>>
            %dma_start3A_109 = tpu.memref_squeeze %dma_start3A_108 : memref<1x!tpu.dma_semaphore, #tpu.memory_space<semaphore_mem>> -> memref<!tpu.dma_semaphore, #tpu.memory_space<semaphore_mem>>
            %dma_start3A_110 = arith.constant 0 : i32
            %dma_start3A_111 = arith.constant 0 : i32
            %dma_start3A_112 = tpu.memref_slice %arg7[%dma_start3A_100, %dma_start3A_110, %dma_start3A_111] : memref<2x40x128xf32, #tpu.memory_space<vmem>> -> memref<1x40x128xf32, #tpu.memory_space<vmem>>
            %dma_start3A_113 = tpu.memref_squeeze %dma_start3A_112 : memref<1x40x128xf32, #tpu.memory_space<vmem>> -> memref<40x128xf32, #tpu.memory_space<vmem>>
            %dma_start3A_114 = arith.constant 128 : i32
            %dma_start3A_115 = tpu.memref_slice %arg2[%add3A_99, %dma_start3A_114] : memref<160000x256xf32, #tpu.memory_space<hbm>> -> memref<40x128xf32, #tpu.memory_space<hbm>>
            tpu.enqueue_dma source(%dma_start3A_115 : memref<40x128xf32, #tpu.memory_space<hbm>>) target(%dma_start3A_113 : memref<40x128xf32, #tpu.memory_space<vmem>>) target_semaphore(%dma_start3A_109 : memref<!tpu.dma_semaphore, #tpu.memory_space<semaphore_mem>>)
          } else {
          }
        } else {
        }
        %eq3A_67 = arith.constant 0 : i32
        %eq3A_68 = arith.cmpi eq, %rem3A_61, %eq3A_67 : i32
        %convert_element_type3A_69 = arith.extui %eq3A_68 : i1 to i32
        %cond3A_70 = arith.constant 0 : i32
        %cond3A_71 = arith.cmpi ne, %convert_element_type3A_69, %cond3A_70 : i32
        scf.if %cond3A_71 {
          %dma_wait3A_77 = arith.constant 0 : i32
          %dma_wait3A_78 = arith.constant 0 : i32
          %dma_wait3A_79 = arith.constant 0 : i32
          %dma_wait3A_80 = arith.constant 0 : i32
          %dma_wait3A_81 = tpu.memref_slice %arg7[%dma_wait3A_77, %dma_wait3A_79, %dma_wait3A_80] : memref<2x40x128xf32, #tpu.memory_space<vmem>> -> memref<1x40x128xf32, #tpu.memory_space<vmem>>
          %dma_wait3A_82 = tpu.memref_squeeze %dma_wait3A_81 : memref<1x40x128xf32, #tpu.memory_space<vmem>> -> memref<40x128xf32, #tpu.memory_space<vmem>>
          %dma_wait3A_83 = arith.constant 128 : i32
          %dma_wait3A_84 = tpu.memref_slice %arg2[%mul3A_0, %dma_wait3A_83] : memref<160000x256xf32, #tpu.memory_space<hbm>> -> memref<40x128xf32, #tpu.memory_space<hbm>>
          %dma_wait3A_85 = tpu.memref_slice %arg9[%dma_wait3A_78] : memref<2x!tpu.dma_semaphore, #tpu.memory_space<semaphore_mem>> -> memref<1x!tpu.dma_semaphore, #tpu.memory_space<semaphore_mem>>
          %dma_wait3A_86 = tpu.memref_squeeze %dma_wait3A_85 : memref<1x!tpu.dma_semaphore, #tpu.memory_space<semaphore_mem>> -> memref<!tpu.dma_semaphore, #tpu.memory_space<semaphore_mem>>
          %dma_wait3A_87 = arith.constant 0 : i32
          %dma_wait3A_88 = arith.constant 0 : i32
          %dma_wait3A_89 = tpu.memref_slice %arg7[%dma_wait3A_77, %dma_wait3A_87, %dma_wait3A_88] : memref<2x40x128xf32, #tpu.memory_space<vmem>> -> memref<1x40x128xf32, #tpu.memory_space<vmem>>
          %dma_wait3A_90 = tpu.memref_squeeze %dma_wait3A_89 : memref<1x40x128xf32, #tpu.memory_space<vmem>> -> memref<40x128xf32, #tpu.memory_space<vmem>>
          %dma_wait3A_91 = arith.constant 128 : i32
          %dma_wait3A_92 = tpu.memref_slice %arg2[%mul3A_0, %dma_wait3A_91] : memref<160000x256xf32, #tpu.memory_space<hbm>> -> memref<40x128xf32, #tpu.memory_space<hbm>>
          tpu.wait_dma2 semaphore(%dma_wait3A_86 : memref<!tpu.dma_semaphore, #tpu.memory_space<semaphore_mem>>) src(%dma_wait3A_92 : memref<40x128xf32, #tpu.memory_space<hbm>>) dst(%dma_wait3A_90 : memref<40x128xf32, #tpu.memory_space<vmem>>)
          %dma_start3A_93 = arith.constant 0 : i32
          %dma_start3A_94 = arith.constant 0 : i32
          %dma_start3A_95 = arith.constant 0 : i32
          %dma_start3A_96 = arith.constant 0 : i32
          %dma_start3A_97 = tpu.memref_slice %arg7[%dma_start3A_93, %dma_start3A_95, %dma_start3A_96] : memref<2x40x128xf32, #tpu.memory_space<vmem>> -> memref<1x40x128xf32, #tpu.memory_space<vmem>>
          %dma_start3A_98 = tpu.memref_squeeze %dma_start3A_97 : memref<1x40x128xf32, #tpu.memory_space<vmem>> -> memref<40x128xf32, #tpu.memory_space<vmem>>
          %dma_start3A_99 = arith.constant 0 : i32
          %dma_start3A_100 = tpu.memref_slice %arg6[%scan3A_60, %dma_start3A_99] : memref<250x40xi32, #tpu.memory_space<vmem>> -> memref<1x40xi32, #tpu.memory_space<vmem>>
          %dma_start3A_101 = tpu.memref_squeeze %dma_start3A_100 : memref<1x40xi32, #tpu.memory_space<vmem>> -> memref<40xi32, #tpu.memory_space<vmem>>
          %dma_start3A_102 = arith.constant 0 : i32
          %dma_start3A_103 = arith.constant 0 : i32
          %dma_start3A_104 = tpu.memref_slice %arg8[%dma_start3A_102, %dma_start3A_103] : memref<10240x128xf32, #tpu.memory_space<vmem_shared>> -> memref<10240x128xf32, #tpu.memory_space<vmem_shared>>
          %dma_start3A_105 = tpu.memref_slice %arg10[%dma_start3A_94] : memref<2x!tpu.dma_semaphore, #tpu.memory_space<semaphore_mem>> -> memref<1x!tpu.dma_semaphore, #tpu.memory_space<semaphore_mem>>
          %dma_start3A_106 = tpu.memref_squeeze %dma_start3A_105 : memref<1x!tpu.dma_semaphore, #tpu.memory_space<semaphore_mem>> -> memref<!tpu.dma_semaphore, #tpu.memory_space<semaphore_mem>>
          tpu.enqueue_indirect_dma source(%dma_start3A_98 : memref<40x128xf32, #tpu.memory_space<vmem>>) target(%dma_start3A_104 : memref<10240x128xf32, #tpu.memory_space<vmem_shared>>) offsets(%dma_start3A_101 : memref<40xi32, #tpu.memory_space<vmem>>) semaphore(%dma_start3A_106 : memref<!tpu.dma_semaphore, #tpu.memory_space<semaphore_mem>>) {add = true}
        } else {
        }
        %eq3A_72 = arith.constant 1 : i32
        %eq3A_73 = arith.cmpi eq, %rem3A_61, %eq3A_72 : i32
        %convert_element_type3A_74 = arith.extui %eq3A_73 : i1 to i32
        %cond3A_75 = arith.constant 0 : i32
        %cond3A_76 = arith.cmpi ne, %convert_element_type3A_74, %cond3A_75 : i32
        scf.if %cond3A_76 {
          %dma_wait3A_77 = arith.constant 1 : i32
          %dma_wait3A_78 = arith.constant 1 : i32
          %dma_wait3A_79 = arith.constant 0 : i32
          %dma_wait3A_80 = arith.constant 0 : i32
          %dma_wait3A_81 = tpu.memref_slice %arg7[%dma_wait3A_77, %dma_wait3A_79, %dma_wait3A_80] : memref<2x40x128xf32, #tpu.memory_space<vmem>> -> memref<1x40x128xf32, #tpu.memory_space<vmem>>
          %dma_wait3A_82 = tpu.memref_squeeze %dma_wait3A_81 : memref<1x40x128xf32, #tpu.memory_space<vmem>> -> memref<40x128xf32, #tpu.memory_space<vmem>>
          %dma_wait3A_83 = arith.constant 128 : i32
          %dma_wait3A_84 = tpu.memref_slice %arg2[%mul3A_0, %dma_wait3A_83] : memref<160000x256xf32, #tpu.memory_space<hbm>> -> memref<40x128xf32, #tpu.memory_space<hbm>>
          %dma_wait3A_85 = tpu.memref_slice %arg9[%dma_wait3A_78] : memref<2x!tpu.dma_semaphore, #tpu.memory_space<semaphore_mem>> -> memref<1x!tpu.dma_semaphore, #tpu.memory_space<semaphore_mem>>
          %dma_wait3A_86 = tpu.memref_squeeze %dma_wait3A_85 : memref<1x!tpu.dma_semaphore, #tpu.memory_space<semaphore_mem>> -> memref<!tpu.dma_semaphore, #tpu.memory_space<semaphore_mem>>
          %dma_wait3A_87 = arith.constant 0 : i32
          %dma_wait3A_88 = arith.constant 0 : i32
          %dma_wait3A_89 = tpu.memref_slice %arg7[%dma_wait3A_77, %dma_wait3A_87, %dma_wait3A_88] : memref<2x40x128xf32, #tpu.memory_space<vmem>> -> memref<1x40x128xf32, #tpu.memory_space<vmem>>
          %dma_wait3A_90 = tpu.memref_squeeze %dma_wait3A_89 : memref<1x40x128xf32, #tpu.memory_space<vmem>> -> memref<40x128xf32, #tpu.memory_space<vmem>>
          %dma_wait3A_91 = arith.constant 128 : i32
          %dma_wait3A_92 = tpu.memref_slice %arg2[%mul3A_0, %dma_wait3A_91] : memref<160000x256xf32, #tpu.memory_space<hbm>> -> memref<40x128xf32, #tpu.memory_space<hbm>>
          tpu.wait_dma2 semaphore(%dma_wait3A_86 : memref<!tpu.dma_semaphore, #tpu.memory_space<semaphore_mem>>) src(%dma_wait3A_92 : memref<40x128xf32, #tpu.memory_space<hbm>>) dst(%dma_wait3A_90 : memref<40x128xf32, #tpu.memory_space<vmem>>)
          %dma_start3A_93 = arith.constant 1 : i32
          %dma_start3A_94 = arith.constant 1 : i32
          %dma_start3A_95 = arith.constant 0 : i32
          %dma_start3A_96 = arith.constant 0 : i32
          %dma_start3A_97 = tpu.memref_slice %arg7[%dma_start3A_93, %dma_start3A_95, %dma_start3A_96] : memref<2x40x128xf32, #tpu.memory_space<vmem>> -> memref<1x40x128xf32, #tpu.memory_space<vmem>>
          %dma_start3A_98 = tpu.memref_squeeze %dma_start3A_97 : memref<1x40x128xf32, #tpu.memory_space<vmem>> -> memref<40x128xf32, #tpu.memory_space<vmem>>
          %dma_start3A_99 = arith.constant 0 : i32
          %dma_start3A_100 = tpu.memref_slice %arg6[%scan3A_60, %dma_start3A_99] : memref<250x40xi32, #tpu.memory_space<vmem>> -> memref<1x40xi32, #tpu.memory_space<vmem>>
          %dma_start3A_101 = tpu.memref_squeeze %dma_start3A_100 : memref<1x40xi32, #tpu.memory_space<vmem>> -> memref<40xi32, #tpu.memory_space<vmem>>
          %dma_start3A_102 = arith.constant 0 : i32
          %dma_start3A_103 = arith.constant 0 : i32
          %dma_start3A_104 = tpu.memref_slice %arg8[%dma_start3A_102, %dma_start3A_103] : memref<10240x128xf32, #tpu.memory_space<vmem_shared>> -> memref<10240x128xf32, #tpu.memory_space<vmem_shared>>
          %dma_start3A_105 = tpu.memref_slice %arg10[%dma_start3A_94] : memref<2x!tpu.dma_semaphore, #tpu.memory_space<semaphore_mem>> -> memref<1x!tpu.dma_semaphore, #tpu.memory_space<semaphore_mem>>
          %dma_start3A_106 = tpu.memref_squeeze %dma_start3A_105 : memref<1x!tpu.dma_semaphore, #tpu.memory_space<semaphore_mem>> -> memref<!tpu.dma_semaphore, #tpu.memory_space<semaphore_mem>>
          tpu.enqueue_indirect_dma source(%dma_start3A_98 : memref<40x128xf32, #tpu.memory_space<vmem>>) target(%dma_start3A_104 : memref<10240x128xf32, #tpu.memory_space<vmem_shared>>) offsets(%dma_start3A_101 : memref<40xi32, #tpu.memory_space<vmem>>) semaphore(%dma_start3A_106 : memref<!tpu.dma_semaphore, #tpu.memory_space<semaphore_mem>>) {add = true}
        } else {
        }
      }
      %scan3A_29 = arith.constant 250 : i32
      %dma_wait3A = arith.constant 0 : i32
      %dma_wait3A_30 = arith.constant 0 : i32
      %dma_wait3A_31 = arith.constant 0 : i32
      %dma_wait3A_32 = arith.constant 0 : i32
      %dma_wait3A_33 = arith.constant 0 : i32
      %dma_wait3A_34 = tpu.memref_slice %arg7[%dma_wait3A, %dma_wait3A_32, %dma_wait3A_33] : memref<2x40x128xf32, #tpu.memory_space<vmem>> -> memref<1x40x128xf32, #tpu.memory_space<vmem>>
      %dma_wait3A_35 = tpu.memref_squeeze %dma_wait3A_34 : memref<1x40x128xf32, #tpu.memory_space<vmem>> -> memref<40x128xf32, #tpu.memory_space<vmem>>
      %dma_wait3A_36 = arith.constant 0 : i32
      %dma_wait3A_37 = tpu.memref_slice %arg6[%dma_wait3A_30, %dma_wait3A_36] : memref<250x40xi32, #tpu.memory_space<vmem>> -> memref<1x40xi32, #tpu.memory_space<vmem>>
      %dma_wait3A_38 = tpu.memref_squeeze %dma_wait3A_37 : memref<1x40xi32, #tpu.memory_space<vmem>> -> memref<40xi32, #tpu.memory_space<vmem>>
      %dma_wait3A_39 = arith.constant 0 : i32
      %dma_wait3A_40 = arith.constant 0 : i32
      %dma_wait3A_41 = tpu.memref_slice %arg8[%dma_wait3A_39, %dma_wait3A_40] : memref<10240x128xf32, #tpu.memory_space<vmem_shared>> -> memref<10240x128xf32, #tpu.memory_space<vmem_shared>>
      %dma_wait3A_42 = tpu.memref_slice %arg10[%dma_wait3A_31] : memref<2x!tpu.dma_semaphore, #tpu.memory_space<semaphore_mem>> -> memref<1x!tpu.dma_semaphore, #tpu.memory_space<semaphore_mem>>
      %dma_wait3A_43 = tpu.memref_squeeze %dma_wait3A_42 : memref<1x!tpu.dma_semaphore, #tpu.memory_space<semaphore_mem>> -> memref<!tpu.dma_semaphore, #tpu.memory_space<semaphore_mem>>
      tpu.wait_indirect_dma semaphore(%dma_wait3A_43 : memref<!tpu.dma_semaphore, #tpu.memory_space<semaphore_mem>>) src(%dma_wait3A_35 : memref<40x128xf32, #tpu.memory_space<vmem>>) dst(%dma_wait3A_41 : memref<10240x128xf32, #tpu.memory_space<vmem_shared>>)
      %dma_wait3A_44 = arith.constant 1 : i32
      %dma_wait3A_45 = arith.constant 0 : i32
      %dma_wait3A_46 = arith.constant 1 : i32
      %dma_wait3A_47 = arith.constant 0 : i32
      %dma_wait3A_48 = arith.constant 0 : i32
      %dma_wait3A_49 = tpu.memref_slice %arg7[%dma_wait3A_44, %dma_wait3A_47, %dma_wait3A_48] : memref<2x40x128xf32, #tpu.memory_space<vmem>> -> memref<1x40x128xf32, #tpu.memory_space<vmem>>
      %dma_wait3A_50 = tpu.memref_squeeze %dma_wait3A_49 : memref<1x40x128xf32, #tpu.memory_space<vmem>> -> memref<40x128xf32, #tpu.memory_space<vmem>>
      %dma_wait3A_51 = arith.constant 0 : i32
      %dma_wait3A_52 = tpu.memref_slice %arg6[%dma_wait3A_45, %dma_wait3A_51] : memref<250x40xi32, #tpu.memory_space<vmem>> -> memref<1x40xi32, #tpu.memory_space<vmem>>
      %dma_wait3A_53 = tpu.memref_squeeze %dma_wait3A_52 : memref<1x40xi32, #tpu.memory_space<vmem>> -> memref<40xi32, #tpu.memory_space<vmem>>
      %dma_wait3A_54 = arith.constant 0 : i32
      %dma_wait3A_55 = arith.constant 0 : i32
      %dma_wait3A_56 = tpu.memref_slice %arg8[%dma_wait3A_54, %dma_wait3A_55] : memref<10240x128xf32, #tpu.memory_space<vmem_shared>> -> memref<10240x128xf32, #tpu.memory_space<vmem_shared>>
      %dma_wait3A_57 = tpu.memref_slice %arg10[%dma_wait3A_46] : memref<2x!tpu.dma_semaphore, #tpu.memory_space<semaphore_mem>> -> memref<1x!tpu.dma_semaphore, #tpu.memory_space<semaphore_mem>>
      %dma_wait3A_58 = tpu.memref_squeeze %dma_wait3A_57 : memref<1x!tpu.dma_semaphore, #tpu.memory_space<semaphore_mem>> -> memref<!tpu.dma_semaphore, #tpu.memory_space<semaphore_mem>>
      tpu.wait_indirect_dma semaphore(%dma_wait3A_58 : memref<!tpu.dma_semaphore, #tpu.memory_space<semaphore_mem>>) src(%dma_wait3A_50 : memref<40x128xf32, #tpu.memory_space<vmem>>) dst(%dma_wait3A_56 : memref<10240x128xf32, #tpu.memory_space<vmem_shared>>)
      %barrier3A_59 = arith.constant 0 : index
      tpu.barrier barrier_id(%barrier3A_59)
      %run_scoped3A = arith.constant 1 : i32
      "tpu.region"() ({
        %run_scoped3A_60 = tpu.sem_alloc : memref<!tpu.dma_semaphore, #tpu.memory_space<semaphore_mem>>
        %dma_start3A_61 = arith.constant 0 : i32
        %dma_start3A_62 = arith.constant 0 : i32
        %dma_start3A_63 = tpu.memref_slice %arg5[%run_scoped3A, %dma_start3A_61, %dma_start3A_62] : memref<2x10240x128xf32, #tpu.memory_space<hbm>> -> memref<1x10240x128xf32, #tpu.memory_space<hbm>>
        %dma_start3A_64 = tpu.memref_squeeze %dma_start3A_63 : memref<1x10240x128xf32, #tpu.memory_space<hbm>> -> memref<10240x128xf32, #tpu.memory_space<hbm>>
        %dma_start3A_65 = arith.constant 0 : i32
        %dma_start3A_66 = tpu.memref_slice %dma_start3A_64[%mul3A_2, %dma_start3A_65] : memref<10240x128xf32, #tpu.memory_space<hbm>> -> memref<640x128xf32, #tpu.memory_space<hbm>>
        %dma_start3A_67 = arith.constant 0 : i32
        %dma_start3A_68 = tpu.memref_slice %arg8[%mul3A_2, %dma_start3A_67] : memref<10240x128xf32, #tpu.memory_space<vmem_shared>> -> memref<640x128xf32, #tpu.memory_space<vmem_shared>>
        tpu.enqueue_dma source(%dma_start3A_68 : memref<640x128xf32, #tpu.memory_space<vmem_shared>>) target(%dma_start3A_66 : memref<640x128xf32, #tpu.memory_space<hbm>>) target_semaphore(%run_scoped3A_60 : memref<!tpu.dma_semaphore, #tpu.memory_space<semaphore_mem>>)
        %dma_wait3A_69 = arith.constant 0 : i32
        %dma_wait3A_70 = arith.constant 0 : i32
        %dma_wait3A_71 = tpu.memref_slice %arg5[%run_scoped3A, %dma_wait3A_69, %dma_wait3A_70] : memref<2x10240x128xf32, #tpu.memory_space<hbm>> -> memref<1x10240x128xf32, #tpu.memory_space<hbm>>
        %dma_wait3A_72 = tpu.memref_squeeze %dma_wait3A_71 : memref<1x10240x128xf32, #tpu.memory_space<hbm>> -> memref<10240x128xf32, #tpu.memory_space<hbm>>
        %dma_wait3A_73 = arith.constant 0 : i32
        %dma_wait3A_74 = tpu.memref_slice %dma_wait3A_72[%mul3A_2, %dma_wait3A_73] : memref<10240x128xf32, #tpu.memory_space<hbm>> -> memref<640x128xf32, #tpu.memory_space<hbm>>
        %dma_wait3A_75 = arith.constant 0 : i32
        %dma_wait3A_76 = tpu.memref_slice %arg8[%mul3A_2, %dma_wait3A_75] : memref<10240x128xf32, #tpu.memory_space<vmem_shared>> -> memref<640x128xf32, #tpu.memory_space<vmem_shared>>
        tpu.wait_dma2 semaphore(%run_scoped3A_60 : memref<!tpu.dma_semaphore, #tpu.memory_space<semaphore_mem>>) src(%dma_wait3A_76 : memref<640x128xf32, #tpu.memory_space<vmem_shared>>) dst(%dma_wait3A_74 : memref<640x128xf32, #tpu.memory_space<hbm>>)
        tpu.yield
      }) : () -> ()
    } else {
    }
    return
  }
}

module attributes {stable_mosaic.version = 14 : i64} {
  func.func @_proj_tc(%arg0: i32, %arg1: memref<1000x256xf32, #tpu.memory_space<vmem>>, %arg2: memref<256x256xf32, #tpu.memory_space<vmem>>, %arg3: memref<256x256xf32, #tpu.memory_space<vmem>>, %arg4: memref<1000x256xf32, #tpu.memory_space<vmem>>, %arg5: memref<1000x256xf32, #tpu.memory_space<vmem>>) attributes {dimension_semantics = [#tpu.dimension_semantics<arbitrary>], iteration_bounds = array<i64: 10>, scalar_prefetch = 0 : i64, scratch_operands = 0 : i64, tpu.core_type = #tpu.core_type<tc>, window_params = [{transform_indices = @transform_0, window_bounds = array<i64: 1000, 256>}, {pipeline_mode = #tpu.pipeline_mode<synchronous>, transform_indices = @transform_1, window_bounds = array<i64: 256, 256>}, {pipeline_mode = #tpu.pipeline_mode<synchronous>, transform_indices = @transform_2, window_bounds = array<i64: 256, 256>}, {transform_indices = @transform_3, window_bounds = array<i64: 1000, 256>}, {transform_indices = @transform_4, window_bounds = array<i64: 1000, 256>}]} {
    %get3A = arith.constant 0 : index
    %get3A_0 = arith.constant 0 : index
    %get3A_1 = vector.load %arg1[%get3A, %get3A_0] : memref<1000x256xf32, #tpu.memory_space<vmem>>, vector<1000x256xf32>
    %get3A_2 = arith.constant 0 : index
    %get3A_3 = arith.constant 0 : index
    %get3A_4 = vector.load %arg2[%get3A_2, %get3A_3] : memref<256x256xf32, #tpu.memory_space<vmem>>, vector<256x256xf32>
    %dot_general3A = arith.constant dense<0.000000e+00> : vector<1000x256xf32>
    %dot_general3A_5 = tpu.matmul %get3A_1, %get3A_4, %dot_general3A {dimension_numbers = #tpu.dot_dimension_numbers<[1], [0], [0], [1], [0, 0, 1, 1], [], []>, transpose_lhs_hint = false} : vector<1000x256xf32>, vector<256x256xf32>, vector<1000x256xf32> -> vector<1000x256xf32>
    %swap3A = arith.constant 0 : index
    %swap3A_6 = arith.constant 0 : index
    %swap3A_7 = vector.load %arg4[%swap3A, %swap3A_6] : memref<1000x256xf32, #tpu.memory_space<vmem>>, vector<1000x256xf32>
    tpu.vector_store %arg4[%swap3A, %swap3A_6], %dot_general3A_5 {strides = array<i32>} : memref<1000x256xf32, #tpu.memory_space<vmem>>, vector<1000x256xf32>,
    %get3A_8 = arith.constant 0 : index
    %get3A_9 = arith.constant 0 : index
    %get3A_10 = vector.load %arg1[%get3A_8, %get3A_9] : memref<1000x256xf32, #tpu.memory_space<vmem>>, vector<1000x256xf32>
    %get3A_11 = arith.constant 0 : index
    %get3A_12 = arith.constant 0 : index
    %get3A_13 = vector.load %arg3[%get3A_11, %get3A_12] : memref<256x256xf32, #tpu.memory_space<vmem>>, vector<256x256xf32>
    %dot_general3A_14 = arith.constant dense<0.000000e+00> : vector<1000x256xf32>
    %dot_general3A_15 = tpu.matmul %get3A_10, %get3A_13, %dot_general3A_14 {dimension_numbers = #tpu.dot_dimension_numbers<[1], [0], [0], [1], [0, 0, 1, 1], [], []>, transpose_lhs_hint = false} : vector<1000x256xf32>, vector<256x256xf32>, vector<1000x256xf32> -> vector<1000x256xf32>
    %swap3A_16 = arith.constant 0 : index
    %swap3A_17 = arith.constant 0 : index
    %swap3A_18 = vector.load %arg5[%swap3A_16, %swap3A_17] : memref<1000x256xf32, #tpu.memory_space<vmem>>, vector<1000x256xf32>
    tpu.vector_store %arg5[%swap3A_16, %swap3A_17], %dot_general3A_15 {strides = array<i32>} : memref<1000x256xf32, #tpu.memory_space<vmem>>, vector<1000x256xf32>,
    return
  }
  func.func @transform_0(%arg0: i32) -> (i32, i32) {
    %c0_i32 = arith.constant 0 : i32
    %c0_i32_0 = arith.constant 0 : i32
    return %arg0, %c0_i32 : i32, i32
  }
  func.func @transform_1(%arg0: i32) -> (i32, i32) {
    %c0_i32 = arith.constant 0 : i32
    %c0_i32_0 = arith.constant 0 : i32
    %c0_i32_1 = arith.constant 0 : i32
    return %c0_i32, %c0_i32_0 : i32, i32
  }
  func.func @transform_2(%arg0: i32) -> (i32, i32) {
    %c0_i32 = arith.constant 0 : i32
    %c0_i32_0 = arith.constant 0 : i32
    %c0_i32_1 = arith.constant 0 : i32
    return %c0_i32, %c0_i32_0 : i32, i32
  }
  func.func @transform_3(%arg0: i32) -> (i32, i32) {
    %c0_i32 = arith.constant 0 : i32
    %c0_i32_0 = arith.constant 0 : i32
    return %arg0, %c0_i32 : i32, i32
  }
  func.func @transform_4(%arg0: i32) -> (i32, i32) {
    %c0_i32 = arith.constant 0 : i32
    %c0_i32_0 = arith.constant 0 : i32
    return %arg0, %c0_i32 : i32, i32
  }
}

module attributes {stable_mosaic.version = 14 : i64} {
  func.func @_edge_tc(%arg0: i32, %arg1: memref<1000x256xf32, #tpu.memory_space<vmem>>, %arg2: memref<1000x256xf32, #tpu.memory_space<vmem>>, %arg3: memref<1000x256xf32, #tpu.memory_space<vmem>>, %arg4: memref<1000x256xf32, #tpu.memory_space<vmem>>, %arg5: memref<256x256xf32, #tpu.memory_space<vmem>>, %arg6: memref<256x256xf32, #tpu.memory_space<vmem>>, %arg7: memref<1x256xf32, #tpu.memory_space<vmem>>, %arg8: memref<256x256xf32, #tpu.memory_space<vmem>>, %arg9: memref<1x256xf32, #tpu.memory_space<vmem>>, %arg10: memref<1x256xf32, #tpu.memory_space<vmem>>, %arg11: memref<1x256xf32, #tpu.memory_space<vmem>>, %arg12: memref<1000x256xf32, #tpu.memory_space<vmem>>) attributes {dimension_semantics = [#tpu.dimension_semantics<arbitrary>], iteration_bounds = array<i64: 160>, scalar_prefetch = 0 : i64, scratch_operands = 0 : i64, tpu.core_type = #tpu.core_type<tc>, window_params = [{transform_indices = @transform_0, window_bounds = array<i64: 1000, 256>}, {transform_indices = @transform_1, window_bounds = array<i64: 1000, 256>}, {transform_indices = @transform_2, window_bounds = array<i64: 1000, 256>}, {transform_indices = @transform_3, window_bounds = array<i64: 1000, 256>}, {pipeline_mode = #tpu.pipeline_mode<synchronous>, transform_indices = @transform_4, window_bounds = array<i64: 256, 256>}, {pipeline_mode = #tpu.pipeline_mode<synchronous>, transform_indices = @transform_5, window_bounds = array<i64: 256, 256>}, {pipeline_mode = #tpu.pipeline_mode<synchronous>, transform_indices = @transform_6, window_bounds = array<i64: 1, 256>}, {pipeline_mode = #tpu.pipeline_mode<synchronous>, transform_indices = @transform_7, window_bounds = array<i64: 256, 256>}, {pipeline_mode = #tpu.pipeline_mode<synchronous>, transform_indices = @transform_8, window_bounds = array<i64: 1, 256>}, {pipeline_mode = #tpu.pipeline_mode<synchronous>, transform_indices = @transform_9, window_bounds = array<i64: 1, 256>}, {pipeline_mode = #tpu.pipeline_mode<synchronous>, transform_indices = @transform_10, window_bounds = array<i64: 1, 256>}, {transform_indices = @transform_11, window_bounds = array<i64: 1000, 256>}]} {
    %get3A = arith.constant 0 : index
    %get3A_0 = arith.constant 0 : index
    %get3A_1 = vector.load %arg1[%get3A, %get3A_0] : memref<1000x256xf32, #tpu.memory_space<vmem>>, vector<1000x256xf32>
    %get3A_2 = arith.constant 0 : index
    %get3A_3 = arith.constant 0 : index
    %get3A_4 = vector.load %arg2[%get3A_2, %get3A_3] : memref<1000x256xf32, #tpu.memory_space<vmem>>, vector<1000x256xf32>
    %add3A = arith.addf %get3A_1, %get3A_4 : vector<1000x256xf32>
    %get3A_5 = arith.constant 0 : index
    %get3A_6 = arith.constant 0 : index
    %get3A_7 = vector.load %arg7[%get3A_5, %get3A_6] : memref<1x256xf32, #tpu.memory_space<vmem>>, vector<1x256xf32>
    %add3A_8 = vector.broadcast %get3A_7 : vector<1x256xf32> to vector<1000x256xf32>
    %add3A_9 = arith.addf %add3A, %add3A_8 : vector<1000x256xf32>
    %get3A_10 = arith.constant 0 : index
    %get3A_11 = arith.constant 0 : index
    %get3A_12 = vector.load %arg3[%get3A_10, %get3A_11] : memref<1000x256xf32, #tpu.memory_space<vmem>>, vector<1000x256xf32>
    %get3A_13 = arith.constant 0 : index
    %get3A_14 = arith.constant 0 : index
    %get3A_15 = vector.load %arg5[%get3A_13, %get3A_14] : memref<256x256xf32, #tpu.memory_space<vmem>>, vector<256x256xf32>
    %dot_general3A = arith.constant dense<0.000000e+00> : vector<1000x256xf32>
    %dot_general3A_16 = tpu.matmul %get3A_12, %get3A_15, %dot_general3A {dimension_numbers = #tpu.dot_dimension_numbers<[1], [0], [0], [1], [0, 0, 1, 1], [], []>, transpose_lhs_hint = false} : vector<1000x256xf32>, vector<256x256xf32>, vector<1000x256xf32> -> vector<1000x256xf32>
    %add3A_17 = arith.addf %add3A_9, %dot_general3A_16 : vector<1000x256xf32>
    %get3A_18 = arith.constant 0 : index
    %get3A_19 = arith.constant 0 : index
    %get3A_20 = vector.load %arg4[%get3A_18, %get3A_19] : memref<1000x256xf32, #tpu.memory_space<vmem>>, vector<1000x256xf32>
    %get3A_21 = arith.constant 0 : index
    %get3A_22 = arith.constant 0 : index
    %get3A_23 = vector.load %arg6[%get3A_21, %get3A_22] : memref<256x256xf32, #tpu.memory_space<vmem>>, vector<256x256xf32>
    %dot_general3A_24 = arith.constant dense<0.000000e+00> : vector<1000x256xf32>
    %dot_general3A_25 = tpu.matmul %get3A_20, %get3A_23, %dot_general3A_24 {dimension_numbers = #tpu.dot_dimension_numbers<[1], [0], [0], [1], [0, 0, 1, 1], [], []>, transpose_lhs_hint = false} : vector<1000x256xf32>, vector<256x256xf32>, vector<1000x256xf32> -> vector<1000x256xf32>
    %add3A_26 = arith.addf %add3A_17, %dot_general3A_25 : vector<1000x256xf32>
    %max3A = arith.constant 0.000000e+00 : f32
    %max3A_27 = vector.broadcast %max3A : f32 to vector<1000x256xf32>
    %max3A_28 = arith.maximumf %add3A_26, %max3A_27 : vector<1000x256xf32>
    %get3A_29 = arith.constant 0 : index
    %get3A_30 = arith.constant 0 : index
    %get3A_31 = vector.load %arg8[%get3A_29, %get3A_30] : memref<256x256xf32, #tpu.memory_space<vmem>>, vector<256x256xf32>
    %dot_general3A_32 = arith.constant dense<0.000000e+00> : vector<1000x256xf32>
    %dot_general3A_33 = tpu.matmul %max3A_28, %get3A_31, %dot_general3A_32 {dimension_numbers = #tpu.dot_dimension_numbers<[1], [0], [0], [1], [0, 0, 1, 1], [], []>, transpose_lhs_hint = false} : vector<1000x256xf32>, vector<256x256xf32>, vector<1000x256xf32> -> vector<1000x256xf32>
    %get3A_34 = arith.constant 0 : index
    %get3A_35 = arith.constant 0 : index
    %get3A_36 = vector.load %arg9[%get3A_34, %get3A_35] : memref<1x256xf32, #tpu.memory_space<vmem>>, vector<1x256xf32>
    %add3A_37 = vector.broadcast %get3A_36 : vector<1x256xf32> to vector<1000x256xf32>
    %add3A_38 = arith.addf %dot_general3A_33, %add3A_37 : vector<1000x256xf32>
    %get3A_39 = arith.constant 0 : index
    %get3A_40 = arith.constant 0 : index
    %get3A_41 = vector.load %arg3[%get3A_39, %get3A_40] : memref<1000x256xf32, #tpu.memory_space<vmem>>, vector<1000x256xf32>
    %get3A_42 = arith.constant 0 : index
    %get3A_43 = arith.constant 0 : index
    %get3A_44 = vector.load %arg10[%get3A_42, %get3A_43] : memref<1x256xf32, #tpu.memory_space<vmem>>, vector<1x256xf32>
    %get3A_45 = arith.constant 0 : index
    %get3A_46 = arith.constant 0 : index
    %get3A_47 = vector.load %arg11[%get3A_45, %get3A_46] : memref<1x256xf32, #tpu.memory_space<vmem>>, vector<1x256xf32>
    %reduce_sum3A = arith.constant dense<0.000000e+00> : vector<1000xf32>
    %reduce_sum3A_48 = vector.multi_reduction <add>, %add3A_38, %reduce_sum3A [1] : vector<1000x256xf32> to vector<1000xf32>
    %broadcast_in_dim3A = vector.shape_cast %reduce_sum3A_48 : vector<1000xf32> to vector<1000x1xf32>
    %div3A = arith.constant 2.560000e+02 : f32
    %div3A_49 = vector.broadcast %div3A : f32 to vector<1000x1xf32>
    %div3A_50 = arith.divf %broadcast_in_dim3A, %div3A_49 : vector<1000x1xf32>
    %sub3A = vector.broadcast %div3A_50 : vector<1000x1xf32> to vector<1000x256xf32>
    %sub3A_51 = arith.subf %add3A_38, %sub3A : vector<1000x256xf32>
    %integer_pow3A = arith.mulf %sub3A_51, %sub3A_51 : vector<1000x256xf32>
    %reduce_sum3A_52 = arith.constant dense<0.000000e+00> : vector<1000xf32>
    %reduce_sum3A_53 = vector.multi_reduction <add>, %integer_pow3A, %reduce_sum3A_52 [1] : vector<1000x256xf32> to vector<1000xf32>
    %broadcast_in_dim3A_54 = vector.shape_cast %reduce_sum3A_53 : vector<1000xf32> to vector<1000x1xf32>
    %div3A_55 = arith.constant 2.560000e+02 : f32
    %div3A_56 = vector.broadcast %div3A_55 : f32 to vector<1000x1xf32>
    %div3A_57 = arith.divf %broadcast_in_dim3A_54, %div3A_56 : vector<1000x1xf32>
    %sub3A_58 = vector.broadcast %div3A_50 : vector<1000x1xf32> to vector<1000x256xf32>
    %sub3A_59 = arith.subf %add3A_38, %sub3A_58 : vector<1000x256xf32>
    %add3A_60 = arith.constant 9.99999974E-6 : f32
    %add3A_61 = vector.broadcast %add3A_60 : f32 to vector<1000x1xf32>
    %add3A_62 = arith.addf %div3A_57, %add3A_61 : vector<1000x1xf32>
    %rsqrt3A = math.rsqrt %add3A_62 : vector<1000x1xf32>
    %mul3A = vector.broadcast %rsqrt3A : vector<1000x1xf32> to vector<1000x256xf32>
    %mul3A_63 = arith.mulf %sub3A_59, %mul3A : vector<1000x256xf32>
    %mul3A_64 = vector.broadcast %get3A_44 : vector<1x256xf32> to vector<1000x256xf32>
    %mul3A_65 = arith.mulf %mul3A_63, %mul3A_64 : vector<1000x256xf32>
    %add3A_66 = vector.broadcast %get3A_47 : vector<1x256xf32> to vector<1000x256xf32>
    %add3A_67 = arith.addf %mul3A_65, %add3A_66 : vector<1000x256xf32>
    %add3A_68 = arith.addf %get3A_41, %add3A_67 : vector<1000x256xf32>
    %swap3A = arith.constant 0 : index
    %swap3A_69 = arith.constant 0 : index
    %swap3A_70 = vector.load %arg12[%swap3A, %swap3A_69] : memref<1000x256xf32, #tpu.memory_space<vmem>>, vector<1000x256xf32>
    tpu.vector_store %arg12[%swap3A, %swap3A_69], %add3A_68 {strides = array<i32>} : memref<1000x256xf32, #tpu.memory_space<vmem>>, vector<1000x256xf32>,
    return
  }
  func.func @transform_0(%arg0: i32) -> (i32, i32) {
    %c0_i32 = arith.constant 0 : i32
    %c0_i32_0 = arith.constant 0 : i32
    return %arg0, %c0_i32 : i32, i32
  }
  func.func @transform_1(%arg0: i32) -> (i32, i32) {
    %c0_i32 = arith.constant 0 : i32
    %c0_i32_0 = arith.constant 0 : i32
    return %arg0, %c0_i32 : i32, i32
  }
  func.func @transform_2(%arg0: i32) -> (i32, i32) {
    %c0_i32 = arith.constant 0 : i32
    %c0_i32_0 = arith.constant 0 : i32
    return %arg0, %c0_i32 : i32, i32
  }
  func.func @transform_3(%arg0: i32) -> (i32, i32) {
    %c0_i32 = arith.constant 0 : i32
    %c0_i32_0 = arith.constant 0 : i32
    return %arg0, %c0_i32 : i32, i32
  }
  func.func @transform_4(%arg0: i32) -> (i32, i32) {
    %c0_i32 = arith.constant 0 : i32
    %c0_i32_0 = arith.constant 0 : i32
    %c0_i32_1 = arith.constant 0 : i32
    return %c0_i32, %c0_i32_0 : i32, i32
  }
  func.func @transform_5(%arg0: i32) -> (i32, i32) {
    %c0_i32 = arith.constant 0 : i32
    %c0_i32_0 = arith.constant 0 : i32
    %c0_i32_1 = arith.constant 0 : i32
    return %c0_i32, %c0_i32_0 : i32, i32
  }
  func.func @transform_6(%arg0: i32) -> (i32, i32) {
    %c0_i32 = arith.constant 0 : i32
    %c0_i32_0 = arith.constant 0 : i32
    %c0_i32_1 = arith.constant 0 : i32
    return %c0_i32, %c0_i32_0 : i32, i32
  }
  func.func @transform_7(%arg0: i32) -> (i32, i32) {
    %c0_i32 = arith.constant 0 : i32
    %c0_i32_0 = arith.constant 0 : i32
    %c0_i32_1 = arith.constant 0 : i32
    return %c0_i32, %c0_i32_0 : i32, i32
  }
  func.func @transform_8(%arg0: i32) -> (i32, i32) {
    %c0_i32 = arith.constant 0 : i32
    %c0_i32_0 = arith.constant 0 : i32
    %c0_i32_1 = arith.constant 0 : i32
    return %c0_i32, %c0_i32_0 : i32, i32
  }
  func.func @transform_9(%arg0: i32) -> (i32, i32) {
    %c0_i32 = arith.constant 0 : i32
    %c0_i32_0 = arith.constant 0 : i32
    %c0_i32_1 = arith.constant 0 : i32
    return %c0_i32, %c0_i32_0 : i32, i32
  }
  func.func @transform_10(%arg0: i32) -> (i32, i32) {
    %c0_i32 = arith.constant 0 : i32
    %c0_i32_0 = arith.constant 0 : i32
    %c0_i32_1 = arith.constant 0 : i32
    return %c0_i32, %c0_i32_0 : i32, i32
  }
  func.func @transform_11(%arg0: i32) -> (i32, i32) {
    %c0_i32 = arith.constant 0 : i32
    %c0_i32_0 = arith.constant 0 : i32
    return %arg0, %c0_i32 : i32, i32
  }
}

module attributes {stable_mosaic.version = 14 : i64} {
  func.func @_node_tc(%arg0: i32, %arg1: memref<1000x256xf32, #tpu.memory_space<vmem>>, %arg2: memref<1000x128xf32, #tpu.memory_space<vmem>>, %arg3: memref<1000x128xf32, #tpu.memory_space<vmem>>, %arg4: memref<256x256xf32, #tpu.memory_space<vmem>>, %arg5: memref<128x256xf32, #tpu.memory_space<vmem>>, %arg6: memref<128x256xf32, #tpu.memory_space<vmem>>, %arg7: memref<1x256xf32, #tpu.memory_space<vmem>>, %arg8: memref<256x256xf32, #tpu.memory_space<vmem>>, %arg9: memref<1x256xf32, #tpu.memory_space<vmem>>, %arg10: memref<1x256xf32, #tpu.memory_space<vmem>>, %arg11: memref<1x256xf32, #tpu.memory_space<vmem>>, %arg12: memref<1000x256xf32, #tpu.memory_space<vmem>>) attributes {dimension_semantics = [#tpu.dimension_semantics<arbitrary>], iteration_bounds = array<i64: 10>, scalar_prefetch = 0 : i64, scratch_operands = 0 : i64, tpu.core_type = #tpu.core_type<tc>, window_params = [{transform_indices = @transform_0, window_bounds = array<i64: 1000, 256>}, {transform_indices = @transform_1, window_bounds = array<i64: 1000, 128>}, {transform_indices = @transform_2, window_bounds = array<i64: 1000, 128>}, {pipeline_mode = #tpu.pipeline_mode<synchronous>, transform_indices = @transform_3, window_bounds = array<i64: 256, 256>}, {pipeline_mode = #tpu.pipeline_mode<synchronous>, transform_indices = @transform_4, window_bounds = array<i64: 128, 256>}, {pipeline_mode = #tpu.pipeline_mode<synchronous>, transform_indices = @transform_5, window_bounds = array<i64: 128, 256>}, {pipeline_mode = #tpu.pipeline_mode<synchronous>, transform_indices = @transform_6, window_bounds = array<i64: 1, 256>}, {pipeline_mode = #tpu.pipeline_mode<synchronous>, transform_indices = @transform_7, window_bounds = array<i64: 256, 256>}, {pipeline_mode = #tpu.pipeline_mode<synchronous>, transform_indices = @transform_8, window_bounds = array<i64: 1, 256>}, {pipeline_mode = #tpu.pipeline_mode<synchronous>, transform_indices = @transform_9, window_bounds = array<i64: 1, 256>}, {pipeline_mode = #tpu.pipeline_mode<synchronous>, transform_indices = @transform_10, window_bounds = array<i64: 1, 256>}, {transform_indices = @transform_11, window_bounds = array<i64: 1000, 256>}]} {
    %get3A = arith.constant 0 : index
    %get3A_0 = arith.constant 0 : index
    %get3A_1 = vector.load %arg7[%get3A, %get3A_0] : memref<1x256xf32, #tpu.memory_space<vmem>>, vector<1x256xf32>
    %get3A_2 = arith.constant 0 : index
    %get3A_3 = arith.constant 0 : index
    %get3A_4 = vector.load %arg1[%get3A_2, %get3A_3] : memref<1000x256xf32, #tpu.memory_space<vmem>>, vector<1000x256xf32>
    %get3A_5 = arith.constant 0 : index
    %get3A_6 = arith.constant 0 : index
    %get3A_7 = vector.load %arg4[%get3A_5, %get3A_6] : memref<256x256xf32, #tpu.memory_space<vmem>>, vector<256x256xf32>
    %dot_general3A = arith.constant dense<0.000000e+00> : vector<1000x256xf32>
    %dot_general3A_8 = tpu.matmul %get3A_4, %get3A_7, %dot_general3A {dimension_numbers = #tpu.dot_dimension_numbers<[1], [0], [0], [1], [0, 0, 1, 1], [], []>, transpose_lhs_hint = false} : vector<1000x256xf32>, vector<256x256xf32>, vector<1000x256xf32> -> vector<1000x256xf32>
    %add3A = vector.broadcast %get3A_1 : vector<1x256xf32> to vector<1000x256xf32>
    %add3A_9 = arith.addf %add3A, %dot_general3A_8 : vector<1000x256xf32>
    %get3A_10 = arith.constant 0 : index
    %get3A_11 = arith.constant 0 : index
    %get3A_12 = vector.load %arg2[%get3A_10, %get3A_11] : memref<1000x128xf32, #tpu.memory_space<vmem>>, vector<1000x128xf32>
    %get3A_13 = arith.constant 0 : index
    %get3A_14 = arith.constant 0 : index
    %get3A_15 = vector.load %arg5[%get3A_13, %get3A_14] : memref<128x256xf32, #tpu.memory_space<vmem>>, vector<128x256xf32>
    %dot_general3A_16 = arith.constant dense<0.000000e+00> : vector<1000x256xf32>
    %dot_general3A_17 = tpu.matmul %get3A_12, %get3A_15, %dot_general3A_16 {dimension_numbers = #tpu.dot_dimension_numbers<[1], [0], [0], [1], [0, 0, 1, 1], [], []>, transpose_lhs_hint = false} : vector<1000x128xf32>, vector<128x256xf32>, vector<1000x256xf32> -> vector<1000x256xf32>
    %add3A_18 = arith.addf %add3A_9, %dot_general3A_17 : vector<1000x256xf32>
    %get3A_19 = arith.constant 0 : index
    %get3A_20 = arith.constant 0 : index
    %get3A_21 = vector.load %arg3[%get3A_19, %get3A_20] : memref<1000x128xf32, #tpu.memory_space<vmem>>, vector<1000x128xf32>
    %get3A_22 = arith.constant 0 : index
    %get3A_23 = arith.constant 0 : index
    %get3A_24 = vector.load %arg6[%get3A_22, %get3A_23] : memref<128x256xf32, #tpu.memory_space<vmem>>, vector<128x256xf32>
    %dot_general3A_25 = arith.constant dense<0.000000e+00> : vector<1000x256xf32>
    %dot_general3A_26 = tpu.matmul %get3A_21, %get3A_24, %dot_general3A_25 {dimension_numbers = #tpu.dot_dimension_numbers<[1], [0], [0], [1], [0, 0, 1, 1], [], []>, transpose_lhs_hint = false} : vector<1000x128xf32>, vector<128x256xf32>, vector<1000x256xf32> -> vector<1000x256xf32>
    %add3A_27 = arith.addf %add3A_18, %dot_general3A_26 : vector<1000x256xf32>
    %max3A = arith.constant 0.000000e+00 : f32
    %max3A_28 = vector.broadcast %max3A : f32 to vector<1000x256xf32>
    %max3A_29 = arith.maximumf %add3A_27, %max3A_28 : vector<1000x256xf32>
    %get3A_30 = arith.constant 0 : index
    %get3A_31 = arith.constant 0 : index
    %get3A_32 = vector.load %arg8[%get3A_30, %get3A_31] : memref<256x256xf32, #tpu.memory_space<vmem>>, vector<256x256xf32>
    %dot_general3A_33 = arith.constant dense<0.000000e+00> : vector<1000x256xf32>
    %dot_general3A_34 = tpu.matmul %max3A_29, %get3A_32, %dot_general3A_33 {dimension_numbers = #tpu.dot_dimension_numbers<[1], [0], [0], [1], [0, 0, 1, 1], [], []>, transpose_lhs_hint = false} : vector<1000x256xf32>, vector<256x256xf32>, vector<1000x256xf32> -> vector<1000x256xf32>
    %get3A_35 = arith.constant 0 : index
    %get3A_36 = arith.constant 0 : index
    %get3A_37 = vector.load %arg9[%get3A_35, %get3A_36] : memref<1x256xf32, #tpu.memory_space<vmem>>, vector<1x256xf32>
    %add3A_38 = vector.broadcast %get3A_37 : vector<1x256xf32> to vector<1000x256xf32>
    %add3A_39 = arith.addf %dot_general3A_34, %add3A_38 : vector<1000x256xf32>
    %get3A_40 = arith.constant 0 : index
    %get3A_41 = arith.constant 0 : index
    %get3A_42 = vector.load %arg1[%get3A_40, %get3A_41] : memref<1000x256xf32, #tpu.memory_space<vmem>>, vector<1000x256xf32>
    %get3A_43 = arith.constant 0 : index
    %get3A_44 = arith.constant 0 : index
    %get3A_45 = vector.load %arg10[%get3A_43, %get3A_44] : memref<1x256xf32, #tpu.memory_space<vmem>>, vector<1x256xf32>
    %get3A_46 = arith.constant 0 : index
    %get3A_47 = arith.constant 0 : index
    %get3A_48 = vector.load %arg11[%get3A_46, %get3A_47] : memref<1x256xf32, #tpu.memory_space<vmem>>, vector<1x256xf32>
    %reduce_sum3A = arith.constant dense<0.000000e+00> : vector<1000xf32>
    %reduce_sum3A_49 = vector.multi_reduction <add>, %add3A_39, %reduce_sum3A [1] : vector<1000x256xf32> to vector<1000xf32>
    %broadcast_in_dim3A = vector.shape_cast %reduce_sum3A_49 : vector<1000xf32> to vector<1000x1xf32>
    %div3A = arith.constant 2.560000e+02 : f32
    %div3A_50 = vector.broadcast %div3A : f32 to vector<1000x1xf32>
    %div3A_51 = arith.divf %broadcast_in_dim3A, %div3A_50 : vector<1000x1xf32>
    %sub3A = vector.broadcast %div3A_51 : vector<1000x1xf32> to vector<1000x256xf32>
    %sub3A_52 = arith.subf %add3A_39, %sub3A : vector<1000x256xf32>
    %integer_pow3A = arith.mulf %sub3A_52, %sub3A_52 : vector<1000x256xf32>
    %reduce_sum3A_53 = arith.constant dense<0.000000e+00> : vector<1000xf32>
    %reduce_sum3A_54 = vector.multi_reduction <add>, %integer_pow3A, %reduce_sum3A_53 [1] : vector<1000x256xf32> to vector<1000xf32>
    %broadcast_in_dim3A_55 = vector.shape_cast %reduce_sum3A_54 : vector<1000xf32> to vector<1000x1xf32>
    %div3A_56 = arith.constant 2.560000e+02 : f32
    %div3A_57 = vector.broadcast %div3A_56 : f32 to vector<1000x1xf32>
    %div3A_58 = arith.divf %broadcast_in_dim3A_55, %div3A_57 : vector<1000x1xf32>
    %sub3A_59 = vector.broadcast %div3A_51 : vector<1000x1xf32> to vector<1000x256xf32>
    %sub3A_60 = arith.subf %add3A_39, %sub3A_59 : vector<1000x256xf32>
    %add3A_61 = arith.constant 9.99999974E-6 : f32
    %add3A_62 = vector.broadcast %add3A_61 : f32 to vector<1000x1xf32>
    %add3A_63 = arith.addf %div3A_58, %add3A_62 : vector<1000x1xf32>
    %rsqrt3A = math.rsqrt %add3A_63 : vector<1000x1xf32>
    %mul3A = vector.broadcast %rsqrt3A : vector<1000x1xf32> to vector<1000x256xf32>
    %mul3A_64 = arith.mulf %sub3A_60, %mul3A : vector<1000x256xf32>
    %mul3A_65 = vector.broadcast %get3A_45 : vector<1x256xf32> to vector<1000x256xf32>
    %mul3A_66 = arith.mulf %mul3A_64, %mul3A_65 : vector<1000x256xf32>
    %add3A_67 = vector.broadcast %get3A_48 : vector<1x256xf32> to vector<1000x256xf32>
    %add3A_68 = arith.addf %mul3A_66, %add3A_67 : vector<1000x256xf32>
    %add3A_69 = arith.addf %get3A_42, %add3A_68 : vector<1000x256xf32>
    %swap3A = arith.constant 0 : index
    %swap3A_70 = arith.constant 0 : index
    %swap3A_71 = vector.load %arg12[%swap3A, %swap3A_70] : memref<1000x256xf32, #tpu.memory_space<vmem>>, vector<1000x256xf32>
    tpu.vector_store %arg12[%swap3A, %swap3A_70], %add3A_69 {strides = array<i32>} : memref<1000x256xf32, #tpu.memory_space<vmem>>, vector<1000x256xf32>,
    return
  }
  func.func @transform_0(%arg0: i32) -> (i32, i32) {
    %c0_i32 = arith.constant 0 : i32
    %c0_i32_0 = arith.constant 0 : i32
    return %arg0, %c0_i32 : i32, i32
  }
  func.func @transform_1(%arg0: i32) -> (i32, i32) {
    %c0_i32 = arith.constant 0 : i32
    %c0_i32_0 = arith.constant 0 : i32
    return %arg0, %c0_i32 : i32, i32
  }
  func.func @transform_2(%arg0: i32) -> (i32, i32) {
    %c0_i32 = arith.constant 0 : i32
    %c0_i32_0 = arith.constant 0 : i32
    return %arg0, %c0_i32 : i32, i32
  }
  func.func @transform_3(%arg0: i32) -> (i32, i32) {
    %c0_i32 = arith.constant 0 : i32
    %c0_i32_0 = arith.constant 0 : i32
    %c0_i32_1 = arith.constant 0 : i32
    return %c0_i32, %c0_i32_0 : i32, i32
  }
  func.func @transform_4(%arg0: i32) -> (i32, i32) {
    %c0_i32 = arith.constant 0 : i32
    %c0_i32_0 = arith.constant 0 : i32
    %c0_i32_1 = arith.constant 0 : i32
    return %c0_i32, %c0_i32_0 : i32, i32
  }
  func.func @transform_5(%arg0: i32) -> (i32, i32) {
    %c0_i32 = arith.constant 0 : i32
    %c0_i32_0 = arith.constant 0 : i32
    %c0_i32_1 = arith.constant 0 : i32
    return %c0_i32, %c0_i32_0 : i32, i32
  }
  func.func @transform_6(%arg0: i32) -> (i32, i32) {
    %c0_i32 = arith.constant 0 : i32
    %c0_i32_0 = arith.constant 0 : i32
    %c0_i32_1 = arith.constant 0 : i32
    return %c0_i32, %c0_i32_0 : i32, i32
  }
  func.func @transform_7(%arg0: i32) -> (i32, i32) {
    %c0_i32 = arith.constant 0 : i32
    %c0_i32_0 = arith.constant 0 : i32
    %c0_i32_1 = arith.constant 0 : i32
    return %c0_i32, %c0_i32_0 : i32, i32
  }
  func.func @transform_8(%arg0: i32) -> (i32, i32) {
    %c0_i32 = arith.constant 0 : i32
    %c0_i32_0 = arith.constant 0 : i32
    %c0_i32_1 = arith.constant 0 : i32
    return %c0_i32, %c0_i32_0 : i32, i32
  }
  func.func @transform_9(%arg0: i32) -> (i32, i32) {
    %c0_i32 = arith.constant 0 : i32
    %c0_i32_0 = arith.constant 0 : i32
    %c0_i32_1 = arith.constant 0 : i32
    return %c0_i32, %c0_i32_0 : i32, i32
  }
  func.func @transform_10(%arg0: i32) -> (i32, i32) {
    %c0_i32 = arith.constant 0 : i32
    %c0_i32_0 = arith.constant 0 : i32
    %c0_i32_1 = arith.constant 0 : i32
    return %c0_i32, %c0_i32_0 : i32, i32
  }
  func.func @transform_11(%arg0: i32) -> (i32, i32) {
    %c0_i32 = arith.constant 0 : i32
    %c0_i32_0 = arith.constant 0 : i32
    return %arg0, %c0_i32 : i32, i32
  }
}

module attributes {stable_mosaic.version = 14 : i64} {
  func.func @_node_tc(%arg0: i32, %arg1: memref<1000x256xf32, #tpu.memory_space<vmem>>, %arg2: memref<1000x128xf32, #tpu.memory_space<vmem>>, %arg3: memref<1000x128xf32, #tpu.memory_space<vmem>>, %arg4: memref<256x256xf32, #tpu.memory_space<vmem>>, %arg5: memref<128x256xf32, #tpu.memory_space<vmem>>, %arg6: memref<128x256xf32, #tpu.memory_space<vmem>>, %arg7: memref<1x256xf32, #tpu.memory_space<vmem>>, %arg8: memref<256x256xf32, #tpu.memory_space<vmem>>, %arg9: memref<1x256xf32, #tpu.memory_space<vmem>>, %arg10: memref<1x256xf32, #tpu.memory_space<vmem>>, %arg11: memref<1x256xf32, #tpu.memory_space<vmem>>, %arg12: memref<1000x256xf32, #tpu.memory_space<vmem>>) attributes {dimension_semantics = [#tpu.dimension_semantics<arbitrary>], iteration_bounds = array<i64: 10>, scalar_prefetch = 0 : i64, scratch_operands = 0 : i64, tpu.core_type = #tpu.core_type<tc>, window_params = [{transform_indices = @transform_0, window_bounds = array<i64: 1000, 256>}, {transform_indices = @transform_1, window_bounds = array<i64: 1000, 128>}, {transform_indices = @transform_2, window_bounds = array<i64: 1000, 128>}, {pipeline_mode = #tpu.pipeline_mode<synchronous>, transform_indices = @transform_3, window_bounds = array<i64: 256, 256>}, {pipeline_mode = #tpu.pipeline_mode<synchronous>, transform_indices = @transform_4, window_bounds = array<i64: 128, 256>}, {pipeline_mode = #tpu.pipeline_mode<synchronous>, transform_indices = @transform_5, window_bounds = array<i64: 128, 256>}, {pipeline_mode = #tpu.pipeline_mode<synchronous>, transform_indices = @transform_6, window_bounds = array<i64: 1, 256>}, {pipeline_mode = #tpu.pipeline_mode<synchronous>, transform_indices = @transform_7, window_bounds = array<i64: 256, 256>}, {pipeline_mode = #tpu.pipeline_mode<synchronous>, transform_indices = @transform_8, window_bounds = array<i64: 1, 256>}, {pipeline_mode = #tpu.pipeline_mode<synchronous>, transform_indices = @transform_9, window_bounds = array<i64: 1, 256>}, {pipeline_mode = #tpu.pipeline_mode<synchronous>, transform_indices = @transform_10, window_bounds = array<i64: 1, 256>}, {transform_indices = @transform_11, window_bounds = array<i64: 1000, 256>}]} {
    %get3A = arith.constant 0 : index
    %get3A_0 = arith.constant 0 : index
    %get3A_1 = vector.load %arg7[%get3A, %get3A_0] : memref<1x256xf32, #tpu.memory_space<vmem>>, vector<1x256xf32>
    %get3A_2 = arith.constant 0 : index
    %get3A_3 = arith.constant 0 : index
    %get3A_4 = vector.load %arg1[%get3A_2, %get3A_3] : memref<1000x256xf32, #tpu.memory_space<vmem>>, vector<1000x256xf32>
    %get3A_5 = arith.constant 0 : index
    %get3A_6 = arith.constant 0 : index
    %get3A_7 = vector.load %arg4[%get3A_5, %get3A_6] : memref<256x256xf32, #tpu.memory_space<vmem>>, vector<256x256xf32>
    %dot_general3A = arith.constant dense<0.000000e+00> : vector<1000x256xf32>
    %dot_general3A_8 = tpu.matmul %get3A_4, %get3A_7, %dot_general3A {dimension_numbers = #tpu.dot_dimension_numbers<[1], [0], [0], [1], [0, 0, 1, 1], [], []>, transpose_lhs_hint = false} : vector<1000x256xf32>, vector<256x256xf32>, vector<1000x256xf32> -> vector<1000x256xf32>
    %add3A = vector.broadcast %get3A_1 : vector<1x256xf32> to vector<1000x256xf32>
    %add3A_9 = arith.addf %add3A, %dot_general3A_8 : vector<1000x256xf32>
    %get3A_10 = arith.constant 0 : index
    %get3A_11 = arith.constant 0 : index
    %get3A_12 = vector.load %arg2[%get3A_10, %get3A_11] : memref<1000x128xf32, #tpu.memory_space<vmem>>, vector<1000x128xf32>
    %get3A_13 = arith.constant 0 : index
    %get3A_14 = arith.constant 0 : index
    %get3A_15 = vector.load %arg5[%get3A_13, %get3A_14] : memref<128x256xf32, #tpu.memory_space<vmem>>, vector<128x256xf32>
    %dot_general3A_16 = arith.constant dense<0.000000e+00> : vector<1000x256xf32>
    %dot_general3A_17 = tpu.matmul %get3A_12, %get3A_15, %dot_general3A_16 {dimension_numbers = #tpu.dot_dimension_numbers<[1], [0], [0], [1], [0, 0, 1, 1], [], []>, transpose_lhs_hint = false} : vector<1000x128xf32>, vector<128x256xf32>, vector<1000x256xf32> -> vector<1000x256xf32>
    %add3A_18 = arith.addf %add3A_9, %dot_general3A_17 : vector<1000x256xf32>
    %get3A_19 = arith.constant 0 : index
    %get3A_20 = arith.constant 0 : index
    %get3A_21 = vector.load %arg3[%get3A_19, %get3A_20] : memref<1000x128xf32, #tpu.memory_space<vmem>>, vector<1000x128xf32>
    %get3A_22 = arith.constant 0 : index
    %get3A_23 = arith.constant 0 : index
    %get3A_24 = vector.load %arg6[%get3A_22, %get3A_23] : memref<128x256xf32, #tpu.memory_space<vmem>>, vector<128x256xf32>
    %dot_general3A_25 = arith.constant dense<0.000000e+00> : vector<1000x256xf32>
    %dot_general3A_26 = tpu.matmul %get3A_21, %get3A_24, %dot_general3A_25 {dimension_numbers = #tpu.dot_dimension_numbers<[1], [0], [0], [1], [0, 0, 1, 1], [], []>, transpose_lhs_hint = false} : vector<1000x128xf32>, vector<128x256xf32>, vector<1000x256xf32> -> vector<1000x256xf32>
    %add3A_27 = arith.addf %add3A_18, %dot_general3A_26 : vector<1000x256xf32>
    %max3A = arith.constant 0.000000e+00 : f32
    %max3A_28 = vector.broadcast %max3A : f32 to vector<1000x256xf32>
    %max3A_29 = arith.maximumf %add3A_27, %max3A_28 : vector<1000x256xf32>
    %get3A_30 = arith.constant 0 : index
    %get3A_31 = arith.constant 0 : index
    %get3A_32 = vector.load %arg8[%get3A_30, %get3A_31] : memref<256x256xf32, #tpu.memory_space<vmem>>, vector<256x256xf32>
    %dot_general3A_33 = arith.constant dense<0.000000e+00> : vector<1000x256xf32>
    %dot_general3A_34 = tpu.matmul %max3A_29, %get3A_32, %dot_general3A_33 {dimension_numbers = #tpu.dot_dimension_numbers<[1], [0], [0], [1], [0, 0, 1, 1], [], []>, transpose_lhs_hint = false} : vector<1000x256xf32>, vector<256x256xf32>, vector<1000x256xf32> -> vector<1000x256xf32>
    %get3A_35 = arith.constant 0 : index
    %get3A_36 = arith.constant 0 : index
    %get3A_37 = vector.load %arg9[%get3A_35, %get3A_36] : memref<1x256xf32, #tpu.memory_space<vmem>>, vector<1x256xf32>
    %add3A_38 = vector.broadcast %get3A_37 : vector<1x256xf32> to vector<1000x256xf32>
    %add3A_39 = arith.addf %dot_general3A_34, %add3A_38 : vector<1000x256xf32>
    %get3A_40 = arith.constant 0 : index
    %get3A_41 = arith.constant 0 : index
    %get3A_42 = vector.load %arg1[%get3A_40, %get3A_41] : memref<1000x256xf32, #tpu.memory_space<vmem>>, vector<1000x256xf32>
    %get3A_43 = arith.constant 0 : index
    %get3A_44 = arith.constant 0 : index
    %get3A_45 = vector.load %arg10[%get3A_43, %get3A_44] : memref<1x256xf32, #tpu.memory_space<vmem>>, vector<1x256xf32>
    %get3A_46 = arith.constant 0 : index
    %get3A_47 = arith.constant 0 : index
    %get3A_48 = vector.load %arg11[%get3A_46, %get3A_47] : memref<1x256xf32, #tpu.memory_space<vmem>>, vector<1x256xf32>
    %reduce_sum3A = arith.constant dense<0.000000e+00> : vector<1000xf32>
    %reduce_sum3A_49 = vector.multi_reduction <add>, %add3A_39, %reduce_sum3A [1] : vector<1000x256xf32> to vector<1000xf32>
    %broadcast_in_dim3A = vector.shape_cast %reduce_sum3A_49 : vector<1000xf32> to vector<1000x1xf32>
    %div3A = arith.constant 2.560000e+02 : f32
    %div3A_50 = vector.broadcast %div3A : f32 to vector<1000x1xf32>
    %div3A_51 = arith.divf %broadcast_in_dim3A, %div3A_50 : vector<1000x1xf32>
    %sub3A = vector.broadcast %div3A_51 : vector<1000x1xf32> to vector<1000x256xf32>
    %sub3A_52 = arith.subf %add3A_39, %sub3A : vector<1000x256xf32>
    %integer_pow3A = arith.mulf %sub3A_52, %sub3A_52 : vector<1000x256xf32>
    %reduce_sum3A_53 = arith.constant dense<0.000000e+00> : vector<1000xf32>
    %reduce_sum3A_54 = vector.multi_reduction <add>, %integer_pow3A, %reduce_sum3A_53 [1] : vector<1000x256xf32> to vector<1000xf32>
    %broadcast_in_dim3A_55 = vector.shape_cast %reduce_sum3A_54 : vector<1000xf32> to vector<1000x1xf32>
    %div3A_56 = arith.constant 2.560000e+02 : f32
    %div3A_57 = vector.broadcast %div3A_56 : f32 to vector<1000x1xf32>
    %div3A_58 = arith.divf %broadcast_in_dim3A_55, %div3A_57 : vector<1000x1xf32>
    %sub3A_59 = vector.broadcast %div3A_51 : vector<1000x1xf32> to vector<1000x256xf32>
    %sub3A_60 = arith.subf %add3A_39, %sub3A_59 : vector<1000x256xf32>
    %add3A_61 = arith.constant 9.99999974E-6 : f32
    %add3A_62 = vector.broadcast %add3A_61 : f32 to vector<1000x1xf32>
    %add3A_63 = arith.addf %div3A_58, %add3A_62 : vector<1000x1xf32>
    %rsqrt3A = math.rsqrt %add3A_63 : vector<1000x1xf32>
    %mul3A = vector.broadcast %rsqrt3A : vector<1000x1xf32> to vector<1000x256xf32>
    %mul3A_64 = arith.mulf %sub3A_60, %mul3A : vector<1000x256xf32>
    %mul3A_65 = vector.broadcast %get3A_45 : vector<1x256xf32> to vector<1000x256xf32>
    %mul3A_66 = arith.mulf %mul3A_64, %mul3A_65 : vector<1000x256xf32>
    %add3A_67 = vector.broadcast %get3A_48 : vector<1x256xf32> to vector<1000x256xf32>
    %add3A_68 = arith.addf %mul3A_66, %add3A_67 : vector<1000x256xf32>
    %add3A_69 = arith.addf %get3A_42, %add3A_68 : vector<1000x256xf32>
    %swap3A = arith.constant 0 : index
    %swap3A_70 = arith.constant 0 : index
    %swap3A_71 = vector.load %arg12[%swap3A, %swap3A_70] : memref<1000x256xf32, #tpu.memory_space<vmem>>, vector<1000x256xf32>
    tpu.vector_store %arg12[%swap3A, %swap3A_70], %add3A_69 {strides = array<i32>} : memref<1000x256xf32, #tpu.memory_space<vmem>>, vector<1000x256xf32>,
    return
  }
  func.func @transform_0(%arg0: i32) -> (i32, i32) {
    %c0_i32 = arith.constant 0 : i32
    %c0_i32_0 = arith.constant 0 : i32
    return %arg0, %c0_i32 : i32, i32
  }
  func.func @transform_1(%arg0: i32) -> (i32, i32) {
    %c0_i32 = arith.constant 0 : i32
    %c0_i32_0 = arith.constant 0 : i32
    return %arg0, %c0_i32 : i32, i32
  }
  func.func @transform_2(%arg0: i32) -> (i32, i32) {
    %c0_i32 = arith.constant 0 : i32
    %c0_i32_0 = arith.constant 0 : i32
    return %arg0, %c0_i32 : i32, i32
  }
  func.func @transform_3(%arg0: i32) -> (i32, i32) {
    %c0_i32 = arith.constant 0 : i32
    %c0_i32_0 = arith.constant 0 : i32
    %c0_i32_1 = arith.constant 0 : i32
    return %c0_i32, %c0_i32_0 : i32, i32
  }
  func.func @transform_4(%arg0: i32) -> (i32, i32) {
    %c0_i32 = arith.constant 0 : i32
    %c0_i32_0 = arith.constant 0 : i32
    %c0_i32_1 = arith.constant 0 : i32
    return %c0_i32, %c0_i32_0 : i32, i32
  }
  func.func @transform_5(%arg0: i32) -> (i32, i32) {
    %c0_i32 = arith.constant 0 : i32
    %c0_i32_0 = arith.constant 0 : i32
    %c0_i32_1 = arith.constant 0 : i32
    return %c0_i32, %c0_i32_0 : i32, i32
  }
  func.func @transform_6(%arg0: i32) -> (i32, i32) {
    %c0_i32 = arith.constant 0 : i32
    %c0_i32_0 = arith.constant 0 : i32
    %c0_i32_1 = arith.constant 0 : i32
    return %c0_i32, %c0_i32_0 : i32, i32
  }
  func.func @transform_7(%arg0: i32) -> (i32, i32) {
    %c0_i32 = arith.constant 0 : i32
    %c0_i32_0 = arith.constant 0 : i32
    %c0_i32_1 = arith.constant 0 : i32
    return %c0_i32, %c0_i32_0 : i32, i32
  }
  func.func @transform_8(%arg0: i32) -> (i32, i32) {
    %c0_i32 = arith.constant 0 : i32
    %c0_i32_0 = arith.constant 0 : i32
    %c0_i32_1 = arith.constant 0 : i32
    return %c0_i32, %c0_i32_0 : i32, i32
  }
  func.func @transform_9(%arg0: i32) -> (i32, i32) {
    %c0_i32 = arith.constant 0 : i32
    %c0_i32_0 = arith.constant 0 : i32
    %c0_i32_1 = arith.constant 0 : i32
    return %c0_i32, %c0_i32_0 : i32, i32
  }
  func.func @transform_10(%arg0: i32) -> (i32, i32) {
    %c0_i32 = arith.constant 0 : i32
    %c0_i32_0 = arith.constant 0 : i32
    %c0_i32_1 = arith.constant 0 : i32
    return %c0_i32, %c0_i32_0 : i32, i32
  }
  func.func @transform_11(%arg0: i32) -> (i32, i32) {
    %c0_i32 = arith.constant 0 : i32
    %c0_i32_0 = arith.constant 0 : i32
    return %arg0, %c0_i32 : i32, i32
  }
}

</mosaic_0001>

<sc_bundles>
// kernel: kernel.12.cloned.1.call-start
scs
__scs_entry_jumppad:
0x0: {  	(pc) =	sbr.rel $0x88, $3  }
0x1: {  	(tag) =	ssettag $0x0;
	lr =	simm.s32 $0x1  }
0x2: {  	[smem:$0x3F91] =	sst lr;
	_ =	strace $0xD0000000  }
0x3: {  	_ = 	snop  }
0x4: {  	_ = 	snop  }
0x5: {  	_ = 	snop  }
0x6: {  	_ = 	snop  }
0x7: {  	_ = 	snop  }
__scs_overlays_trampoline_lowered:
0x8: {  	[smem:$0x3FA0] =	sst s0  }
0x9: {  	[smem:$0x3FA1] =	sst s1  }
0xa: {  	[smem:$0x3FA2] =	sst s2  }
0xb: {  	[smem:$0x3FA3] =	sst s3  }
0xc: {  	[smem:$0x3FA4] =	sst s4  }
0xd: {  	[smem:$0x3FA5] =	sst s5  }
0xe: {  	[smem:$0x3FA6] =	sst s6  }
0xf: {  	[smem:$0x3FA7] =	sst s7  }
0x10: {  	[smem:$0x3FA8] =	sst s8  }
0x11: {  	[smem:$0x3FA9] =	sst s9;
	s0 =	simm.s32 @!p0 $0x0  }
0x12: {  	s1 =	sld [smem:$0x3F8F];
	s0 =	simm.s32 @p0 $0x1  }
0x13: {  	[smem:$0x3FAA] =	sst s0;
	s0 =	simm.s32 @!p1 $0x0  }
0x14: {  	s2 =	sld [smem:$0x3F8E];
	s0 =	simm.s32 @p1 $0x1  }
0x15: {  	[smem:$0x3FAB] =	sst s0;
	s0 =	simm.s32 @!p2 $0x0  }
0x16: {  	s3 =	sld [smem:$0x3FDB];
	s0 =	simm.s32 @p2 $0x1  }
0x17: {  	s4 =	simm.s32 $0x1BF5;
	[smem:$0x3FAD] =	sst s0  }
0x18: {  	s0 =	sld [smem:$0x3F90];
	_ =	swait.ge [sflag:s4], $0x0  }
0x19: {  	s7 =	sld [smem:$0x3F91]  }
0x1a: {  	s8 =	sadd.s32 $0xFFFFE003, lr  }
0x1b: {  	s9 =	sadd.s32 $0xFFFFFEF7, lr;
	s5 =	simm.s32 $0xFFFFFFFF;
	p2 =	slt.u32 s8, $0xFFFFF086  }
0x1c: {  	p1 =	slt.u32 s9, $0xF7A;
	s5 =	simm.s32 @!p2 $0x0  }
0x1d: {  	s5 =	simm.s32 @p1 $0x1;
	p0 =	seq.s32 s7, s2  }
0x1e: {  	s7 =	smul.u32 @!p0 $0xF7A, s2;
	p2 =	seq.s32 @!p0 s5, $0x0  }
0x1f: {  	s9 =	smul.u32 $0xF7A, s1;
	s8 =	simm.s32 @!p0 $0x1BF5;
	p2 =	por !p2, p0  }
0x20: {  	[sflag:s8] =	ssyncset.s32 @!p0 $0xFFFFF086;
	s6 =	sadd.s32 @!p0 s3, s7;
	s7 =	simm.s32 @!p0 $0x108  }
0x21: {  	s3 =	sadd.s32 s3, s9;
	s6 =	sadd.s32 @!p0 $0x88, s6;
	s7 =	simm.s32 @p2 $0x1082  }
0x22: {  	[simem:s7], [sflag:s8] =	dma.local @!p0 [hbm:s6], $0xF7A  }
0x23: {  	s9 =	sor.u32 $0xD0000000, s2;
	s6 =	simm.s32 $0x108;
	_ =	swait.ge @!p0 [sflag:s8], $0x0  }
0x24: {  	s3 =	sadd.s32 $0x88, s3;
	s6 =	simm.s32 @!p1 $0x1082;
	[sflag:s4] =	ssyncset.s32 $0xFFFFF086  }
0x25: {  	[simem:s6], [sflag:s4] =	dma.local [hbm:s3], $0xF7A  }
0x26: {  	[smem:$0x3F91] =	sst s1;
	(tag) =	ssettag s2;
	_ =	strace s9  }
0x27: {  	s1 =	sld [smem:$0x3FA1]  }
0x28: {  	s2 =	sld [smem:$0x3FA2]  }
0x29: {  	s4 =	sld [smem:$0x3FA4]  }
0x2a: {  	p0 =	seq.s32 s5, $0x0;
	s5 =	sld [smem:$0x3FA5]  }
0x2b: {  	s6 =	sld [smem:$0x3FA6]  }
0x2c: {  	s7 =	sld [smem:$0x3FA7]  }
0x2d: {  	s3 =	simm.s32 $0x108;
	s8 =	sld [smem:$0x3FA8]  }
0x2e: {  	s3 =	simm.s32 @!p0 $0x1082;
	s9 =	sld [smem:$0x3FA9]  }
0x2f: {  	lr =	sadd.s32 s0, s3;
	s0 =	sld [smem:$0x3FA0]  }
0x30: {  	s3 =	sld [smem:$0x3FA3]  }
0x31: {  	[smem:$0x3FAC] =	sst s10  }
0x32: {  	s10 =	sld [smem:$0x3FAA];
	_ =	sdelay $0x3  }
0x33: {  	p0 =	seq.s32 s10, $0x1;
	s10 =	sld [smem:$0x3FAC];
	_ =	sdelay $0x3  }
0x34: {  	[smem:$0x3FAC] =	sst s10  }
0x35: {  	s10 =	sld [smem:$0x3FAB];
	_ =	sdelay $0x3  }
0x36: {  	p1 =	seq.s32 s10, $0x1;
	s10 =	sld [smem:$0x3FAC];
	_ =	sdelay $0x3  }
0x37: {  	[smem:$0x3FAC] =	sst s10  }
0x38: {  	s10 =	sld [smem:$0x3FAD]  }
0x39: {  	_ = 	snop;
	(pc) =	sbr.ind lr, $3  }
0x3a: {  	_ = 	snop  }
0x3b: {  	_ = 	snop  }
0x3c: {  	p2 =	seq.s32 s10, $0x1;
	s10 =	sld [smem:$0x3FAC]  }
0x3d: {  	_ =	shalt  }
0x3e: {  	_ =	shalt  }
0x3f: {  	_ =	shalt  }
0x40: {  	_ =	shalt  }
0x41: {  	_ =	shalt  }
0x42: {  	_ =	shalt  }
0x43: {  	_ =	shalt  }
0x44: {  	_ =	shalt  }
0x45: {  	_ =	shalt  }
0x46: {  	_ =	shalt  }
0x47: {  	_ =	shalt  }
0x48: {  	_ =	shalt  }
0x49: {  	_ =	shalt  }
0x4a: {  	_ =	shalt  }
0x4b: {  	_ =	shalt  }
0x4c: {  	_ =	shalt  }
0x4d: {  	_ =	shalt  }
0x4e: {  	_ =	shalt  }
0x4f: {  	_ =	shalt  }
0x50: {  	_ =	shalt  }
0x51: {  	_ =	shalt  }
0x52: {  	_ =	shalt  }
0x53: {  	_ =	shalt  }
0x54: {  	_ =	shalt  }
0x55: {  	_ =	shalt  }
0x56: {  	_ =	shalt  }
0x57: {  	_ =	shalt  }
0x58: {  	_ =	shalt  }
0x59: {  	_ =	shalt  }
0x5a: {  	_ =	shalt  }
0x5b: {  	_ =	shalt  }
0x5c: {  	_ =	shalt  }
0x5d: {  	_ =	shalt  }
0x5e: {  	_ =	shalt  }
0x5f: {  	_ =	shalt  }
0x60: {  	_ =	shalt  }
0x61: {  	_ =	shalt  }
0x62: {  	_ =	shalt  }
0x63: {  	_ =	shalt  }
0x64: {  	_ =	shalt  }
0x65: {  	_ =	shalt  }
0x66: {  	_ =	shalt  }
0x67: {  	_ =	shalt  }
0x68: {  	_ =	shalt  }
0x69: {  	_ =	shalt  }
0x6a: {  	_ =	shalt  }
0x6b: {  	_ =	shalt  }
0x6c: {  	_ =	shalt  }
0x6d: {  	_ =	shalt  }
0x6e: {  	_ =	shalt  }
0x6f: {  	_ =	shalt  }
0x70: {  	_ =	shalt  }
0x71: {  	_ =	shalt  }
0x72: {  	_ =	shalt  }
0x73: {  	_ =	shalt  }
0x74: {  	_ =	shalt  }
0x75: {  	_ =	shalt  }
0x76: {  	_ =	shalt  }
0x77: {  	_ =	shalt  }
0x78: {  	_ =	shalt  }
0x79: {  	_ =	shalt  }
0x7a: {  	_ =	shalt  }
0x7b: {  	_ =	shalt  }
0x7c: {  	_ =	shalt  }
0x7d: {  	_ =	shalt  }
0x7e: {  	_ =	shalt  }
0x7f: {  	_ =	shalt  }
0x80: {  	_ =	shalt  }
0x81: {  	_ =	shalt  }
0x82: {  	_ =	shalt  }
0x83: {  	_ =	shalt  }
0x84: {  	_ =	shalt  }
0x85: {  	_ =	shalt  }
0x86: {  	_ =	shalt  }
0x87: {  	_ =	shalt  }
.Lfunc_end0:
.L_simem_size_0:
called_computation_lowered:
.L_overlay_start_0:
0x88: {  	s2 =	sld [smem:$0x3FD9]  }
0x89: {  	s3 =	sld [smem:$0x3FFE];
	_ =	sdelay $0x1  }
0x8a: {  	s1 =	srdreg.scid  }
0x8b: {  	s0 =	sand.u32 $0x1, s1  }
0x8c: {  	s14 =	sshll.u32 s0, $0xA;
	s2 =	sadd.s32 s3, s2  }
0x8d: {  	s2 =	sadd.s32 s2, s14  }
0x8e: {  	[smem:$0x3FB8] =	sst s2  }
0x8f: {  	_ = 	snop  }
0x90: {  	s2 =	sld [smem:$0x3FD0];
	_ =	sdelay $0x2  }
0x91: {  	s15 =	simm.s32 $0xA;
	s4 =	simm.s32 $0x10  }
0x92: {  	[smem:s4], [sflag:s15] =	dma.local [hbm:s2], $0x1  }
0x93: {  	_ =	swait.eq [sflag:s15], $0x1  }
0x94: {  	[sflag:s15] =	ssyncset.done $0x0  }
0x95: {  	s16 =	sld [smem:$0x10];
	[sflag:s15] =	ssyncadd.s32 $0xFFFFFFFF  }
0x96: {  	s17 =	sld [smem:$0x11];
	(tm) =	ssettm $0x1  }
0x97: {  	s18 =	sld [smem:$0x3FFB];
	_ =	sdelay $0x3  }
0x98: {  	_ =	strace s18  }
0x99: {  	s4 =	sld [smem:$0x3FFC];
	_ =	sdelay $0x3  }
0x9a: {  	_ =	strace s4  }
0x9b: {  	s4 =	sld [smem:$0x3FFD];
	_ =	sdelay $0x3  }
0x9c: {  	_ =	strace s4  }
0x9d: {  	_ =	strace $0x8FFFFFFF  }
0x9e: {  	s19 =	sld [smem:$0x3FDB];
	_ =	sdelay $0x1  }
0x9f: {  	s5 =	simm.s32 $_scs_section_size  }
0xa0: {  	s6 =	simm.s32 $_size__tile_overlayer_lowered;
	s7 =	simm.s32 $_tile_overlayer_lowered  }
0xa1: {  	s22 =	simm.s32 $0x1BFF;
	s21 =	sshll.u32 s7, $0x1;
	s4 =	sadd.s32 s5, s19  }
0xa2: {  	s8 =	simm.s32 $0x0;
	s20 =	sshll.u32 s6, $0x1;
	s6 =	sadd.s32 s21, s4  }
0xa3: {  	[timem:s8], [sflag:s22] =	dma.local [hbm:s6], s20  }
0xa4: {  	_ =	swait.ge [sflag:s22], s20  }
0xa5: {  	s5 =	ssub.s32 $0x0, s20;
	[sflag:s22] =	ssyncset.done $0x0  }
0xa6: {  	[sflag:s22] =	ssyncadd.s32 s5;
	_ =	sdelay $0x1  }
0xa7: {  	s23 =	simm.s32 $0x1B8B  }
0xa8: {  	_ =	swait.ge [sflag:s23], $0x1  }
0xa9: {  	[sflag:s23] =	ssyncset.done $0x0  }
0xaa: {  	s25 =	simm.s32 $0x1B8E;
	s24 =	sld [smem:$0x3FFE];
	[sflag:s23] =	ssyncadd.s32 $0xFFFFFFFF  }
0xab: {  	s26 =	simm.s32 $execute0_lowered;
	[smem:$0x3FD2] =	sst s25  }
0xac: {  	s6 =	sshll.u32 s26, $0x1;
	_ =	strace $0x80000046;
	[dreg:$0x1] =	wrdreg $0xFFFFFFFF  }
0xad: {  	s28 =	simm.s32 $_size_execute0_lowered;
	s4 =	sadd.s32 s4, s6;
	[dreg:$0x0] =	wrdreg $0x0  }
0xae: {  	s6 =	sshll.u32 s28, $0x1;
	[dreg:$0x2] =	wrdreg s4  }
0xaf: {  	[dreg:$0x3] =	wrdreg s6  }
0xb0: {  	[dreg:$0x4] =	wrdreg $0xC0  }
0xb1: {  	_ =	task [dreg:s8], $0x5FFFF  }
0xb2: {  	[dreg:$0x1] =	wrdreg $0xFFFFFFFF  }
0xb3: {  	[dreg:$0x0] =	wrdreg $0x60  }
0xb4: {  	[dreg:$0x2] =	wrdreg s16  }
0xb5: {  	[dreg:$0x3] =	wrdreg s24  }
0xb6: {  	[dreg:$0x4] =	wrdreg s17  }
0xb7: {  	[dreg:$0x5] =	wrdreg $0x9  }
0xb8: {  	_ =	task.clear_ibuf [dreg:s8], $0x6FFFF;
	_ =	strace $0x90000046  }
0xb9: {  	s29 =	simm.s32 $0x9;
	_ =	strace $0x80000048  }
0xba: {  	_ =	swait.ge [sflag:s29], $0x1  }
0xbb: {  	[sflag:s29] =	ssyncadd.s32 $0xFFFFFFFF  }
0xbc: {  	_ =	strace $0x90000048  }
0xbd: {  	_ =	sfence  }
0xbe: {  	s30 =	sld [smem:$0x0];
	_ =	sdelay $0x2  }
0xbf: {  	s31 =	sshll.u32 s1, $0xD;
	s1 =	sshrl.u32 s1, $0x2  }
0xc0: {  	s3 =	sand.u32 $0x4000, s31;
	s1 =	sadd.s32 s1, s30  }
0xc1: {  	s0 =	sor.u32 s3, s0;
	s1 =	sshll.u32 s1, $0x11  }
0xc2: {  	s0 =	sor.u32 s1, s0  }
0xc3: {  	s0 =	sadd.s32 $0x8F2B, s0  }
0xc4: {  	[sflag:s0] =	ssyncadd.remote.s32 $0x1  }
0xc5: {  	_ =	sfence.sel $0xFFFF  }
0xc6: {  	[dreg:$0x0] =	wrdreg $0xFFFFFFFF;
	(pc) =	sbr.abs _section_cstart, $3  }
0xc7: {  	[dreg:$0x1] =	wrdreg $0xFFFFFFFF  }
0xc8: {  	_ =	task.clear_ibuf [dreg:s8], $0x2FFFF;
	_ =	strace $0x9FFFFFFF  }
0xc9: {  	(tm) =	ssettm $0x7FFFFFFF  }
tec
execute0_lowered:
.L_overlay_start_1:
0x0: {  	(tag) =	ssettag $0x1  }
0x1: {  	s1 =	rddreg [dreg:$0x0]  }
0x2: {  	s0 =	rddreg [dreg:$0x1]  }
0x3: {  	s2 =	rddreg [dreg:$0x2]  }
0x4: {  	s4 =	srdreg.scid;
	s3 =	simm.s32 $0x0;
	s7 =	stileid.u32  }
0x5: {  	s12 =	simm.s32 $0x8000;
	s13 =	simm.s32 $0x8800;
	s14 =	simm.s32 $0x9000  }
0x6: {  	s15 =	simm.s32 $0x9800;
	s16 =	simm.s32 $0xA000;
	s17 =	simm.s32 $0xD000  }
0x7: {  	s18 =	simm.s32 $0xD800;
	s19 =	simm.s32 $0xE000;
	s20 =	simm.s32 $0xE800  }
0x8: {  	s21 =	simm.s32 $0xF000;
	s22 =	simm.s32 $0x1;
	s23 =	simm.s32 $0x3  }
0x9: {  	s29 =	simm.s32 $0xA800;
	s11 =	simm.s32 $0xF800;
	s24 =	simm.s32 $0x4  }
0xa: {  	s25 =	simm.s32 $0x0;
	s5 =	sand.u32 $0x1, s4;
	[smem:$0x7FF] =	sst s3  }
0xb: {  	s28 =	sshll.u32 s7, $0xC;
	s7 =	smul.u32 $0x4E200, s7;
	s4 =	sadd.s32 $0x2F200, s0  }
0xc: {  	s6 =	sshll.u32 s5, $0xB;
	_ =	strace $0x80000047;
	s8 =	ssub.s32 $0x2, s5  }
0xd: {  	s5 =	smul.u32 $0x27100, s5;
	s6 =	sor.u32 s6, s28;
	s9 =	sshrl.u32 s8, $0x1  }
0xe: {  	s2 =	sadd.s32 s7, s2;
	s6 =	sadd.s32 s6, s0;
	s0 =	sadd.s32 s7, s0  }
0xf: {  	s8 =	ssub.s32 s8, s9;
	s2 =	sadd.s32 s5, s2;
	s7 =	simm.s32 $0x11000  }
.Ltmp0:
0x10: {  	s30 =	sadd.s32 $0x19200, s6;
	[dreg:$0x7] =	wrdreg s2;
	(pc) =	sbr.rel .LBB2_1-.Ltmp0, $4  }
0x11: {  	s9 =	simm.s32 $0x2;
	s6 =	sadd.s32 $0x9200, s6;
	[dreg:$0x4] =	wrdreg s30  }
0x12: {  	v2 =	vlaneseq.u32;
	s31 =	smax.u32 s8, $0x1;
	s0 =	sadd.s32 s5, s0;
	[dreg:$0x5] =	wrdreg s6  }
0x13: {  	vm0 =	vmmov $0xffff;
	v1 =	vshrl.u32 v2, $0x3;
	s5 =	simm.s32 $0x10000;
	[dreg:$0x6] =	wrdreg s31;
	s0 =	sadd.s32 $0x7D400, s0  }
0x14: {  	v0 =	vand.u32 $0x7, v2;
	v2 =	vor.u32 $0x8, v2;
	v1 =	vmul.u32 $0x8, v1;
	s8 =	simm.s32 $0x11800;
	s6 =	simm.s32 $0x10800;
	[dreg:$0x8] =	wrdreg s0  }
.LBB2_10:
0x15: {  	s0 =	simm.s32 $0x5  }
0x16: {  	_ =	swait.ge [sflag:s0], $0x2800  }
0x17: {  	[sflag:s0] =	ssyncset.done $0x0  }
0x18: {  	s28 =	simm.s32 $0x7;
	[sflag:s0] =	ssyncadd.s32 $0xFFFFD800  }
0x19: {  	_ =	swait.ge [sflag:s28], $0x2800  }
0x1a: {  	[sflag:s28] =	ssyncset.done $0x0  }
0x1b: {  	s30 =	simm.s32 $0x6;
	[sflag:s28] =	ssyncadd.s32 $0xFFFFD800  }
0x1c: {  	_ =	swait.ge [sflag:s30], $0x2800  }
0x1d: {  	[sflag:s30] =	ssyncset.done $0x0  }
0x1e: {  	s2 =	simm.s32 $0x8;
	[sflag:s30] =	ssyncadd.s32 $0xFFFFD800  }
0x1f: {  	_ =	swait.ge [sflag:s2], $0x2800  }
0x20: {  	s25 =	sadd.s32 $0x1, s25;
	s31 =	rddreg [dreg:$0x6]  }
0x21: {  	p0 =	sne.s32 s25, s31  }
.Ltmp1:
0x22: {  	_ = 	snop;
	(pc) =	sbr.rel @!p0 .LBB2_11-.Ltmp1, $3  }
0x23: {  	_ =	sdelay $0x1  }
0x24: {  	[sflag:s2] =	ssyncset.done $0x0  }
0x25: {  	[sflag:s2] =	ssyncadd.s32 $0xFFFFD800  }
.LBB2_1:
0x26: {  	s0 =	rddreg [dreg:$0x4];
	s2 =	simm.s32 $0x9  }
0x27: {  	[tilespmem:s3], [sflag:$0x9] =	stream.linear.gather [hbm4b:s0+s3], $0x3E80, $0x38;
	[tilespmem:$0x12000] =	vst v63  }
0x28: {  	_ =	swait.ge [sflag:s2], $0x3E80  }
0x29: {  	[sflag:s2] =	ssyncset.done $0x0  }
0x2a: {  	s10 =	simm.s32 $0x4000;
	s26 =	rddreg [dreg:$0x5];
	[sflag:s2] =	ssyncadd.s32 $0xFFFFC180  }
0x2b: {  	[tilespmem:s10], [sflag:$0x9] =	stream.linear.gather [hbm4b:s26+s3], $0x3E80, $0x38;
	[tilespmem:$0x12000] =	vst v63  }
0x2c: {  	_ =	swait.ge [sflag:s2], $0x3E80  }
0x2d: {  	[sflag:s2] =	ssyncset.done $0x0  }
0x2e: {  	[sflag:s2] =	ssyncadd.s32 $0xFFFFC180  }
0x2f: {  	v3 =	vld [tilespmem:$0x0];
	_ =	sdelay $0x4  }
0x30: {  	v4 =	vshll.u32 v3, $0x1  }
0x31: {  	v3 =	vand.u32 $0x7, v3;
	v4 =	vand.u32 $0xFFFFFFF0, v4  }
0x32: {  	v3 =	vor.u32 v3, v4  }
0x33: {  	v4 =	vperm.xlane v3, v0;
	_ =	sdelay $0x1  }
0x34: {  	v3 =	vperm.xlane v3, v2;
	v4 =	vadd.s32 v1, v4;
	_ =	sdelay $0x1  }
0x35: {  	v3 =	vadd.s32 v1, v3;
	_ =	sdelay $0x2  }
0x36: {  	[tilespmem:s12], [sflag:$0x1] =	stream.indirect_vreg.gather [hbm4b:s1+s3], $0x80, v4, vm0, $0xb8;
	[tilespmem:$0x12000] =	vst v63  }
0x37: {  	_ = 	snop  }
0x38: {  	[tilespmem:s13], [sflag:$0x1] =	stream.indirect_vreg.gather [hbm4b:s1+s3], $0x80, v3, vm0, $0xb8;
	[tilespmem:$0x12000] =	vst v63  }
0x39: {  	v3 =	vld [tilespmem:$0x10];
	_ =	sdelay $0x4  }
0x3a: {  	v59 =	vshll.u32 v3, $0x1  }
0x3b: {  	v3 =	vand.u32 $0x7, v3;
	v4 =	vand.u32 $0xFFFFFFF0, v59  }
0x3c: {  	v3 =	vor.u32 v3, v4  }
0x3d: {  	v4 =	vperm.xlane v3, v0;
	_ =	sdelay $0x1  }
0x3e: {  	v3 =	vperm.xlane v3, v2;
	v4 =	vadd.s32 v1, v4;
	_ =	sdelay $0x1  }
0x3f: {  	v3 =	vadd.s32 v1, v3;
	_ =	sdelay $0x2  }
0x40: {  	[tilespmem:s14], [sflag:$0x1] =	stream.indirect_vreg.gather [hbm4b:s1+s3], $0x80, v4, vm0, $0xb8;
	[tilespmem:$0x12000] =	vst v63  }
0x41: {  	_ = 	snop  }
0x42: {  	[tilespmem:s15], [sflag:$0x1] =	stream.indirect_vreg.gather [hbm4b:s1+s3], $0x80, v3, vm0, $0xb8;
	[tilespmem:$0x12000] =	vst v63  }
0x43: {  	v3 =	vld.msk [tilespmem:$0x20], $0xff;
	_ =	sdelay $0x4  }
0x44: {  	v60 =	vshll.u32 v3, $0x1  }
0x45: {  	v3 =	vand.u32 $0x7, v3;
	v4 =	vand.u32 $0xFFFFFFF0, v60  }
0x46: {  	v3 =	vor.u32 v3, v4  }
0x47: {  	v3 =	vperm.xlane v3, v0;
	_ =	sdelay $0x1  }
0x48: {  	v3 =	vadd.s32 v1, v3;
	_ =	sdelay $0x4  }
0x49: {  	[tilespmem:s16], [sflag:$0x1] =	stream.indirect_vreg.gather [hbm4b:s1+s3], $0x80, v3, vm0, $0xb8;
	[tilespmem:$0x12000] =	vst v63  }
0x4a: {  	v3 =	vld [tilespmem:$0x4000];
	_ =	sdelay $0x4  }
0x4b: {  	v61 =	vshll.u32 v3, $0x1  }
0x4c: {  	v3 =	vand.u32 $0x7, v3;
	v4 =	vand.u32 $0xFFFFFFF0, v61  }
0x4d: {  	v3 =	vor.u32 v3, v4  }
0x4e: {  	v4 =	vperm.xlane v3, v0;
	_ =	sdelay $0x1  }
0x4f: {  	v3 =	vperm.xlane v3, v2;
	v4 =	vadd.s32 v1, v4;
	_ =	sdelay $0x1  }
0x50: {  	v3 =	vadd.s32 v1, v3;
	_ =	sdelay $0x2  }
0x51: {  	[tilespmem:s17], [sflag:$0x3] =	stream.indirect_vreg.gather [hbm4b:s4+s3], $0x80, v4, vm0, $0xb8;
	[tilespmem:$0x12000] =	vst v63  }
0x52: {  	_ = 	snop  }
0x53: {  	[tilespmem:s18], [sflag:$0x3] =	stream.indirect_vreg.gather [hbm4b:s4+s3], $0x80, v3, vm0, $0xb8;
	[tilespmem:$0x12000] =	vst v63  }
0x54: {  	v3 =	vld [tilespmem:$0x4010];
	_ =	sdelay $0x4  }
0x55: {  	v62 =	vshll.u32 v3, $0x1  }
0x56: {  	v3 =	vand.u32 $0x7, v3;
	v4 =	vand.u32 $0xFFFFFFF0, v62  }
0x57: {  	v3 =	vor.u32 v3, v4  }
0x58: {  	v4 =	vperm.xlane v3, v0;
	_ =	sdelay $0x1  }
0x59: {  	v3 =	vperm.xlane v3, v2;
	v4 =	vadd.s32 v1, v4;
	_ =	sdelay $0x1  }
0x5a: {  	v3 =	vadd.s32 v1, v3;
	_ =	sdelay $0x2  }
0x5b: {  	[tilespmem:s19], [sflag:$0x3] =	stream.indirect_vreg.gather [hbm4b:s4+s3], $0x80, v4, vm0, $0xb8;
	[tilespmem:$0x12000] =	vst v63  }
0x5c: {  	_ = 	snop  }
0x5d: {  	[tilespmem:s20], [sflag:$0x3] =	stream.indirect_vreg.gather [hbm4b:s4+s3], $0x80, v3, vm0, $0xb8;
	[tilespmem:$0x12000] =	vst v63  }
0x5e: {  	v3 =	vld.msk [tilespmem:$0x4020], $0xff;
	_ =	sdelay $0x4  }
0x5f: {  	v63 =	vshll.u32 v3, $0x1  }
0x60: {  	v3 =	vand.u32 $0x7, v3;
	v4 =	vand.u32 $0xFFFFFFF0, v63  }
0x61: {  	v3 =	vor.u32 v3, v4  }
0x62: {  	v3 =	vperm.xlane v3, v0;
	_ =	sdelay $0x1  }
0x63: {  	v3 =	vadd.s32 v1, v3  }
.Ltmp2:
0x64: {  	_ = 	snop;
	(pc) =	sbr.rel .LBB2_2-.Ltmp2, $4  }
0x65: {  	_ = 	snop  }
0x66: {  	s28 =	simm.s32 $0xA0;
	s10 =	rddreg [dreg:$0x8]  }
0x67: {  	s31 =	simm.s32 $0x0;
	s26 =	simm.s32 $0x40A0;
	s30 =	rddreg [dreg:$0x7]  }
0x68: {  	[tilespmem:s21], [sflag:$0x3] =	stream.indirect_vreg.gather [hbm4b:s4+s3], $0x80, v3, vm0, $0xb8;
	[tilespmem:$0x12000] =	vst v63  }
.LBB2_7:
0x69: {  	_ =	swait.ge [sflag:s22], $0x2800  }
0x6a: {  	[sflag:s22] =	ssyncset.done $0x0  }
0x6b: {  	[sflag:s22] =	ssyncadd.s32 $0xFFFFD800  }
0x6c: {  	_ =	swait.ge [sflag:s23], $0x2800  }
0x6d: {  	[sflag:s23] =	ssyncset.done $0x0  }
0x6e: {  	[sflag:s23] =	ssyncadd.s32 $0xFFFFD800  }
0x6f: {  	[hbm4b:s30+s3] =	stream.linear.scatter [tilespmem:s12], [sflag:$0x5], $0x2800, $0x38;
	[tilespmem:$0x12000] =	vst v63  }
0x70: {  	_ = 	snop  }
0x71: {  	[hbm4b:s10+s3] =	stream.linear.scatter [tilespmem:s17], [sflag:$0x7], $0x2800, $0x38;
	[tilespmem:$0x12000] =	vst v63  }
.LBB2_9:
0x72: {  	p0 =	sne.s32 s0, $0x7D  }
.Ltmp3:
0x73: {  	_ = 	snop;
	(pc) =	sbr.rel @!p0 .LBB2_10-.Ltmp3, $3  }
0x74: {  	_ =	sdelay $0x1  }
0x75: {  	s30 =	sadd.s32 $0x500, s30;
	s10 =	sadd.s32 $0x500, s10  }
0x76: {  	s26 =	sadd.s32 $0x80, s26;
	s28 =	sadd.s32 $0x80, s28;
	s31 =	smov.u32 s0  }
.LBB2_2:
0x77: {  	p0 =	seq.s32 s31, $0x7C  }
.Ltmp4:
0x78: {  	_ = 	snop;
	(pc) =	sbr.rel @p0 .LBB2_7-.Ltmp4, $2  }
0x79: {  	_ =	sdelay $0x2  }
0x7a: {  	s0 =	sadd.s32 $0x1, s31  }
0x7b: {  	s2 =	sand.u32 $0x1, s0  }
0x7c: {  	p1 =	seq.s32 s2, $0x1  }
.Ltmp5:
0x7d: {  	_ = 	snop;
	(pc) =	sbr.rel @!p1 .LBB2_4-.Ltmp5, $2  }
0x7e: {  	_ =	sdelay $0x2  }
0x7f: {  	p0 =	seq.s32 s31, $0x0  }
0x80: {  	s2 =	simm.s32 @!p0 $0x6  }
0x81: {  	_ =	swait.ge @!p0 [sflag:s2], $0x2800  }
0x82: {  	[sflag:s2] =	ssyncset.done @!p0 $0x0  }
0x83: {  	[sflag:s2] =	ssyncadd.s32 @!p0 $0xFFFFD800;
	s2 =	simm.s32 @!p0 $0x8  }
0x84: {  	_ =	swait.ge @!p0 [sflag:s2], $0x2800  }
0x85: {  	[sflag:s2] =	ssyncset.done @!p0 $0x0  }
0x86: {  	[sflag:s2] =	ssyncadd.s32 @!p0 $0xFFFFD800  }
0x87: {  	v3 =	vld [tilespmem:s28+$0xFFFFFFE0];
	_ =	sdelay $0x4  }
0x88: {  	v4 =	vshll.u32 v3, $0x1  }
0x89: {  	v3 =	vand.u32 $0x7, v3;
	v4 =	vand.u32 $0xFFFFFFF0, v4  }
0x8a: {  	v3 =	vor.u32 v3, v4  }
0x8b: {  	v4 =	vperm.xlane v3, v0;
	_ =	sdelay $0x1  }
0x8c: {  	v3 =	vperm.xlane v3, v2;
	v4 =	vadd.s32 v1, v4;
	_ =	sdelay $0x1  }
0x8d: {  	v3 =	vadd.s32 v1, v3;
	_ =	sdelay $0x2  }
0x8e: {  	[tilespmem:s29], [sflag:$0x2] =	stream.indirect_vreg.gather [hbm4b:s1+s3], $0x80, v4, vm0, $0xb8;
	[tilespmem:$0x12000] =	vst v63  }
0x8f: {  	s2 =	simm.s32 $0xB000  }
0x90: {  	[tilespmem:s2], [sflag:$0x2] =	stream.indirect_vreg.gather [hbm4b:s1+s3], $0x80, v3, vm0, $0xb8;
	[tilespmem:$0x12000] =	vst v63  }
0x91: {  	v3 =	vld [tilespmem:s28+$0xFFFFFFF0];
	_ =	sdelay $0x4  }
0x92: {  	v59 =	vshll.u32 v3, $0x1  }
0x93: {  	v3 =	vand.u32 $0x7, v3;
	v4 =	vand.u32 $0xFFFFFFF0, v59  }
0x94: {  	v3 =	vor.u32 v3, v4  }
0x95: {  	v4 =	vperm.xlane v3, v0;
	_ =	sdelay $0x1  }
0x96: {  	v3 =	vperm.xlane v3, v2;
	v4 =	vadd.s32 v1, v4;
	_ =	sdelay $0x1  }
0x97: {  	v3 =	vadd.s32 v1, v3;
	_ =	sdelay $0x1  }
0x98: {  	s2 =	simm.s32 $0xB800  }
0x99: {  	[tilespmem:s2], [sflag:$0x2] =	stream.indirect_vreg.gather [hbm4b:s1+s3], $0x80, v4, vm0, $0xb8;
	[tilespmem:$0x12000] =	vst v63  }
0x9a: {  	s2 =	simm.s32 $0xC000  }
0x9b: {  	[tilespmem:s2], [sflag:$0x2] =	stream.indirect_vreg.gather [hbm4b:s1+s3], $0x80, v3, vm0, $0xb8;
	[tilespmem:$0x12000] =	vst v63  }
0x9c: {  	v3 =	vld.msk [tilespmem:s28+$0x0], $0xff;
	_ =	sdelay $0x4  }
0x9d: {  	v60 =	vshll.u32 v3, $0x1  }
0x9e: {  	v3 =	vand.u32 $0x7, v3;
	v4 =	vand.u32 $0xFFFFFFF0, v60  }
0x9f: {  	v3 =	vor.u32 v3, v4  }
0xa0: {  	v3 =	vperm.xlane v3, v0;
	_ =	sdelay $0x1  }
0xa1: {  	v3 =	vadd.s32 v1, v3;
	_ =	sdelay $0x3  }
0xa2: {  	s2 =	simm.s32 $0xC800  }
0xa3: {  	[tilespmem:s2], [sflag:$0x2] =	stream.indirect_vreg.gather [hbm4b:s1+s3], $0x80, v3, vm0, $0xb8;
	[tilespmem:$0x12000] =	vst v63  }
0xa4: {  	v3 =	vld [tilespmem:s26+$0xFFFFFFE0];
	_ =	sdelay $0x4  }
0xa5: {  	v61 =	vshll.u32 v3, $0x1  }
0xa6: {  	v3 =	vand.u32 $0x7, v3;
	v4 =	vand.u32 $0xFFFFFFF0, v61  }
0xa7: {  	v3 =	vor.u32 v3, v4  }
0xa8: {  	v4 =	vperm.xlane v3, v0;
	_ =	sdelay $0x1  }
0xa9: {  	v3 =	vperm.xlane v3, v2;
	v4 =	vadd.s32 v1, v4;
	_ =	sdelay $0x1  }
0xaa: {  	v3 =	vadd.s32 v1, v3;
	_ =	sdelay $0x2  }
0xab: {  	[tilespmem:s11], [sflag:$0x4] =	stream.indirect_vreg.gather [hbm4b:s4+s3], $0x80, v4, vm0, $0xb8;
	[tilespmem:$0x12000] =	vst v63  }
0xac: {  	_ = 	snop  }
0xad: {  	[tilespmem:s5], [sflag:$0x4] =	stream.indirect_vreg.gather [hbm4b:s4+s3], $0x80, v3, vm0, $0xb8;
	[tilespmem:$0x12000] =	vst v63  }
0xae: {  	v3 =	vld [tilespmem:s26+$0xFFFFFFF0];
	_ =	sdelay $0x4  }
0xaf: {  	v62 =	vshll.u32 v3, $0x1  }
0xb0: {  	v3 =	vand.u32 $0x7, v3;
	v4 =	vand.u32 $0xFFFFFFF0, v62  }
0xb1: {  	v3 =	vor.u32 v3, v4  }
0xb2: {  	v4 =	vperm.xlane v3, v0;
	_ =	sdelay $0x1  }
0xb3: {  	v3 =	vperm.xlane v3, v2;
	v4 =	vadd.s32 v1, v4;
	_ =	sdelay $0x1  }
0xb4: {  	v3 =	vadd.s32 v1, v3;
	_ =	sdelay $0x2  }
0xb5: {  	[tilespmem:s6], [sflag:$0x4] =	stream.indirect_vreg.gather [hbm4b:s4+s3], $0x80, v4, vm0, $0xb8;
	[tilespmem:$0x12000] =	vst v63  }
0xb6: {  	_ = 	snop  }
0xb7: {  	[tilespmem:s7], [sflag:$0x4] =	stream.indirect_vreg.gather [hbm4b:s4+s3], $0x80, v3, vm0, $0xb8;
	[tilespmem:$0x12000] =	vst v63  }
0xb8: {  	v3 =	vld.msk [tilespmem:s26+$0x0], $0xff;
	_ =	sdelay $0x4  }
0xb9: {  	v63 =	vshll.u32 v3, $0x1  }
0xba: {  	v3 =	vand.u32 $0x7, v3;
	v4 =	vand.u32 $0xFFFFFFF0, v63  }
0xbb: {  	v3 =	vor.u32 v3, v4  }
0xbc: {  	v3 =	vperm.xlane v3, v0;
	_ =	sdelay $0x1  }
0xbd: {  	v3 =	vadd.s32 v1, v3  }
.Ltmp6:
0xbe: {  	_ = 	snop;
	(pc) =	sbr.rel .LBB2_6-.Ltmp6, $2  }
0xbf: {  	_ =	sdelay $0x2  }
0xc0: {  	[tilespmem:s8], [sflag:$0x4] =	stream.indirect_vreg.gather [hbm4b:s4+s3], $0x80, v3, vm0, $0xb8;
	[tilespmem:$0x12000] =	vst v63  }
.LBB2_4:
0xc1: {  	s2 =	simm.s32 @!p0 $0x5  }
0xc2: {  	_ =	swait.ge @!p0 [sflag:s2], $0x2800  }
0xc3: {  	[sflag:s2] =	ssyncset.done @!p0 $0x0  }
0xc4: {  	[sflag:s2] =	ssyncadd.s32 @!p0 $0xFFFFD800;
	s2 =	simm.s32 @!p0 $0x7  }
0xc5: {  	_ =	swait.ge @!p0 [sflag:s2], $0x2800  }
0xc6: {  	[sflag:s2] =	ssyncset.done @!p0 $0x0  }
0xc7: {  	[sflag:s2] =	ssyncadd.s32 @!p0 $0xFFFFD800  }
0xc8: {  	v3 =	vld [tilespmem:s28+$0xFFFFFFE0];
	_ =	sdelay $0x4  }
0xc9: {  	v4 =	vshll.u32 v3, $0x1  }
0xca: {  	v3 =	vand.u32 $0x7, v3;
	v4 =	vand.u32 $0xFFFFFFF0, v4  }
0xcb: {  	v3 =	vor.u32 v3, v4  }
0xcc: {  	v4 =	vperm.xlane v3, v0;
	_ =	sdelay $0x1  }
0xcd: {  	v3 =	vperm.xlane v3, v2;
	v4 =	vadd.s32 v1, v4;
	_ =	sdelay $0x1  }
0xce: {  	v3 =	vadd.s32 v1, v3;
	_ =	sdelay $0x2  }
0xcf: {  	[tilespmem:s12], [sflag:$0x1] =	stream.indirect_vreg.gather [hbm4b:s1+s3], $0x80, v4, vm0, $0xb8;
	[tilespmem:$0x12000] =	vst v63  }
0xd0: {  	_ = 	snop  }
0xd1: {  	[tilespmem:s13], [sflag:$0x1] =	stream.indirect_vreg.gather [hbm4b:s1+s3], $0x80, v3, vm0, $0xb8;
	[tilespmem:$0x12000] =	vst v63  }
0xd2: {  	v3 =	vld [tilespmem:s28+$0xFFFFFFF0];
	_ =	sdelay $0x4  }
0xd3: {  	v59 =	vshll.u32 v3, $0x1  }
0xd4: {  	v3 =	vand.u32 $0x7, v3;
	v4 =	vand.u32 $0xFFFFFFF0, v59  }
0xd5: {  	v3 =	vor.u32 v3, v4  }
0xd6: {  	v4 =	vperm.xlane v3, v0;
	_ =	sdelay $0x1  }
0xd7: {  	v3 =	vperm.xlane v3, v2;
	v4 =	vadd.s32 v1, v4;
	_ =	sdelay $0x1  }
0xd8: {  	v3 =	vadd.s32 v1, v3;
	_ =	sdelay $0x2  }
0xd9: {  	[tilespmem:s14], [sflag:$0x1] =	stream.indirect_vreg.gather [hbm4b:s1+s3], $0x80, v4, vm0, $0xb8;
	[tilespmem:$0x12000] =	vst v63  }
0xda: {  	_ = 	snop  }
0xdb: {  	[tilespmem:s15], [sflag:$0x1] =	stream.indirect_vreg.gather [hbm4b:s1+s3], $0x80, v3, vm0, $0xb8;
	[tilespmem:$0x12000] =	vst v63  }
0xdc: {  	v3 =	vld.msk [tilespmem:s28+$0x0], $0xff;
	_ =	sdelay $0x4  }
0xdd: {  	v60 =	vshll.u32 v3, $0x1  }
0xde: {  	v3 =	vand.u32 $0x7, v3;
	v4 =	vand.u32 $0xFFFFFFF0, v60  }
0xdf: {  	v3 =	vor.u32 v3, v4  }
0xe0: {  	v3 =	vperm.xlane v3, v0;
	_ =	sdelay $0x1  }
0xe1: {  	v3 =	vadd.s32 v1, v3;
	_ =	sdelay $0x4  }
0xe2: {  	[tilespmem:s16], [sflag:$0x1] =	stream.indirect_vreg.gather [hbm4b:s1+s3], $0x80, v3, vm0, $0xb8;
	[tilespmem:$0x12000] =	vst v63  }
0xe3: {  	v3 =	vld [tilespmem:s26+$0xFFFFFFE0];
	_ =	sdelay $0x4  }
0xe4: {  	v61 =	vshll.u32 v3, $0x1  }
0xe5: {  	v3 =	vand.u32 $0x7, v3;
	v4 =	vand.u32 $0xFFFFFFF0, v61  }
0xe6: {  	v3 =	vor.u32 v3, v4  }
0xe7: {  	v4 =	vperm.xlane v3, v0;
	_ =	sdelay $0x1  }
0xe8: {  	v3 =	vperm.xlane v3, v2;
	v4 =	vadd.s32 v1, v4;
	_ =	sdelay $0x1  }
0xe9: {  	v3 =	vadd.s32 v1, v3;
	_ =	sdelay $0x2  }
0xea: {  	[tilespmem:s17], [sflag:$0x3] =	stream.indirect_vreg.gather [hbm4b:s4+s3], $0x80, v4, vm0, $0xb8;
	[tilespmem:$0x12000] =	vst v63  }
0xeb: {  	_ = 	snop  }
0xec: {  	[tilespmem:s18], [sflag:$0x3] =	stream.indirect_vreg.gather [hbm4b:s4+s3], $0x80, v3, vm0, $0xb8;
	[tilespmem:$0x12000] =	vst v63  }
0xed: {  	v3 =	vld [tilespmem:s26+$0xFFFFFFF0];
	_ =	sdelay $0x4  }
0xee: {  	v62 =	vshll.u32 v3, $0x1  }
0xef: {  	v3 =	vand.u32 $0x7, v3;
	v4 =	vand.u32 $0xFFFFFFF0, v62  }
0xf0: {  	v3 =	vor.u32 v3, v4  }
0xf1: {  	v4 =	vperm.xlane v3, v0;
	_ =	sdelay $0x1  }
0xf2: {  	v3 =	vperm.xlane v3, v2;
	v4 =	vadd.s32 v1, v4;
	_ =	sdelay $0x1  }
0xf3: {  	v3 =	vadd.s32 v1, v3;
	_ =	sdelay $0x2  }
0xf4: {  	[tilespmem:s19], [sflag:$0x3] =	stream.indirect_vreg.gather [hbm4b:s4+s3], $0x80, v4, vm0, $0xb8;
	[tilespmem:$0x12000] =	vst v63  }
0xf5: {  	_ = 	snop  }
0xf6: {  	[tilespmem:s20], [sflag:$0x3] =	stream.indirect_vreg.gather [hbm4b:s4+s3], $0x80, v3, vm0, $0xb8;
	[tilespmem:$0x12000] =	vst v63  }
0xf7: {  	v3 =	vld.msk [tilespmem:s26+$0x0], $0xff;
	_ =	sdelay $0x4  }
0xf8: {  	v63 =	vshll.u32 v3, $0x1  }
0xf9: {  	v3 =	vand.u32 $0x7, v3;
	v4 =	vand.u32 $0xFFFFFFF0, v63  }
0xfa: {  	v3 =	vor.u32 v3, v4  }
0xfb: {  	v3 =	vperm.xlane v3, v0;
	_ =	sdelay $0x1  }
0xfc: {  	v3 =	vadd.s32 v1, v3;
	_ =	sdelay $0x4  }
0xfd: {  	[tilespmem:s21], [sflag:$0x3] =	stream.indirect_vreg.gather [hbm4b:s4+s3], $0x80, v3, vm0, $0xb8;
	[tilespmem:$0x12000] =	vst v63  }
.LBB2_6:
0xfe: {  	s2 =	sand.u32 $0x1, s31  }
0xff: {  	p0 =	seq.s32 s2, $0x1  }
.Ltmp7:
0x100: {  	_ = 	snop;
	(pc) =	sbr.rel @!p0 .LBB2_7-.Ltmp7, $1  }
0x101: {  	_ =	sdelay $0x3  }
0x102: {  	_ =	swait.ge [sflag:s9], $0x2800  }
0x103: {  	[sflag:s9] =	ssyncset.done $0x0  }
0x104: {  	[sflag:s9] =	ssyncadd.s32 $0xFFFFD800  }
0x105: {  	_ =	swait.ge [sflag:s24], $0x2800  }
.Ltmp8:
0x106: {  	[sflag:s24] =	ssyncset.done $0x0;
	(pc) =	sbr.rel .LBB2_9-.Ltmp8, $4  }
0x107: {  	[sflag:s24] =	ssyncadd.s32 $0xFFFFD800  }
0x108: {  	[hbm4b:s30+s3] =	stream.linear.scatter [tilespmem:s29], [sflag:$0x6], $0x2800, $0x38;
	[tilespmem:$0x12000] =	vst v63  }
0x109: {  	_ = 	snop  }
0x10a: {  	[hbm4b:s10+s3] =	stream.linear.scatter [tilespmem:s11], [sflag:$0x8], $0x2800, $0x38;
	[tilespmem:$0x12000] =	vst v63  }
.LBB2_11:
0x10b: {  	_ =	sfence.sel $0x180000  }
0x10c: {  	[bflag:$0x0] =	sbarrier.arrive $0xFFFF  }
0x10d: {  	_ =	strace $0x90000047  }
0x10e: {  	s0 =	stileid.u32;
	[bflag:$0x2] =	sbarrier.arrive $0xFFFF  }
0x10f: {  	p0 =	sne.s32 s0, $0x0;
	s0 =	rddreg [dreg:$0x3]  }
0x110: {  	s0 =	sadd.s32 @!p0 $0x100000, s0  }
0x111: {  	[sflag:s0] =	ssyncadd.tile.s32 @!p0 $0x1;
	_ =	shalt  }
.Lfunc_end2:
_tile_overlayer_lowered:
.L_overlay_start_2:
0x112: {  	(tag) =	ssettag $0x2  }
0x113: {  	s0 =	rddreg [dreg:$0x0];
	s2 =	stileid.u32  }
0x114: {  	s1 =	rddreg [dreg:$0x1];
	p0 =	sne.s32 s2, $0x0  }
0x115: {  	s3 =	rddreg [dreg:$0x2];
	[bflag:$0x3] =	sbarrier.arrive $0xFFFF;
	s2 =	simm.s32 @!p0 $0x1C09  }
0x116: {  	[timem:s3], [sflag:s2] =	dma.local @!p0 [hbm:s0], s1  }
0x117: {  	s0 =	simm.s32 @!p0 $0x9  }
0x118: {  	_ =	swait.ge @!p0 [sflag:s0], s1  }
0x119: {  	s1 =	ssub.s32 @!p0 $0x0, s1;
	[sflag:s0] =	ssyncset.done @!p0 $0x0  }
0x11a: {  	[sflag:s0] =	ssyncadd.s32 @!p0 s1  }
0x11b: {  	[bflag:$0x3] =	sbarrier.arrive $0xFFFF  }
0x11c: {  	_ =	shalt  }

// kernel: kernel.15.cloned.1.call-start
scs
__scs_entry_jumppad:
0x0: {  	(pc) =	sbr.rel $0x88, $3  }
0x1: {  	(tag) =	ssettag $0x0;
	lr =	simm.s32 $0x1  }
0x2: {  	[smem:$0x3F91] =	sst lr;
	_ =	strace $0xD0000000  }
0x3: {  	_ = 	snop  }
0x4: {  	_ = 	snop  }
0x5: {  	_ = 	snop  }
0x6: {  	_ = 	snop  }
0x7: {  	_ = 	snop  }
__scs_overlays_trampoline_lowered:
0x8: {  	[smem:$0x3FA0] =	sst s0  }
0x9: {  	[smem:$0x3FA1] =	sst s1  }
0xa: {  	[smem:$0x3FA2] =	sst s2  }
0xb: {  	[smem:$0x3FA3] =	sst s3  }
0xc: {  	[smem:$0x3FA4] =	sst s4  }
0xd: {  	[smem:$0x3FA5] =	sst s5  }
0xe: {  	[smem:$0x3FA6] =	sst s6  }
0xf: {  	[smem:$0x3FA7] =	sst s7  }
0x10: {  	[smem:$0x3FA8] =	sst s8  }
0x11: {  	[smem:$0x3FA9] =	sst s9;
	s0 =	simm.s32 @!p0 $0x0  }
0x12: {  	s1 =	sld [smem:$0x3F8F];
	s0 =	simm.s32 @p0 $0x1  }
0x13: {  	[smem:$0x3FAA] =	sst s0;
	s0 =	simm.s32 @!p1 $0x0  }
0x14: {  	s2 =	sld [smem:$0x3F8E];
	s0 =	simm.s32 @p1 $0x1  }
0x15: {  	[smem:$0x3FAB] =	sst s0;
	s0 =	simm.s32 @!p2 $0x0  }
0x16: {  	s3 =	sld [smem:$0x3FDB];
	s0 =	simm.s32 @p2 $0x1  }
0x17: {  	s4 =	simm.s32 $0x1BF5;
	[smem:$0x3FAD] =	sst s0  }
0x18: {  	s0 =	sld [smem:$0x3F90];
	_ =	swait.ge [sflag:s4], $0x0  }
0x19: {  	s7 =	sld [smem:$0x3F91]  }
0x1a: {  	s8 =	sadd.s32 $0xFFFFE003, lr  }
0x1b: {  	s9 =	sadd.s32 $0xFFFFFEF7, lr;
	s5 =	simm.s32 $0xFFFFFFFF;
	p2 =	slt.u32 s8, $0xFFFFF086  }
0x1c: {  	p1 =	slt.u32 s9, $0xF7A;
	s5 =	simm.s32 @!p2 $0x0  }
0x1d: {  	s5 =	simm.s32 @p1 $0x1;
	p0 =	seq.s32 s7, s2  }
0x1e: {  	s7 =	smul.u32 @!p0 $0xF7A, s2;
	p2 =	seq.s32 @!p0 s5, $0x0  }
0x1f: {  	s9 =	smul.u32 $0xF7A, s1;
	s8 =	simm.s32 @!p0 $0x1BF5;
	p2 =	por !p2, p0  }
0x20: {  	[sflag:s8] =	ssyncset.s32 @!p0 $0xFFFFF086;
	s6 =	sadd.s32 @!p0 s3, s7;
	s7 =	simm.s32 @!p0 $0x108  }
0x21: {  	s3 =	sadd.s32 s3, s9;
	s6 =	sadd.s32 @!p0 $0x88, s6;
	s7 =	simm.s32 @p2 $0x1082  }
0x22: {  	[simem:s7], [sflag:s8] =	dma.local @!p0 [hbm:s6], $0xF7A  }
0x23: {  	s9 =	sor.u32 $0xD0000000, s2;
	s6 =	simm.s32 $0x108;
	_ =	swait.ge @!p0 [sflag:s8], $0x0  }
0x24: {  	s3 =	sadd.s32 $0x88, s3;
	s6 =	simm.s32 @!p1 $0x1082;
	[sflag:s4] =	ssyncset.s32 $0xFFFFF086  }
0x25: {  	[simem:s6], [sflag:s4] =	dma.local [hbm:s3], $0xF7A  }
0x26: {  	[smem:$0x3F91] =	sst s1;
	(tag) =	ssettag s2;
	_ =	strace s9  }
0x27: {  	s1 =	sld [smem:$0x3FA1]  }
0x28: {  	s2 =	sld [smem:$0x3FA2]  }
0x29: {  	s4 =	sld [smem:$0x3FA4]  }
0x2a: {  	p0 =	seq.s32 s5, $0x0;
	s5 =	sld [smem:$0x3FA5]  }
0x2b: {  	s6 =	sld [smem:$0x3FA6]  }
0x2c: {  	s7 =	sld [smem:$0x3FA7]  }
0x2d: {  	s3 =	simm.s32 $0x108;
	s8 =	sld [smem:$0x3FA8]  }
0x2e: {  	s3 =	simm.s32 @!p0 $0x1082;
	s9 =	sld [smem:$0x3FA9]  }
0x2f: {  	lr =	sadd.s32 s0, s3;
	s0 =	sld [smem:$0x3FA0]  }
0x30: {  	s3 =	sld [smem:$0x3FA3]  }
0x31: {  	[smem:$0x3FAC] =	sst s10  }
0x32: {  	s10 =	sld [smem:$0x3FAA];
	_ =	sdelay $0x3  }
0x33: {  	p0 =	seq.s32 s10, $0x1;
	s10 =	sld [smem:$0x3FAC];
	_ =	sdelay $0x3  }
0x34: {  	[smem:$0x3FAC] =	sst s10  }
0x35: {  	s10 =	sld [smem:$0x3FAB];
	_ =	sdelay $0x3  }
0x36: {  	p1 =	seq.s32 s10, $0x1;
	s10 =	sld [smem:$0x3FAC];
	_ =	sdelay $0x3  }
0x37: {  	[smem:$0x3FAC] =	sst s10  }
0x38: {  	s10 =	sld [smem:$0x3FAD]  }
0x39: {  	_ = 	snop;
	(pc) =	sbr.ind lr, $3  }
0x3a: {  	_ = 	snop  }
0x3b: {  	_ = 	snop  }
0x3c: {  	p2 =	seq.s32 s10, $0x1;
	s10 =	sld [smem:$0x3FAC]  }
0x3d: {  	_ =	shalt  }
0x3e: {  	_ =	shalt  }
0x3f: {  	_ =	shalt  }
0x40: {  	_ =	shalt  }
0x41: {  	_ =	shalt  }
0x42: {  	_ =	shalt  }
0x43: {  	_ =	shalt  }
0x44: {  	_ =	shalt  }
0x45: {  	_ =	shalt  }
0x46: {  	_ =	shalt  }
0x47: {  	_ =	shalt  }
0x48: {  	_ =	shalt  }
0x49: {  	_ =	shalt  }
0x4a: {  	_ =	shalt  }
0x4b: {  	_ =	shalt  }
0x4c: {  	_ =	shalt  }
0x4d: {  	_ =	shalt  }
0x4e: {  	_ =	shalt  }
0x4f: {  	_ =	shalt  }
0x50: {  	_ =	shalt  }
0x51: {  	_ =	shalt  }
0x52: {  	_ =	shalt  }
0x53: {  	_ =	shalt  }
0x54: {  	_ =	shalt  }
0x55: {  	_ =	shalt  }
0x56: {  	_ =	shalt  }
0x57: {  	_ =	shalt  }
0x58: {  	_ =	shalt  }
0x59: {  	_ =	shalt  }
0x5a: {  	_ =	shalt  }
0x5b: {  	_ =	shalt  }
0x5c: {  	_ =	shalt  }
0x5d: {  	_ =	shalt  }
0x5e: {  	_ =	shalt  }
0x5f: {  	_ =	shalt  }
0x60: {  	_ =	shalt  }
0x61: {  	_ =	shalt  }
0x62: {  	_ =	shalt  }
0x63: {  	_ =	shalt  }
0x64: {  	_ =	shalt  }
0x65: {  	_ =	shalt  }
0x66: {  	_ =	shalt  }
0x67: {  	_ =	shalt  }
0x68: {  	_ =	shalt  }
0x69: {  	_ =	shalt  }
0x6a: {  	_ =	shalt  }
0x6b: {  	_ =	shalt  }
0x6c: {  	_ =	shalt  }
0x6d: {  	_ =	shalt  }
0x6e: {  	_ =	shalt  }
0x6f: {  	_ =	shalt  }
0x70: {  	_ =	shalt  }
0x71: {  	_ =	shalt  }
0x72: {  	_ =	shalt  }
0x73: {  	_ =	shalt  }
0x74: {  	_ =	shalt  }
0x75: {  	_ =	shalt  }
0x76: {  	_ =	shalt  }
0x77: {  	_ =	shalt  }
0x78: {  	_ =	shalt  }
0x79: {  	_ =	shalt  }
0x7a: {  	_ =	shalt  }
0x7b: {  	_ =	shalt  }
0x7c: {  	_ =	shalt  }
0x7d: {  	_ =	shalt  }
0x7e: {  	_ =	shalt  }
0x7f: {  	_ =	shalt  }
0x80: {  	_ =	shalt  }
0x81: {  	_ =	shalt  }
0x82: {  	_ =	shalt  }
0x83: {  	_ =	shalt  }
0x84: {  	_ =	shalt  }
0x85: {  	_ =	shalt  }
0x86: {  	_ =	shalt  }
0x87: {  	_ =	shalt  }
.Lfunc_end0:
.L_simem_size_0:
called_computation.1_lowered:
.L_overlay_start_0:
0x88: {  	s2 =	sld [smem:$0x3FD9]  }
0x89: {  	s3 =	sld [smem:$0x3FFE];
	_ =	sdelay $0x1  }
0x8a: {  	s1 =	srdreg.scid  }
0x8b: {  	s0 =	sand.u32 $0x1, s1  }
0x8c: {  	s14 =	sshll.u32 s0, $0xA;
	s2 =	sadd.s32 s3, s2  }
0x8d: {  	s2 =	sadd.s32 s2, s14  }
0x8e: {  	[smem:$0x3FB8] =	sst s2  }
0x8f: {  	_ = 	snop  }
0x90: {  	s2 =	sld [smem:$0x3FD0];
	_ =	sdelay $0x2  }
0x91: {  	s15 =	simm.s32 $0xA;
	s4 =	simm.s32 $0x10  }
0x92: {  	[smem:s4], [sflag:s15] =	dma.local [hbm:s2], $0x1  }
0x93: {  	_ =	swait.eq [sflag:s15], $0x1  }
0x94: {  	[sflag:s15] =	ssyncset.done $0x0  }
0x95: {  	[sflag:s15] =	ssyncadd.s32 $0xFFFFFFFF  }
0x96: {  	s16 =	sld [smem:$0x11];
	(tm) =	ssettm $0x1  }
0x97: {  	s17 =	sld [smem:$0x3FFB];
	_ =	sdelay $0x3  }
0x98: {  	_ =	strace s17  }
0x99: {  	s3 =	sld [smem:$0x3FFC];
	_ =	sdelay $0x3  }
0x9a: {  	_ =	strace s3  }
0x9b: {  	s3 =	sld [smem:$0x3FFD];
	_ =	sdelay $0x3  }
0x9c: {  	_ =	strace s3  }
0x9d: {  	_ =	strace $0x8FFFFFFF  }
0x9e: {  	s18 =	sld [smem:$0x3FDB];
	_ =	sdelay $0x1  }
0x9f: {  	s19 =	simm.s32 $_scs_section_size  }
0xa0: {  	s5 =	simm.s32 $_size__tile_overlayer_lowered;
	s6 =	simm.s32 $_tile_overlayer_lowered  }
0xa1: {  	s22 =	simm.s32 $0x1BFF;
	s21 =	sshll.u32 s6, $0x1;
	s3 =	sadd.s32 s19, s18  }
0xa2: {  	s7 =	simm.s32 $0x0;
	s20 =	sshll.u32 s5, $0x1;
	s5 =	sadd.s32 s21, s3  }
0xa3: {  	[timem:s7], [sflag:s22] =	dma.local [hbm:s5], s20  }
0xa4: {  	_ =	swait.ge [sflag:s22], s20  }
0xa5: {  	s4 =	ssub.s32 $0x0, s20;
	[sflag:s22] =	ssyncset.done $0x0  }
0xa6: {  	[sflag:s22] =	ssyncadd.s32 s4;
	_ =	sdelay $0x1  }
0xa7: {  	s23 =	simm.s32 $0x1B8B  }
0xa8: {  	_ =	swait.ge [sflag:s23], $0x1  }
0xa9: {  	[sflag:s23] =	ssyncset.done $0x0  }
0xaa: {  	s25 =	simm.s32 $0x1B8E;
	s24 =	sld [smem:$0x3FFE];
	[sflag:s23] =	ssyncadd.s32 $0xFFFFFFFF  }
0xab: {  	s26 =	simm.s32 $execute0_lowered;
	[smem:$0x3FD2] =	sst s25  }
0xac: {  	s5 =	sshll.u32 s26, $0x1;
	_ =	strace $0x80000049;
	[dreg:$0x1] =	wrdreg $0xFFFFFFFF  }
0xad: {  	s28 =	simm.s32 $_size_execute0_lowered;
	s3 =	sadd.s32 s3, s5;
	[dreg:$0x0] =	wrdreg $0x0  }
0xae: {  	s5 =	sshll.u32 s28, $0x1;
	[dreg:$0x2] =	wrdreg s3  }
0xaf: {  	[dreg:$0x3] =	wrdreg s5  }
0xb0: {  	[dreg:$0x4] =	wrdreg $0xC0  }
0xb1: {  	_ =	task [dreg:s7], $0x5FFFF  }
0xb2: {  	[dreg:$0x1] =	wrdreg $0xFFFFFFFF  }
0xb3: {  	[dreg:$0x0] =	wrdreg $0x60  }
0xb4: {  	[dreg:$0x2] =	wrdreg s24  }
0xb5: {  	[dreg:$0x3] =	wrdreg s16  }
0xb6: {  	[dreg:$0x4] =	wrdreg $0xA8000  }
0xb7: {  	[dreg:$0x5] =	wrdreg $0x9  }
0xb8: {  	_ =	task.clear_ibuf [dreg:s7], $0x6FFFF;
	_ =	strace $0x90000049  }
0xb9: {  	s29 =	simm.s32 $0x9;
	_ =	strace $0x8000004B  }
0xba: {  	_ =	swait.ge [sflag:s29], $0x1  }
0xbb: {  	[sflag:s29] =	ssyncadd.s32 $0xFFFFFFFF  }
0xbc: {  	_ =	strace $0x9000004B  }
0xbd: {  	_ =	sfence  }
0xbe: {  	s30 =	sld [smem:$0x0];
	_ =	sdelay $0x2  }
0xbf: {  	s31 =	sshll.u32 s1, $0xD;
	s1 =	sshrl.u32 s1, $0x2  }
0xc0: {  	s3 =	sand.u32 $0x4000, s31;
	s1 =	sadd.s32 s1, s30  }
0xc1: {  	s0 =	sor.u32 s3, s0;
	s1 =	sshll.u32 s1, $0x11  }
0xc2: {  	s0 =	sor.u32 s1, s0  }
0xc3: {  	s0 =	sadd.s32 $0x8F2B, s0  }
0xc4: {  	[sflag:s0] =	ssyncadd.remote.s32 $0x1  }
0xc5: {  	_ =	sfence.sel $0xFFFF  }
0xc6: {  	[dreg:$0x0] =	wrdreg $0xFFFFFFFF;
	(pc) =	sbr.abs _section_cstart, $3  }
0xc7: {  	[dreg:$0x1] =	wrdreg $0xFFFFFFFF  }
0xc8: {  	_ =	task.clear_ibuf [dreg:s7], $0x2FFFF;
	_ =	strace $0x9FFFFFFF  }
0xc9: {  	(tm) =	ssettm $0x7FFFFFFF  }
tec
execute0_lowered:
.L_overlay_start_1:
0x0: {  	(tag) =	ssettag $0x1  }
0x1: {  	s0 =	rddreg [dreg:$0x0]  }
0x2: {  	s2 =	rddreg [dreg:$0x1]  }
0x3: {  	s1 =	rddreg [dreg:$0x2];
	s3 =	simm.s32 $0x0  }
0x4: {  	s4 =	srdreg.scid;
	s14 =	stileid.u32;
	s17 =	simm.s32 $0x400  }
0x5: {  	s18 =	simm.s32 $0x800;
	s19 =	simm.s32 $0x8000;
	s20 =	simm.s32 $0x9400  }
0x6: {  	s21 =	simm.s32 $0x1;
	s22 =	simm.s32 $0x28;
	s23 =	simm.s32 $0x2  }
0x7: {  	s28 =	simm.s32 $0x4;
	s29 =	simm.s32 $0x0;
	s8 =	smul.u32 $0x2800, s14  }
0x8: {  	[smem:$0x7FF] =	sst s3;
	s6 =	sand.u32 $0x1, s4;
	s10 =	smul.u32 $0x50000, s14  }
0x9: {  	s7 =	sadd.s32 $0x571C00, s0;
	s5 =	sshll.u32 s14, $0xC;
	s25 =	smul.u32 $0x4E200, s14  }
0xa: {  	s31 =	sshll.u32 s14, $0x6;
	s14 =	simm.s32 $0x5;
	_ =	strace $0x8000004A  }
0xb: {  	s4 =	ssub.s32 $0x2, s6;
	s5 =	sadd.s32 s5, s0;
	p0 =	seq.s32 s6, $0x1  }
0xc: {  	s15 =	sor.u32 $0x1C05, s31;
	s9 =	sshrl.u32 s4, $0x1;
	s11 =	sadd.s32 s8, s0  }
0xd: {  	s24 =	sshrl.u32 s10, $0x2;
	s6 =	sadd.s32 s7, s25;
	s26 =	sadd.s32 s2, s8  }
0xe: {  	s0 =	sadd.s32 $0x571C80, s0;
	s2 =	sadd.s32 $0x28000, s2;
	s10 =	sadd.s32 $0x500, s25  }
0xf: {  	s9 =	ssub.s32 s4, s9;
	s4 =	sadd.s32 $0x55F400, s5;
	s16 =	sadd.s32 s24, s1  }
.Ltmp0:
0x10: {  	s5 =	sadd.s32 $0x2F200, s11;
	[dreg:$0x4] =	wrdreg s26;
	(pc) =	sbr.rel .LBB2_1-.Ltmp0, $4  }
0x11: {  	s30 =	sadd.s32 s25, s0;
	s7 =	sadd.s32 s7, s10;
	s0 =	sadd.s32 s10, s0  }
0x12: {  	s12 =	sadd.s32 $0xA00, s6;
	s13 =	sadd.s32 $0xA80, s6;
	[dreg:$0x5] =	wrdreg s30  }
0x13: {  	s24 =	sadd.s32 s8, s2;
	s26 =	simm.s32 $0x3;
	[dreg:$0x6] =	wrdreg s7  }
0x14: {  	s9 =	smax.u32 s9, $0x1;
	[dreg:$0x7] =	wrdreg s0;
	s16 =	sshrl.u32 s16, $0x3  }
.LBB2_7:
0x15: {  	p2 =	seq.s32 s10, $0x1  }
0x16: {  	[sflag:s7] =	ssyncset.done @!p1 $0x0;
	s2 =	simm.s32 @!p1 $0x8000;
	s0 =	sadd.s32 $0xFFFFFFFF, s0  }
0x17: {  	s10 =	simm.s32 @p2 $0x4;
	[sflag:s7] =	ssyncadd.s32 @!p1 $0xFFFFEC00;
	s7 =	simm.s32 @!p1 $0x28  }
0x18: {  	[spmem:s1] =	stream.indirect.scatter.add.f32 @!p1 [tilespmem:s2], [sflag:$0x3], $0x80, s8, s7, $0xb8;
	[tilespmem:$0x1E800] =	vst v63  }
0x19: {  	s0 =	sand.u32 $0x1, s0;
	_ =	swait.ge @p2 [sflag:s10], $0x1400  }
0x1a: {  	s2 =	simm.s32 @p2 $0x9400;
	s7 =	simm.s32 @!p2 $0x3;
	[sflag:s10] =	ssyncset.done @p2 $0x0  }
0x1b: {  	s8 =	simm.s32 @p2 $0x400;
	[sflag:s10] =	ssyncadd.s32 @p2 $0xFFFFEC00;
	s10 =	simm.s32 @p2 $0x800  }
0x1c: {  	[tilespmem:s2], [sflag:$0x2] =	stream.strided.gather @p2 [hbm4b:s31+s8], $0x1400, s10, s8, $0x38;
	[tilespmem:$0x1E800] =	vst v63  }
0x1d: {  	p1 =	seq.s32 s0, $0x1;
	_ =	swait.ge @!p2 [sflag:s7], $0x1400  }
0x1e: {  	s0 =	simm.s32 @p1 $0x2;
	s2 =	simm.s32 @!p2 $0x800;
	[sflag:s7] =	ssyncset.done @!p2 $0x0  }
0x1f: {  	s8 =	simm.s32 @!p2 $0x8000;
	[sflag:s7] =	ssyncadd.s32 @!p2 $0xFFFFEC00;
	s7 =	simm.s32 @!p2 $0x400  }
0x20: {  	[tilespmem:s8], [sflag:$0x1] =	stream.strided.gather @!p2 [hbm4b:s31+s7], $0x1400, s2, s7, $0x38;
	[tilespmem:$0x1E800] =	vst v63  }
0x21: {  	_ =	swait.ge @p1 [sflag:s0], $0x1400  }
0x22: {  	s2 =	simm.s32 @!p1 $0x1;
	[sflag:s0] =	ssyncset.done @p1 $0x0  }
0x23: {  	s7 =	simm.s32 @p1 $0x9400;
	[sflag:s0] =	ssyncadd.s32 @p1 $0xFFFFEC00;
	s0 =	simm.s32 @p1 $0x28  }
0x24: {  	[spmem:s1] =	stream.indirect.scatter.add.f32 @p1 [tilespmem:s7], [sflag:$0x4], $0x80, s30, s0, $0xb8;
	[tilespmem:$0x1E800] =	vst v63  }
0x25: {  	_ =	swait.ge @!p1 [sflag:s2], $0x1400  }
0x26: {  	[sflag:s2] =	ssyncset.done @!p1 $0x0  }
0x27: {  	s0 =	simm.s32 @!p1 $0x8000;
	[sflag:s2] =	ssyncadd.s32 @!p1 $0xFFFFEC00;
	s2 =	simm.s32 @!p1 $0x28  }
0x28: {  	[spmem:s1] =	stream.indirect.scatter.add.f32 @!p1 [tilespmem:s0], [sflag:$0x3], $0x80, s30, s2, $0xb8;
	[tilespmem:$0x1E800] =	vst v63  }
0x29: {  	_ =	swait.ge [sflag:s23], $0x1400  }
0x2a: {  	[sflag:s23] =	ssyncset.done $0x0  }
0x2b: {  	s31 =	simm.s32 $0x7C80;
	[sflag:s23] =	ssyncadd.s32 $0xFFFFEC00  }
0x2c: {  	[spmem:s1] =	stream.indirect.scatter.add.f32 [tilespmem:s20], [sflag:$0x4], $0x80, s31, s22, $0xb8;
	[tilespmem:$0x1E800] =	vst v63  }
0x2d: {  	_ =	swait.ge [sflag:s26], $0x1400  }
0x2e: {  	[sflag:s26] =	ssyncset.done $0x0  }
0x2f: {  	[sflag:s26] =	ssyncadd.s32 $0xFFFFEC00  }
0x30: {  	_ =	swait.ge [sflag:s28], $0x1400  }
0x31: {  	[sflag:s28] =	ssyncset.done $0x0  }
0x32: {  	[sflag:s28] =	ssyncadd.s32 $0xFFFFEC00  }
0x33: {  	s0 =	smov.u32 s24;
	[bflag:$0x0] =	sbarrier.arrive $0xFFFF  }
.LBB2_8:
0x34: {  	s29 =	sadd.s32 $0x1, s29  }
0x35: {  	p1 =	sne.s32 s29, s9  }
.Ltmp1:
0x36: {  	_ = 	snop;
	(pc) =	sbr.rel @!p1 .LBB2_9-.Ltmp1, $4  }
0x37: {  	[hbm:s0], [sflag:s15] =	dma.local [spmem:s16], $0x2800  }
0x38: {  	_ =	swait.ge [sflag:s14], $0x2800  }
0x39: {  	[sflag:s14] =	ssyncset.done $0x0  }
0x3a: {  	[sflag:s14] =	ssyncadd.s32 $0xFFFFD800  }
.LBB2_1:
0x3b: {  	[tilespmem:s3], [sflag:$0x5] =	stream.linear.gather [hbm4b:s4+s3], $0x7D00, $0x38;
	[tilespmem:$0x1E800] =	vst v63  }
0x3c: {  	_ =	swait.ge [sflag:s14], $0x7D00  }
0x3d: {  	[sflag:s14] =	ssyncset.done $0x0  }
0x3e: {  	[sflag:s14] =	ssyncadd.s32 $0xFFFF8300  }
0x3f: {  	[spmem:s16], [sflag:s15] =	dma.local [hbm:s5], $0x2800  }
.Ltmp2:
0x40: {  	_ =	swait.ge [sflag:s14], $0x2800;
	(pc) =	sbr.rel @!p0 .LBB2_2-.Ltmp2, $3  }
0x41: {  	[sflag:s14] =	ssyncset.done $0x0  }
0x42: {  	[sflag:s14] =	ssyncadd.s32 $0xFFFFD800  }
0x43: {  	[bflag:$0x0] =	sbarrier.arrive $0xFFFF;
	_ =	sdelay $0x1  }
0x44: {  	s0 =	rddreg [dreg:$0x5]  }
0x45: {  	[tilespmem:s19], [sflag:$0x1] =	stream.strided.gather [hbm4b:s0+s17], $0x1400, s18, s17, $0x38;
	[tilespmem:$0x1E800] =	vst v63  }
0x46: {  	s10 =	rddreg [dreg:$0x7];
	s11 =	simm.s32 $0x2  }
0x47: {  	[tilespmem:s20], [sflag:$0x2] =	stream.strided.gather [hbm4b:s10+s17], $0x1400, s18, s17, $0x38;
	[tilespmem:$0x1E800] =	vst v63  }
0x48: {  	s0 =	sand.u32 $0x1, s11;
	_ =	swait.ge [sflag:s21], $0x1400  }
0x49: {  	p2 =	seq.s32 s0, $0x1;
	[sflag:s21] =	ssyncset.done $0x0  }
0x4a: {  	s0 =	simm.s32 @p2 $0x4;
	[sflag:s21] =	ssyncadd.s32 $0xFFFFEC00  }
0x4b: {  	[spmem:s1] =	stream.indirect.scatter.add.f32 [tilespmem:s19], [sflag:$0x3], $0x80, s3, s22, $0xb8;
	[tilespmem:$0x1E800] =	vst v63  }
0x4c: {  	_ =	swait.ge @p2 [sflag:s0], $0x1400  }
0x4d: {  	s2 =	simm.s32 @p2 $0x9400;
	s7 =	simm.s32 @!p2 $0x3;
	[sflag:s0] =	ssyncset.done @p2 $0x0  }
0x4e: {  	s8 =	simm.s32 @p2 $0x800;
	[sflag:s0] =	ssyncadd.s32 @p2 $0xFFFFEC00;
	s0 =	simm.s32 @p2 $0x400  }
0x4f: {  	[tilespmem:s2], [sflag:$0x2] =	stream.strided.gather @p2 [hbm4b:s13+s0], $0x1400, s8, s0, $0x38;
	[tilespmem:$0x1E800] =	vst v63  }
0x50: {  	s25 =	simm.s32 $0x1;
	s2 =	simm.s32 @!p2 $0x800;
	_ =	swait.ge @!p2 [sflag:s7], $0x1400  }
0x51: {  	s8 =	simm.s32 @!p2 $0x8000;
	s0 =	sand.u32 $0x1, s25;
	[sflag:s7] =	ssyncset.done @!p2 $0x0  }
0x52: {  	p1 =	seq.s32 s0, $0x1;
	[sflag:s7] =	ssyncadd.s32 @!p2 $0xFFFFEC00;
	s7 =	simm.s32 @!p2 $0x400  }
0x53: {  	[tilespmem:s8], [sflag:$0x1] =	stream.strided.gather @!p2 [hbm4b:s13+s7], $0x1400, s2, s7, $0x38;
	[tilespmem:$0x1E800] =	vst v63  }
0x54: {  	s2 =	simm.s32 @p1 $0x2  }
0x55: {  	_ =	swait.ge @p1 [sflag:s2], $0x1400  }
0x56: {  	s31 =	sadd.s32 $0x500, s13;
	s8 =	simm.s32 $0x80;
	[sflag:s2] =	ssyncset.done @p1 $0x0  }
0x57: {  	s7 =	simm.s32 @p1 $0x9400;
	[sflag:s2] =	ssyncadd.s32 @p1 $0xFFFFEC00;
	s2 =	simm.s32 @p1 $0x28  }
0x58: {  	[spmem:s1] =	stream.indirect.scatter.add.f32 @p1 [tilespmem:s7], [sflag:$0x4], $0x80, s8, s2, $0xb8;
	[tilespmem:$0x1E800] =	vst v63  }
0x59: {  	s30 =	simm.s32 $0x100;
	s0 =	simm.s32 $0x3;
	s7 =	simm.s32 @!p1 $0x1  }
0x5a: {  	s10 =	sand.u32 $0x1, s0;
	s2 =	simm.s32 $0x4;
	_ =	swait.ge @!p1 [sflag:s7], $0x1400  }
.LBB2_6:
0x5b: {  	p2 =	seq.s32 s10, $0x1;
	[sflag:s7] =	ssyncset.done @!p1 $0x0;
	s10 =	simm.s32 @!p1 $0x8000  }
0x5c: {  	s11 =	simm.s32 @p2 $0x4;
	[sflag:s7] =	ssyncadd.s32 @!p1 $0xFFFFEC00;
	s7 =	simm.s32 @!p1 $0x28  }
0x5d: {  	[spmem:s1] =	stream.indirect.scatter.add.f32 @!p1 [tilespmem:s10], [sflag:$0x3], $0x80, s8, s7, $0xb8;
	[tilespmem:$0x1E800] =	vst v63  }
0x5e: {  	s7 =	smov.u32 s2;
	s2 =	sadd.s32 $0x1, s2;
	_ =	swait.ge @p2 [sflag:s11], $0x1400  }
0x5f: {  	s8 =	simm.s32 @p2 $0x9400;
	s10 =	simm.s32 @!p2 $0x3;
	[sflag:s11] =	ssyncset.done @p2 $0x0  }
0x60: {  	s25 =	simm.s32 @p2 $0x800;
	[sflag:s11] =	ssyncadd.s32 @p2 $0xFFFFEC00;
	s11 =	simm.s32 @p2 $0x400  }
0x61: {  	[tilespmem:s8], [sflag:$0x2] =	stream.strided.gather @p2 [hbm4b:s31+s11], $0x1400, s25, s11, $0x38;
	[tilespmem:$0x1E800] =	vst v63  }
0x62: {  	s0 =	sadd.s32 $0xFFFFFFFF, s0;
	s8 =	simm.s32 @!p2 $0x800;
	_ =	swait.ge @!p2 [sflag:s10], $0x1400  }
0x63: {  	s0 =	sand.u32 $0x1, s0;
	s11 =	simm.s32 @!p2 $0x8000;
	[sflag:s10] =	ssyncset.done @!p2 $0x0  }
0x64: {  	p1 =	seq.s32 s0, $0x1;
	[sflag:s10] =	ssyncadd.s32 @!p2 $0xFFFFEC00;
	s10 =	simm.s32 @!p2 $0x400  }
0x65: {  	[tilespmem:s11], [sflag:$0x1] =	stream.strided.gather @!p2 [hbm4b:s31+s10], $0x1400, s8, s10, $0x38;
	[tilespmem:$0x1E800] =	vst v63  }
0x66: {  	s0 =	smov.u32 s7;
	p2 =	sne.s32 s2, $0xFA;
	s10 =	simm.s32 @p1 $0x2  }
.Ltmp3:
0x67: {  	s8 =	smov.u32 s30;
	_ =	swait.ge @p1 [sflag:s10], $0x1400;
	(pc) =	sbr.rel @p2 .LBB2_6-.Ltmp3, $4  }
0x68: {  	s7 =	simm.s32 @!p1 $0x1;
	s31 =	sadd.s32 $0x500, s31;
	[sflag:s10] =	ssyncset.done @p1 $0x0  }
0x69: {  	s11 =	simm.s32 @p1 $0x9400;
	[sflag:s10] =	ssyncadd.s32 @p1 $0xFFFFEC00;
	s10 =	simm.s32 @p1 $0x28  }
0x6a: {  	[spmem:s1] =	stream.indirect.scatter.add.f32 @p1 [tilespmem:s11], [sflag:$0x4], $0x80, s30, s10, $0xb8;
	[tilespmem:$0x1E800] =	vst v63  }
0x6b: {  	s10 =	sand.u32 $0x1, s0;
	s30 =	sadd.s32 $0x80, s30;
	_ =	swait.ge @!p1 [sflag:s7], $0x1400  }
.Ltmp4:
0x6c: {  	_ = 	snop;
	(pc) =	sbr.rel .LBB2_7-.Ltmp4, $1  }
0x6d: {  	_ =	sdelay $0x3  }
.LBB2_2:
0x6e: {  	[tilespmem:s19], [sflag:$0x1] =	stream.strided.gather [hbm4b:s6+s17], $0x1400, s18, s17, $0x38;
	[tilespmem:$0x1E800] =	vst v63  }
0x6f: {  	s0 =	rddreg [dreg:$0x6];
	s11 =	simm.s32 $0x2  }
0x70: {  	[tilespmem:s20], [sflag:$0x2] =	stream.strided.gather [hbm4b:s0+s17], $0x1400, s18, s17, $0x38;
	[tilespmem:$0x1E800] =	vst v63  }
0x71: {  	s0 =	sand.u32 $0x1, s11;
	_ =	swait.ge [sflag:s21], $0x1400  }
0x72: {  	p2 =	seq.s32 s0, $0x1;
	[sflag:s21] =	ssyncset.done $0x0  }
0x73: {  	s0 =	simm.s32 @p2 $0x4;
	[sflag:s21] =	ssyncadd.s32 $0xFFFFEC00  }
0x74: {  	[spmem:s1] =	stream.indirect.scatter.add.f32 [tilespmem:s19], [sflag:$0x3], $0x80, s3, s22, $0xb8;
	[tilespmem:$0x1E800] =	vst v63  }
0x75: {  	_ =	swait.ge @p2 [sflag:s0], $0x1400  }
0x76: {  	s2 =	simm.s32 @p2 $0x9400;
	s7 =	simm.s32 @!p2 $0x3;
	[sflag:s0] =	ssyncset.done @p2 $0x0  }
0x77: {  	s8 =	simm.s32 @p2 $0x800;
	[sflag:s0] =	ssyncadd.s32 @p2 $0xFFFFEC00;
	s0 =	simm.s32 @p2 $0x400  }
0x78: {  	[tilespmem:s2], [sflag:$0x2] =	stream.strided.gather @p2 [hbm4b:s12+s0], $0x1400, s8, s0, $0x38;
	[tilespmem:$0x1E800] =	vst v63  }
0x79: {  	s25 =	simm.s32 $0x1;
	s2 =	simm.s32 @!p2 $0x800;
	_ =	swait.ge @!p2 [sflag:s7], $0x1400  }
0x7a: {  	s8 =	simm.s32 @!p2 $0x8000;
	s0 =	sand.u32 $0x1, s25;
	[sflag:s7] =	ssyncset.done @!p2 $0x0  }
0x7b: {  	p1 =	seq.s32 s0, $0x1;
	[sflag:s7] =	ssyncadd.s32 @!p2 $0xFFFFEC00;
	s7 =	simm.s32 @!p2 $0x400  }
0x7c: {  	[tilespmem:s8], [sflag:$0x1] =	stream.strided.gather @!p2 [hbm4b:s12+s7], $0x1400, s2, s7, $0x38;
	[tilespmem:$0x1E800] =	vst v63  }
0x7d: {  	s2 =	simm.s32 @p1 $0x2  }
0x7e: {  	_ =	swait.ge @p1 [sflag:s2], $0x1400  }
0x7f: {  	s31 =	sadd.s32 $0x500, s12;
	s8 =	simm.s32 $0x80;
	[sflag:s2] =	ssyncset.done @p1 $0x0  }
0x80: {  	s7 =	simm.s32 @p1 $0x9400;
	[sflag:s2] =	ssyncadd.s32 @p1 $0xFFFFEC00;
	s2 =	simm.s32 @p1 $0x28  }
0x81: {  	[spmem:s1] =	stream.indirect.scatter.add.f32 @p1 [tilespmem:s7], [sflag:$0x4], $0x80, s8, s2, $0xb8;
	[tilespmem:$0x1E800] =	vst v63  }
0x82: {  	s30 =	simm.s32 $0x100;
	s0 =	simm.s32 $0x3;
	s7 =	simm.s32 @!p1 $0x1  }
0x83: {  	s10 =	sand.u32 $0x1, s0;
	s2 =	simm.s32 $0x4;
	_ =	swait.ge @!p1 [sflag:s7], $0x1400  }
.LBB2_3:
0x84: {  	p2 =	seq.s32 s10, $0x1;
	[sflag:s7] =	ssyncset.done @!p1 $0x0;
	s10 =	simm.s32 @!p1 $0x8000  }
0x85: {  	s11 =	simm.s32 @p2 $0x4;
	[sflag:s7] =	ssyncadd.s32 @!p1 $0xFFFFEC00;
	s7 =	simm.s32 @!p1 $0x28  }
0x86: {  	[spmem:s1] =	stream.indirect.scatter.add.f32 @!p1 [tilespmem:s10], [sflag:$0x3], $0x80, s8, s7, $0xb8;
	[tilespmem:$0x1E800] =	vst v63  }
0x87: {  	s7 =	smov.u32 s2;
	s2 =	sadd.s32 $0x1, s2;
	_ =	swait.ge @p2 [sflag:s11], $0x1400  }
0x88: {  	s8 =	simm.s32 @p2 $0x9400;
	s10 =	simm.s32 @!p2 $0x3;
	[sflag:s11] =	ssyncset.done @p2 $0x0  }
0x89: {  	s25 =	simm.s32 @p2 $0x800;
	[sflag:s11] =	ssyncadd.s32 @p2 $0xFFFFEC00;
	s11 =	simm.s32 @p2 $0x400  }
0x8a: {  	[tilespmem:s8], [sflag:$0x2] =	stream.strided.gather @p2 [hbm4b:s31+s11], $0x1400, s25, s11, $0x38;
	[tilespmem:$0x1E800] =	vst v63  }
0x8b: {  	s0 =	sadd.s32 $0xFFFFFFFF, s0;
	s8 =	simm.s32 @!p2 $0x800;
	_ =	swait.ge @!p2 [sflag:s10], $0x1400  }
0x8c: {  	s0 =	sand.u32 $0x1, s0;
	s11 =	simm.s32 @!p2 $0x8000;
	[sflag:s10] =	ssyncset.done @!p2 $0x0  }
0x8d: {  	p1 =	seq.s32 s0, $0x1;
	[sflag:s10] =	ssyncadd.s32 @!p2 $0xFFFFEC00;
	s10 =	simm.s32 @!p2 $0x400  }
0x8e: {  	[tilespmem:s11], [sflag:$0x1] =	stream.strided.gather @!p2 [hbm4b:s31+s10], $0x1400, s8, s10, $0x38;
	[tilespmem:$0x1E800] =	vst v63  }
0x8f: {  	s0 =	smov.u32 s7;
	p2 =	sne.s32 s2, $0xFA;
	s10 =	simm.s32 @p1 $0x2  }
.Ltmp5:
0x90: {  	s8 =	smov.u32 s30;
	_ =	swait.ge @p1 [sflag:s10], $0x1400;
	(pc) =	sbr.rel @p2 .LBB2_3-.Ltmp5, $4  }
0x91: {  	s7 =	simm.s32 @!p1 $0x1;
	s31 =	sadd.s32 $0x500, s31;
	[sflag:s10] =	ssyncset.done @p1 $0x0  }
0x92: {  	s11 =	simm.s32 @p1 $0x9400;
	[sflag:s10] =	ssyncadd.s32 @p1 $0xFFFFEC00;
	s10 =	simm.s32 @p1 $0x28  }
0x93: {  	[spmem:s1] =	stream.indirect.scatter.add.f32 @p1 [tilespmem:s11], [sflag:$0x4], $0x80, s30, s10, $0xb8;
	[tilespmem:$0x1E800] =	vst v63  }
0x94: {  	s10 =	sand.u32 $0x1, s0;
	s30 =	sadd.s32 $0x80, s30;
	_ =	swait.ge @!p1 [sflag:s7], $0x1400  }
0x95: {  	p2 =	seq.s32 s10, $0x1  }
0x96: {  	[sflag:s7] =	ssyncset.done @!p1 $0x0;
	s2 =	simm.s32 @!p1 $0x8000;
	s0 =	sadd.s32 $0xFFFFFFFF, s0  }
0x97: {  	s10 =	simm.s32 @p2 $0x4;
	[sflag:s7] =	ssyncadd.s32 @!p1 $0xFFFFEC00;
	s7 =	simm.s32 @!p1 $0x28  }
0x98: {  	[spmem:s1] =	stream.indirect.scatter.add.f32 @!p1 [tilespmem:s2], [sflag:$0x3], $0x80, s8, s7, $0xb8;
	[tilespmem:$0x1E800] =	vst v63  }
0x99: {  	s0 =	sand.u32 $0x1, s0;
	_ =	swait.ge @p2 [sflag:s10], $0x1400  }
0x9a: {  	s2 =	simm.s32 @p2 $0x9400;
	s7 =	simm.s32 @!p2 $0x3;
	[sflag:s10] =	ssyncset.done @p2 $0x0  }
0x9b: {  	s8 =	simm.s32 @p2 $0x400;
	[sflag:s10] =	ssyncadd.s32 @p2 $0xFFFFEC00;
	s10 =	simm.s32 @p2 $0x800  }
0x9c: {  	[tilespmem:s2], [sflag:$0x2] =	stream.strided.gather @p2 [hbm4b:s31+s8], $0x1400, s10, s8, $0x38;
	[tilespmem:$0x1E800] =	vst v63  }
0x9d: {  	p1 =	seq.s32 s0, $0x1;
	_ =	swait.ge @!p2 [sflag:s7], $0x1400  }
0x9e: {  	s0 =	simm.s32 @p1 $0x2;
	s2 =	simm.s32 @!p2 $0x800;
	[sflag:s7] =	ssyncset.done @!p2 $0x0  }
0x9f: {  	s8 =	simm.s32 @!p2 $0x8000;
	[sflag:s7] =	ssyncadd.s32 @!p2 $0xFFFFEC00;
	s7 =	simm.s32 @!p2 $0x400  }
0xa0: {  	[tilespmem:s8], [sflag:$0x1] =	stream.strided.gather @!p2 [hbm4b:s31+s7], $0x1400, s2, s7, $0x38;
	[tilespmem:$0x1E800] =	vst v63  }
0xa1: {  	_ =	swait.ge @p1 [sflag:s0], $0x1400  }
0xa2: {  	s2 =	simm.s32 @!p1 $0x1;
	[sflag:s0] =	ssyncset.done @p1 $0x0  }
0xa3: {  	s7 =	simm.s32 @p1 $0x9400;
	[sflag:s0] =	ssyncadd.s32 @p1 $0xFFFFEC00;
	s0 =	simm.s32 @p1 $0x28  }
0xa4: {  	[spmem:s1] =	stream.indirect.scatter.add.f32 @p1 [tilespmem:s7], [sflag:$0x4], $0x80, s30, s0, $0xb8;
	[tilespmem:$0x1E800] =	vst v63  }
0xa5: {  	_ =	swait.ge @!p1 [sflag:s2], $0x1400  }
0xa6: {  	[sflag:s2] =	ssyncset.done @!p1 $0x0  }
0xa7: {  	s0 =	simm.s32 @!p1 $0x8000;
	[sflag:s2] =	ssyncadd.s32 @!p1 $0xFFFFEC00;
	s2 =	simm.s32 @!p1 $0x28  }
0xa8: {  	[spmem:s1] =	stream.indirect.scatter.add.f32 @!p1 [tilespmem:s0], [sflag:$0x3], $0x80, s30, s2, $0xb8;
	[tilespmem:$0x1E800] =	vst v63  }
0xa9: {  	_ =	swait.ge [sflag:s23], $0x1400  }
0xaa: {  	[sflag:s23] =	ssyncset.done $0x0  }
0xab: {  	s31 =	simm.s32 $0x7C80;
	[sflag:s23] =	ssyncadd.s32 $0xFFFFEC00  }
0xac: {  	[spmem:s1] =	stream.indirect.scatter.add.f32 [tilespmem:s20], [sflag:$0x4], $0x80, s31, s22, $0xb8;
	[tilespmem:$0x1E800] =	vst v63  }
0xad: {  	_ =	swait.ge [sflag:s26], $0x1400  }
0xae: {  	[sflag:s26] =	ssyncset.done $0x0  }
0xaf: {  	[sflag:s26] =	ssyncadd.s32 $0xFFFFEC00  }
.Ltmp6:
0xb0: {  	_ =	swait.ge [sflag:s28], $0x1400;
	(pc) =	sbr.rel .LBB2_8-.Ltmp6, $4  }
0xb1: {  	[sflag:s28] =	ssyncset.done $0x0  }
0xb2: {  	[sflag:s28] =	ssyncadd.s32 $0xFFFFEC00  }
0xb3: {  	[bflag:$0x0] =	sbarrier.arrive $0xFFFF  }
0xb4: {  	s0 =	rddreg [dreg:$0x4]  }
.LBB2_9:
0xb5: {  	_ =	sfence.sel $0x180000  }
0xb6: {  	[bflag:$0x0] =	sbarrier.arrive $0xFFFF  }
0xb7: {  	_ =	strace $0x9000004A  }
0xb8: {  	s0 =	stileid.u32;
	[bflag:$0x2] =	sbarrier.arrive $0xFFFF  }
0xb9: {  	p0 =	sne.s32 s0, $0x0;
	s0 =	rddreg [dreg:$0x3]  }
0xba: {  	s0 =	sadd.s32 @!p0 $0x100000, s0  }
0xbb: {  	[sflag:s0] =	ssyncadd.tile.s32 @!p0 $0x1;
	_ =	shalt  }
.Lfunc_end2:
_tile_overlayer_lowered:
.L_overlay_start_2:
0xbc: {  	(tag) =	ssettag $0x2  }
0xbd: {  	s0 =	rddreg [dreg:$0x0];
	s2 =	stileid.u32  }
0xbe: {  	s1 =	rddreg [dreg:$0x1];
	p0 =	sne.s32 s2, $0x0  }
0xbf: {  	s3 =	rddreg [dreg:$0x2];
	[bflag:$0x3] =	sbarrier.arrive $0xFFFF;
	s2 =	simm.s32 @!p0 $0x1C05  }
0xc0: {  	[timem:s3], [sflag:s2] =	dma.local @!p0 [hbm:s0], s1  }
0xc1: {  	s0 =	simm.s32 @!p0 $0x5  }
0xc2: {  	_ =	swait.ge @!p0 [sflag:s0], s1  }
0xc3: {  	s1 =	ssub.s32 @!p0 $0x0, s1;
	[sflag:s0] =	ssyncset.done @!p0 $0x0  }
0xc4: {  	[sflag:s0] =	ssyncadd.s32 @!p0 s1  }
0xc5: {  	[bflag:$0x3] =	sbarrier.arrive $0xFFFF  }
0xc6: {  	_ =	shalt  }

// kernel: kernel.18.cloned.1.call-start
scs
__scs_entry_jumppad:
0x0: {  	(pc) =	sbr.rel $0x88, $3  }
0x1: {  	(tag) =	ssettag $0x0;
	lr =	simm.s32 $0x1  }
0x2: {  	[smem:$0x3F91] =	sst lr;
	_ =	strace $0xD0000000  }
0x3: {  	_ = 	snop  }
0x4: {  	_ = 	snop  }
0x5: {  	_ = 	snop  }
0x6: {  	_ = 	snop  }
0x7: {  	_ = 	snop  }
__scs_overlays_trampoline_lowered:
0x8: {  	[smem:$0x3FA0] =	sst s0  }
0x9: {  	[smem:$0x3FA1] =	sst s1  }
0xa: {  	[smem:$0x3FA2] =	sst s2  }
0xb: {  	[smem:$0x3FA3] =	sst s3  }
0xc: {  	[smem:$0x3FA4] =	sst s4  }
0xd: {  	[smem:$0x3FA5] =	sst s5  }
0xe: {  	[smem:$0x3FA6] =	sst s6  }
0xf: {  	[smem:$0x3FA7] =	sst s7  }
0x10: {  	[smem:$0x3FA8] =	sst s8  }
0x11: {  	[smem:$0x3FA9] =	sst s9;
	s0 =	simm.s32 @!p0 $0x0  }
0x12: {  	s1 =	sld [smem:$0x3F8F];
	s0 =	simm.s32 @p0 $0x1  }
0x13: {  	[smem:$0x3FAA] =	sst s0;
	s0 =	simm.s32 @!p1 $0x0  }
0x14: {  	s2 =	sld [smem:$0x3F8E];
	s0 =	simm.s32 @p1 $0x1  }
0x15: {  	[smem:$0x3FAB] =	sst s0;
	s0 =	simm.s32 @!p2 $0x0  }
0x16: {  	s3 =	sld [smem:$0x3FDB];
	s0 =	simm.s32 @p2 $0x1  }
0x17: {  	s4 =	simm.s32 $0x1BF5;
	[smem:$0x3FAD] =	sst s0  }
0x18: {  	s0 =	sld [smem:$0x3F90];
	_ =	swait.ge [sflag:s4], $0x0  }
0x19: {  	s7 =	sld [smem:$0x3F91]  }
0x1a: {  	s8 =	sadd.s32 $0xFFFFE003, lr  }
0x1b: {  	s9 =	sadd.s32 $0xFFFFFEF7, lr;
	s5 =	simm.s32 $0xFFFFFFFF;
	p2 =	slt.u32 s8, $0xFFFFF086  }
0x1c: {  	p1 =	slt.u32 s9, $0xF7A;
	s5 =	simm.s32 @!p2 $0x0  }
0x1d: {  	s5 =	simm.s32 @p1 $0x1;
	p0 =	seq.s32 s7, s2  }
0x1e: {  	s7 =	smul.u32 @!p0 $0xF7A, s2;
	p2 =	seq.s32 @!p0 s5, $0x0  }
0x1f: {  	s9 =	smul.u32 $0xF7A, s1;
	s8 =	simm.s32 @!p0 $0x1BF5;
	p2 =	por !p2, p0  }
0x20: {  	[sflag:s8] =	ssyncset.s32 @!p0 $0xFFFFF086;
	s6 =	sadd.s32 @!p0 s3, s7;
	s7 =	simm.s32 @!p0 $0x108  }
0x21: {  	s3 =	sadd.s32 s3, s9;
	s6 =	sadd.s32 @!p0 $0x88, s6;
	s7 =	simm.s32 @p2 $0x1082  }
0x22: {  	[simem:s7], [sflag:s8] =	dma.local @!p0 [hbm:s6], $0xF7A  }
0x23: {  	s9 =	sor.u32 $0xD0000000, s2;
	s6 =	simm.s32 $0x108;
	_ =	swait.ge @!p0 [sflag:s8], $0x0  }
0x24: {  	s3 =	sadd.s32 $0x88, s3;
	s6 =	simm.s32 @!p1 $0x1082;
	[sflag:s4] =	ssyncset.s32 $0xFFFFF086  }
0x25: {  	[simem:s6], [sflag:s4] =	dma.local [hbm:s3], $0xF7A  }
0x26: {  	[smem:$0x3F91] =	sst s1;
	(tag) =	ssettag s2;
	_ =	strace s9  }
0x27: {  	s1 =	sld [smem:$0x3FA1]  }
0x28: {  	s2 =	sld [smem:$0x3FA2]  }
0x29: {  	s4 =	sld [smem:$0x3FA4]  }
0x2a: {  	p0 =	seq.s32 s5, $0x0;
	s5 =	sld [smem:$0x3FA5]  }
0x2b: {  	s6 =	sld [smem:$0x3FA6]  }
0x2c: {  	s7 =	sld [smem:$0x3FA7]  }
0x2d: {  	s3 =	simm.s32 $0x108;
	s8 =	sld [smem:$0x3FA8]  }
0x2e: {  	s3 =	simm.s32 @!p0 $0x1082;
	s9 =	sld [smem:$0x3FA9]  }
0x2f: {  	lr =	sadd.s32 s0, s3;
	s0 =	sld [smem:$0x3FA0]  }
0x30: {  	s3 =	sld [smem:$0x3FA3]  }
0x31: {  	[smem:$0x3FAC] =	sst s10  }
0x32: {  	s10 =	sld [smem:$0x3FAA];
	_ =	sdelay $0x3  }
0x33: {  	p0 =	seq.s32 s10, $0x1;
	s10 =	sld [smem:$0x3FAC];
	_ =	sdelay $0x3  }
0x34: {  	[smem:$0x3FAC] =	sst s10  }
0x35: {  	s10 =	sld [smem:$0x3FAB];
	_ =	sdelay $0x3  }
0x36: {  	p1 =	seq.s32 s10, $0x1;
	s10 =	sld [smem:$0x3FAC];
	_ =	sdelay $0x3  }
0x37: {  	[smem:$0x3FAC] =	sst s10  }
0x38: {  	s10 =	sld [smem:$0x3FAD]  }
0x39: {  	_ = 	snop;
	(pc) =	sbr.ind lr, $3  }
0x3a: {  	_ = 	snop  }
0x3b: {  	_ = 	snop  }
0x3c: {  	p2 =	seq.s32 s10, $0x1;
	s10 =	sld [smem:$0x3FAC]  }
0x3d: {  	_ =	shalt  }
0x3e: {  	_ =	shalt  }
0x3f: {  	_ =	shalt  }
0x40: {  	_ =	shalt  }
0x41: {  	_ =	shalt  }
0x42: {  	_ =	shalt  }
0x43: {  	_ =	shalt  }
0x44: {  	_ =	shalt  }
0x45: {  	_ =	shalt  }
0x46: {  	_ =	shalt  }
0x47: {  	_ =	shalt  }
0x48: {  	_ =	shalt  }
0x49: {  	_ =	shalt  }
0x4a: {  	_ =	shalt  }
0x4b: {  	_ =	shalt  }
0x4c: {  	_ =	shalt  }
0x4d: {  	_ =	shalt  }
0x4e: {  	_ =	shalt  }
0x4f: {  	_ =	shalt  }
0x50: {  	_ =	shalt  }
0x51: {  	_ =	shalt  }
0x52: {  	_ =	shalt  }
0x53: {  	_ =	shalt  }
0x54: {  	_ =	shalt  }
0x55: {  	_ =	shalt  }
0x56: {  	_ =	shalt  }
0x57: {  	_ =	shalt  }
0x58: {  	_ =	shalt  }
0x59: {  	_ =	shalt  }
0x5a: {  	_ =	shalt  }
0x5b: {  	_ =	shalt  }
0x5c: {  	_ =	shalt  }
0x5d: {  	_ =	shalt  }
0x5e: {  	_ =	shalt  }
0x5f: {  	_ =	shalt  }
0x60: {  	_ =	shalt  }
0x61: {  	_ =	shalt  }
0x62: {  	_ =	shalt  }
0x63: {  	_ =	shalt  }
0x64: {  	_ =	shalt  }
0x65: {  	_ =	shalt  }
0x66: {  	_ =	shalt  }
0x67: {  	_ =	shalt  }
0x68: {  	_ =	shalt  }
0x69: {  	_ =	shalt  }
0x6a: {  	_ =	shalt  }
0x6b: {  	_ =	shalt  }
0x6c: {  	_ =	shalt  }
0x6d: {  	_ =	shalt  }
0x6e: {  	_ =	shalt  }
0x6f: {  	_ =	shalt  }
0x70: {  	_ =	shalt  }
0x71: {  	_ =	shalt  }
0x72: {  	_ =	shalt  }
0x73: {  	_ =	shalt  }
0x74: {  	_ =	shalt  }
0x75: {  	_ =	shalt  }
0x76: {  	_ =	shalt  }
0x77: {  	_ =	shalt  }
0x78: {  	_ =	shalt  }
0x79: {  	_ =	shalt  }
0x7a: {  	_ =	shalt  }
0x7b: {  	_ =	shalt  }
0x7c: {  	_ =	shalt  }
0x7d: {  	_ =	shalt  }
0x7e: {  	_ =	shalt  }
0x7f: {  	_ =	shalt  }
0x80: {  	_ =	shalt  }
0x81: {  	_ =	shalt  }
0x82: {  	_ =	shalt  }
0x83: {  	_ =	shalt  }
0x84: {  	_ =	shalt  }
0x85: {  	_ =	shalt  }
0x86: {  	_ =	shalt  }
0x87: {  	_ =	shalt  }
.Lfunc_end0:
.L_simem_size_0:
called_computation.2_lowered:
.L_overlay_start_0:
0x88: {  	s2 =	sld [smem:$0x3FD9]  }
0x89: {  	s3 =	sld [smem:$0x3FFE];
	_ =	sdelay $0x1  }
0x8a: {  	s1 =	srdreg.scid  }
0x8b: {  	s0 =	sand.u32 $0x1, s1  }
0x8c: {  	s14 =	sshll.u32 s0, $0xA;
	s2 =	sadd.s32 s3, s2  }
0x8d: {  	s2 =	sadd.s32 s2, s14  }
0x8e: {  	[smem:$0x3FB8] =	sst s2  }
0x8f: {  	_ = 	snop  }
0x90: {  	s2 =	sld [smem:$0x3FD0];
	_ =	sdelay $0x2  }
0x91: {  	s15 =	simm.s32 $0xA;
	s4 =	simm.s32 $0x10  }
0x92: {  	[smem:s4], [sflag:s15] =	dma.local [hbm:s2], $0x1  }
0x93: {  	_ =	swait.eq [sflag:s15], $0x1  }
0x94: {  	[sflag:s15] =	ssyncset.done $0x0  }
0x95: {  	[sflag:s15] =	ssyncadd.s32 $0xFFFFFFFF  }
0x96: {  	s16 =	sld [smem:$0x11];
	(tm) =	ssettm $0x1  }
0x97: {  	s17 =	sld [smem:$0x3FFB];
	_ =	sdelay $0x3  }
0x98: {  	_ =	strace s17  }
0x99: {  	s3 =	sld [smem:$0x3FFC];
	_ =	sdelay $0x3  }
0x9a: {  	_ =	strace s3  }
0x9b: {  	s3 =	sld [smem:$0x3FFD];
	_ =	sdelay $0x3  }
0x9c: {  	_ =	strace s3  }
0x9d: {  	_ =	strace $0x8FFFFFFF  }
0x9e: {  	s18 =	sld [smem:$0x3FDB];
	_ =	sdelay $0x1  }
0x9f: {  	s19 =	simm.s32 $_scs_section_size  }
0xa0: {  	s5 =	simm.s32 $_size__tile_overlayer_lowered;
	s6 =	simm.s32 $_tile_overlayer_lowered  }
0xa1: {  	s22 =	simm.s32 $0x1BFF;
	s21 =	sshll.u32 s6, $0x1;
	s3 =	sadd.s32 s19, s18  }
0xa2: {  	s7 =	simm.s32 $0x0;
	s20 =	sshll.u32 s5, $0x1;
	s5 =	sadd.s32 s21, s3  }
0xa3: {  	[timem:s7], [sflag:s22] =	dma.local [hbm:s5], s20  }
0xa4: {  	_ =	swait.ge [sflag:s22], s20  }
0xa5: {  	s4 =	ssub.s32 $0x0, s20;
	[sflag:s22] =	ssyncset.done $0x0  }
0xa6: {  	[sflag:s22] =	ssyncadd.s32 s4;
	_ =	sdelay $0x1  }
0xa7: {  	s23 =	simm.s32 $0x1B8B  }
0xa8: {  	_ =	swait.ge [sflag:s23], $0x1  }
0xa9: {  	[sflag:s23] =	ssyncset.done $0x0  }
0xaa: {  	s25 =	simm.s32 $0x1B8E;
	s24 =	sld [smem:$0x3FFE];
	[sflag:s23] =	ssyncadd.s32 $0xFFFFFFFF  }
0xab: {  	s26 =	simm.s32 $execute0_lowered;
	[smem:$0x3FD2] =	sst s25  }
0xac: {  	s5 =	sshll.u32 s26, $0x1;
	_ =	strace $0x8000004C;
	[dreg:$0x1] =	wrdreg $0xFFFFFFFF  }
0xad: {  	s28 =	simm.s32 $_size_execute0_lowered;
	s3 =	sadd.s32 s3, s5;
	[dreg:$0x0] =	wrdreg $0x0  }
0xae: {  	s5 =	sshll.u32 s28, $0x1;
	[dreg:$0x2] =	wrdreg s3  }
0xaf: {  	[dreg:$0x3] =	wrdreg s5  }
0xb0: {  	[dreg:$0x4] =	wrdreg $0xC0  }
0xb1: {  	_ =	task [dreg:s7], $0x5FFFF  }
0xb2: {  	[dreg:$0x1] =	wrdreg $0xFFFFFFFF  }
0xb3: {  	[dreg:$0x0] =	wrdreg $0x60  }
0xb4: {  	[dreg:$0x2] =	wrdreg s16  }
0xb5: {  	[dreg:$0x3] =	wrdreg s24  }
0xb6: {  	[dreg:$0x4] =	wrdreg $0x9  }
0xb7: {  	_ =	task.clear_ibuf [dreg:s7], $0x5FFFF;
	_ =	strace $0x9000004C  }
0xb8: {  	s29 =	simm.s32 $0x9;
	_ =	strace $0x8000004E  }
0xb9: {  	_ =	swait.ge [sflag:s29], $0x1  }
0xba: {  	[sflag:s29] =	ssyncadd.s32 $0xFFFFFFFF  }
0xbb: {  	_ =	strace $0x9000004E  }
0xbc: {  	_ =	sfence  }
0xbd: {  	s30 =	sld [smem:$0x0];
	_ =	sdelay $0x2  }
0xbe: {  	s31 =	sshll.u32 s1, $0xD;
	s1 =	sshrl.u32 s1, $0x2  }
0xbf: {  	s3 =	sand.u32 $0x4000, s31;
	s1 =	sadd.s32 s1, s30  }
0xc0: {  	s0 =	sor.u32 s3, s0;
	s1 =	sshll.u32 s1, $0x11  }
0xc1: {  	s0 =	sor.u32 s1, s0  }
0xc2: {  	s0 =	sadd.s32 $0x8F2B, s0  }
0xc3: {  	[sflag:s0] =	ssyncadd.remote.s32 $0x1  }
0xc4: {  	_ =	sfence.sel $0xFFFF  }
0xc5: {  	[dreg:$0x0] =	wrdreg $0xFFFFFFFF;
	(pc) =	sbr.abs _section_cstart, $3  }
0xc6: {  	[dreg:$0x1] =	wrdreg $0xFFFFFFFF  }
0xc7: {  	_ =	task.clear_ibuf [dreg:s7], $0x2FFFF;
	_ =	strace $0x9FFFFFFF  }
0xc8: {  	(tm) =	ssettm $0x7FFFFFFF  }
0xc9: {  	_ =	shalt  }
tec
execute0_lowered:
.L_overlay_start_1:
0x0: {  	(tag) =	ssettag $0x1  }
0x1: {  	s1 =	rddreg [dreg:$0x0]  }
0x2: {  	s0 =	rddreg [dreg:$0x1];
	s2 =	simm.s32 $0x0;
	s3 =	srdreg.scid  }
0x3: {  	s6 =	stileid.u32;
	s12 =	simm.s32 $0x8000;
	s13 =	simm.s32 $0x8800  }
0x4: {  	s14 =	simm.s32 $0x9000;
	s15 =	simm.s32 $0x9800;
	s16 =	simm.s32 $0xA000  }
0x5: {  	s17 =	simm.s32 $0xD000;
	s18 =	simm.s32 $0xD800;
	s19 =	simm.s32 $0xE000  }
0x6: {  	s20 =	simm.s32 $0xE800;
	s21 =	simm.s32 $0xF000;
	s22 =	simm.s32 $0x1  }
0x7: {  	s23 =	simm.s32 $0x3;
	s29 =	simm.s32 $0xA800;
	s11 =	simm.s32 $0xF800  }
0x8: {  	s9 =	simm.s32 $0x2;
	[smem:$0x7FF] =	sst s2;
	s4 =	sadd.s32 $0x5DA00, s0  }
0x9: {  	s3 =	sand.u32 $0x1, s3;
	s5 =	sshll.u32 s6, $0xC;
	s6 =	smul.u32 $0x4E200, s6  }
0xa: {  	_ =	strace $0x8000004D;
	s7 =	sshll.u32 s3, $0xB;
	s8 =	ssub.s32 $0x2, s3  }
0xb: {  	s3 =	smul.u32 $0x27100, s3;
	s5 =	sor.u32 s7, s5;
	s6 =	sadd.s32 s6, s0  }
0xc: {  	s24 =	sshrl.u32 s8, $0x1;
	s7 =	simm.s32 $0x11800;
	s0 =	sadd.s32 s5, s0  }
0xd: {  	s25 =	ssub.s32 s8, s24;
	s3 =	sadd.s32 s3, s6;
	s26 =	sadd.s32 $0x19200, s0  }
.Ltmp0:
0xe: {  	s0 =	sadd.s32 $0x9200, s0;
	[dreg:$0x3] =	wrdreg s26;
	(pc) =	sbr.rel .LBB2_1-.Ltmp0, $4  }
0xf: {  	s5 =	simm.s32 $0x10000;
	s28 =	sadd.s32 $0xA53C00, s3;
	[dreg:$0x4] =	wrdreg s0  }
0x10: {  	v2 =	vlaneseq.u32;
	s6 =	simm.s32 $0x10800;
	s30 =	smax.u32 s25, $0x1;
	[dreg:$0x5] =	wrdreg s28  }
0x11: {  	vm0 =	vmmov $0xffff;
	v1 =	vshrl.u32 v2, $0x3;
	s8 =	simm.s32 $0x11000;
	s31 =	sadd.s32 $0xF35C00, s3;
	[dreg:$0x6] =	wrdreg s30  }
0x12: {  	v0 =	vand.u32 $0x7, v2;
	v2 =	vor.u32 $0x8, v2;
	v1 =	vmul.u32 $0x8, v1;
	s24 =	simm.s32 $0x4;
	s25 =	simm.s32 $0x0;
	[dreg:$0x7] =	wrdreg s31  }
.LBB2_10:
0x13: {  	s0 =	simm.s32 $0x5  }
0x14: {  	_ =	swait.ge [sflag:s0], $0x2800  }
0x15: {  	[sflag:s0] =	ssyncset.done $0x0  }
0x16: {  	s28 =	simm.s32 $0x7;
	[sflag:s0] =	ssyncadd.s32 $0xFFFFD800  }
0x17: {  	_ =	swait.ge [sflag:s28], $0x2800  }
0x18: {  	[sflag:s28] =	ssyncset.done $0x0  }
0x19: {  	s30 =	simm.s32 $0x6;
	[sflag:s28] =	ssyncadd.s32 $0xFFFFD800  }
0x1a: {  	_ =	swait.ge [sflag:s30], $0x2800  }
0x1b: {  	[sflag:s30] =	ssyncset.done $0x0  }
0x1c: {  	s3 =	simm.s32 $0x8;
	[sflag:s30] =	ssyncadd.s32 $0xFFFFD800  }
0x1d: {  	_ =	swait.ge [sflag:s3], $0x2800  }
0x1e: {  	s25 =	sadd.s32 $0x1, s25;
	s31 =	rddreg [dreg:$0x6]  }
0x1f: {  	p0 =	sne.s32 s25, s31  }
.Ltmp1:
0x20: {  	_ = 	snop;
	(pc) =	sbr.rel @!p0 .LBB2_11-.Ltmp1, $3  }
0x21: {  	_ =	sdelay $0x1  }
0x22: {  	[sflag:s3] =	ssyncset.done $0x0  }
0x23: {  	[sflag:s3] =	ssyncadd.s32 $0xFFFFD800  }
.LBB2_1:
0x24: {  	s0 =	rddreg [dreg:$0x3];
	s3 =	simm.s32 $0x9  }
0x25: {  	[tilespmem:s2], [sflag:$0x9] =	stream.linear.gather [hbm4b:s0+s2], $0x3E80, $0x38;
	[tilespmem:$0x12000] =	vst v63  }
0x26: {  	_ =	swait.ge [sflag:s3], $0x3E80  }
0x27: {  	[sflag:s3] =	ssyncset.done $0x0  }
0x28: {  	s10 =	simm.s32 $0x4000;
	s26 =	rddreg [dreg:$0x4];
	[sflag:s3] =	ssyncadd.s32 $0xFFFFC180  }
0x29: {  	[tilespmem:s10], [sflag:$0x9] =	stream.linear.gather [hbm4b:s26+s2], $0x3E80, $0x38;
	[tilespmem:$0x12000] =	vst v63  }
0x2a: {  	_ =	swait.ge [sflag:s3], $0x3E80  }
0x2b: {  	[sflag:s3] =	ssyncset.done $0x0  }
0x2c: {  	[sflag:s3] =	ssyncadd.s32 $0xFFFFC180  }
0x2d: {  	v3 =	vld [tilespmem:$0x0];
	_ =	sdelay $0x4  }
0x2e: {  	v4 =	vshll.u32 v3, $0x1  }
0x2f: {  	v3 =	vand.u32 $0x7, v3;
	v4 =	vand.u32 $0xFFFFFFF0, v4  }
0x30: {  	v3 =	vor.u32 v3, v4  }
0x31: {  	v4 =	vperm.xlane v3, v0;
	_ =	sdelay $0x1  }
0x32: {  	v3 =	vperm.xlane v3, v2;
	v4 =	vadd.s32 v1, v4;
	_ =	sdelay $0x1  }
0x33: {  	v3 =	vadd.s32 v1, v3;
	_ =	sdelay $0x2  }
0x34: {  	[tilespmem:s12], [sflag:$0x1] =	stream.indirect_vreg.gather [hbm4b:s1+s2], $0x80, v4, vm0, $0xb8;
	[tilespmem:$0x12000] =	vst v63  }
0x35: {  	_ = 	snop  }
0x36: {  	[tilespmem:s13], [sflag:$0x1] =	stream.indirect_vreg.gather [hbm4b:s1+s2], $0x80, v3, vm0, $0xb8;
	[tilespmem:$0x12000] =	vst v63  }
0x37: {  	v3 =	vld [tilespmem:$0x10];
	_ =	sdelay $0x4  }
0x38: {  	v59 =	vshll.u32 v3, $0x1  }
0x39: {  	v3 =	vand.u32 $0x7, v3;
	v4 =	vand.u32 $0xFFFFFFF0, v59  }
0x3a: {  	v3 =	vor.u32 v3, v4  }
0x3b: {  	v4 =	vperm.xlane v3, v0;
	_ =	sdelay $0x1  }
0x3c: {  	v3 =	vperm.xlane v3, v2;
	v4 =	vadd.s32 v1, v4;
	_ =	sdelay $0x1  }
0x3d: {  	v3 =	vadd.s32 v1, v3;
	_ =	sdelay $0x2  }
0x3e: {  	[tilespmem:s14], [sflag:$0x1] =	stream.indirect_vreg.gather [hbm4b:s1+s2], $0x80, v4, vm0, $0xb8;
	[tilespmem:$0x12000] =	vst v63  }
0x3f: {  	_ = 	snop  }
0x40: {  	[tilespmem:s15], [sflag:$0x1] =	stream.indirect_vreg.gather [hbm4b:s1+s2], $0x80, v3, vm0, $0xb8;
	[tilespmem:$0x12000] =	vst v63  }
0x41: {  	v3 =	vld.msk [tilespmem:$0x20], $0xff;
	_ =	sdelay $0x4  }
0x42: {  	v60 =	vshll.u32 v3, $0x1  }
0x43: {  	v3 =	vand.u32 $0x7, v3;
	v4 =	vand.u32 $0xFFFFFFF0, v60  }
0x44: {  	v3 =	vor.u32 v3, v4  }
0x45: {  	v3 =	vperm.xlane v3, v0;
	_ =	sdelay $0x1  }
0x46: {  	v3 =	vadd.s32 v1, v3;
	_ =	sdelay $0x4  }
0x47: {  	[tilespmem:s16], [sflag:$0x1] =	stream.indirect_vreg.gather [hbm4b:s1+s2], $0x80, v3, vm0, $0xb8;
	[tilespmem:$0x12000] =	vst v63  }
0x48: {  	v3 =	vld [tilespmem:$0x4000];
	_ =	sdelay $0x4  }
0x49: {  	v61 =	vshll.u32 v3, $0x1  }
0x4a: {  	v3 =	vand.u32 $0x7, v3;
	v4 =	vand.u32 $0xFFFFFFF0, v61  }
0x4b: {  	v3 =	vor.u32 v3, v4  }
0x4c: {  	v4 =	vperm.xlane v3, v0;
	_ =	sdelay $0x1  }
0x4d: {  	v3 =	vperm.xlane v3, v2;
	v4 =	vadd.s32 v1, v4;
	_ =	sdelay $0x1  }
0x4e: {  	v3 =	vadd.s32 v1, v3;
	_ =	sdelay $0x2  }
0x4f: {  	[tilespmem:s17], [sflag:$0x3] =	stream.indirect_vreg.gather [hbm4b:s4+s2], $0x80, v4, vm0, $0xb8;
	[tilespmem:$0x12000] =	vst v63  }
0x50: {  	_ = 	snop  }
0x51: {  	[tilespmem:s18], [sflag:$0x3] =	stream.indirect_vreg.gather [hbm4b:s4+s2], $0x80, v3, vm0, $0xb8;
	[tilespmem:$0x12000] =	vst v63  }
0x52: {  	v3 =	vld [tilespmem:$0x4010];
	_ =	sdelay $0x4  }
0x53: {  	v62 =	vshll.u32 v3, $0x1  }
0x54: {  	v3 =	vand.u32 $0x7, v3;
	v4 =	vand.u32 $0xFFFFFFF0, v62  }
0x55: {  	v3 =	vor.u32 v3, v4  }
0x56: {  	v4 =	vperm.xlane v3, v0;
	_ =	sdelay $0x1  }
0x57: {  	v3 =	vperm.xlane v3, v2;
	v4 =	vadd.s32 v1, v4;
	_ =	sdelay $0x1  }
0x58: {  	v3 =	vadd.s32 v1, v3;
	_ =	sdelay $0x2  }
0x59: {  	[tilespmem:s19], [sflag:$0x3] =	stream.indirect_vreg.gather [hbm4b:s4+s2], $0x80, v4, vm0, $0xb8;
	[tilespmem:$0x12000] =	vst v63  }
0x5a: {  	_ = 	snop  }
0x5b: {  	[tilespmem:s20], [sflag:$0x3] =	stream.indirect_vreg.gather [hbm4b:s4+s2], $0x80, v3, vm0, $0xb8;
	[tilespmem:$0x12000] =	vst v63  }
0x5c: {  	v3 =	vld.msk [tilespmem:$0x4020], $0xff;
	_ =	sdelay $0x4  }
0x5d: {  	v63 =	vshll.u32 v3, $0x1  }
0x5e: {  	v3 =	vand.u32 $0x7, v3;
	v4 =	vand.u32 $0xFFFFFFF0, v63  }
0x5f: {  	v3 =	vor.u32 v3, v4  }
0x60: {  	v3 =	vperm.xlane v3, v0;
	_ =	sdelay $0x1  }
0x61: {  	v3 =	vadd.s32 v1, v3  }
.Ltmp2:
0x62: {  	_ = 	snop;
	(pc) =	sbr.rel .LBB2_2-.Ltmp2, $4  }
0x63: {  	_ = 	snop  }
0x64: {  	s28 =	simm.s32 $0xA0;
	s10 =	rddreg [dreg:$0x7]  }
0x65: {  	s31 =	simm.s32 $0x0;
	s26 =	simm.s32 $0x40A0;
	s30 =	rddreg [dreg:$0x5]  }
0x66: {  	[tilespmem:s21], [sflag:$0x3] =	stream.indirect_vreg.gather [hbm4b:s4+s2], $0x80, v3, vm0, $0xb8;
	[tilespmem:$0x12000] =	vst v63  }
.LBB2_7:
0x67: {  	_ =	swait.ge [sflag:s22], $0x2800  }
0x68: {  	[sflag:s22] =	ssyncset.done $0x0  }
0x69: {  	[sflag:s22] =	ssyncadd.s32 $0xFFFFD800  }
0x6a: {  	_ =	swait.ge [sflag:s23], $0x2800  }
0x6b: {  	[sflag:s23] =	ssyncset.done $0x0  }
0x6c: {  	[sflag:s23] =	ssyncadd.s32 $0xFFFFD800  }
0x6d: {  	[hbm4b:s30+s2] =	stream.linear.scatter [tilespmem:s12], [sflag:$0x5], $0x2800, $0x38;
	[tilespmem:$0x12000] =	vst v63  }
0x6e: {  	_ = 	snop  }
0x6f: {  	[hbm4b:s10+s2] =	stream.linear.scatter [tilespmem:s17], [sflag:$0x7], $0x2800, $0x38;
	[tilespmem:$0x12000] =	vst v63  }
.LBB2_9:
0x70: {  	p0 =	sne.s32 s0, $0x7D  }
.Ltmp3:
0x71: {  	_ = 	snop;
	(pc) =	sbr.rel @!p0 .LBB2_10-.Ltmp3, $3  }
0x72: {  	_ =	sdelay $0x1  }
0x73: {  	s30 =	sadd.s32 $0x500, s30;
	s10 =	sadd.s32 $0x500, s10  }
0x74: {  	s26 =	sadd.s32 $0x80, s26;
	s28 =	sadd.s32 $0x80, s28;
	s31 =	smov.u32 s0  }
.LBB2_2:
0x75: {  	p0 =	seq.s32 s31, $0x7C  }
.Ltmp4:
0x76: {  	_ = 	snop;
	(pc) =	sbr.rel @p0 .LBB2_7-.Ltmp4, $2  }
0x77: {  	_ =	sdelay $0x2  }
0x78: {  	s0 =	sadd.s32 $0x1, s31  }
0x79: {  	s3 =	sand.u32 $0x1, s0  }
0x7a: {  	p1 =	seq.s32 s3, $0x1  }
.Ltmp5:
0x7b: {  	_ = 	snop;
	(pc) =	sbr.rel @!p1 .LBB2_4-.Ltmp5, $2  }
0x7c: {  	_ =	sdelay $0x2  }
0x7d: {  	p0 =	seq.s32 s31, $0x0  }
0x7e: {  	s3 =	simm.s32 @!p0 $0x6  }
0x7f: {  	_ =	swait.ge @!p0 [sflag:s3], $0x2800  }
0x80: {  	[sflag:s3] =	ssyncset.done @!p0 $0x0  }
0x81: {  	[sflag:s3] =	ssyncadd.s32 @!p0 $0xFFFFD800;
	s3 =	simm.s32 @!p0 $0x8  }
0x82: {  	_ =	swait.ge @!p0 [sflag:s3], $0x2800  }
0x83: {  	[sflag:s3] =	ssyncset.done @!p0 $0x0  }
0x84: {  	[sflag:s3] =	ssyncadd.s32 @!p0 $0xFFFFD800  }
0x85: {  	v3 =	vld [tilespmem:s28+$0xFFFFFFE0];
	_ =	sdelay $0x4  }
0x86: {  	v4 =	vshll.u32 v3, $0x1  }
0x87: {  	v3 =	vand.u32 $0x7, v3;
	v4 =	vand.u32 $0xFFFFFFF0, v4  }
0x88: {  	v3 =	vor.u32 v3, v4  }
0x89: {  	v4 =	vperm.xlane v3, v0;
	_ =	sdelay $0x1  }
0x8a: {  	v3 =	vperm.xlane v3, v2;
	v4 =	vadd.s32 v1, v4;
	_ =	sdelay $0x1  }
0x8b: {  	v3 =	vadd.s32 v1, v3;
	_ =	sdelay $0x2  }
0x8c: {  	[tilespmem:s29], [sflag:$0x2] =	stream.indirect_vreg.gather [hbm4b:s1+s2], $0x80, v4, vm0, $0xb8;
	[tilespmem:$0x12000] =	vst v63  }
0x8d: {  	s3 =	simm.s32 $0xB000  }
0x8e: {  	[tilespmem:s3], [sflag:$0x2] =	stream.indirect_vreg.gather [hbm4b:s1+s2], $0x80, v3, vm0, $0xb8;
	[tilespmem:$0x12000] =	vst v63  }
0x8f: {  	v3 =	vld [tilespmem:s28+$0xFFFFFFF0];
	_ =	sdelay $0x4  }
0x90: {  	v59 =	vshll.u32 v3, $0x1  }
0x91: {  	v3 =	vand.u32 $0x7, v3;
	v4 =	vand.u32 $0xFFFFFFF0, v59  }
0x92: {  	v3 =	vor.u32 v3, v4  }
0x93: {  	v4 =	vperm.xlane v3, v0;
	_ =	sdelay $0x1  }
0x94: {  	v3 =	vperm.xlane v3, v2;
	v4 =	vadd.s32 v1, v4;
	_ =	sdelay $0x1  }
0x95: {  	v3 =	vadd.s32 v1, v3;
	_ =	sdelay $0x1  }
0x96: {  	s3 =	simm.s32 $0xB800  }
0x97: {  	[tilespmem:s3], [sflag:$0x2] =	stream.indirect_vreg.gather [hbm4b:s1+s2], $0x80, v4, vm0, $0xb8;
	[tilespmem:$0x12000] =	vst v63  }
0x98: {  	s3 =	simm.s32 $0xC000  }
0x99: {  	[tilespmem:s3], [sflag:$0x2] =	stream.indirect_vreg.gather [hbm4b:s1+s2], $0x80, v3, vm0, $0xb8;
	[tilespmem:$0x12000] =	vst v63  }
0x9a: {  	v3 =	vld.msk [tilespmem:s28+$0x0], $0xff;
	_ =	sdelay $0x4  }
0x9b: {  	v60 =	vshll.u32 v3, $0x1  }
0x9c: {  	v3 =	vand.u32 $0x7, v3;
	v4 =	vand.u32 $0xFFFFFFF0, v60  }
0x9d: {  	v3 =	vor.u32 v3, v4  }
0x9e: {  	v3 =	vperm.xlane v3, v0;
	_ =	sdelay $0x1  }
0x9f: {  	v3 =	vadd.s32 v1, v3;
	_ =	sdelay $0x3  }
0xa0: {  	s3 =	simm.s32 $0xC800  }
0xa1: {  	[tilespmem:s3], [sflag:$0x2] =	stream.indirect_vreg.gather [hbm4b:s1+s2], $0x80, v3, vm0, $0xb8;
	[tilespmem:$0x12000] =	vst v63  }
0xa2: {  	v3 =	vld [tilespmem:s26+$0xFFFFFFE0];
	_ =	sdelay $0x4  }
0xa3: {  	v61 =	vshll.u32 v3, $0x1  }
0xa4: {  	v3 =	vand.u32 $0x7, v3;
	v4 =	vand.u32 $0xFFFFFFF0, v61  }
0xa5: {  	v3 =	vor.u32 v3, v4  }
0xa6: {  	v4 =	vperm.xlane v3, v0;
	_ =	sdelay $0x1  }
0xa7: {  	v3 =	vperm.xlane v3, v2;
	v4 =	vadd.s32 v1, v4;
	_ =	sdelay $0x1  }
0xa8: {  	v3 =	vadd.s32 v1, v3;
	_ =	sdelay $0x2  }
0xa9: {  	[tilespmem:s11], [sflag:$0x4] =	stream.indirect_vreg.gather [hbm4b:s4+s2], $0x80, v4, vm0, $0xb8;
	[tilespmem:$0x12000] =	vst v63  }
0xaa: {  	_ = 	snop  }
0xab: {  	[tilespmem:s5], [sflag:$0x4] =	stream.indirect_vreg.gather [hbm4b:s4+s2], $0x80, v3, vm0, $0xb8;
	[tilespmem:$0x12000] =	vst v63  }
0xac: {  	v3 =	vld [tilespmem:s26+$0xFFFFFFF0];
	_ =	sdelay $0x4  }
0xad: {  	v62 =	vshll.u32 v3, $0x1  }
0xae: {  	v3 =	vand.u32 $0x7, v3;
	v4 =	vand.u32 $0xFFFFFFF0, v62  }
0xaf: {  	v3 =	vor.u32 v3, v4  }
0xb0: {  	v4 =	vperm.xlane v3, v0;
	_ =	sdelay $0x1  }
0xb1: {  	v3 =	vperm.xlane v3, v2;
	v4 =	vadd.s32 v1, v4;
	_ =	sdelay $0x1  }
0xb2: {  	v3 =	vadd.s32 v1, v3;
	_ =	sdelay $0x2  }
0xb3: {  	[tilespmem:s6], [sflag:$0x4] =	stream.indirect_vreg.gather [hbm4b:s4+s2], $0x80, v4, vm0, $0xb8;
	[tilespmem:$0x12000] =	vst v63  }
0xb4: {  	_ = 	snop  }
0xb5: {  	[tilespmem:s8], [sflag:$0x4] =	stream.indirect_vreg.gather [hbm4b:s4+s2], $0x80, v3, vm0, $0xb8;
	[tilespmem:$0x12000] =	vst v63  }
0xb6: {  	v3 =	vld.msk [tilespmem:s26+$0x0], $0xff;
	_ =	sdelay $0x4  }
0xb7: {  	v63 =	vshll.u32 v3, $0x1  }
0xb8: {  	v3 =	vand.u32 $0x7, v3;
	v4 =	vand.u32 $0xFFFFFFF0, v63  }
0xb9: {  	v3 =	vor.u32 v3, v4  }
0xba: {  	v3 =	vperm.xlane v3, v0;
	_ =	sdelay $0x1  }
0xbb: {  	v3 =	vadd.s32 v1, v3  }
.Ltmp6:
0xbc: {  	_ = 	snop;
	(pc) =	sbr.rel .LBB2_6-.Ltmp6, $2  }
0xbd: {  	_ =	sdelay $0x2  }
0xbe: {  	[tilespmem:s7], [sflag:$0x4] =	stream.indirect_vreg.gather [hbm4b:s4+s2], $0x80, v3, vm0, $0xb8;
	[tilespmem:$0x12000] =	vst v63  }
.LBB2_4:
0xbf: {  	s3 =	simm.s32 @!p0 $0x5  }
0xc0: {  	_ =	swait.ge @!p0 [sflag:s3], $0x2800  }
0xc1: {  	[sflag:s3] =	ssyncset.done @!p0 $0x0  }
0xc2: {  	[sflag:s3] =	ssyncadd.s32 @!p0 $0xFFFFD800;
	s3 =	simm.s32 @!p0 $0x7  }
0xc3: {  	_ =	swait.ge @!p0 [sflag:s3], $0x2800  }
0xc4: {  	[sflag:s3] =	ssyncset.done @!p0 $0x0  }
0xc5: {  	[sflag:s3] =	ssyncadd.s32 @!p0 $0xFFFFD800  }
0xc6: {  	v3 =	vld [tilespmem:s28+$0xFFFFFFE0];
	_ =	sdelay $0x4  }
0xc7: {  	v4 =	vshll.u32 v3, $0x1  }
0xc8: {  	v3 =	vand.u32 $0x7, v3;
	v4 =	vand.u32 $0xFFFFFFF0, v4  }
0xc9: {  	v3 =	vor.u32 v3, v4  }
0xca: {  	v4 =	vperm.xlane v3, v0;
	_ =	sdelay $0x1  }
0xcb: {  	v3 =	vperm.xlane v3, v2;
	v4 =	vadd.s32 v1, v4;
	_ =	sdelay $0x1  }
0xcc: {  	v3 =	vadd.s32 v1, v3;
	_ =	sdelay $0x2  }
0xcd: {  	[tilespmem:s12], [sflag:$0x1] =	stream.indirect_vreg.gather [hbm4b:s1+s2], $0x80, v4, vm0, $0xb8;
	[tilespmem:$0x12000] =	vst v63  }
0xce: {  	_ = 	snop  }
0xcf: {  	[tilespmem:s13], [sflag:$0x1] =	stream.indirect_vreg.gather [hbm4b:s1+s2], $0x80, v3, vm0, $0xb8;
	[tilespmem:$0x12000] =	vst v63  }
0xd0: {  	v3 =	vld [tilespmem:s28+$0xFFFFFFF0];
	_ =	sdelay $0x4  }
0xd1: {  	v59 =	vshll.u32 v3, $0x1  }
0xd2: {  	v3 =	vand.u32 $0x7, v3;
	v4 =	vand.u32 $0xFFFFFFF0, v59  }
0xd3: {  	v3 =	vor.u32 v3, v4  }
0xd4: {  	v4 =	vperm.xlane v3, v0;
	_ =	sdelay $0x1  }
0xd5: {  	v3 =	vperm.xlane v3, v2;
	v4 =	vadd.s32 v1, v4;
	_ =	sdelay $0x1  }
0xd6: {  	v3 =	vadd.s32 v1, v3;
	_ =	sdelay $0x2  }
0xd7: {  	[tilespmem:s14], [sflag:$0x1] =	stream.indirect_vreg.gather [hbm4b:s1+s2], $0x80, v4, vm0, $0xb8;
	[tilespmem:$0x12000] =	vst v63  }
0xd8: {  	_ = 	snop  }
0xd9: {  	[tilespmem:s15], [sflag:$0x1] =	stream.indirect_vreg.gather [hbm4b:s1+s2], $0x80, v3, vm0, $0xb8;
	[tilespmem:$0x12000] =	vst v63  }
0xda: {  	v3 =	vld.msk [tilespmem:s28+$0x0], $0xff;
	_ =	sdelay $0x4  }
0xdb: {  	v60 =	vshll.u32 v3, $0x1  }
0xdc: {  	v3 =	vand.u32 $0x7, v3;
	v4 =	vand.u32 $0xFFFFFFF0, v60  }
0xdd: {  	v3 =	vor.u32 v3, v4  }
0xde: {  	v3 =	vperm.xlane v3, v0;
	_ =	sdelay $0x1  }
0xdf: {  	v3 =	vadd.s32 v1, v3;
	_ =	sdelay $0x4  }
0xe0: {  	[tilespmem:s16], [sflag:$0x1] =	stream.indirect_vreg.gather [hbm4b:s1+s2], $0x80, v3, vm0, $0xb8;
	[tilespmem:$0x12000] =	vst v63  }
0xe1: {  	v3 =	vld [tilespmem:s26+$0xFFFFFFE0];
	_ =	sdelay $0x4  }
0xe2: {  	v61 =	vshll.u32 v3, $0x1  }
0xe3: {  	v3 =	vand.u32 $0x7, v3;
	v4 =	vand.u32 $0xFFFFFFF0, v61  }
0xe4: {  	v3 =	vor.u32 v3, v4  }
0xe5: {  	v4 =	vperm.xlane v3, v0;
	_ =	sdelay $0x1  }
0xe6: {  	v3 =	vperm.xlane v3, v2;
	v4 =	vadd.s32 v1, v4;
	_ =	sdelay $0x1  }
0xe7: {  	v3 =	vadd.s32 v1, v3;
	_ =	sdelay $0x2  }
0xe8: {  	[tilespmem:s17], [sflag:$0x3] =	stream.indirect_vreg.gather [hbm4b:s4+s2], $0x80, v4, vm0, $0xb8;
	[tilespmem:$0x12000] =	vst v63  }
0xe9: {  	_ = 	snop  }
0xea: {  	[tilespmem:s18], [sflag:$0x3] =	stream.indirect_vreg.gather [hbm4b:s4+s2], $0x80, v3, vm0, $0xb8;
	[tilespmem:$0x12000] =	vst v63  }
0xeb: {  	v3 =	vld [tilespmem:s26+$0xFFFFFFF0];
	_ =	sdelay $0x4  }
0xec: {  	v62 =	vshll.u32 v3, $0x1  }
0xed: {  	v3 =	vand.u32 $0x7, v3;
	v4 =	vand.u32 $0xFFFFFFF0, v62  }
0xee: {  	v3 =	vor.u32 v3, v4  }
0xef: {  	v4 =	vperm.xlane v3, v0;
	_ =	sdelay $0x1  }
0xf0: {  	v3 =	vperm.xlane v3, v2;
	v4 =	vadd.s32 v1, v4;
	_ =	sdelay $0x1  }
0xf1: {  	v3 =	vadd.s32 v1, v3;
	_ =	sdelay $0x2  }
0xf2: {  	[tilespmem:s19], [sflag:$0x3] =	stream.indirect_vreg.gather [hbm4b:s4+s2], $0x80, v4, vm0, $0xb8;
	[tilespmem:$0x12000] =	vst v63  }
0xf3: {  	_ = 	snop  }
0xf4: {  	[tilespmem:s20], [sflag:$0x3] =	stream.indirect_vreg.gather [hbm4b:s4+s2], $0x80, v3, vm0, $0xb8;
	[tilespmem:$0x12000] =	vst v63  }
0xf5: {  	v3 =	vld.msk [tilespmem:s26+$0x0], $0xff;
	_ =	sdelay $0x4  }
0xf6: {  	v63 =	vshll.u32 v3, $0x1  }
0xf7: {  	v3 =	vand.u32 $0x7, v3;
	v4 =	vand.u32 $0xFFFFFFF0, v63  }
0xf8: {  	v3 =	vor.u32 v3, v4  }
0xf9: {  	v3 =	vperm.xlane v3, v0;
	_ =	sdelay $0x1  }
0xfa: {  	v3 =	vadd.s32 v1, v3;
	_ =	sdelay $0x4  }
0xfb: {  	[tilespmem:s21], [sflag:$0x3] =	stream.indirect_vreg.gather [hbm4b:s4+s2], $0x80, v3, vm0, $0xb8;
	[tilespmem:$0x12000] =	vst v63  }
.LBB2_6:
0xfc: {  	s3 =	sand.u32 $0x1, s31  }
0xfd: {  	p0 =	seq.s32 s3, $0x1  }
.Ltmp7:
0xfe: {  	_ = 	snop;
	(pc) =	sbr.rel @!p0 .LBB2_7-.Ltmp7, $1  }
0xff: {  	_ =	sdelay $0x3  }
0x100: {  	_ =	swait.ge [sflag:s9], $0x2800  }
0x101: {  	[sflag:s9] =	ssyncset.done $0x0  }
0x102: {  	[sflag:s9] =	ssyncadd.s32 $0xFFFFD800  }
0x103: {  	_ =	swait.ge [sflag:s24], $0x2800  }
.Ltmp8:
0x104: {  	[sflag:s24] =	ssyncset.done $0x0;
	(pc) =	sbr.rel .LBB2_9-.Ltmp8, $4  }
0x105: {  	[sflag:s24] =	ssyncadd.s32 $0xFFFFD800  }
0x106: {  	[hbm4b:s30+s2] =	stream.linear.scatter [tilespmem:s29], [sflag:$0x6], $0x2800, $0x38;
	[tilespmem:$0x12000] =	vst v63  }
0x107: {  	_ = 	snop  }
0x108: {  	[hbm4b:s10+s2] =	stream.linear.scatter [tilespmem:s11], [sflag:$0x8], $0x2800, $0x38;
	[tilespmem:$0x12000] =	vst v63  }
.LBB2_11:
0x109: {  	_ =	sfence.sel $0x180000  }
0x10a: {  	[bflag:$0x0] =	sbarrier.arrive $0xFFFF  }
0x10b: {  	_ =	strace $0x9000004D  }
0x10c: {  	s0 =	stileid.u32;
	[bflag:$0x2] =	sbarrier.arrive $0xFFFF  }
0x10d: {  	p0 =	sne.s32 s0, $0x0;
	s0 =	rddreg [dreg:$0x2]  }
0x10e: {  	s0 =	sadd.s32 @!p0 $0x100000, s0  }
0x10f: {  	[sflag:s0] =	ssyncadd.tile.s32 @!p0 $0x1;
	_ =	shalt  }
.Lfunc_end2:
_tile_overlayer_lowered:
.L_overlay_start_2:
0x110: {  	(tag) =	ssettag $0x2  }
0x111: {  	s0 =	rddreg [dreg:$0x0];
	s2 =	stileid.u32  }
0x112: {  	s1 =	rddreg [dreg:$0x1];
	p0 =	sne.s32 s2, $0x0  }
0x113: {  	s3 =	rddreg [dreg:$0x2];
	[bflag:$0x3] =	sbarrier.arrive $0xFFFF;
	s2 =	simm.s32 @!p0 $0x1C09  }
0x114: {  	[timem:s3], [sflag:s2] =	dma.local @!p0 [hbm:s0], s1  }
0x115: {  	s0 =	simm.s32 @!p0 $0x9  }
0x116: {  	_ =	swait.ge @!p0 [sflag:s0], s1  }
0x117: {  	s1 =	ssub.s32 @!p0 $0x0, s1;
	[sflag:s0] =	ssyncset.done @!p0 $0x0  }
0x118: {  	[sflag:s0] =	ssyncadd.s32 @!p0 s1  }
0x119: {  	[bflag:$0x3] =	sbarrier.arrive $0xFFFF  }
0x11a: {  	_ =	shalt  }

// kernel: kernel.21.cloned.1.call-start
scs
__scs_entry_jumppad:
0x0: {  	(pc) =	sbr.rel $0x88, $3  }
0x1: {  	(tag) =	ssettag $0x0;
	lr =	simm.s32 $0x1  }
0x2: {  	[smem:$0x3F91] =	sst lr;
	_ =	strace $0xD0000000  }
0x3: {  	_ = 	snop  }
0x4: {  	_ = 	snop  }
0x5: {  	_ = 	snop  }
0x6: {  	_ = 	snop  }
0x7: {  	_ = 	snop  }
__scs_overlays_trampoline_lowered:
0x8: {  	[smem:$0x3FA0] =	sst s0  }
0x9: {  	[smem:$0x3FA1] =	sst s1  }
0xa: {  	[smem:$0x3FA2] =	sst s2  }
0xb: {  	[smem:$0x3FA3] =	sst s3  }
0xc: {  	[smem:$0x3FA4] =	sst s4  }
0xd: {  	[smem:$0x3FA5] =	sst s5  }
0xe: {  	[smem:$0x3FA6] =	sst s6  }
0xf: {  	[smem:$0x3FA7] =	sst s7  }
0x10: {  	[smem:$0x3FA8] =	sst s8  }
0x11: {  	[smem:$0x3FA9] =	sst s9;
	s0 =	simm.s32 @!p0 $0x0  }
0x12: {  	s1 =	sld [smem:$0x3F8F];
	s0 =	simm.s32 @p0 $0x1  }
0x13: {  	[smem:$0x3FAA] =	sst s0;
	s0 =	simm.s32 @!p1 $0x0  }
0x14: {  	s2 =	sld [smem:$0x3F8E];
	s0 =	simm.s32 @p1 $0x1  }
0x15: {  	[smem:$0x3FAB] =	sst s0;
	s0 =	simm.s32 @!p2 $0x0  }
0x16: {  	s3 =	sld [smem:$0x3FDB];
	s0 =	simm.s32 @p2 $0x1  }
0x17: {  	s4 =	simm.s32 $0x1BF5;
	[smem:$0x3FAD] =	sst s0  }
0x18: {  	s0 =	sld [smem:$0x3F90];
	_ =	swait.ge [sflag:s4], $0x0  }
0x19: {  	s7 =	sld [smem:$0x3F91]  }
0x1a: {  	s8 =	sadd.s32 $0xFFFFE003, lr  }
0x1b: {  	s9 =	sadd.s32 $0xFFFFFEF7, lr;
	s5 =	simm.s32 $0xFFFFFFFF;
	p2 =	slt.u32 s8, $0xFFFFF086  }
0x1c: {  	p1 =	slt.u32 s9, $0xF7A;
	s5 =	simm.s32 @!p2 $0x0  }
0x1d: {  	s5 =	simm.s32 @p1 $0x1;
	p0 =	seq.s32 s7, s2  }
0x1e: {  	s7 =	smul.u32 @!p0 $0xF7A, s2;
	p2 =	seq.s32 @!p0 s5, $0x0  }
0x1f: {  	s9 =	smul.u32 $0xF7A, s1;
	s8 =	simm.s32 @!p0 $0x1BF5;
	p2 =	por !p2, p0  }
0x20: {  	[sflag:s8] =	ssyncset.s32 @!p0 $0xFFFFF086;
	s6 =	sadd.s32 @!p0 s3, s7;
	s7 =	simm.s32 @!p0 $0x108  }
0x21: {  	s3 =	sadd.s32 s3, s9;
	s6 =	sadd.s32 @!p0 $0x88, s6;
	s7 =	simm.s32 @p2 $0x1082  }
0x22: {  	[simem:s7], [sflag:s8] =	dma.local @!p0 [hbm:s6], $0xF7A  }
0x23: {  	s9 =	sor.u32 $0xD0000000, s2;
	s6 =	simm.s32 $0x108;
	_ =	swait.ge @!p0 [sflag:s8], $0x0  }
0x24: {  	s3 =	sadd.s32 $0x88, s3;
	s6 =	simm.s32 @!p1 $0x1082;
	[sflag:s4] =	ssyncset.s32 $0xFFFFF086  }
0x25: {  	[simem:s6], [sflag:s4] =	dma.local [hbm:s3], $0xF7A  }
0x26: {  	[smem:$0x3F91] =	sst s1;
	(tag) =	ssettag s2;
	_ =	strace s9  }
0x27: {  	s1 =	sld [smem:$0x3FA1]  }
0x28: {  	s2 =	sld [smem:$0x3FA2]  }
0x29: {  	s4 =	sld [smem:$0x3FA4]  }
0x2a: {  	p0 =	seq.s32 s5, $0x0;
	s5 =	sld [smem:$0x3FA5]  }
0x2b: {  	s6 =	sld [smem:$0x3FA6]  }
0x2c: {  	s7 =	sld [smem:$0x3FA7]  }
0x2d: {  	s3 =	simm.s32 $0x108;
	s8 =	sld [smem:$0x3FA8]  }
0x2e: {  	s3 =	simm.s32 @!p0 $0x1082;
	s9 =	sld [smem:$0x3FA9]  }
0x2f: {  	lr =	sadd.s32 s0, s3;
	s0 =	sld [smem:$0x3FA0]  }
0x30: {  	s3 =	sld [smem:$0x3FA3]  }
0x31: {  	[smem:$0x3FAC] =	sst s10  }
0x32: {  	s10 =	sld [smem:$0x3FAA];
	_ =	sdelay $0x3  }
0x33: {  	p0 =	seq.s32 s10, $0x1;
	s10 =	sld [smem:$0x3FAC];
	_ =	sdelay $0x3  }
0x34: {  	[smem:$0x3FAC] =	sst s10  }
0x35: {  	s10 =	sld [smem:$0x3FAB];
	_ =	sdelay $0x3  }
0x36: {  	p1 =	seq.s32 s10, $0x1;
	s10 =	sld [smem:$0x3FAC];
	_ =	sdelay $0x3  }
0x37: {  	[smem:$0x3FAC] =	sst s10  }
0x38: {  	s10 =	sld [smem:$0x3FAD]  }
0x39: {  	_ = 	snop;
	(pc) =	sbr.ind lr, $3  }
0x3a: {  	_ = 	snop  }
0x3b: {  	_ = 	snop  }
0x3c: {  	p2 =	seq.s32 s10, $0x1;
	s10 =	sld [smem:$0x3FAC]  }
0x3d: {  	_ =	shalt  }
0x3e: {  	_ =	shalt  }
0x3f: {  	_ =	shalt  }
0x40: {  	_ =	shalt  }
0x41: {  	_ =	shalt  }
0x42: {  	_ =	shalt  }
0x43: {  	_ =	shalt  }
0x44: {  	_ =	shalt  }
0x45: {  	_ =	shalt  }
0x46: {  	_ =	shalt  }
0x47: {  	_ =	shalt  }
0x48: {  	_ =	shalt  }
0x49: {  	_ =	shalt  }
0x4a: {  	_ =	shalt  }
0x4b: {  	_ =	shalt  }
0x4c: {  	_ =	shalt  }
0x4d: {  	_ =	shalt  }
0x4e: {  	_ =	shalt  }
0x4f: {  	_ =	shalt  }
0x50: {  	_ =	shalt  }
0x51: {  	_ =	shalt  }
0x52: {  	_ =	shalt  }
0x53: {  	_ =	shalt  }
0x54: {  	_ =	shalt  }
0x55: {  	_ =	shalt  }
0x56: {  	_ =	shalt  }
0x57: {  	_ =	shalt  }
0x58: {  	_ =	shalt  }
0x59: {  	_ =	shalt  }
0x5a: {  	_ =	shalt  }
0x5b: {  	_ =	shalt  }
0x5c: {  	_ =	shalt  }
0x5d: {  	_ =	shalt  }
0x5e: {  	_ =	shalt  }
0x5f: {  	_ =	shalt  }
0x60: {  	_ =	shalt  }
0x61: {  	_ =	shalt  }
0x62: {  	_ =	shalt  }
0x63: {  	_ =	shalt  }
0x64: {  	_ =	shalt  }
0x65: {  	_ =	shalt  }
0x66: {  	_ =	shalt  }
0x67: {  	_ =	shalt  }
0x68: {  	_ =	shalt  }
0x69: {  	_ =	shalt  }
0x6a: {  	_ =	shalt  }
0x6b: {  	_ =	shalt  }
0x6c: {  	_ =	shalt  }
0x6d: {  	_ =	shalt  }
0x6e: {  	_ =	shalt  }
0x6f: {  	_ =	shalt  }
0x70: {  	_ =	shalt  }
0x71: {  	_ =	shalt  }
0x72: {  	_ =	shalt  }
0x73: {  	_ =	shalt  }
0x74: {  	_ =	shalt  }
0x75: {  	_ =	shalt  }
0x76: {  	_ =	shalt  }
0x77: {  	_ =	shalt  }
0x78: {  	_ =	shalt  }
0x79: {  	_ =	shalt  }
0x7a: {  	_ =	shalt  }
0x7b: {  	_ =	shalt  }
0x7c: {  	_ =	shalt  }
0x7d: {  	_ =	shalt  }
0x7e: {  	_ =	shalt  }
0x7f: {  	_ =	shalt  }
0x80: {  	_ =	shalt  }
0x81: {  	_ =	shalt  }
0x82: {  	_ =	shalt  }
0x83: {  	_ =	shalt  }
0x84: {  	_ =	shalt  }
0x85: {  	_ =	shalt  }
0x86: {  	_ =	shalt  }
0x87: {  	_ =	shalt  }
.Lfunc_end0:
.L_simem_size_0:
called_computation.3_lowered:
.L_overlay_start_0:
0x88: {  	s2 =	sld [smem:$0x3FD9]  }
0x89: {  	s3 =	sld [smem:$0x3FFE];
	_ =	sdelay $0x1  }
0x8a: {  	s1 =	srdreg.scid  }
0x8b: {  	s0 =	sand.u32 $0x1, s1  }
0x8c: {  	s14 =	sshll.u32 s0, $0xA;
	s2 =	sadd.s32 s3, s2  }
0x8d: {  	s2 =	sadd.s32 s2, s14  }
0x8e: {  	[smem:$0x3FB8] =	sst s2  }
0x8f: {  	_ = 	snop  }
0x90: {  	s2 =	sld [smem:$0x3FD0];
	_ =	sdelay $0x2  }
0x91: {  	s15 =	simm.s32 $0xA;
	s4 =	simm.s32 $0x10  }
0x92: {  	[smem:s4], [sflag:s15] =	dma.local [hbm:s2], $0x1  }
0x93: {  	_ =	swait.eq [sflag:s15], $0x1  }
0x94: {  	[sflag:s15] =	ssyncset.done $0x0  }
0x95: {  	[sflag:s15] =	ssyncadd.s32 $0xFFFFFFFF  }
0x96: {  	s16 =	sld [smem:$0x11];
	(tm) =	ssettm $0x1  }
0x97: {  	s17 =	sld [smem:$0x3FFB];
	_ =	sdelay $0x3  }
0x98: {  	_ =	strace s17  }
0x99: {  	s3 =	sld [smem:$0x3FFC];
	_ =	sdelay $0x3  }
0x9a: {  	_ =	strace s3  }
0x9b: {  	s3 =	sld [smem:$0x3FFD];
	_ =	sdelay $0x3  }
0x9c: {  	_ =	strace s3  }
0x9d: {  	_ =	strace $0x8FFFFFFF  }
0x9e: {  	s18 =	sld [smem:$0x3FDB];
	_ =	sdelay $0x1  }
0x9f: {  	s19 =	simm.s32 $_scs_section_size  }
0xa0: {  	s5 =	simm.s32 $_size__tile_overlayer_lowered;
	s6 =	simm.s32 $_tile_overlayer_lowered  }
0xa1: {  	s22 =	simm.s32 $0x1BFF;
	s21 =	sshll.u32 s6, $0x1;
	s3 =	sadd.s32 s19, s18  }
0xa2: {  	s7 =	simm.s32 $0x0;
	s20 =	sshll.u32 s5, $0x1;
	s5 =	sadd.s32 s21, s3  }
0xa3: {  	[timem:s7], [sflag:s22] =	dma.local [hbm:s5], s20  }
0xa4: {  	_ =	swait.ge [sflag:s22], s20  }
0xa5: {  	s4 =	ssub.s32 $0x0, s20;
	[sflag:s22] =	ssyncset.done $0x0  }
0xa6: {  	[sflag:s22] =	ssyncadd.s32 s4;
	_ =	sdelay $0x1  }
0xa7: {  	s23 =	simm.s32 $0x1B8B  }
0xa8: {  	_ =	swait.ge [sflag:s23], $0x1  }
0xa9: {  	[sflag:s23] =	ssyncset.done $0x0  }
0xaa: {  	s25 =	simm.s32 $0x1B8E;
	s24 =	sld [smem:$0x3FFE];
	[sflag:s23] =	ssyncadd.s32 $0xFFFFFFFF  }
0xab: {  	s26 =	simm.s32 $execute0_lowered;
	[smem:$0x3FD2] =	sst s25  }
0xac: {  	s5 =	sshll.u32 s26, $0x1;
	_ =	strace $0x8000004F;
	[dreg:$0x1] =	wrdreg $0xFFFFFFFF  }
0xad: {  	s28 =	simm.s32 $_size_execute0_lowered;
	s3 =	sadd.s32 s3, s5;
	[dreg:$0x0] =	wrdreg $0x0  }
0xae: {  	s5 =	sshll.u32 s28, $0x1;
	[dreg:$0x2] =	wrdreg s3  }
0xaf: {  	[dreg:$0x3] =	wrdreg s5  }
0xb0: {  	[dreg:$0x4] =	wrdreg $0xC0  }
0xb1: {  	_ =	task [dreg:s7], $0x5FFFF  }
0xb2: {  	[dreg:$0x1] =	wrdreg $0xFFFFFFFF  }
0xb3: {  	[dreg:$0x0] =	wrdreg $0x60  }
0xb4: {  	[dreg:$0x2] =	wrdreg s16  }
0xb5: {  	[dreg:$0x3] =	wrdreg s24  }
0xb6: {  	[dreg:$0x4] =	wrdreg $0xA8000  }
0xb7: {  	[dreg:$0x5] =	wrdreg $0x9  }
0xb8: {  	_ =	task.clear_ibuf [dreg:s7], $0x6FFFF;
	_ =	strace $0x9000004F  }
0xb9: {  	s29 =	simm.s32 $0x9;
	_ =	strace $0x80000051  }
0xba: {  	_ =	swait.ge [sflag:s29], $0x1  }
0xbb: {  	[sflag:s29] =	ssyncadd.s32 $0xFFFFFFFF  }
0xbc: {  	_ =	strace $0x90000051  }
0xbd: {  	_ =	sfence  }
0xbe: {  	s30 =	sld [smem:$0x0];
	_ =	sdelay $0x2  }
0xbf: {  	s31 =	sshll.u32 s1, $0xD;
	s1 =	sshrl.u32 s1, $0x2  }
0xc0: {  	s3 =	sand.u32 $0x4000, s31;
	s1 =	sadd.s32 s1, s30  }
0xc1: {  	s0 =	sor.u32 s3, s0;
	s1 =	sshll.u32 s1, $0x11  }
0xc2: {  	s0 =	sor.u32 s1, s0  }
0xc3: {  	s0 =	sadd.s32 $0x8F2B, s0  }
0xc4: {  	[sflag:s0] =	ssyncadd.remote.s32 $0x1  }
0xc5: {  	_ =	sfence.sel $0xFFFF  }
0xc6: {  	[dreg:$0x0] =	wrdreg $0xFFFFFFFF;
	(pc) =	sbr.abs _section_cstart, $3  }
0xc7: {  	[dreg:$0x1] =	wrdreg $0xFFFFFFFF  }
0xc8: {  	_ =	task.clear_ibuf [dreg:s7], $0x2FFFF;
	_ =	strace $0x9FFFFFFF  }
0xc9: {  	(tm) =	ssettm $0x7FFFFFFF  }
tec
execute0_lowered:
.L_overlay_start_1:
0x0: {  	(tag) =	ssettag $0x1  }
0x1: {  	s0 =	rddreg [dreg:$0x0]  }
0x2: {  	s2 =	rddreg [dreg:$0x1]  }
0x3: {  	s1 =	rddreg [dreg:$0x2]  }
0x4: {  	s3 =	simm.s32 $0x0;
	s4 =	srdreg.scid;
	s14 =	stileid.u32  }
0x5: {  	s17 =	simm.s32 $0x400;
	s18 =	simm.s32 $0x800;
	s19 =	simm.s32 $0x8000  }
0x6: {  	s20 =	simm.s32 $0x9400;
	s21 =	simm.s32 $0x1;
	s22 =	simm.s32 $0x28  }
0x7: {  	s28 =	simm.s32 $0x4;
	s29 =	simm.s32 $0x0;
	s7 =	smul.u32 $0x2800, s14  }
0x8: {  	[smem:$0x7FF] =	sst s3;
	s6 =	sand.u32 $0x1, s4;
	s9 =	smul.u32 $0x50000, s14  }
0x9: {  	s5 =	sshll.u32 s14, $0xC;
	s24 =	smul.u32 $0x4E200, s14;
	s25 =	sadd.s32 $0x80, s0  }
0xa: {  	s31 =	sshll.u32 s14, $0x6;
	s14 =	simm.s32 $0x5;
	_ =	strace $0x80000050  }
0xb: {  	s4 =	ssub.s32 $0x2, s6;
	s5 =	sadd.s32 s5, s2;
	p0 =	seq.s32 s6, $0x1  }
0xc: {  	s15 =	sor.u32 $0x1C05, s31;
	s8 =	sshrl.u32 s4, $0x1;
	s10 =	sadd.s32 s7, s2  }
0xd: {  	s23 =	sshrl.u32 s9, $0x2;
	s6 =	sadd.s32 s0, s24;
	s11 =	sadd.s32 s24, s25  }
0xe: {  	s2 =	sadd.s32 $0x85A00, s2;
	s26 =	sadd.s32 $0x500, s24;
	s8 =	ssub.s32 s4, s8  }
0xf: {  	s4 =	sadd.s32 $0x55F400, s5;
	s16 =	sadd.s32 s23, s1;
	s5 =	sadd.s32 $0x2F200, s10  }
.Ltmp0:
0x10: {  	s10 =	sadd.s32 $0x5DA00, s10;
	[dreg:$0x5] =	wrdreg s11;
	(pc) =	sbr.rel .LBB2_1-.Ltmp0, $4  }
0x11: {  	s0 =	sadd.s32 s0, s26;
	s30 =	sadd.s32 s26, s25;
	s12 =	sadd.s32 $0xA00, s6  }
0x12: {  	s13 =	sadd.s32 $0xA80, s6;
	s23 =	simm.s32 $0x2;
	[dreg:$0x4] =	wrdreg s10  }
0x13: {  	s24 =	sadd.s32 s7, s2;
	s26 =	simm.s32 $0x3;
	[dreg:$0x6] =	wrdreg s0  }
0x14: {  	s9 =	smax.u32 s8, $0x1;
	[dreg:$0x7] =	wrdreg s30;
	s16 =	sshrl.u32 s16, $0x3  }
.LBB2_7:
0x15: {  	p2 =	seq.s32 s10, $0x1  }
0x16: {  	[sflag:s7] =	ssyncset.done @!p1 $0x0;
	s2 =	simm.s32 @!p1 $0x8000;
	s0 =	sadd.s32 $0xFFFFFFFF, s0  }
0x17: {  	s10 =	simm.s32 @p2 $0x4;
	[sflag:s7] =	ssyncadd.s32 @!p1 $0xFFFFEC00;
	s7 =	simm.s32 @!p1 $0x28  }
0x18: {  	[spmem:s1] =	stream.indirect.scatter.add.f32 @!p1 [tilespmem:s2], [sflag:$0x3], $0x80, s8, s7, $0xb8;
	[tilespmem:$0x1E800] =	vst v63  }
0x19: {  	s0 =	sand.u32 $0x1, s0;
	_ =	swait.ge @p2 [sflag:s10], $0x1400  }
0x1a: {  	s2 =	simm.s32 @p2 $0x9400;
	s7 =	simm.s32 @!p2 $0x3;
	[sflag:s10] =	ssyncset.done @p2 $0x0  }
0x1b: {  	s8 =	simm.s32 @p2 $0x400;
	[sflag:s10] =	ssyncadd.s32 @p2 $0xFFFFEC00;
	s10 =	simm.s32 @p2 $0x800  }
0x1c: {  	[tilespmem:s2], [sflag:$0x2] =	stream.strided.gather @p2 [hbm4b:s31+s8], $0x1400, s10, s8, $0x38;
	[tilespmem:$0x1E800] =	vst v63  }
0x1d: {  	p1 =	seq.s32 s0, $0x1;
	_ =	swait.ge @!p2 [sflag:s7], $0x1400  }
0x1e: {  	s0 =	simm.s32 @p1 $0x2;
	s2 =	simm.s32 @!p2 $0x800;
	[sflag:s7] =	ssyncset.done @!p2 $0x0  }
0x1f: {  	s8 =	simm.s32 @!p2 $0x8000;
	[sflag:s7] =	ssyncadd.s32 @!p2 $0xFFFFEC00;
	s7 =	simm.s32 @!p2 $0x400  }
0x20: {  	[tilespmem:s8], [sflag:$0x1] =	stream.strided.gather @!p2 [hbm4b:s31+s7], $0x1400, s2, s7, $0x38;
	[tilespmem:$0x1E800] =	vst v63  }
0x21: {  	_ =	swait.ge @p1 [sflag:s0], $0x1400  }
0x22: {  	s2 =	simm.s32 @!p1 $0x1;
	[sflag:s0] =	ssyncset.done @p1 $0x0  }
0x23: {  	s7 =	simm.s32 @p1 $0x9400;
	[sflag:s0] =	ssyncadd.s32 @p1 $0xFFFFEC00;
	s0 =	simm.s32 @p1 $0x28  }
0x24: {  	[spmem:s1] =	stream.indirect.scatter.add.f32 @p1 [tilespmem:s7], [sflag:$0x4], $0x80, s30, s0, $0xb8;
	[tilespmem:$0x1E800] =	vst v63  }
0x25: {  	_ =	swait.ge @!p1 [sflag:s2], $0x1400  }
0x26: {  	[sflag:s2] =	ssyncset.done @!p1 $0x0  }
0x27: {  	s0 =	simm.s32 @!p1 $0x8000;
	[sflag:s2] =	ssyncadd.s32 @!p1 $0xFFFFEC00;
	s2 =	simm.s32 @!p1 $0x28  }
0x28: {  	[spmem:s1] =	stream.indirect.scatter.add.f32 @!p1 [tilespmem:s0], [sflag:$0x3], $0x80, s30, s2, $0xb8;
	[tilespmem:$0x1E800] =	vst v63  }
0x29: {  	_ =	swait.ge [sflag:s23], $0x1400  }
0x2a: {  	[sflag:s23] =	ssyncset.done $0x0  }
0x2b: {  	s31 =	simm.s32 $0x7C80;
	[sflag:s23] =	ssyncadd.s32 $0xFFFFEC00  }
0x2c: {  	[spmem:s1] =	stream.indirect.scatter.add.f32 [tilespmem:s20], [sflag:$0x4], $0x80, s31, s22, $0xb8;
	[tilespmem:$0x1E800] =	vst v63  }
0x2d: {  	_ =	swait.ge [sflag:s26], $0x1400  }
0x2e: {  	[sflag:s26] =	ssyncset.done $0x0  }
0x2f: {  	[sflag:s26] =	ssyncadd.s32 $0xFFFFEC00  }
0x30: {  	_ =	swait.ge [sflag:s28], $0x1400  }
0x31: {  	[sflag:s28] =	ssyncset.done $0x0  }
0x32: {  	[sflag:s28] =	ssyncadd.s32 $0xFFFFEC00  }
0x33: {  	s0 =	smov.u32 s24;
	[bflag:$0x0] =	sbarrier.arrive $0xFFFF  }
.LBB2_8:
0x34: {  	s29 =	sadd.s32 $0x1, s29  }
0x35: {  	p1 =	sne.s32 s29, s9  }
.Ltmp1:
0x36: {  	_ = 	snop;
	(pc) =	sbr.rel @!p1 .LBB2_9-.Ltmp1, $4  }
0x37: {  	[hbm:s0], [sflag:s15] =	dma.local [spmem:s16], $0x2800  }
0x38: {  	_ =	swait.ge [sflag:s14], $0x2800  }
0x39: {  	[sflag:s14] =	ssyncset.done $0x0  }
0x3a: {  	[sflag:s14] =	ssyncadd.s32 $0xFFFFD800  }
.LBB2_1:
0x3b: {  	[tilespmem:s3], [sflag:$0x5] =	stream.linear.gather [hbm4b:s4+s3], $0x7D00, $0x38;
	[tilespmem:$0x1E800] =	vst v63  }
0x3c: {  	_ =	swait.ge [sflag:s14], $0x7D00  }
0x3d: {  	[sflag:s14] =	ssyncset.done $0x0  }
0x3e: {  	[sflag:s14] =	ssyncadd.s32 $0xFFFF8300  }
0x3f: {  	[spmem:s16], [sflag:s15] =	dma.local [hbm:s5], $0x2800  }
.Ltmp2:
0x40: {  	_ =	swait.ge [sflag:s14], $0x2800;
	(pc) =	sbr.rel @!p0 .LBB2_2-.Ltmp2, $3  }
0x41: {  	[sflag:s14] =	ssyncset.done $0x0  }
0x42: {  	[sflag:s14] =	ssyncadd.s32 $0xFFFFD800  }
0x43: {  	[bflag:$0x0] =	sbarrier.arrive $0xFFFF;
	_ =	sdelay $0x1  }
0x44: {  	s0 =	rddreg [dreg:$0x5]  }
0x45: {  	[tilespmem:s19], [sflag:$0x1] =	stream.strided.gather [hbm4b:s0+s17], $0x1400, s18, s17, $0x38;
	[tilespmem:$0x1E800] =	vst v63  }
0x46: {  	s10 =	rddreg [dreg:$0x7];
	s11 =	simm.s32 $0x2  }
0x47: {  	[tilespmem:s20], [sflag:$0x2] =	stream.strided.gather [hbm4b:s10+s17], $0x1400, s18, s17, $0x38;
	[tilespmem:$0x1E800] =	vst v63  }
0x48: {  	s0 =	sand.u32 $0x1, s11;
	_ =	swait.ge [sflag:s21], $0x1400  }
0x49: {  	p2 =	seq.s32 s0, $0x1;
	[sflag:s21] =	ssyncset.done $0x0  }
0x4a: {  	s0 =	simm.s32 @p2 $0x4;
	[sflag:s21] =	ssyncadd.s32 $0xFFFFEC00  }
0x4b: {  	[spmem:s1] =	stream.indirect.scatter.add.f32 [tilespmem:s19], [sflag:$0x3], $0x80, s3, s22, $0xb8;
	[tilespmem:$0x1E800] =	vst v63  }
0x4c: {  	_ =	swait.ge @p2 [sflag:s0], $0x1400  }
0x4d: {  	s2 =	simm.s32 @p2 $0x9400;
	s7 =	simm.s32 @!p2 $0x3;
	[sflag:s0] =	ssyncset.done @p2 $0x0  }
0x4e: {  	s8 =	simm.s32 @p2 $0x800;
	[sflag:s0] =	ssyncadd.s32 @p2 $0xFFFFEC00;
	s0 =	simm.s32 @p2 $0x400  }
0x4f: {  	[tilespmem:s2], [sflag:$0x2] =	stream.strided.gather @p2 [hbm4b:s13+s0], $0x1400, s8, s0, $0x38;
	[tilespmem:$0x1E800] =	vst v63  }
0x50: {  	s25 =	simm.s32 $0x1;
	s2 =	simm.s32 @!p2 $0x800;
	_ =	swait.ge @!p2 [sflag:s7], $0x1400  }
0x51: {  	s8 =	simm.s32 @!p2 $0x8000;
	s0 =	sand.u32 $0x1, s25;
	[sflag:s7] =	ssyncset.done @!p2 $0x0  }
0x52: {  	p1 =	seq.s32 s0, $0x1;
	[sflag:s7] =	ssyncadd.s32 @!p2 $0xFFFFEC00;
	s7 =	simm.s32 @!p2 $0x400  }
0x53: {  	[tilespmem:s8], [sflag:$0x1] =	stream.strided.gather @!p2 [hbm4b:s13+s7], $0x1400, s2, s7, $0x38;
	[tilespmem:$0x1E800] =	vst v63  }
0x54: {  	s2 =	simm.s32 @p1 $0x2  }
0x55: {  	_ =	swait.ge @p1 [sflag:s2], $0x1400  }
0x56: {  	s31 =	sadd.s32 $0x500, s13;
	s8 =	simm.s32 $0x80;
	[sflag:s2] =	ssyncset.done @p1 $0x0  }
0x57: {  	s7 =	simm.s32 @p1 $0x9400;
	[sflag:s2] =	ssyncadd.s32 @p1 $0xFFFFEC00;
	s2 =	simm.s32 @p1 $0x28  }
0x58: {  	[spmem:s1] =	stream.indirect.scatter.add.f32 @p1 [tilespmem:s7], [sflag:$0x4], $0x80, s8, s2, $0xb8;
	[tilespmem:$0x1E800] =	vst v63  }
0x59: {  	s30 =	simm.s32 $0x100;
	s0 =	simm.s32 $0x3;
	s7 =	simm.s32 @!p1 $0x1  }
0x5a: {  	s10 =	sand.u32 $0x1, s0;
	s2 =	simm.s32 $0x4;
	_ =	swait.ge @!p1 [sflag:s7], $0x1400  }
.LBB2_6:
0x5b: {  	p2 =	seq.s32 s10, $0x1;
	[sflag:s7] =	ssyncset.done @!p1 $0x0;
	s10 =	simm.s32 @!p1 $0x8000  }
0x5c: {  	s11 =	simm.s32 @p2 $0x4;
	[sflag:s7] =	ssyncadd.s32 @!p1 $0xFFFFEC00;
	s7 =	simm.s32 @!p1 $0x28  }
0x5d: {  	[spmem:s1] =	stream.indirect.scatter.add.f32 @!p1 [tilespmem:s10], [sflag:$0x3], $0x80, s8, s7, $0xb8;
	[tilespmem:$0x1E800] =	vst v63  }
0x5e: {  	s7 =	smov.u32 s2;
	s2 =	sadd.s32 $0x1, s2;
	_ =	swait.ge @p2 [sflag:s11], $0x1400  }
0x5f: {  	s8 =	simm.s32 @p2 $0x9400;
	s10 =	simm.s32 @!p2 $0x3;
	[sflag:s11] =	ssyncset.done @p2 $0x0  }
0x60: {  	s25 =	simm.s32 @p2 $0x800;
	[sflag:s11] =	ssyncadd.s32 @p2 $0xFFFFEC00;
	s11 =	simm.s32 @p2 $0x400  }
0x61: {  	[tilespmem:s8], [sflag:$0x2] =	stream.strided.gather @p2 [hbm4b:s31+s11], $0x1400, s25, s11, $0x38;
	[tilespmem:$0x1E800] =	vst v63  }
0x62: {  	s0 =	sadd.s32 $0xFFFFFFFF, s0;
	s8 =	simm.s32 @!p2 $0x800;
	_ =	swait.ge @!p2 [sflag:s10], $0x1400  }
0x63: {  	s0 =	sand.u32 $0x1, s0;
	s11 =	simm.s32 @!p2 $0x8000;
	[sflag:s10] =	ssyncset.done @!p2 $0x0  }
0x64: {  	p1 =	seq.s32 s0, $0x1;
	[sflag:s10] =	ssyncadd.s32 @!p2 $0xFFFFEC00;
	s10 =	simm.s32 @!p2 $0x400  }
0x65: {  	[tilespmem:s11], [sflag:$0x1] =	stream.strided.gather @!p2 [hbm4b:s31+s10], $0x1400, s8, s10, $0x38;
	[tilespmem:$0x1E800] =	vst v63  }
0x66: {  	s0 =	smov.u32 s7;
	p2 =	sne.s32 s2, $0xFA;
	s10 =	simm.s32 @p1 $0x2  }
.Ltmp3:
0x67: {  	s8 =	smov.u32 s30;
	_ =	swait.ge @p1 [sflag:s10], $0x1400;
	(pc) =	sbr.rel @p2 .LBB2_6-.Ltmp3, $4  }
0x68: {  	s7 =	simm.s32 @!p1 $0x1;
	s31 =	sadd.s32 $0x500, s31;
	[sflag:s10] =	ssyncset.done @p1 $0x0  }
0x69: {  	s11 =	simm.s32 @p1 $0x9400;
	[sflag:s10] =	ssyncadd.s32 @p1 $0xFFFFEC00;
	s10 =	simm.s32 @p1 $0x28  }
0x6a: {  	[spmem:s1] =	stream.indirect.scatter.add.f32 @p1 [tilespmem:s11], [sflag:$0x4], $0x80, s30, s10, $0xb8;
	[tilespmem:$0x1E800] =	vst v63  }
0x6b: {  	s10 =	sand.u32 $0x1, s0;
	s30 =	sadd.s32 $0x80, s30;
	_ =	swait.ge @!p1 [sflag:s7], $0x1400  }
.Ltmp4:
0x6c: {  	_ = 	snop;
	(pc) =	sbr.rel .LBB2_7-.Ltmp4, $1  }
0x6d: {  	_ =	sdelay $0x3  }
.LBB2_2:
0x6e: {  	[tilespmem:s19], [sflag:$0x1] =	stream.strided.gather [hbm4b:s6+s17], $0x1400, s18, s17, $0x38;
	[tilespmem:$0x1E800] =	vst v63  }
0x6f: {  	s0 =	rddreg [dreg:$0x6];
	s11 =	simm.s32 $0x2  }
0x70: {  	[tilespmem:s20], [sflag:$0x2] =	stream.strided.gather [hbm4b:s0+s17], $0x1400, s18, s17, $0x38;
	[tilespmem:$0x1E800] =	vst v63  }
0x71: {  	s0 =	sand.u32 $0x1, s11;
	_ =	swait.ge [sflag:s21], $0x1400  }
0x72: {  	p2 =	seq.s32 s0, $0x1;
	[sflag:s21] =	ssyncset.done $0x0  }
0x73: {  	s0 =	simm.s32 @p2 $0x4;
	[sflag:s21] =	ssyncadd.s32 $0xFFFFEC00  }
0x74: {  	[spmem:s1] =	stream.indirect.scatter.add.f32 [tilespmem:s19], [sflag:$0x3], $0x80, s3, s22, $0xb8;
	[tilespmem:$0x1E800] =	vst v63  }
0x75: {  	_ =	swait.ge @p2 [sflag:s0], $0x1400  }
0x76: {  	s2 =	simm.s32 @p2 $0x9400;
	s7 =	simm.s32 @!p2 $0x3;
	[sflag:s0] =	ssyncset.done @p2 $0x0  }
0x77: {  	s8 =	simm.s32 @p2 $0x800;
	[sflag:s0] =	ssyncadd.s32 @p2 $0xFFFFEC00;
	s0 =	simm.s32 @p2 $0x400  }
0x78: {  	[tilespmem:s2], [sflag:$0x2] =	stream.strided.gather @p2 [hbm4b:s12+s0], $0x1400, s8, s0, $0x38;
	[tilespmem:$0x1E800] =	vst v63  }
0x79: {  	s25 =	simm.s32 $0x1;
	s2 =	simm.s32 @!p2 $0x800;
	_ =	swait.ge @!p2 [sflag:s7], $0x1400  }
0x7a: {  	s8 =	simm.s32 @!p2 $0x8000;
	s0 =	sand.u32 $0x1, s25;
	[sflag:s7] =	ssyncset.done @!p2 $0x0  }
0x7b: {  	p1 =	seq.s32 s0, $0x1;
	[sflag:s7] =	ssyncadd.s32 @!p2 $0xFFFFEC00;
	s7 =	simm.s32 @!p2 $0x400  }
0x7c: {  	[tilespmem:s8], [sflag:$0x1] =	stream.strided.gather @!p2 [hbm4b:s12+s7], $0x1400, s2, s7, $0x38;
	[tilespmem:$0x1E800] =	vst v63  }
0x7d: {  	s2 =	simm.s32 @p1 $0x2  }
0x7e: {  	_ =	swait.ge @p1 [sflag:s2], $0x1400  }
0x7f: {  	s31 =	sadd.s32 $0x500, s12;
	s8 =	simm.s32 $0x80;
	[sflag:s2] =	ssyncset.done @p1 $0x0  }
0x80: {  	s7 =	simm.s32 @p1 $0x9400;
	[sflag:s2] =	ssyncadd.s32 @p1 $0xFFFFEC00;
	s2 =	simm.s32 @p1 $0x28  }
0x81: {  	[spmem:s1] =	stream.indirect.scatter.add.f32 @p1 [tilespmem:s7], [sflag:$0x4], $0x80, s8, s2, $0xb8;
	[tilespmem:$0x1E800] =	vst v63  }
0x82: {  	s30 =	simm.s32 $0x100;
	s0 =	simm.s32 $0x3;
	s7 =	simm.s32 @!p1 $0x1  }
0x83: {  	s10 =	sand.u32 $0x1, s0;
	s2 =	simm.s32 $0x4;
	_ =	swait.ge @!p1 [sflag:s7], $0x1400  }
.LBB2_3:
0x84: {  	p2 =	seq.s32 s10, $0x1;
	[sflag:s7] =	ssyncset.done @!p1 $0x0;
	s10 =	simm.s32 @!p1 $0x8000  }
0x85: {  	s11 =	simm.s32 @p2 $0x4;
	[sflag:s7] =	ssyncadd.s32 @!p1 $0xFFFFEC00;
	s7 =	simm.s32 @!p1 $0x28  }
0x86: {  	[spmem:s1] =	stream.indirect.scatter.add.f32 @!p1 [tilespmem:s10], [sflag:$0x3], $0x80, s8, s7, $0xb8;
	[tilespmem:$0x1E800] =	vst v63  }
0x87: {  	s7 =	smov.u32 s2;
	s2 =	sadd.s32 $0x1, s2;
	_ =	swait.ge @p2 [sflag:s11], $0x1400  }
0x88: {  	s8 =	simm.s32 @p2 $0x9400;
	s10 =	simm.s32 @!p2 $0x3;
	[sflag:s11] =	ssyncset.done @p2 $0x0  }
0x89: {  	s25 =	simm.s32 @p2 $0x800;
	[sflag:s11] =	ssyncadd.s32 @p2 $0xFFFFEC00;
	s11 =	simm.s32 @p2 $0x400  }
0x8a: {  	[tilespmem:s8], [sflag:$0x2] =	stream.strided.gather @p2 [hbm4b:s31+s11], $0x1400, s25, s11, $0x38;
	[tilespmem:$0x1E800] =	vst v63  }
0x8b: {  	s0 =	sadd.s32 $0xFFFFFFFF, s0;
	s8 =	simm.s32 @!p2 $0x800;
	_ =	swait.ge @!p2 [sflag:s10], $0x1400  }
0x8c: {  	s0 =	sand.u32 $0x1, s0;
	s11 =	simm.s32 @!p2 $0x8000;
	[sflag:s10] =	ssyncset.done @!p2 $0x0  }
0x8d: {  	p1 =	seq.s32 s0, $0x1;
	[sflag:s10] =	ssyncadd.s32 @!p2 $0xFFFFEC00;
	s10 =	simm.s32 @!p2 $0x400  }
0x8e: {  	[tilespmem:s11], [sflag:$0x1] =	stream.strided.gather @!p2 [hbm4b:s31+s10], $0x1400, s8, s10, $0x38;
	[tilespmem:$0x1E800] =	vst v63  }
0x8f: {  	s0 =	smov.u32 s7;
	p2 =	sne.s32 s2, $0xFA;
	s10 =	simm.s32 @p1 $0x2  }
.Ltmp5:
0x90: {  	s8 =	smov.u32 s30;
	_ =	swait.ge @p1 [sflag:s10], $0x1400;
	(pc) =	sbr.rel @p2 .LBB2_3-.Ltmp5, $4  }
0x91: {  	s7 =	simm.s32 @!p1 $0x1;
	s31 =	sadd.s32 $0x500, s31;
	[sflag:s10] =	ssyncset.done @p1 $0x0  }
0x92: {  	s11 =	simm.s32 @p1 $0x9400;
	[sflag:s10] =	ssyncadd.s32 @p1 $0xFFFFEC00;
	s10 =	simm.s32 @p1 $0x28  }
0x93: {  	[spmem:s1] =	stream.indirect.scatter.add.f32 @p1 [tilespmem:s11], [sflag:$0x4], $0x80, s30, s10, $0xb8;
	[tilespmem:$0x1E800] =	vst v63  }
0x94: {  	s10 =	sand.u32 $0x1, s0;
	s30 =	sadd.s32 $0x80, s30;
	_ =	swait.ge @!p1 [sflag:s7], $0x1400  }
0x95: {  	p2 =	seq.s32 s10, $0x1  }
0x96: {  	[sflag:s7] =	ssyncset.done @!p1 $0x0;
	s2 =	simm.s32 @!p1 $0x8000;
	s0 =	sadd.s32 $0xFFFFFFFF, s0  }
0x97: {  	s10 =	simm.s32 @p2 $0x4;
	[sflag:s7] =	ssyncadd.s32 @!p1 $0xFFFFEC00;
	s7 =	simm.s32 @!p1 $0x28  }
0x98: {  	[spmem:s1] =	stream.indirect.scatter.add.f32 @!p1 [tilespmem:s2], [sflag:$0x3], $0x80, s8, s7, $0xb8;
	[tilespmem:$0x1E800] =	vst v63  }
0x99: {  	s0 =	sand.u32 $0x1, s0;
	_ =	swait.ge @p2 [sflag:s10], $0x1400  }
0x9a: {  	s2 =	simm.s32 @p2 $0x9400;
	s7 =	simm.s32 @!p2 $0x3;
	[sflag:s10] =	ssyncset.done @p2 $0x0  }
0x9b: {  	s8 =	simm.s32 @p2 $0x400;
	[sflag:s10] =	ssyncadd.s32 @p2 $0xFFFFEC00;
	s10 =	simm.s32 @p2 $0x800  }
0x9c: {  	[tilespmem:s2], [sflag:$0x2] =	stream.strided.gather @p2 [hbm4b:s31+s8], $0x1400, s10, s8, $0x38;
	[tilespmem:$0x1E800] =	vst v63  }
0x9d: {  	p1 =	seq.s32 s0, $0x1;
	_ =	swait.ge @!p2 [sflag:s7], $0x1400  }
0x9e: {  	s0 =	simm.s32 @p1 $0x2;
	s2 =	simm.s32 @!p2 $0x800;
	[sflag:s7] =	ssyncset.done @!p2 $0x0  }
0x9f: {  	s8 =	simm.s32 @!p2 $0x8000;
	[sflag:s7] =	ssyncadd.s32 @!p2 $0xFFFFEC00;
	s7 =	simm.s32 @!p2 $0x400  }
0xa0: {  	[tilespmem:s8], [sflag:$0x1] =	stream.strided.gather @!p2 [hbm4b:s31+s7], $0x1400, s2, s7, $0x38;
	[tilespmem:$0x1E800] =	vst v63  }
0xa1: {  	_ =	swait.ge @p1 [sflag:s0], $0x1400  }
0xa2: {  	s2 =	simm.s32 @!p1 $0x1;
	[sflag:s0] =	ssyncset.done @p1 $0x0  }
0xa3: {  	s7 =	simm.s32 @p1 $0x9400;
	[sflag:s0] =	ssyncadd.s32 @p1 $0xFFFFEC00;
	s0 =	simm.s32 @p1 $0x28  }
0xa4: {  	[spmem:s1] =	stream.indirect.scatter.add.f32 @p1 [tilespmem:s7], [sflag:$0x4], $0x80, s30, s0, $0xb8;
	[tilespmem:$0x1E800] =	vst v63  }
0xa5: {  	_ =	swait.ge @!p1 [sflag:s2], $0x1400  }
0xa6: {  	[sflag:s2] =	ssyncset.done @!p1 $0x0  }
0xa7: {  	s0 =	simm.s32 @!p1 $0x8000;
	[sflag:s2] =	ssyncadd.s32 @!p1 $0xFFFFEC00;
	s2 =	simm.s32 @!p1 $0x28  }
0xa8: {  	[spmem:s1] =	stream.indirect.scatter.add.f32 @!p1 [tilespmem:s0], [sflag:$0x3], $0x80, s30, s2, $0xb8;
	[tilespmem:$0x1E800] =	vst v63  }
0xa9: {  	_ =	swait.ge [sflag:s23], $0x1400  }
0xaa: {  	[sflag:s23] =	ssyncset.done $0x0  }
0xab: {  	s31 =	simm.s32 $0x7C80;
	[sflag:s23] =	ssyncadd.s32 $0xFFFFEC00  }
0xac: {  	[spmem:s1] =	stream.indirect.scatter.add.f32 [tilespmem:s20], [sflag:$0x4], $0x80, s31, s22, $0xb8;
	[tilespmem:$0x1E800] =	vst v63  }
0xad: {  	_ =	swait.ge [sflag:s26], $0x1400  }
0xae: {  	[sflag:s26] =	ssyncset.done $0x0  }
0xaf: {  	[sflag:s26] =	ssyncadd.s32 $0xFFFFEC00  }
.Ltmp6:
0xb0: {  	_ =	swait.ge [sflag:s28], $0x1400;
	(pc) =	sbr.rel .LBB2_8-.Ltmp6, $4  }
0xb1: {  	[sflag:s28] =	ssyncset.done $0x0  }
0xb2: {  	[sflag:s28] =	ssyncadd.s32 $0xFFFFEC00  }
0xb3: {  	[bflag:$0x0] =	sbarrier.arrive $0xFFFF  }
0xb4: {  	s0 =	rddreg [dreg:$0x4]  }
.LBB2_9:
0xb5: {  	_ =	sfence.sel $0x180000  }
0xb6: {  	[bflag:$0x0] =	sbarrier.arrive $0xFFFF  }
0xb7: {  	_ =	strace $0x90000050  }
0xb8: {  	s0 =	stileid.u32;
	[bflag:$0x2] =	sbarrier.arrive $0xFFFF  }
0xb9: {  	p0 =	sne.s32 s0, $0x0;
	s0 =	rddreg [dreg:$0x3]  }
0xba: {  	s0 =	sadd.s32 @!p0 $0x100000, s0  }
0xbb: {  	[sflag:s0] =	ssyncadd.tile.s32 @!p0 $0x1;
	_ =	shalt  }
.Lfunc_end2:
_tile_overlayer_lowered:
.L_overlay_start_2:
0xbc: {  	(tag) =	ssettag $0x2  }
0xbd: {  	s0 =	rddreg [dreg:$0x0];
	s2 =	stileid.u32  }
0xbe: {  	s1 =	rddreg [dreg:$0x1];
	p0 =	sne.s32 s2, $0x0  }
0xbf: {  	s3 =	rddreg [dreg:$0x2];
	[bflag:$0x3] =	sbarrier.arrive $0xFFFF;
	s2 =	simm.s32 @!p0 $0x1C05  }
0xc0: {  	[timem:s3], [sflag:s2] =	dma.local @!p0 [hbm:s0], s1  }
0xc1: {  	s0 =	simm.s32 @!p0 $0x5  }
0xc2: {  	_ =	swait.ge @!p0 [sflag:s0], s1  }
0xc3: {  	s1 =	ssub.s32 @!p0 $0x0, s1;
	[sflag:s0] =	ssyncset.done @!p0 $0x0  }
0xc4: {  	[sflag:s0] =	ssyncadd.s32 @!p0 s1  }
0xc5: {  	[bflag:$0x3] =	sbarrier.arrive $0xFFFF  }
0xc6: {  	_ =	shalt  }

</sc_bundles>
